<compile_context>
chip_gen: v7x
topology: tpu7x:2x2x1
jax: 0.10.2.dev20260603
libtpu: 0.0.44.dev20260713+nightly
codegen_flags: <defaults>
</compile_context>

<pallas_src>
import functools

import jax
import jax.numpy as jnp
from jax import lax
from jax.experimental import pallas as pl
from jax.experimental.pallas import tpu as pltpu
from jax.experimental.pallas import tpu_sc as plsc

N = 10000
NP = 10240
E = 320000
D = 128
CH = 80
NCH = E // CH
NC = 2
NS = 16
NW = NC * NS
RPT = NP // NS
ZR = 16
DR = NP // D
CPT = NCH // NW
NBUF = 3
NIB = 4


def _segment_sum_sc(features, edgv):
  mesh = plsc.VectorSubcoreMesh(
      core_axis_name="c", subcore_axis_name="s", num_cores=NC, num_subcores=NS)

  @functools.partial(
      pl.kernel,
      out_type=(jax.ShapeDtypeStruct((NC, NP, D), jnp.float32),
                jax.ShapeDtypeStruct((NC, NS, DR, D), jnp.float32)),
      mesh=mesh,
      compiler_params=pltpu.CompilerParams(needs_layout_passes=False),
      scratch_types=[
          pltpu.VMEM((NIB, 2, CH), jnp.int32),
          pltpu.VMEM((NBUF * CH, D), jnp.float32),
          pltpu.VMEM((ZR, D), jnp.float32),
          pltpu.VMEM((DR, D), jnp.float32),
          pltpu.VMEM_SHARED((NP, D), jnp.float32),
          pltpu.SemaphoreType.DMA,
          pltpu.SemaphoreType.DMA,
          pltpu.SemaphoreType.DMA,
          pltpu.SemaphoreType.DMA,
      ],
  )
  def sage_kernel(feat_hbm, edg_hbm, out_hbm, deg_hbm,
                  idxbuf, rowsbig, zbuf, degbuf,
                  aggsh, isem, gsem, ssem, zsem):
    c = lax.axis_index("c")
    s = lax.axis_index("s")
    wid = s * NC + c
    cbase = wid * CPT

    def islot(i):
      return idxbuf.at[lax.bitwise_and(i, NIB - 1)]

    def start_idx(i):
      pltpu.async_copy(edg_hbm.at[0, cbase + i], islot(i).at[0], isem)
      pltpu.async_copy(edg_hbm.at[1, cbase + i], islot(i).at[1], isem)

    def wait_idx(i):
      pltpu.make_async_copy(edg_hbm.at[0, cbase + i], islot(i).at[0],
                            isem).wait()
      pltpu.make_async_copy(edg_hbm.at[1, cbase + i], islot(i).at[1],
                            isem).wait()

    def hist(i):
      drow = lax.bitwise_and(i, NIB - 1)
      for k in range(CH // 16):
        v = idxbuf[drow, 1, pl.ds(k * 16, 16)]
        cnt, last = plsc.scan_count(v)
        plsc.addupdate_scatter(
            degbuf, [lax.shift_right_logical(v, 7), lax.bitwise_and(v, 127)],
            cnt.astype(jnp.float32), mask=last)

    def buf(i):
      off = pl.multiple_of(lax.rem(i, NBUF) * CH, CH)
      return rowsbig.at[pl.ds(off, CH)]

    def start_gather(i):
      pltpu.async_copy(feat_hbm.at[islot(i).at[0]], buf(i), gsem)

    def wait_gather(i):
      pltpu.make_async_copy(feat_hbm.at[islot(i).at[0]], buf(i), gsem).wait()

    def start_scatter(i):
      pltpu.async_copy(buf(i), aggsh.at[islot(i).at[1]], ssem, add=True)

    def wait_scatter(i):
      pltpu.make_async_copy(buf(i), aggsh.at[islot(i).at[1]], ssem).wait()


    zeros16 = jnp.zeros((16,), jnp.float32)

    def zfill(i, _):
      for j in range(D // 16):
        zbuf[i, pl.ds(j * 16, 16)] = zeros16
      return 0

    def dzfill(i, _):
      for j in range(D // 16):
        degbuf[i, pl.ds(j * 16, 16)] = zeros16
      return 0

    lax.fori_loop(0, ZR, zfill, 0)

    lax.fori_loop(0, DR, dzfill, 0)

    base_row = s * RPT
    for r in range(RPT // ZR):
      pltpu.async_copy(zbuf, aggsh.at[pl.ds(base_row + r * ZR, ZR)], zsem)
    for r in range(RPT // ZR):
      pltpu.make_async_copy(zbuf, aggsh.at[pl.ds(base_row + r * ZR, ZR)],
                            zsem).wait()
    plsc.subcore_barrier()

    for i in range(NIB):
      start_idx(i)
    wait_idx(0)
    start_gather(0)
    wait_idx(1)
    start_gather(1)

    wait_gather(0)
    start_scatter(0)
    hist(0)
    start_idx(NIB)
    wait_idx(2)
    start_gather(2)

    def inner(i, _):
      wait_gather(i)
      start_scatter(i)
      hist(i)

      @pl.when(i + NIB < CPT)
      def _():
        start_idx(i + NIB)

      wait_scatter(i - 1)
      wait_idx(i + 2)
      start_gather(i + 2)
      return 0

    lax.fori_loop(1, CPT - 2, inner, 0)
    for i in (CPT - 2, CPT - 1):
      wait_gather(i)
      start_scatter(i)
      hist(i)
    wait_scatter(CPT - 3)
    wait_scatter(CPT - 2)
    wait_scatter(CPT - 1)

    plsc.subcore_barrier()
    for r in range(RPT // ZR):
      row0 = base_row + r * ZR
      pltpu.async_copy(aggsh.at[pl.ds(row0, ZR)],
                       out_hbm.at[c, pl.ds(row0, ZR)], zsem)
    for r in range(RPT // ZR):
      row0 = base_row + r * ZR
      pltpu.make_async_copy(aggsh.at[pl.ds(row0, ZR)],
                            out_hbm.at[c, pl.ds(row0, ZR)], zsem).wait()
    pltpu.sync_copy(degbuf, deg_hbm.at[c, s])

  return sage_kernel(features, edgv)


def _xr_body(f_ref, wrt, o_ref):
  o_ref[...] = jnp.dot(f_ref[...], wrt[...], preferred_element_type=jnp.float32)


def _xr_tc(features, wrt):
  R = 1024
  return pl.pallas_call(
      _xr_body,
      grid=(NP // R,),
      in_specs=[
          pl.BlockSpec((R, D), lambda i: (i, 0)),
          pl.BlockSpec((D, D), lambda i: (0, 0)),
      ],
      out_specs=pl.BlockSpec((R, D), lambda i: (i, 0)),
      out_shape=jax.ShapeDtypeStruct((N, D), jnp.float32),
  )(features, wrt)


def _mlp_body(p_ref, d_ref, xr_ref, a_ref, wlt, bl, w1a, w1b, b1, w2f, b2f,
              o_ref):
  R = p_ref.shape[1]
  agg = p_ref[0] + p_ref[1]
  dd = jnp.sum(d_ref[...], axis=(0, 1))
  r8 = 1.0 / jnp.maximum(dd, 1.0)
  rows8 = lax.broadcasted_iota(jnp.int32, (R, R // 128), 0) // 128
  cols8 = lax.broadcasted_iota(jnp.int32, (R, R // 128), 1)
  sel = (rows8 == cols8).astype(jnp.float32)
  z = jnp.dot(sel, r8, preferred_element_type=jnp.float32)
  lane = lax.broadcasted_iota(jnp.int32, (R, D), 1)
  row = lax.broadcasted_iota(jnp.int32, (R, D), 0)
  recip = jnp.sum(jnp.where(lane == row % 128, z, 0.0), axis=1,
                  keepdims=True)
  mean = agg * recip
  x = (jnp.dot(mean, wlt[...], preferred_element_type=jnp.float32)
       + xr_ref[...] + bl[...])
  x = jnp.where(x >= 0, x, 0.01 * x)
  h = (jnp.dot(x, w1a[...], preferred_element_type=jnp.float32)
       + jnp.dot(a_ref[...], w1b[...], preferred_element_type=jnp.float32)
       + b1[...])
  h = jnp.maximum(h, 0.0)
  o_ref[...] = jnp.dot(h, w2f[...], preferred_element_type=jnp.float32) \
      + b2f[...]


def _mlp_tc(parts, degparts, xr, additional,
            wlt, bl, w1a, w1b, b1, w2f, b2f):
  R = 2048
  grid = (NP // R,)
  full = lambda shape: pl.BlockSpec(shape, lambda i: (0,) * len(shape))
  return pl.pallas_call(
      _mlp_body,
      grid=grid,
      in_specs=[
          pl.BlockSpec((NC, R, D), lambda i: (0, i, 0)),
          pl.BlockSpec((NC, NS, R // D, D), lambda i: (0, 0, i, 0)),
          pl.BlockSpec((R, D), lambda i: (i, 0)),
          pl.BlockSpec((R, 20), lambda i: (i, 0)),
          full((D, D)), full((1, D)),
          full((D, 37)), full((20, 37)), full((1, 37)),
          full((37, 3)), full((1, 3)),
      ],
      out_specs=pl.BlockSpec((R, 3), lambda i: (i, 0)),
      out_shape=jax.ShapeDtypeStruct((N, 3), jnp.float32),
  )(parts, degparts, xr, additional,
    wlt, bl, w1a, w1b, b1, w2f, b2f)


def kernel(features, edges, edges2, edge_features, additional_feature,
           W_l, b_l, W_r, W1, b1, W2, b2, gamma, beta, run_mean, run_var):
  edgv = edges.reshape(2, NCH, CH)
  xr = _xr_tc(features, W_r.T)
  parts, degparts = _segment_sum_sc(features, edgv)

  scale = gamma / jnp.sqrt(run_var + 1e-5)
  shift = beta - run_mean * scale
  w2f = (W2 * scale[None, :]).T
  b2f = b2 + shift @ W2.T

  return _mlp_tc(
      parts, degparts, xr, additional_feature,
      W_l.T, b_l[None, :],
      W1[:, :D].T, W1[:, D:].T, b1[None, :],
      w2f, b2f[None, :])

# --- scband reference (transcript-rebuilt; emitter-appended) ---
"""Pipeline reference for scband-sageconv-mlpmodel-17712445128821 (READ-ONLY COPY).

The authoritative reference and input builder live on the scoring server;
editing this copy changes nothing except your own understanding.
"""

import jax, jax.numpy as jnp
import numpy as np

N = 10000
E = 320000
D = 128
ADD = 20
HID = D + ADD  # 148
H2 = HID // 4  # 37
OUT = 3
DE = 16

def _lin_init(key, out_f, in_f):
    k1, k2 = jax.random.split(key)
    s = 1.0 / np.sqrt(in_f)
    W = jax.random.uniform(k1, (out_f, in_f), jnp.float32, -s, s)
    b = jax.random.uniform(k2, (out_f,), jnp.float32, -s, s)
    return W, b

def setup_inputs(seed: int = 0):
    key = jax.random.key(seed)
    ks = jax.random.split(key, 12)
    features = jax.random.normal(ks[0], (N, D), dtype=jnp.float32)
    edges = jax.random.randint(ks[1], (2, E), 0, N, dtype=jnp.int32)
    edges2 = jax.random.randint(ks[2], (2, E), 0, N, dtype=jnp.int32)
    edge_features = jax.random.normal(ks[3], (E, DE), dtype=jnp.float32)
    additional_feature = jax.random.normal(ks[4], (N, ADD), dtype=jnp.float32)
    W_l, b_l = _lin_init(ks[5], D, D)          # SAGEConv lin_l (aggregated neighbors, with bias)
    W_r, _ = _lin_init(ks[6], D, D)            # SAGEConv lin_r (root, bias=False)
    W1, b1 = _lin_init(ks[7], H2, HID)         # fc1
    W2, b2 = _lin_init(ks[8], OUT, H2)         # fc2
    gamma = jnp.ones((H2,), dtype=jnp.float32)
    beta = jnp.zeros((H2,), dtype=jnp.float32)
    run_mean = jnp.zeros((H2,), dtype=jnp.float32)
    run_var = jnp.ones((H2,), dtype=jnp.float32)
    return {"features": features, "edges": edges, "edges2": edges2,
            "edge_features": edge_features, "additional_feature": additional_feature,
            "W_l": W_l, "b_l": b_l, "W_r": W_r, "W1": W1, "b1": b1,
            "W2": W2, "b2": b2, "gamma": gamma, "beta": beta,
            "run_mean": run_mean, "run_var": run_var}

def reference(features, edges, edges2, edge_features, additional_feature,
              W_l, b_l, W_r, W1, b1, W2, b2, gamma, beta, run_mean, run_var):
    # SAGEConv with mean aggregation: out = lin_l(mean_j x_j) + lin_r(x_i)
    src = edges[0]
    dst = edges[1]
    msgs = jnp.take(features, src, axis=0)
    agg = jax.ops.segment_sum(msgs, dst, num_segments=N)
    deg = jax.ops.segment_sum(jnp.ones((E,), dtype=features.dtype), dst, num_segments=N)
    agg = agg / jnp.maximum(deg, 1.0)[:, None]
    x = agg @ W_l.T + b_l + features @ W_r.T
    # leaky_relu (default negative_slope=0.01)
    x = jnp.where(x >= 0, x, 0.01 * x)
    # dropout: eval mode -> identity
    x = jnp.concatenate([x, additional_feature], axis=1)
    x = x @ W1.T + b1
    x = jnp.maximum(x, 0.0)
    # BatchNorm1d eval mode with running stats
    x = (x - run_mean) / jnp.sqrt(run_var + 1e-5) * gamma + beta
    # dropout_fcn: eval mode -> identity
    return x @ W2.T + b2

if __name__ == "__main__":
    import jax
    _d = setup_inputs()
    print(jax.jit(kernel)(*tuple(_d.values())))

</pallas_src>

<mosaic_0001>
#map = affine_map<(d0, d1) -> (0, 0)>
#map1 = affine_map<(d0, d1) -> (0, 0, 0)>
#map2 = affine_map<(d0, d1) -> (0, 0, 0, 0)>
module attributes {stable_mosaic.version = 14 : i64} {
  func.func @sage_kernel(%arg0: i32, %arg1: i32, %arg2: memref<10000x128xf32, #tpu.memory_space<hbm>>, %arg3: memref<2x4000x80xi32, #tpu.memory_space<hbm>>, %arg4: memref<2x10240x128xf32, #tpu.memory_space<hbm>>, %arg5: memref<2x16x80x128xf32, #tpu.memory_space<hbm>>, %arg6: memref<4x2x80xi32, #tpu.memory_space<vmem>>, %arg7: memref<240x128xf32, #tpu.memory_space<vmem>>, %arg8: memref<16x128xf32, #tpu.memory_space<vmem>>, %arg9: memref<80x128xf32, #tpu.memory_space<vmem>>, %arg10: memref<10240x128xf32, #tpu.memory_space<vmem_shared>>, %arg11: memref<!tpu.dma_semaphore, #tpu.memory_space<semaphore_mem>>, %arg12: memref<!tpu.dma_semaphore, #tpu.memory_space<semaphore_mem>>, %arg13: memref<!tpu.dma_semaphore, #tpu.memory_space<semaphore_mem>>, %arg14: memref<!tpu.dma_semaphore, #tpu.memory_space<semaphore_mem>>) attributes {dimension_semantics = [#tpu.dimension_semantics<core_parallel>, #tpu.dimension_semantics<subcore_parallel>], iteration_bounds = array<i64: 2, 16>, scalar_prefetch = 0 : i64, scratch_operands = 9 : i64, tpu.core_type = #tpu.core_type<sc_vector_subcore>, window_params = [{transform_indices = #map}, {transform_indices = #map1}, {transform_indices = #map1}, {transform_indices = #map2}]} {
    %mul3A = arith.constant 2 : i32
    %mul3A_0 = arith.muli %arg1, %mul3A : i32
    %add3A = arith.addi %mul3A_0, %arg0 : i32
    %mul3A_1 = arith.constant 125 : i32
    %mul3A_2 = arith.muli %add3A, %mul3A_1 : i32
    %broadcast_in_dim3A = arith.constant 0.000000e+00 : f32
    %broadcast_in_dim3A_3 = vector.broadcast %broadcast_in_dim3A : f32 to vector<16xf32>
    %scan3A = arith.constant 0 : i32
    %scan3A_4 = arith.constant 0 : i32
    %scan3A_5 = arith.constant 16 : i32
    %scan3A_6 = arith.addi %scan3A_4, %scan3A_5 : i32
    %scan3A_7 = arith.constant 1 : i32
    %scan3A_8 = scf.for %scan3A_2003 = %scan3A_4 to %scan3A_6 step %scan3A_7 iter_args(%scan3A_2004 = %scan3A) -> (i32)  : i32 {
      %swap3A = arith.index_cast %scan3A_2003 : i32 to index
      %swap3A_2005 = arith.constant 0 : index
      %swap3A_2006 = tpu.vector_load %arg8[%swap3A, %swap3A_2005] {strides = array<i32>} : memref<16x128xf32, #tpu.memory_space<vmem>>, vector<16xf32>,
      tpu.vector_store %arg8[%swap3A, %swap3A_2005], %broadcast_in_dim3A_3 {strides = array<i32>} : memref<16x128xf32, #tpu.memory_space<vmem>>, vector<16xf32>,
      %swap3A_2007 = arith.index_cast %scan3A_2003 : i32 to index
      %swap3A_2008 = arith.constant 16 : index
      %swap3A_2009 = tpu.vector_load %arg8[%swap3A_2007, %swap3A_2008] {strides = array<i32>} : memref<16x128xf32, #tpu.memory_space<vmem>>, vector<16xf32>,
      tpu.vector_store %arg8[%swap3A_2007, %swap3A_2008], %broadcast_in_dim3A_3 {strides = array<i32>} : memref<16x128xf32, #tpu.memory_space<vmem>>, vector<16xf32>,
      %swap3A_2010 = arith.index_cast %scan3A_2003 : i32 to index
      %swap3A_2011 = arith.constant 32 : index
      %swap3A_2012 = tpu.vector_load %arg8[%swap3A_2010, %swap3A_2011] {strides = array<i32>} : memref<16x128xf32, #tpu.memory_space<vmem>>, vector<16xf32>,
      tpu.vector_store %arg8[%swap3A_2010, %swap3A_2011], %broadcast_in_dim3A_3 {strides = array<i32>} : memref<16x128xf32, #tpu.memory_space<vmem>>, vector<16xf32>,
      %swap3A_2013 = arith.index_cast %scan3A_2003 : i32 to index
      %swap3A_2014 = arith.constant 48 : index
      %swap3A_2015 = tpu.vector_load %arg8[%swap3A_2013, %swap3A_2014] {strides = array<i32>} : memref<16x128xf32, #tpu.memory_space<vmem>>, vector<16xf32>,
      tpu.vector_store %arg8[%swap3A_2013, %swap3A_2014], %broadcast_in_dim3A_3 {strides = array<i32>} : memref<16x128xf32, #tpu.memory_space<vmem>>, vector<16xf32>,
      %swap3A_2016 = arith.index_cast %scan3A_2003 : i32 to index
      %swap3A_2017 = arith.constant 64 : index
      %swap3A_2018 = tpu.vector_load %arg8[%swap3A_2016, %swap3A_2017] {strides = array<i32>} : memref<16x128xf32, #tpu.memory_space<vmem>>, vector<16xf32>,
      tpu.vector_store %arg8[%swap3A_2016, %swap3A_2017], %broadcast_in_dim3A_3 {strides = array<i32>} : memref<16x128xf32, #tpu.memory_space<vmem>>, vector<16xf32>,
      %swap3A_2019 = arith.index_cast %scan3A_2003 : i32 to index
      %swap3A_2020 = arith.constant 80 : index
      %swap3A_2021 = tpu.vector_load %arg8[%swap3A_2019, %swap3A_2020] {strides = array<i32>} : memref<16x128xf32, #tpu.memory_space<vmem>>, vector<16xf32>,
      tpu.vector_store %arg8[%swap3A_2019, %swap3A_2020], %broadcast_in_dim3A_3 {strides = array<i32>} : memref<16x128xf32, #tpu.memory_space<vmem>>, vector<16xf32>,
      %swap3A_2022 = arith.index_cast %scan3A_2003 : i32 to index
      %swap3A_2023 = arith.constant 96 : index
      %swap3A_2024 = tpu.vector_load %arg8[%swap3A_2022, %swap3A_2023] {strides = array<i32>} : memref<16x128xf32, #tpu.memory_space<vmem>>, vector<16xf32>,
      tpu.vector_store %arg8[%swap3A_2022, %swap3A_2023], %broadcast_in_dim3A_3 {strides = array<i32>} : memref<16x128xf32, #tpu.memory_space<vmem>>, vector<16xf32>,
      %swap3A_2025 = arith.index_cast %scan3A_2003 : i32 to index
      %swap3A_2026 = arith.constant 112 : index
      %swap3A_2027 = tpu.vector_load %arg8[%swap3A_2025, %swap3A_2026] {strides = array<i32>} : memref<16x128xf32, #tpu.memory_space<vmem>>, vector<16xf32>,
      tpu.vector_store %arg8[%swap3A_2025, %swap3A_2026], %broadcast_in_dim3A_3 {strides = array<i32>} : memref<16x128xf32, #tpu.memory_space<vmem>>, vector<16xf32>,
      %scan3A_2028 = arith.constant 0 : i32
      scf.yield %scan3A_2028 : i32
    }
    %scan3A_9 = arith.constant 16 : i32
    %scan3A_10 = arith.constant 0 : i32
    %scan3A_11 = arith.constant 0 : i32
    %scan3A_12 = arith.constant 80 : i32
    %scan3A_13 = arith.addi %scan3A_11, %scan3A_12 : i32
    %scan3A_14 = arith.constant 1 : i32
    %scan3A_15 = scf.for %scan3A_2003 = %scan3A_11 to %scan3A_13 step %scan3A_14 iter_args(%scan3A_2004 = %scan3A_10) -> (i32)  : i32 {
      %swap3A = arith.index_cast %scan3A_2003 : i32 to index
      %swap3A_2005 = arith.constant 0 : index
      %swap3A_2006 = tpu.vector_load %arg9[%swap3A, %swap3A_2005] {strides = array<i32>} : memref<80x128xf32, #tpu.memory_space<vmem>>, vector<16xf32>,
      tpu.vector_store %arg9[%swap3A, %swap3A_2005], %broadcast_in_dim3A_3 {strides = array<i32>} : memref<80x128xf32, #tpu.memory_space<vmem>>, vector<16xf32>,
      %swap3A_2007 = arith.index_cast %scan3A_2003 : i32 to index
      %swap3A_2008 = arith.constant 16 : index
      %swap3A_2009 = tpu.vector_load %arg9[%swap3A_2007, %swap3A_2008] {strides = array<i32>} : memref<80x128xf32, #tpu.memory_space<vmem>>, vector<16xf32>,
      tpu.vector_store %arg9[%swap3A_2007, %swap3A_2008], %broadcast_in_dim3A_3 {strides = array<i32>} : memref<80x128xf32, #tpu.memory_space<vmem>>, vector<16xf32>,
      %swap3A_2010 = arith.index_cast %scan3A_2003 : i32 to index
      %swap3A_2011 = arith.constant 32 : index
      %swap3A_2012 = tpu.vector_load %arg9[%swap3A_2010, %swap3A_2011] {strides = array<i32>} : memref<80x128xf32, #tpu.memory_space<vmem>>, vector<16xf32>,
      tpu.vector_store %arg9[%swap3A_2010, %swap3A_2011], %broadcast_in_dim3A_3 {strides = array<i32>} : memref<80x128xf32, #tpu.memory_space<vmem>>, vector<16xf32>,
      %swap3A_2013 = arith.index_cast %scan3A_2003 : i32 to index
      %swap3A_2014 = arith.constant 48 : index
      %swap3A_2015 = tpu.vector_load %arg9[%swap3A_2013, %swap3A_2014] {strides = array<i32>} : memref<80x128xf32, #tpu.memory_space<vmem>>, vector<16xf32>,
      tpu.vector_store %arg9[%swap3A_2013, %swap3A_2014], %broadcast_in_dim3A_3 {strides = array<i32>} : memref<80x128xf32, #tpu.memory_space<vmem>>, vector<16xf32>,
      %swap3A_2016 = arith.index_cast %scan3A_2003 : i32 to index
      %swap3A_2017 = arith.constant 64 : index
      %swap3A_2018 = tpu.vector_load %arg9[%swap3A_2016, %swap3A_2017] {strides = array<i32>} : memref<80x128xf32, #tpu.memory_space<vmem>>, vector<16xf32>,
      tpu.vector_store %arg9[%swap3A_2016, %swap3A_2017], %broadcast_in_dim3A_3 {strides = array<i32>} : memref<80x128xf32, #tpu.memory_space<vmem>>, vector<16xf32>,
      %swap3A_2019 = arith.index_cast %scan3A_2003 : i32 to index
      %swap3A_2020 = arith.constant 80 : index
      %swap3A_2021 = tpu.vector_load %arg9[%swap3A_2019, %swap3A_2020] {strides = array<i32>} : memref<80x128xf32, #tpu.memory_space<vmem>>, vector<16xf32>,
      tpu.vector_store %arg9[%swap3A_2019, %swap3A_2020], %broadcast_in_dim3A_3 {strides = array<i32>} : memref<80x128xf32, #tpu.memory_space<vmem>>, vector<16xf32>,
      %swap3A_2022 = arith.index_cast %scan3A_2003 : i32 to index
      %swap3A_2023 = arith.constant 96 : index
      %swap3A_2024 = tpu.vector_load %arg9[%swap3A_2022, %swap3A_2023] {strides = array<i32>} : memref<80x128xf32, #tpu.memory_space<vmem>>, vector<16xf32>,
      tpu.vector_store %arg9[%swap3A_2022, %swap3A_2023], %broadcast_in_dim3A_3 {strides = array<i32>} : memref<80x128xf32, #tpu.memory_space<vmem>>, vector<16xf32>,
      %swap3A_2025 = arith.index_cast %scan3A_2003 : i32 to index
      %swap3A_2026 = arith.constant 112 : index
      %swap3A_2027 = tpu.vector_load %arg9[%swap3A_2025, %swap3A_2026] {strides = array<i32>} : memref<80x128xf32, #tpu.memory_space<vmem>>, vector<16xf32>,
      tpu.vector_store %arg9[%swap3A_2025, %swap3A_2026], %broadcast_in_dim3A_3 {strides = array<i32>} : memref<80x128xf32, #tpu.memory_space<vmem>>, vector<16xf32>,
      %scan3A_2028 = arith.constant 0 : i32
      scf.yield %scan3A_2028 : i32
    }
    %scan3A_16 = arith.constant 80 : i32
    %mul3A_17 = arith.constant 640 : i32
    %mul3A_18 = arith.muli %arg1, %mul3A_17 : i32
    %add3A_19 = arith.constant 0 : i32
    %add3A_20 = arith.addi %mul3A_18, %add3A_19 : i32
    %dma_start3A = arith.constant 0 : i32
    %dma_start3A_21 = tpu.memref_slice %arg10[%add3A_20, %dma_start3A] : memref<10240x128xf32, #tpu.memory_space<vmem_shared>> -> memref<16x128xf32, #tpu.memory_space<vmem_shared>>
    %dma_start3A_22 = arith.constant 0 : i32
    %dma_start3A_23 = tpu.memref_slice %arg10[%add3A_20, %dma_start3A_22] : memref<10240x128xf32, #tpu.memory_space<vmem_shared>> -> memref<16x128xf32, #tpu.memory_space<vmem_shared>>
    tpu.enqueue_dma source(%arg8 : memref<16x128xf32, #tpu.memory_space<vmem>>) target(%dma_start3A_23 : memref<16x128xf32, #tpu.memory_space<vmem_shared>>) target_semaphore(%arg14 : memref<!tpu.dma_semaphore, #tpu.memory_space<semaphore_mem>>)
    %add3A_24 = arith.constant 16 : i32
    %add3A_25 = arith.addi %mul3A_18, %add3A_24 : i32
    %dma_start3A_26 = arith.constant 0 : i32
    %dma_start3A_27 = tpu.memref_slice %arg10[%add3A_25, %dma_start3A_26] : memref<10240x128xf32, #tpu.memory_space<vmem_shared>> -> memref<16x128xf32, #tpu.memory_space<vmem_shared>>
    %dma_start3A_28 = arith.constant 0 : i32
    %dma_start3A_29 = tpu.memref_slice %arg10[%add3A_25, %dma_start3A_28] : memref<10240x128xf32, #tpu.memory_space<vmem_shared>> -> memref<16x128xf32, #tpu.memory_space<vmem_shared>>
    tpu.enqueue_dma source(%arg8 : memref<16x128xf32, #tpu.memory_space<vmem>>) target(%dma_start3A_29 : memref<16x128xf32, #tpu.memory_space<vmem_shared>>) target_semaphore(%arg14 : memref<!tpu.dma_semaphore, #tpu.memory_space<semaphore_mem>>)
    %add3A_30 = arith.constant 32 : i32
    %add3A_31 = arith.addi %mul3A_18, %add3A_30 : i32
    %dma_start3A_32 = arith.constant 0 : i32
    %dma_start3A_33 = tpu.memref_slice %arg10[%add3A_31, %dma_start3A_32] : memref<10240x128xf32, #tpu.memory_space<vmem_shared>> -> memref<16x128xf32, #tpu.memory_space<vmem_shared>>
    %dma_start3A_34 = arith.constant 0 : i32
    %dma_start3A_35 = tpu.memref_slice %arg10[%add3A_31, %dma_start3A_34] : memref<10240x128xf32, #tpu.memory_space<vmem_shared>> -> memref<16x128xf32, #tpu.memory_space<vmem_shared>>
    tpu.enqueue_dma source(%arg8 : memref<16x128xf32, #tpu.memory_space<vmem>>) target(%dma_start3A_35 : memref<16x128xf32, #tpu.memory_space<vmem_shared>>) target_semaphore(%arg14 : memref<!tpu.dma_semaphore, #tpu.memory_space<semaphore_mem>>)
    %add3A_36 = arith.constant 48 : i32
    %add3A_37 = arith.addi %mul3A_18, %add3A_36 : i32
    %dma_start3A_38 = arith.constant 0 : i32
    %dma_start3A_39 = tpu.memref_slice %arg10[%add3A_37, %dma_start3A_38] : memref<10240x128xf32, #tpu.memory_space<vmem_shared>> -> memref<16x128xf32, #tpu.memory_space<vmem_shared>>
    %dma_start3A_40 = arith.constant 0 : i32
    %dma_start3A_41 = tpu.memref_slice %arg10[%add3A_37, %dma_start3A_40] : memref<10240x128xf32, #tpu.memory_space<vmem_shared>> -> memref<16x128xf32, #tpu.memory_space<vmem_shared>>
    tpu.enqueue_dma source(%arg8 : memref<16x128xf32, #tpu.memory_space<vmem>>) target(%dma_start3A_41 : memref<16x128xf32, #tpu.memory_space<vmem_shared>>) target_semaphore(%arg14 : memref<!tpu.dma_semaphore, #tpu.memory_space<semaphore_mem>>)
    %add3A_42 = arith.constant 64 : i32
    %add3A_43 = arith.addi %mul3A_18, %add3A_42 : i32
    %dma_start3A_44 = arith.constant 0 : i32
    %dma_start3A_45 = tpu.memref_slice %arg10[%add3A_43, %dma_start3A_44] : memref<10240x128xf32, #tpu.memory_space<vmem_shared>> -> memref<16x128xf32, #tpu.memory_space<vmem_shared>>
    %dma_start3A_46 = arith.constant 0 : i32
    %dma_start3A_47 = tpu.memref_slice %arg10[%add3A_43, %dma_start3A_46] : memref<10240x128xf32, #tpu.memory_space<vmem_shared>> -> memref<16x128xf32, #tpu.memory_space<vmem_shared>>
    tpu.enqueue_dma source(%arg8 : memref<16x128xf32, #tpu.memory_space<vmem>>) target(%dma_start3A_47 : memref<16x128xf32, #tpu.memory_space<vmem_shared>>) target_semaphore(%arg14 : memref<!tpu.dma_semaphore, #tpu.memory_space<semaphore_mem>>)
    %add3A_48 = arith.constant 80 : i32
    %add3A_49 = arith.addi %mul3A_18, %add3A_48 : i32
    %dma_start3A_50 = arith.constant 0 : i32
    %dma_start3A_51 = tpu.memref_slice %arg10[%add3A_49, %dma_start3A_50] : memref<10240x128xf32, #tpu.memory_space<vmem_shared>> -> memref<16x128xf32, #tpu.memory_space<vmem_shared>>
    %dma_start3A_52 = arith.constant 0 : i32
    %dma_start3A_53 = tpu.memref_slice %arg10[%add3A_49, %dma_start3A_52] : memref<10240x128xf32, #tpu.memory_space<vmem_shared>> -> memref<16x128xf32, #tpu.memory_space<vmem_shared>>
    tpu.enqueue_dma source(%arg8 : memref<16x128xf32, #tpu.memory_space<vmem>>) target(%dma_start3A_53 : memref<16x128xf32, #tpu.memory_space<vmem_shared>>) target_semaphore(%arg14 : memref<!tpu.dma_semaphore, #tpu.memory_space<semaphore_mem>>)
    %add3A_54 = arith.constant 96 : i32
    %add3A_55 = arith.addi %mul3A_18, %add3A_54 : i32
    %dma_start3A_56 = arith.constant 0 : i32
    %dma_start3A_57 = tpu.memref_slice %arg10[%add3A_55, %dma_start3A_56] : memref<10240x128xf32, #tpu.memory_space<vmem_shared>> -> memref<16x128xf32, #tpu.memory_space<vmem_shared>>
    %dma_start3A_58 = arith.constant 0 : i32
    %dma_start3A_59 = tpu.memref_slice %arg10[%add3A_55, %dma_start3A_58] : memref<10240x128xf32, #tpu.memory_space<vmem_shared>> -> memref<16x128xf32, #tpu.memory_space<vmem_shared>>
    tpu.enqueue_dma source(%arg8 : memref<16x128xf32, #tpu.memory_space<vmem>>) target(%dma_start3A_59 : memref<16x128xf32, #tpu.memory_space<vmem_shared>>) target_semaphore(%arg14 : memref<!tpu.dma_semaphore, #tpu.memory_space<semaphore_mem>>)
    %add3A_60 = arith.constant 112 : i32
    %add3A_61 = arith.addi %mul3A_18, %add3A_60 : i32
    %dma_start3A_62 = arith.constant 0 : i32
    %dma_start3A_63 = tpu.memref_slice %arg10[%add3A_61, %dma_start3A_62] : memref<10240x128xf32, #tpu.memory_space<vmem_shared>> -> memref<16x128xf32, #tpu.memory_space<vmem_shared>>
    %dma_start3A_64 = arith.constant 0 : i32
    %dma_start3A_65 = tpu.memref_slice %arg10[%add3A_61, %dma_start3A_64] : memref<10240x128xf32, #tpu.memory_space<vmem_shared>> -> memref<16x128xf32, #tpu.memory_space<vmem_shared>>
    tpu.enqueue_dma source(%arg8 : memref<16x128xf32, #tpu.memory_space<vmem>>) target(%dma_start3A_65 : memref<16x128xf32, #tpu.memory_space<vmem_shared>>) target_semaphore(%arg14 : memref<!tpu.dma_semaphore, #tpu.memory_space<semaphore_mem>>)
    %add3A_66 = arith.constant 128 : i32
    %add3A_67 = arith.addi %mul3A_18, %add3A_66 : i32
    %dma_start3A_68 = arith.constant 0 : i32
    %dma_start3A_69 = tpu.memref_slice %arg10[%add3A_67, %dma_start3A_68] : memref<10240x128xf32, #tpu.memory_space<vmem_shared>> -> memref<16x128xf32, #tpu.memory_space<vmem_shared>>
    %dma_start3A_70 = arith.constant 0 : i32
    %dma_start3A_71 = tpu.memref_slice %arg10[%add3A_67, %dma_start3A_70] : memref<10240x128xf32, #tpu.memory_space<vmem_shared>> -> memref<16x128xf32, #tpu.memory_space<vmem_shared>>
    tpu.enqueue_dma source(%arg8 : memref<16x128xf32, #tpu.memory_space<vmem>>) target(%dma_start3A_71 : memref<16x128xf32, #tpu.memory_space<vmem_shared>>) target_semaphore(%arg14 : memref<!tpu.dma_semaphore, #tpu.memory_space<semaphore_mem>>)
    %add3A_72 = arith.constant 144 : i32
    %add3A_73 = arith.addi %mul3A_18, %add3A_72 : i32
    %dma_start3A_74 = arith.constant 0 : i32
    %dma_start3A_75 = tpu.memref_slice %arg10[%add3A_73, %dma_start3A_74] : memref<10240x128xf32, #tpu.memory_space<vmem_shared>> -> memref<16x128xf32, #tpu.memory_space<vmem_shared>>
    %dma_start3A_76 = arith.constant 0 : i32
    %dma_start3A_77 = tpu.memref_slice %arg10[%add3A_73, %dma_start3A_76] : memref<10240x128xf32, #tpu.memory_space<vmem_shared>> -> memref<16x128xf32, #tpu.memory_space<vmem_shared>>
    tpu.enqueue_dma source(%arg8 : memref<16x128xf32, #tpu.memory_space<vmem>>) target(%dma_start3A_77 : memref<16x128xf32, #tpu.memory_space<vmem_shared>>) target_semaphore(%arg14 : memref<!tpu.dma_semaphore, #tpu.memory_space<semaphore_mem>>)
    %add3A_78 = arith.constant 160 : i32
    %add3A_79 = arith.addi %mul3A_18, %add3A_78 : i32
    %dma_start3A_80 = arith.constant 0 : i32
    %dma_start3A_81 = tpu.memref_slice %arg10[%add3A_79, %dma_start3A_80] : memref<10240x128xf32, #tpu.memory_space<vmem_shared>> -> memref<16x128xf32, #tpu.memory_space<vmem_shared>>
    %dma_start3A_82 = arith.constant 0 : i32
    %dma_start3A_83 = tpu.memref_slice %arg10[%add3A_79, %dma_start3A_82] : memref<10240x128xf32, #tpu.memory_space<vmem_shared>> -> memref<16x128xf32, #tpu.memory_space<vmem_shared>>
    tpu.enqueue_dma source(%arg8 : memref<16x128xf32, #tpu.memory_space<vmem>>) target(%dma_start3A_83 : memref<16x128xf32, #tpu.memory_space<vmem_shared>>) target_semaphore(%arg14 : memref<!tpu.dma_semaphore, #tpu.memory_space<semaphore_mem>>)
    %add3A_84 = arith.constant 176 : i32
    %add3A_85 = arith.addi %mul3A_18, %add3A_84 : i32
    %dma_start3A_86 = arith.constant 0 : i32
    %dma_start3A_87 = tpu.memref_slice %arg10[%add3A_85, %dma_start3A_86] : memref<10240x128xf32, #tpu.memory_space<vmem_shared>> -> memref<16x128xf32, #tpu.memory_space<vmem_shared>>
    %dma_start3A_88 = arith.constant 0 : i32
    %dma_start3A_89 = tpu.memref_slice %arg10[%add3A_85, %dma_start3A_88] : memref<10240x128xf32, #tpu.memory_space<vmem_shared>> -> memref<16x128xf32, #tpu.memory_space<vmem_shared>>
    tpu.enqueue_dma source(%arg8 : memref<16x128xf32, #tpu.memory_space<vmem>>) target(%dma_start3A_89 : memref<16x128xf32, #tpu.memory_space<vmem_shared>>) target_semaphore(%arg14 : memref<!tpu.dma_semaphore, #tpu.memory_space<semaphore_mem>>)
    %add3A_90 = arith.constant 192 : i32
    %add3A_91 = arith.addi %mul3A_18, %add3A_90 : i32
    %dma_start3A_92 = arith.constant 0 : i32
    %dma_start3A_93 = tpu.memref_slice %arg10[%add3A_91, %dma_start3A_92] : memref<10240x128xf32, #tpu.memory_space<vmem_shared>> -> memref<16x128xf32, #tpu.memory_space<vmem_shared>>
    %dma_start3A_94 = arith.constant 0 : i32
    %dma_start3A_95 = tpu.memref_slice %arg10[%add3A_91, %dma_start3A_94] : memref<10240x128xf32, #tpu.memory_space<vmem_shared>> -> memref<16x128xf32, #tpu.memory_space<vmem_shared>>
    tpu.enqueue_dma source(%arg8 : memref<16x128xf32, #tpu.memory_space<vmem>>) target(%dma_start3A_95 : memref<16x128xf32, #tpu.memory_space<vmem_shared>>) target_semaphore(%arg14 : memref<!tpu.dma_semaphore, #tpu.memory_space<semaphore_mem>>)
    %add3A_96 = arith.constant 208 : i32
    %add3A_97 = arith.addi %mul3A_18, %add3A_96 : i32
    %dma_start3A_98 = arith.constant 0 : i32
    %dma_start3A_99 = tpu.memref_slice %arg10[%add3A_97, %dma_start3A_98] : memref<10240x128xf32, #tpu.memory_space<vmem_shared>> -> memref<16x128xf32, #tpu.memory_space<vmem_shared>>
    %dma_start3A_100 = arith.constant 0 : i32
    %dma_start3A_101 = tpu.memref_slice %arg10[%add3A_97, %dma_start3A_100] : memref<10240x128xf32, #tpu.memory_space<vmem_shared>> -> memref<16x128xf32, #tpu.memory_space<vmem_shared>>
    tpu.enqueue_dma source(%arg8 : memref<16x128xf32, #tpu.memory_space<vmem>>) target(%dma_start3A_101 : memref<16x128xf32, #tpu.memory_space<vmem_shared>>) target_semaphore(%arg14 : memref<!tpu.dma_semaphore, #tpu.memory_space<semaphore_mem>>)
    %add3A_102 = arith.constant 224 : i32
    %add3A_103 = arith.addi %mul3A_18, %add3A_102 : i32
    %dma_start3A_104 = arith.constant 0 : i32
    %dma_start3A_105 = tpu.memref_slice %arg10[%add3A_103, %dma_start3A_104] : memref<10240x128xf32, #tpu.memory_space<vmem_shared>> -> memref<16x128xf32, #tpu.memory_space<vmem_shared>>
    %dma_start3A_106 = arith.constant 0 : i32
    %dma_start3A_107 = tpu.memref_slice %arg10[%add3A_103, %dma_start3A_106] : memref<10240x128xf32, #tpu.memory_space<vmem_shared>> -> memref<16x128xf32, #tpu.memory_space<vmem_shared>>
    tpu.enqueue_dma source(%arg8 : memref<16x128xf32, #tpu.memory_space<vmem>>) target(%dma_start3A_107 : memref<16x128xf32, #tpu.memory_space<vmem_shared>>) target_semaphore(%arg14 : memref<!tpu.dma_semaphore, #tpu.memory_space<semaphore_mem>>)
    %add3A_108 = arith.constant 240 : i32
    %add3A_109 = arith.addi %mul3A_18, %add3A_108 : i32
    %dma_start3A_110 = arith.constant 0 : i32
    %dma_start3A_111 = tpu.memref_slice %arg10[%add3A_109, %dma_start3A_110] : memref<10240x128xf32, #tpu.memory_space<vmem_shared>> -> memref<16x128xf32, #tpu.memory_space<vmem_shared>>
    %dma_start3A_112 = arith.constant 0 : i32
    %dma_start3A_113 = tpu.memref_slice %arg10[%add3A_109, %dma_start3A_112] : memref<10240x128xf32, #tpu.memory_space<vmem_shared>> -> memref<16x128xf32, #tpu.memory_space<vmem_shared>>
    tpu.enqueue_dma source(%arg8 : memref<16x128xf32, #tpu.memory_space<vmem>>) target(%dma_start3A_113 : memref<16x128xf32, #tpu.memory_space<vmem_shared>>) target_semaphore(%arg14 : memref<!tpu.dma_semaphore, #tpu.memory_space<semaphore_mem>>)
    %add3A_114 = arith.constant 256 : i32
    %add3A_115 = arith.addi %mul3A_18, %add3A_114 : i32
    %dma_start3A_116 = arith.constant 0 : i32
    %dma_start3A_117 = tpu.memref_slice %arg10[%add3A_115, %dma_start3A_116] : memref<10240x128xf32, #tpu.memory_space<vmem_shared>> -> memref<16x128xf32, #tpu.memory_space<vmem_shared>>
    %dma_start3A_118 = arith.constant 0 : i32
    %dma_start3A_119 = tpu.memref_slice %arg10[%add3A_115, %dma_start3A_118] : memref<10240x128xf32, #tpu.memory_space<vmem_shared>> -> memref<16x128xf32, #tpu.memory_space<vmem_shared>>
    tpu.enqueue_dma source(%arg8 : memref<16x128xf32, #tpu.memory_space<vmem>>) target(%dma_start3A_119 : memref<16x128xf32, #tpu.memory_space<vmem_shared>>) target_semaphore(%arg14 : memref<!tpu.dma_semaphore, #tpu.memory_space<semaphore_mem>>)
    %add3A_120 = arith.constant 272 : i32
    %add3A_121 = arith.addi %mul3A_18, %add3A_120 : i32
    %dma_start3A_122 = arith.constant 0 : i32
    %dma_start3A_123 = tpu.memref_slice %arg10[%add3A_121, %dma_start3A_122] : memref<10240x128xf32, #tpu.memory_space<vmem_shared>> -> memref<16x128xf32, #tpu.memory_space<vmem_shared>>
    %dma_start3A_124 = arith.constant 0 : i32
    %dma_start3A_125 = tpu.memref_slice %arg10[%add3A_121, %dma_start3A_124] : memref<10240x128xf32, #tpu.memory_space<vmem_shared>> -> memref<16x128xf32, #tpu.memory_space<vmem_shared>>
    tpu.enqueue_dma source(%arg8 : memref<16x128xf32, #tpu.memory_space<vmem>>) target(%dma_start3A_125 : memref<16x128xf32, #tpu.memory_space<vmem_shared>>) target_semaphore(%arg14 : memref<!tpu.dma_semaphore, #tpu.memory_space<semaphore_mem>>)
    %add3A_126 = arith.constant 288 : i32
    %add3A_127 = arith.addi %mul3A_18, %add3A_126 : i32
    %dma_start3A_128 = arith.constant 0 : i32
    %dma_start3A_129 = tpu.memref_slice %arg10[%add3A_127, %dma_start3A_128] : memref<10240x128xf32, #tpu.memory_space<vmem_shared>> -> memref<16x128xf32, #tpu.memory_space<vmem_shared>>
    %dma_start3A_130 = arith.constant 0 : i32
    %dma_start3A_131 = tpu.memref_slice %arg10[%add3A_127, %dma_start3A_130] : memref<10240x128xf32, #tpu.memory_space<vmem_shared>> -> memref<16x128xf32, #tpu.memory_space<vmem_shared>>
    tpu.enqueue_dma source(%arg8 : memref<16x128xf32, #tpu.memory_space<vmem>>) target(%dma_start3A_131 : memref<16x128xf32, #tpu.memory_space<vmem_shared>>) target_semaphore(%arg14 : memref<!tpu.dma_semaphore, #tpu.memory_space<semaphore_mem>>)
    %add3A_132 = arith.constant 304 : i32
    %add3A_133 = arith.addi %mul3A_18, %add3A_132 : i32
    %dma_start3A_134 = arith.constant 0 : i32
    %dma_start3A_135 = tpu.memref_slice %arg10[%add3A_133, %dma_start3A_134] : memref<10240x128xf32, #tpu.memory_space<vmem_shared>> -> memref<16x128xf32, #tpu.memory_space<vmem_shared>>
    %dma_start3A_136 = arith.constant 0 : i32
    %dma_start3A_137 = tpu.memref_slice %arg10[%add3A_133, %dma_start3A_136] : memref<10240x128xf32, #tpu.memory_space<vmem_shared>> -> memref<16x128xf32, #tpu.memory_space<vmem_shared>>
    tpu.enqueue_dma source(%arg8 : memref<16x128xf32, #tpu.memory_space<vmem>>) target(%dma_start3A_137 : memref<16x128xf32, #tpu.memory_space<vmem_shared>>) target_semaphore(%arg14 : memref<!tpu.dma_semaphore, #tpu.memory_space<semaphore_mem>>)
    %add3A_138 = arith.constant 320 : i32
    %add3A_139 = arith.addi %mul3A_18, %add3A_138 : i32
    %dma_start3A_140 = arith.constant 0 : i32
    %dma_start3A_141 = tpu.memref_slice %arg10[%add3A_139, %dma_start3A_140] : memref<10240x128xf32, #tpu.memory_space<vmem_shared>> -> memref<16x128xf32, #tpu.memory_space<vmem_shared>>
    %dma_start3A_142 = arith.constant 0 : i32
    %dma_start3A_143 = tpu.memref_slice %arg10[%add3A_139, %dma_start3A_142] : memref<10240x128xf32, #tpu.memory_space<vmem_shared>> -> memref<16x128xf32, #tpu.memory_space<vmem_shared>>
    tpu.enqueue_dma source(%arg8 : memref<16x128xf32, #tpu.memory_space<vmem>>) target(%dma_start3A_143 : memref<16x128xf32, #tpu.memory_space<vmem_shared>>) target_semaphore(%arg14 : memref<!tpu.dma_semaphore, #tpu.memory_space<semaphore_mem>>)
    %add3A_144 = arith.constant 336 : i32
    %add3A_145 = arith.addi %mul3A_18, %add3A_144 : i32
    %dma_start3A_146 = arith.constant 0 : i32
    %dma_start3A_147 = tpu.memref_slice %arg10[%add3A_145, %dma_start3A_146] : memref<10240x128xf32, #tpu.memory_space<vmem_shared>> -> memref<16x128xf32, #tpu.memory_space<vmem_shared>>
    %dma_start3A_148 = arith.constant 0 : i32
    %dma_start3A_149 = tpu.memref_slice %arg10[%add3A_145, %dma_start3A_148] : memref<10240x128xf32, #tpu.memory_space<vmem_shared>> -> memref<16x128xf32, #tpu.memory_space<vmem_shared>>
    tpu.enqueue_dma source(%arg8 : memref<16x128xf32, #tpu.memory_space<vmem>>) target(%dma_start3A_149 : memref<16x128xf32, #tpu.memory_space<vmem_shared>>) target_semaphore(%arg14 : memref<!tpu.dma_semaphore, #tpu.memory_space<semaphore_mem>>)
    %add3A_150 = arith.constant 352 : i32
    %add3A_151 = arith.addi %mul3A_18, %add3A_150 : i32
    %dma_start3A_152 = arith.constant 0 : i32
    %dma_start3A_153 = tpu.memref_slice %arg10[%add3A_151, %dma_start3A_152] : memref<10240x128xf32, #tpu.memory_space<vmem_shared>> -> memref<16x128xf32, #tpu.memory_space<vmem_shared>>
    %dma_start3A_154 = arith.constant 0 : i32
    %dma_start3A_155 = tpu.memref_slice %arg10[%add3A_151, %dma_start3A_154] : memref<10240x128xf32, #tpu.memory_space<vmem_shared>> -> memref<16x128xf32, #tpu.memory_space<vmem_shared>>
    tpu.enqueue_dma source(%arg8 : memref<16x128xf32, #tpu.memory_space<vmem>>) target(%dma_start3A_155 : memref<16x128xf32, #tpu.memory_space<vmem_shared>>) target_semaphore(%arg14 : memref<!tpu.dma_semaphore, #tpu.memory_space<semaphore_mem>>)
    %add3A_156 = arith.constant 368 : i32
    %add3A_157 = arith.addi %mul3A_18, %add3A_156 : i32
    %dma_start3A_158 = arith.constant 0 : i32
    %dma_start3A_159 = tpu.memref_slice %arg10[%add3A_157, %dma_start3A_158] : memref<10240x128xf32, #tpu.memory_space<vmem_shared>> -> memref<16x128xf32, #tpu.memory_space<vmem_shared>>
    %dma_start3A_160 = arith.constant 0 : i32
    %dma_start3A_161 = tpu.memref_slice %arg10[%add3A_157, %dma_start3A_160] : memref<10240x128xf32, #tpu.memory_space<vmem_shared>> -> memref<16x128xf32, #tpu.memory_space<vmem_shared>>
    tpu.enqueue_dma source(%arg8 : memref<16x128xf32, #tpu.memory_space<vmem>>) target(%dma_start3A_161 : memref<16x128xf32, #tpu.memory_space<vmem_shared>>) target_semaphore(%arg14 : memref<!tpu.dma_semaphore, #tpu.memory_space<semaphore_mem>>)
    %add3A_162 = arith.constant 384 : i32
    %add3A_163 = arith.addi %mul3A_18, %add3A_162 : i32
    %dma_start3A_164 = arith.constant 0 : i32
    %dma_start3A_165 = tpu.memref_slice %arg10[%add3A_163, %dma_start3A_164] : memref<10240x128xf32, #tpu.memory_space<vmem_shared>> -> memref<16x128xf32, #tpu.memory_space<vmem_shared>>
    %dma_start3A_166 = arith.constant 0 : i32
    %dma_start3A_167 = tpu.memref_slice %arg10[%add3A_163, %dma_start3A_166] : memref<10240x128xf32, #tpu.memory_space<vmem_shared>> -> memref<16x128xf32, #tpu.memory_space<vmem_shared>>
    tpu.enqueue_dma source(%arg8 : memref<16x128xf32, #tpu.memory_space<vmem>>) target(%dma_start3A_167 : memref<16x128xf32, #tpu.memory_space<vmem_shared>>) target_semaphore(%arg14 : memref<!tpu.dma_semaphore, #tpu.memory_space<semaphore_mem>>)
    %add3A_168 = arith.constant 400 : i32
    %add3A_169 = arith.addi %mul3A_18, %add3A_168 : i32
    %dma_start3A_170 = arith.constant 0 : i32
    %dma_start3A_171 = tpu.memref_slice %arg10[%add3A_169, %dma_start3A_170] : memref<10240x128xf32, #tpu.memory_space<vmem_shared>> -> memref<16x128xf32, #tpu.memory_space<vmem_shared>>
    %dma_start3A_172 = arith.constant 0 : i32
    %dma_start3A_173 = tpu.memref_slice %arg10[%add3A_169, %dma_start3A_172] : memref<10240x128xf32, #tpu.memory_space<vmem_shared>> -> memref<16x128xf32, #tpu.memory_space<vmem_shared>>
    tpu.enqueue_dma source(%arg8 : memref<16x128xf32, #tpu.memory_space<vmem>>) target(%dma_start3A_173 : memref<16x128xf32, #tpu.memory_space<vmem_shared>>) target_semaphore(%arg14 : memref<!tpu.dma_semaphore, #tpu.memory_space<semaphore_mem>>)
    %add3A_174 = arith.constant 416 : i32
    %add3A_175 = arith.addi %mul3A_18, %add3A_174 : i32
    %dma_start3A_176 = arith.constant 0 : i32
    %dma_start3A_177 = tpu.memref_slice %arg10[%add3A_175, %dma_start3A_176] : memref<10240x128xf32, #tpu.memory_space<vmem_shared>> -> memref<16x128xf32, #tpu.memory_space<vmem_shared>>
    %dma_start3A_178 = arith.constant 0 : i32
    %dma_start3A_179 = tpu.memref_slice %arg10[%add3A_175, %dma_start3A_178] : memref<10240x128xf32, #tpu.memory_space<vmem_shared>> -> memref<16x128xf32, #tpu.memory_space<vmem_shared>>
    tpu.enqueue_dma source(%arg8 : memref<16x128xf32, #tpu.memory_space<vmem>>) target(%dma_start3A_179 : memref<16x128xf32, #tpu.memory_space<vmem_shared>>) target_semaphore(%arg14 : memref<!tpu.dma_semaphore, #tpu.memory_space<semaphore_mem>>)
    %add3A_180 = arith.constant 432 : i32
    %add3A_181 = arith.addi %mul3A_18, %add3A_180 : i32
    %dma_start3A_182 = arith.constant 0 : i32
    %dma_start3A_183 = tpu.memref_slice %arg10[%add3A_181, %dma_start3A_182] : memref<10240x128xf32, #tpu.memory_space<vmem_shared>> -> memref<16x128xf32, #tpu.memory_space<vmem_shared>>
    %dma_start3A_184 = arith.constant 0 : i32
    %dma_start3A_185 = tpu.memref_slice %arg10[%add3A_181, %dma_start3A_184] : memref<10240x128xf32, #tpu.memory_space<vmem_shared>> -> memref<16x128xf32, #tpu.memory_space<vmem_shared>>
    tpu.enqueue_dma source(%arg8 : memref<16x128xf32, #tpu.memory_space<vmem>>) target(%dma_start3A_185 : memref<16x128xf32, #tpu.memory_space<vmem_shared>>) target_semaphore(%arg14 : memref<!tpu.dma_semaphore, #tpu.memory_space<semaphore_mem>>)
    %add3A_186 = arith.constant 448 : i32
    %add3A_187 = arith.addi %mul3A_18, %add3A_186 : i32
    %dma_start3A_188 = arith.constant 0 : i32
    %dma_start3A_189 = tpu.memref_slice %arg10[%add3A_187, %dma_start3A_188] : memref<10240x128xf32, #tpu.memory_space<vmem_shared>> -> memref<16x128xf32, #tpu.memory_space<vmem_shared>>
    %dma_start3A_190 = arith.constant 0 : i32
    %dma_start3A_191 = tpu.memref_slice %arg10[%add3A_187, %dma_start3A_190] : memref<10240x128xf32, #tpu.memory_space<vmem_shared>> -> memref<16x128xf32, #tpu.memory_space<vmem_shared>>
    tpu.enqueue_dma source(%arg8 : memref<16x128xf32, #tpu.memory_space<vmem>>) target(%dma_start3A_191 : memref<16x128xf32, #tpu.memory_space<vmem_shared>>) target_semaphore(%arg14 : memref<!tpu.dma_semaphore, #tpu.memory_space<semaphore_mem>>)
    %add3A_192 = arith.constant 464 : i32
    %add3A_193 = arith.addi %mul3A_18, %add3A_192 : i32
    %dma_start3A_194 = arith.constant 0 : i32
    %dma_start3A_195 = tpu.memref_slice %arg10[%add3A_193, %dma_start3A_194] : memref<10240x128xf32, #tpu.memory_space<vmem_shared>> -> memref<16x128xf32, #tpu.memory_space<vmem_shared>>
    %dma_start3A_196 = arith.constant 0 : i32
    %dma_start3A_197 = tpu.memref_slice %arg10[%add3A_193, %dma_start3A_196] : memref<10240x128xf32, #tpu.memory_space<vmem_shared>> -> memref<16x128xf32, #tpu.memory_space<vmem_shared>>
    tpu.enqueue_dma source(%arg8 : memref<16x128xf32, #tpu.memory_space<vmem>>) target(%dma_start3A_197 : memref<16x128xf32, #tpu.memory_space<vmem_shared>>) target_semaphore(%arg14 : memref<!tpu.dma_semaphore, #tpu.memory_space<semaphore_mem>>)
    %add3A_198 = arith.constant 480 : i32
    %add3A_199 = arith.addi %mul3A_18, %add3A_198 : i32
    %dma_start3A_200 = arith.constant 0 : i32
    %dma_start3A_201 = tpu.memref_slice %arg10[%add3A_199, %dma_start3A_200] : memref<10240x128xf32, #tpu.memory_space<vmem_shared>> -> memref<16x128xf32, #tpu.memory_space<vmem_shared>>
    %dma_start3A_202 = arith.constant 0 : i32
    %dma_start3A_203 = tpu.memref_slice %arg10[%add3A_199, %dma_start3A_202] : memref<10240x128xf32, #tpu.memory_space<vmem_shared>> -> memref<16x128xf32, #tpu.memory_space<vmem_shared>>
    tpu.enqueue_dma source(%arg8 : memref<16x128xf32, #tpu.memory_space<vmem>>) target(%dma_start3A_203 : memref<16x128xf32, #tpu.memory_space<vmem_shared>>) target_semaphore(%arg14 : memref<!tpu.dma_semaphore, #tpu.memory_space<semaphore_mem>>)
    %add3A_204 = arith.constant 496 : i32
    %add3A_205 = arith.addi %mul3A_18, %add3A_204 : i32
    %dma_start3A_206 = arith.constant 0 : i32
    %dma_start3A_207 = tpu.memref_slice %arg10[%add3A_205, %dma_start3A_206] : memref<10240x128xf32, #tpu.memory_space<vmem_shared>> -> memref<16x128xf32, #tpu.memory_space<vmem_shared>>
    %dma_start3A_208 = arith.constant 0 : i32
    %dma_start3A_209 = tpu.memref_slice %arg10[%add3A_205, %dma_start3A_208] : memref<10240x128xf32, #tpu.memory_space<vmem_shared>> -> memref<16x128xf32, #tpu.memory_space<vmem_shared>>
    tpu.enqueue_dma source(%arg8 : memref<16x128xf32, #tpu.memory_space<vmem>>) target(%dma_start3A_209 : memref<16x128xf32, #tpu.memory_space<vmem_shared>>) target_semaphore(%arg14 : memref<!tpu.dma_semaphore, #tpu.memory_space<semaphore_mem>>)
    %add3A_210 = arith.constant 512 : i32
    %add3A_211 = arith.addi %mul3A_18, %add3A_210 : i32
    %dma_start3A_212 = arith.constant 0 : i32
    %dma_start3A_213 = tpu.memref_slice %arg10[%add3A_211, %dma_start3A_212] : memref<10240x128xf32, #tpu.memory_space<vmem_shared>> -> memref<16x128xf32, #tpu.memory_space<vmem_shared>>
    %dma_start3A_214 = arith.constant 0 : i32
    %dma_start3A_215 = tpu.memref_slice %arg10[%add3A_211, %dma_start3A_214] : memref<10240x128xf32, #tpu.memory_space<vmem_shared>> -> memref<16x128xf32, #tpu.memory_space<vmem_shared>>
    tpu.enqueue_dma source(%arg8 : memref<16x128xf32, #tpu.memory_space<vmem>>) target(%dma_start3A_215 : memref<16x128xf32, #tpu.memory_space<vmem_shared>>) target_semaphore(%arg14 : memref<!tpu.dma_semaphore, #tpu.memory_space<semaphore_mem>>)
    %add3A_216 = arith.constant 528 : i32
    %add3A_217 = arith.addi %mul3A_18, %add3A_216 : i32
    %dma_start3A_218 = arith.constant 0 : i32
    %dma_start3A_219 = tpu.memref_slice %arg10[%add3A_217, %dma_start3A_218] : memref<10240x128xf32, #tpu.memory_space<vmem_shared>> -> memref<16x128xf32, #tpu.memory_space<vmem_shared>>
    %dma_start3A_220 = arith.constant 0 : i32
    %dma_start3A_221 = tpu.memref_slice %arg10[%add3A_217, %dma_start3A_220] : memref<10240x128xf32, #tpu.memory_space<vmem_shared>> -> memref<16x128xf32, #tpu.memory_space<vmem_shared>>
    tpu.enqueue_dma source(%arg8 : memref<16x128xf32, #tpu.memory_space<vmem>>) target(%dma_start3A_221 : memref<16x128xf32, #tpu.memory_space<vmem_shared>>) target_semaphore(%arg14 : memref<!tpu.dma_semaphore, #tpu.memory_space<semaphore_mem>>)
    %add3A_222 = arith.constant 544 : i32
    %add3A_223 = arith.addi %mul3A_18, %add3A_222 : i32
    %dma_start3A_224 = arith.constant 0 : i32
    %dma_start3A_225 = tpu.memref_slice %arg10[%add3A_223, %dma_start3A_224] : memref<10240x128xf32, #tpu.memory_space<vmem_shared>> -> memref<16x128xf32, #tpu.memory_space<vmem_shared>>
    %dma_start3A_226 = arith.constant 0 : i32
    %dma_start3A_227 = tpu.memref_slice %arg10[%add3A_223, %dma_start3A_226] : memref<10240x128xf32, #tpu.memory_space<vmem_shared>> -> memref<16x128xf32, #tpu.memory_space<vmem_shared>>
    tpu.enqueue_dma source(%arg8 : memref<16x128xf32, #tpu.memory_space<vmem>>) target(%dma_start3A_227 : memref<16x128xf32, #tpu.memory_space<vmem_shared>>) target_semaphore(%arg14 : memref<!tpu.dma_semaphore, #tpu.memory_space<semaphore_mem>>)
    %add3A_228 = arith.constant 560 : i32
    %add3A_229 = arith.addi %mul3A_18, %add3A_228 : i32
    %dma_start3A_230 = arith.constant 0 : i32
    %dma_start3A_231 = tpu.memref_slice %arg10[%add3A_229, %dma_start3A_230] : memref<10240x128xf32, #tpu.memory_space<vmem_shared>> -> memref<16x128xf32, #tpu.memory_space<vmem_shared>>
    %dma_start3A_232 = arith.constant 0 : i32
    %dma_start3A_233 = tpu.memref_slice %arg10[%add3A_229, %dma_start3A_232] : memref<10240x128xf32, #tpu.memory_space<vmem_shared>> -> memref<16x128xf32, #tpu.memory_space<vmem_shared>>
    tpu.enqueue_dma source(%arg8 : memref<16x128xf32, #tpu.memory_space<vmem>>) target(%dma_start3A_233 : memref<16x128xf32, #tpu.memory_space<vmem_shared>>) target_semaphore(%arg14 : memref<!tpu.dma_semaphore, #tpu.memory_space<semaphore_mem>>)
    %add3A_234 = arith.constant 576 : i32
    %add3A_235 = arith.addi %mul3A_18, %add3A_234 : i32
    %dma_start3A_236 = arith.constant 0 : i32
    %dma_start3A_237 = tpu.memref_slice %arg10[%add3A_235, %dma_start3A_236] : memref<10240x128xf32, #tpu.memory_space<vmem_shared>> -> memref<16x128xf32, #tpu.memory_space<vmem_shared>>
    %dma_start3A_238 = arith.constant 0 : i32
    %dma_start3A_239 = tpu.memref_slice %arg10[%add3A_235, %dma_start3A_238] : memref<10240x128xf32, #tpu.memory_space<vmem_shared>> -> memref<16x128xf32, #tpu.memory_space<vmem_shared>>
    tpu.enqueue_dma source(%arg8 : memref<16x128xf32, #tpu.memory_space<vmem>>) target(%dma_start3A_239 : memref<16x128xf32, #tpu.memory_space<vmem_shared>>) target_semaphore(%arg14 : memref<!tpu.dma_semaphore, #tpu.memory_space<semaphore_mem>>)
    %add3A_240 = arith.constant 592 : i32
    %add3A_241 = arith.addi %mul3A_18, %add3A_240 : i32
    %dma_start3A_242 = arith.constant 0 : i32
    %dma_start3A_243 = tpu.memref_slice %arg10[%add3A_241, %dma_start3A_242] : memref<10240x128xf32, #tpu.memory_space<vmem_shared>> -> memref<16x128xf32, #tpu.memory_space<vmem_shared>>
    %dma_start3A_244 = arith.constant 0 : i32
    %dma_start3A_245 = tpu.memref_slice %arg10[%add3A_241, %dma_start3A_244] : memref<10240x128xf32, #tpu.memory_space<vmem_shared>> -> memref<16x128xf32, #tpu.memory_space<vmem_shared>>
    tpu.enqueue_dma source(%arg8 : memref<16x128xf32, #tpu.memory_space<vmem>>) target(%dma_start3A_245 : memref<16x128xf32, #tpu.memory_space<vmem_shared>>) target_semaphore(%arg14 : memref<!tpu.dma_semaphore, #tpu.memory_space<semaphore_mem>>)
    %add3A_246 = arith.constant 608 : i32
    %add3A_247 = arith.addi %mul3A_18, %add3A_246 : i32
    %dma_start3A_248 = arith.constant 0 : i32
    %dma_start3A_249 = tpu.memref_slice %arg10[%add3A_247, %dma_start3A_248] : memref<10240x128xf32, #tpu.memory_space<vmem_shared>> -> memref<16x128xf32, #tpu.memory_space<vmem_shared>>
    %dma_start3A_250 = arith.constant 0 : i32
    %dma_start3A_251 = tpu.memref_slice %arg10[%add3A_247, %dma_start3A_250] : memref<10240x128xf32, #tpu.memory_space<vmem_shared>> -> memref<16x128xf32, #tpu.memory_space<vmem_shared>>
    tpu.enqueue_dma source(%arg8 : memref<16x128xf32, #tpu.memory_space<vmem>>) target(%dma_start3A_251 : memref<16x128xf32, #tpu.memory_space<vmem_shared>>) target_semaphore(%arg14 : memref<!tpu.dma_semaphore, #tpu.memory_space<semaphore_mem>>)
    %add3A_252 = arith.constant 624 : i32
    %add3A_253 = arith.addi %mul3A_18, %add3A_252 : i32
    %dma_start3A_254 = arith.constant 0 : i32
    %dma_start3A_255 = tpu.memref_slice %arg10[%add3A_253, %dma_start3A_254] : memref<10240x128xf32, #tpu.memory_space<vmem_shared>> -> memref<16x128xf32, #tpu.memory_space<vmem_shared>>
    %dma_start3A_256 = arith.constant 0 : i32
    %dma_start3A_257 = tpu.memref_slice %arg10[%add3A_253, %dma_start3A_256] : memref<10240x128xf32, #tpu.memory_space<vmem_shared>> -> memref<16x128xf32, #tpu.memory_space<vmem_shared>>
    tpu.enqueue_dma source(%arg8 : memref<16x128xf32, #tpu.memory_space<vmem>>) target(%dma_start3A_257 : memref<16x128xf32, #tpu.memory_space<vmem_shared>>) target_semaphore(%arg14 : memref<!tpu.dma_semaphore, #tpu.memory_space<semaphore_mem>>)
    %add3A_258 = arith.constant 0 : i32
    %add3A_259 = arith.addi %mul3A_18, %add3A_258 : i32
    %dma_wait3A = arith.constant 0 : i32
    %dma_wait3A_260 = tpu.memref_slice %arg10[%add3A_259, %dma_wait3A] : memref<10240x128xf32, #tpu.memory_space<vmem_shared>> -> memref<16x128xf32, #tpu.memory_space<vmem_shared>>
    %dma_wait3A_261 = arith.constant 0 : i32
    %dma_wait3A_262 = tpu.memref_slice %arg10[%add3A_259, %dma_wait3A_261] : memref<10240x128xf32, #tpu.memory_space<vmem_shared>> -> memref<16x128xf32, #tpu.memory_space<vmem_shared>>
    tpu.wait_dma2 semaphore(%arg14 : memref<!tpu.dma_semaphore, #tpu.memory_space<semaphore_mem>>) src(%arg8 : memref<16x128xf32, #tpu.memory_space<vmem>>) dst(%dma_wait3A_262 : memref<16x128xf32, #tpu.memory_space<vmem_shared>>)
    %add3A_263 = arith.constant 16 : i32
    %add3A_264 = arith.addi %mul3A_18, %add3A_263 : i32
    %dma_wait3A_265 = arith.constant 0 : i32
    %dma_wait3A_266 = tpu.memref_slice %arg10[%add3A_264, %dma_wait3A_265] : memref<10240x128xf32, #tpu.memory_space<vmem_shared>> -> memref<16x128xf32, #tpu.memory_space<vmem_shared>>
    %dma_wait3A_267 = arith.constant 0 : i32
    %dma_wait3A_268 = tpu.memref_slice %arg10[%add3A_264, %dma_wait3A_267] : memref<10240x128xf32, #tpu.memory_space<vmem_shared>> -> memref<16x128xf32, #tpu.memory_space<vmem_shared>>
    tpu.wait_dma2 semaphore(%arg14 : memref<!tpu.dma_semaphore, #tpu.memory_space<semaphore_mem>>) src(%arg8 : memref<16x128xf32, #tpu.memory_space<vmem>>) dst(%dma_wait3A_268 : memref<16x128xf32, #tpu.memory_space<vmem_shared>>)
    %add3A_269 = arith.constant 32 : i32
    %add3A_270 = arith.addi %mul3A_18, %add3A_269 : i32
    %dma_wait3A_271 = arith.constant 0 : i32
    %dma_wait3A_272 = tpu.memref_slice %arg10[%add3A_270, %dma_wait3A_271] : memref<10240x128xf32, #tpu.memory_space<vmem_shared>> -> memref<16x128xf32, #tpu.memory_space<vmem_shared>>
    %dma_wait3A_273 = arith.constant 0 : i32
    %dma_wait3A_274 = tpu.memref_slice %arg10[%add3A_270, %dma_wait3A_273] : memref<10240x128xf32, #tpu.memory_space<vmem_shared>> -> memref<16x128xf32, #tpu.memory_space<vmem_shared>>
    tpu.wait_dma2 semaphore(%arg14 : memref<!tpu.dma_semaphore, #tpu.memory_space<semaphore_mem>>) src(%arg8 : memref<16x128xf32, #tpu.memory_space<vmem>>) dst(%dma_wait3A_274 : memref<16x128xf32, #tpu.memory_space<vmem_shared>>)
    %add3A_275 = arith.constant 48 : i32
    %add3A_276 = arith.addi %mul3A_18, %add3A_275 : i32
    %dma_wait3A_277 = arith.constant 0 : i32
    %dma_wait3A_278 = tpu.memref_slice %arg10[%add3A_276, %dma_wait3A_277] : memref<10240x128xf32, #tpu.memory_space<vmem_shared>> -> memref<16x128xf32, #tpu.memory_space<vmem_shared>>
    %dma_wait3A_279 = arith.constant 0 : i32
    %dma_wait3A_280 = tpu.memref_slice %arg10[%add3A_276, %dma_wait3A_279] : memref<10240x128xf32, #tpu.memory_space<vmem_shared>> -> memref<16x128xf32, #tpu.memory_space<vmem_shared>>
    tpu.wait_dma2 semaphore(%arg14 : memref<!tpu.dma_semaphore, #tpu.memory_space<semaphore_mem>>) src(%arg8 : memref<16x128xf32, #tpu.memory_space<vmem>>) dst(%dma_wait3A_280 : memref<16x128xf32, #tpu.memory_space<vmem_shared>>)
    %add3A_281 = arith.constant 64 : i32
    %add3A_282 = arith.addi %mul3A_18, %add3A_281 : i32
    %dma_wait3A_283 = arith.constant 0 : i32
    %dma_wait3A_284 = tpu.memref_slice %arg10[%add3A_282, %dma_wait3A_283] : memref<10240x128xf32, #tpu.memory_space<vmem_shared>> -> memref<16x128xf32, #tpu.memory_space<vmem_shared>>
    %dma_wait3A_285 = arith.constant 0 : i32
    %dma_wait3A_286 = tpu.memref_slice %arg10[%add3A_282, %dma_wait3A_285] : memref<10240x128xf32, #tpu.memory_space<vmem_shared>> -> memref<16x128xf32, #tpu.memory_space<vmem_shared>>
    tpu.wait_dma2 semaphore(%arg14 : memref<!tpu.dma_semaphore, #tpu.memory_space<semaphore_mem>>) src(%arg8 : memref<16x128xf32, #tpu.memory_space<vmem>>) dst(%dma_wait3A_286 : memref<16x128xf32, #tpu.memory_space<vmem_shared>>)
    %add3A_287 = arith.constant 80 : i32
    %add3A_288 = arith.addi %mul3A_18, %add3A_287 : i32
    %dma_wait3A_289 = arith.constant 0 : i32
    %dma_wait3A_290 = tpu.memref_slice %arg10[%add3A_288, %dma_wait3A_289] : memref<10240x128xf32, #tpu.memory_space<vmem_shared>> -> memref<16x128xf32, #tpu.memory_space<vmem_shared>>
    %dma_wait3A_291 = arith.constant 0 : i32
    %dma_wait3A_292 = tpu.memref_slice %arg10[%add3A_288, %dma_wait3A_291] : memref<10240x128xf32, #tpu.memory_space<vmem_shared>> -> memref<16x128xf32, #tpu.memory_space<vmem_shared>>
    tpu.wait_dma2 semaphore(%arg14 : memref<!tpu.dma_semaphore, #tpu.memory_space<semaphore_mem>>) src(%arg8 : memref<16x128xf32, #tpu.memory_space<vmem>>) dst(%dma_wait3A_292 : memref<16x128xf32, #tpu.memory_space<vmem_shared>>)
    %add3A_293 = arith.constant 96 : i32
    %add3A_294 = arith.addi %mul3A_18, %add3A_293 : i32
    %dma_wait3A_295 = arith.constant 0 : i32
    %dma_wait3A_296 = tpu.memref_slice %arg10[%add3A_294, %dma_wait3A_295] : memref<10240x128xf32, #tpu.memory_space<vmem_shared>> -> memref<16x128xf32, #tpu.memory_space<vmem_shared>>
    %dma_wait3A_297 = arith.constant 0 : i32
    %dma_wait3A_298 = tpu.memref_slice %arg10[%add3A_294, %dma_wait3A_297] : memref<10240x128xf32, #tpu.memory_space<vmem_shared>> -> memref<16x128xf32, #tpu.memory_space<vmem_shared>>
    tpu.wait_dma2 semaphore(%arg14 : memref<!tpu.dma_semaphore, #tpu.memory_space<semaphore_mem>>) src(%arg8 : memref<16x128xf32, #tpu.memory_space<vmem>>) dst(%dma_wait3A_298 : memref<16x128xf32, #tpu.memory_space<vmem_shared>>)
    %add3A_299 = arith.constant 112 : i32
    %add3A_300 = arith.addi %mul3A_18, %add3A_299 : i32
    %dma_wait3A_301 = arith.constant 0 : i32
    %dma_wait3A_302 = tpu.memref_slice %arg10[%add3A_300, %dma_wait3A_301] : memref<10240x128xf32, #tpu.memory_space<vmem_shared>> -> memref<16x128xf32, #tpu.memory_space<vmem_shared>>
    %dma_wait3A_303 = arith.constant 0 : i32
    %dma_wait3A_304 = tpu.memref_slice %arg10[%add3A_300, %dma_wait3A_303] : memref<10240x128xf32, #tpu.memory_space<vmem_shared>> -> memref<16x128xf32, #tpu.memory_space<vmem_shared>>
    tpu.wait_dma2 semaphore(%arg14 : memref<!tpu.dma_semaphore, #tpu.memory_space<semaphore_mem>>) src(%arg8 : memref<16x128xf32, #tpu.memory_space<vmem>>) dst(%dma_wait3A_304 : memref<16x128xf32, #tpu.memory_space<vmem_shared>>)
    %add3A_305 = arith.constant 128 : i32
    %add3A_306 = arith.addi %mul3A_18, %add3A_305 : i32
    %dma_wait3A_307 = arith.constant 0 : i32
    %dma_wait3A_308 = tpu.memref_slice %arg10[%add3A_306, %dma_wait3A_307] : memref<10240x128xf32, #tpu.memory_space<vmem_shared>> -> memref<16x128xf32, #tpu.memory_space<vmem_shared>>
    %dma_wait3A_309 = arith.constant 0 : i32
    %dma_wait3A_310 = tpu.memref_slice %arg10[%add3A_306, %dma_wait3A_309] : memref<10240x128xf32, #tpu.memory_space<vmem_shared>> -> memref<16x128xf32, #tpu.memory_space<vmem_shared>>
    tpu.wait_dma2 semaphore(%arg14 : memref<!tpu.dma_semaphore, #tpu.memory_space<semaphore_mem>>) src(%arg8 : memref<16x128xf32, #tpu.memory_space<vmem>>) dst(%dma_wait3A_310 : memref<16x128xf32, #tpu.memory_space<vmem_shared>>)
    %add3A_311 = arith.constant 144 : i32
    %add3A_312 = arith.addi %mul3A_18, %add3A_311 : i32
    %dma_wait3A_313 = arith.constant 0 : i32
    %dma_wait3A_314 = tpu.memref_slice %arg10[%add3A_312, %dma_wait3A_313] : memref<10240x128xf32, #tpu.memory_space<vmem_shared>> -> memref<16x128xf32, #tpu.memory_space<vmem_shared>>
    %dma_wait3A_315 = arith.constant 0 : i32
    %dma_wait3A_316 = tpu.memref_slice %arg10[%add3A_312, %dma_wait3A_315] : memref<10240x128xf32, #tpu.memory_space<vmem_shared>> -> memref<16x128xf32, #tpu.memory_space<vmem_shared>>
    tpu.wait_dma2 semaphore(%arg14 : memref<!tpu.dma_semaphore, #tpu.memory_space<semaphore_mem>>) src(%arg8 : memref<16x128xf32, #tpu.memory_space<vmem>>) dst(%dma_wait3A_316 : memref<16x128xf32, #tpu.memory_space<vmem_shared>>)
    %add3A_317 = arith.constant 160 : i32
    %add3A_318 = arith.addi %mul3A_18, %add3A_317 : i32
    %dma_wait3A_319 = arith.constant 0 : i32
    %dma_wait3A_320 = tpu.memref_slice %arg10[%add3A_318, %dma_wait3A_319] : memref<10240x128xf32, #tpu.memory_space<vmem_shared>> -> memref<16x128xf32, #tpu.memory_space<vmem_shared>>
    %dma_wait3A_321 = arith.constant 0 : i32
    %dma_wait3A_322 = tpu.memref_slice %arg10[%add3A_318, %dma_wait3A_321] : memref<10240x128xf32, #tpu.memory_space<vmem_shared>> -> memref<16x128xf32, #tpu.memory_space<vmem_shared>>
    tpu.wait_dma2 semaphore(%arg14 : memref<!tpu.dma_semaphore, #tpu.memory_space<semaphore_mem>>) src(%arg8 : memref<16x128xf32, #tpu.memory_space<vmem>>) dst(%dma_wait3A_322 : memref<16x128xf32, #tpu.memory_space<vmem_shared>>)
    %add3A_323 = arith.constant 176 : i32
    %add3A_324 = arith.addi %mul3A_18, %add3A_323 : i32
    %dma_wait3A_325 = arith.constant 0 : i32
    %dma_wait3A_326 = tpu.memref_slice %arg10[%add3A_324, %dma_wait3A_325] : memref<10240x128xf32, #tpu.memory_space<vmem_shared>> -> memref<16x128xf32, #tpu.memory_space<vmem_shared>>
    %dma_wait3A_327 = arith.constant 0 : i32
    %dma_wait3A_328 = tpu.memref_slice %arg10[%add3A_324, %dma_wait3A_327] : memref<10240x128xf32, #tpu.memory_space<vmem_shared>> -> memref<16x128xf32, #tpu.memory_space<vmem_shared>>
    tpu.wait_dma2 semaphore(%arg14 : memref<!tpu.dma_semaphore, #tpu.memory_space<semaphore_mem>>) src(%arg8 : memref<16x128xf32, #tpu.memory_space<vmem>>) dst(%dma_wait3A_328 : memref<16x128xf32, #tpu.memory_space<vmem_shared>>)
    %add3A_329 = arith.constant 192 : i32
    %add3A_330 = arith.addi %mul3A_18, %add3A_329 : i32
    %dma_wait3A_331 = arith.constant 0 : i32
    %dma_wait3A_332 = tpu.memref_slice %arg10[%add3A_330, %dma_wait3A_331] : memref<10240x128xf32, #tpu.memory_space<vmem_shared>> -> memref<16x128xf32, #tpu.memory_space<vmem_shared>>
    %dma_wait3A_333 = arith.constant 0 : i32
    %dma_wait3A_334 = tpu.memref_slice %arg10[%add3A_330, %dma_wait3A_333] : memref<10240x128xf32, #tpu.memory_space<vmem_shared>> -> memref<16x128xf32, #tpu.memory_space<vmem_shared>>
    tpu.wait_dma2 semaphore(%arg14 : memref<!tpu.dma_semaphore, #tpu.memory_space<semaphore_mem>>) src(%arg8 : memref<16x128xf32, #tpu.memory_space<vmem>>) dst(%dma_wait3A_334 : memref<16x128xf32, #tpu.memory_space<vmem_shared>>)
    %add3A_335 = arith.constant 208 : i32
    %add3A_336 = arith.addi %mul3A_18, %add3A_335 : i32
    %dma_wait3A_337 = arith.constant 0 : i32
    %dma_wait3A_338 = tpu.memref_slice %arg10[%add3A_336, %dma_wait3A_337] : memref<10240x128xf32, #tpu.memory_space<vmem_shared>> -> memref<16x128xf32, #tpu.memory_space<vmem_shared>>
    %dma_wait3A_339 = arith.constant 0 : i32
    %dma_wait3A_340 = tpu.memref_slice %arg10[%add3A_336, %dma_wait3A_339] : memref<10240x128xf32, #tpu.memory_space<vmem_shared>> -> memref<16x128xf32, #tpu.memory_space<vmem_shared>>
    tpu.wait_dma2 semaphore(%arg14 : memref<!tpu.dma_semaphore, #tpu.memory_space<semaphore_mem>>) src(%arg8 : memref<16x128xf32, #tpu.memory_space<vmem>>) dst(%dma_wait3A_340 : memref<16x128xf32, #tpu.memory_space<vmem_shared>>)
    %add3A_341 = arith.constant 224 : i32
    %add3A_342 = arith.addi %mul3A_18, %add3A_341 : i32
    %dma_wait3A_343 = arith.constant 0 : i32
    %dma_wait3A_344 = tpu.memref_slice %arg10[%add3A_342, %dma_wait3A_343] : memref<10240x128xf32, #tpu.memory_space<vmem_shared>> -> memref<16x128xf32, #tpu.memory_space<vmem_shared>>
    %dma_wait3A_345 = arith.constant 0 : i32
    %dma_wait3A_346 = tpu.memref_slice %arg10[%add3A_342, %dma_wait3A_345] : memref<10240x128xf32, #tpu.memory_space<vmem_shared>> -> memref<16x128xf32, #tpu.memory_space<vmem_shared>>
    tpu.wait_dma2 semaphore(%arg14 : memref<!tpu.dma_semaphore, #tpu.memory_space<semaphore_mem>>) src(%arg8 : memref<16x128xf32, #tpu.memory_space<vmem>>) dst(%dma_wait3A_346 : memref<16x128xf32, #tpu.memory_space<vmem_shared>>)
    %add3A_347 = arith.constant 240 : i32
    %add3A_348 = arith.addi %mul3A_18, %add3A_347 : i32
    %dma_wait3A_349 = arith.constant 0 : i32
    %dma_wait3A_350 = tpu.memref_slice %arg10[%add3A_348, %dma_wait3A_349] : memref<10240x128xf32, #tpu.memory_space<vmem_shared>> -> memref<16x128xf32, #tpu.memory_space<vmem_shared>>
    %dma_wait3A_351 = arith.constant 0 : i32
    %dma_wait3A_352 = tpu.memref_slice %arg10[%add3A_348, %dma_wait3A_351] : memref<10240x128xf32, #tpu.memory_space<vmem_shared>> -> memref<16x128xf32, #tpu.memory_space<vmem_shared>>
    tpu.wait_dma2 semaphore(%arg14 : memref<!tpu.dma_semaphore, #tpu.memory_space<semaphore_mem>>) src(%arg8 : memref<16x128xf32, #tpu.memory_space<vmem>>) dst(%dma_wait3A_352 : memref<16x128xf32, #tpu.memory_space<vmem_shared>>)
    %add3A_353 = arith.constant 256 : i32
    %add3A_354 = arith.addi %mul3A_18, %add3A_353 : i32
    %dma_wait3A_355 = arith.constant 0 : i32
    %dma_wait3A_356 = tpu.memref_slice %arg10[%add3A_354, %dma_wait3A_355] : memref<10240x128xf32, #tpu.memory_space<vmem_shared>> -> memref<16x128xf32, #tpu.memory_space<vmem_shared>>
    %dma_wait3A_357 = arith.constant 0 : i32
    %dma_wait3A_358 = tpu.memref_slice %arg10[%add3A_354, %dma_wait3A_357] : memref<10240x128xf32, #tpu.memory_space<vmem_shared>> -> memref<16x128xf32, #tpu.memory_space<vmem_shared>>
    tpu.wait_dma2 semaphore(%arg14 : memref<!tpu.dma_semaphore, #tpu.memory_space<semaphore_mem>>) src(%arg8 : memref<16x128xf32, #tpu.memory_space<vmem>>) dst(%dma_wait3A_358 : memref<16x128xf32, #tpu.memory_space<vmem_shared>>)
    %add3A_359 = arith.constant 272 : i32
    %add3A_360 = arith.addi %mul3A_18, %add3A_359 : i32
    %dma_wait3A_361 = arith.constant 0 : i32
    %dma_wait3A_362 = tpu.memref_slice %arg10[%add3A_360, %dma_wait3A_361] : memref<10240x128xf32, #tpu.memory_space<vmem_shared>> -> memref<16x128xf32, #tpu.memory_space<vmem_shared>>
    %dma_wait3A_363 = arith.constant 0 : i32
    %dma_wait3A_364 = tpu.memref_slice %arg10[%add3A_360, %dma_wait3A_363] : memref<10240x128xf32, #tpu.memory_space<vmem_shared>> -> memref<16x128xf32, #tpu.memory_space<vmem_shared>>
    tpu.wait_dma2 semaphore(%arg14 : memref<!tpu.dma_semaphore, #tpu.memory_space<semaphore_mem>>) src(%arg8 : memref<16x128xf32, #tpu.memory_space<vmem>>) dst(%dma_wait3A_364 : memref<16x128xf32, #tpu.memory_space<vmem_shared>>)
    %add3A_365 = arith.constant 288 : i32
    %add3A_366 = arith.addi %mul3A_18, %add3A_365 : i32
    %dma_wait3A_367 = arith.constant 0 : i32
    %dma_wait3A_368 = tpu.memref_slice %arg10[%add3A_366, %dma_wait3A_367] : memref<10240x128xf32, #tpu.memory_space<vmem_shared>> -> memref<16x128xf32, #tpu.memory_space<vmem_shared>>
    %dma_wait3A_369 = arith.constant 0 : i32
    %dma_wait3A_370 = tpu.memref_slice %arg10[%add3A_366, %dma_wait3A_369] : memref<10240x128xf32, #tpu.memory_space<vmem_shared>> -> memref<16x128xf32, #tpu.memory_space<vmem_shared>>
    tpu.wait_dma2 semaphore(%arg14 : memref<!tpu.dma_semaphore, #tpu.memory_space<semaphore_mem>>) src(%arg8 : memref<16x128xf32, #tpu.memory_space<vmem>>) dst(%dma_wait3A_370 : memref<16x128xf32, #tpu.memory_space<vmem_shared>>)
    %add3A_371 = arith.constant 304 : i32
    %add3A_372 = arith.addi %mul3A_18, %add3A_371 : i32
    %dma_wait3A_373 = arith.constant 0 : i32
    %dma_wait3A_374 = tpu.memref_slice %arg10[%add3A_372, %dma_wait3A_373] : memref<10240x128xf32, #tpu.memory_space<vmem_shared>> -> memref<16x128xf32, #tpu.memory_space<vmem_shared>>
    %dma_wait3A_375 = arith.constant 0 : i32
    %dma_wait3A_376 = tpu.memref_slice %arg10[%add3A_372, %dma_wait3A_375] : memref<10240x128xf32, #tpu.memory_space<vmem_shared>> -> memref<16x128xf32, #tpu.memory_space<vmem_shared>>
    tpu.wait_dma2 semaphore(%arg14 : memref<!tpu.dma_semaphore, #tpu.memory_space<semaphore_mem>>) src(%arg8 : memref<16x128xf32, #tpu.memory_space<vmem>>) dst(%dma_wait3A_376 : memref<16x128xf32, #tpu.memory_space<vmem_shared>>)
    %add3A_377 = arith.constant 320 : i32
    %add3A_378 = arith.addi %mul3A_18, %add3A_377 : i32
    %dma_wait3A_379 = arith.constant 0 : i32
    %dma_wait3A_380 = tpu.memref_slice %arg10[%add3A_378, %dma_wait3A_379] : memref<10240x128xf32, #tpu.memory_space<vmem_shared>> -> memref<16x128xf32, #tpu.memory_space<vmem_shared>>
    %dma_wait3A_381 = arith.constant 0 : i32
    %dma_wait3A_382 = tpu.memref_slice %arg10[%add3A_378, %dma_wait3A_381] : memref<10240x128xf32, #tpu.memory_space<vmem_shared>> -> memref<16x128xf32, #tpu.memory_space<vmem_shared>>
    tpu.wait_dma2 semaphore(%arg14 : memref<!tpu.dma_semaphore, #tpu.memory_space<semaphore_mem>>) src(%arg8 : memref<16x128xf32, #tpu.memory_space<vmem>>) dst(%dma_wait3A_382 : memref<16x128xf32, #tpu.memory_space<vmem_shared>>)
    %add3A_383 = arith.constant 336 : i32
    %add3A_384 = arith.addi %mul3A_18, %add3A_383 : i32
    %dma_wait3A_385 = arith.constant 0 : i32
    %dma_wait3A_386 = tpu.memref_slice %arg10[%add3A_384, %dma_wait3A_385] : memref<10240x128xf32, #tpu.memory_space<vmem_shared>> -> memref<16x128xf32, #tpu.memory_space<vmem_shared>>
    %dma_wait3A_387 = arith.constant 0 : i32
    %dma_wait3A_388 = tpu.memref_slice %arg10[%add3A_384, %dma_wait3A_387] : memref<10240x128xf32, #tpu.memory_space<vmem_shared>> -> memref<16x128xf32, #tpu.memory_space<vmem_shared>>
    tpu.wait_dma2 semaphore(%arg14 : memref<!tpu.dma_semaphore, #tpu.memory_space<semaphore_mem>>) src(%arg8 : memref<16x128xf32, #tpu.memory_space<vmem>>) dst(%dma_wait3A_388 : memref<16x128xf32, #tpu.memory_space<vmem_shared>>)
    %add3A_389 = arith.constant 352 : i32
    %add3A_390 = arith.addi %mul3A_18, %add3A_389 : i32
    %dma_wait3A_391 = arith.constant 0 : i32
    %dma_wait3A_392 = tpu.memref_slice %arg10[%add3A_390, %dma_wait3A_391] : memref<10240x128xf32, #tpu.memory_space<vmem_shared>> -> memref<16x128xf32, #tpu.memory_space<vmem_shared>>
    %dma_wait3A_393 = arith.constant 0 : i32
    %dma_wait3A_394 = tpu.memref_slice %arg10[%add3A_390, %dma_wait3A_393] : memref<10240x128xf32, #tpu.memory_space<vmem_shared>> -> memref<16x128xf32, #tpu.memory_space<vmem_shared>>
    tpu.wait_dma2 semaphore(%arg14 : memref<!tpu.dma_semaphore, #tpu.memory_space<semaphore_mem>>) src(%arg8 : memref<16x128xf32, #tpu.memory_space<vmem>>) dst(%dma_wait3A_394 : memref<16x128xf32, #tpu.memory_space<vmem_shared>>)
    %add3A_395 = arith.constant 368 : i32
    %add3A_396 = arith.addi %mul3A_18, %add3A_395 : i32
    %dma_wait3A_397 = arith.constant 0 : i32
    %dma_wait3A_398 = tpu.memref_slice %arg10[%add3A_396, %dma_wait3A_397] : memref<10240x128xf32, #tpu.memory_space<vmem_shared>> -> memref<16x128xf32, #tpu.memory_space<vmem_shared>>
    %dma_wait3A_399 = arith.constant 0 : i32
    %dma_wait3A_400 = tpu.memref_slice %arg10[%add3A_396, %dma_wait3A_399] : memref<10240x128xf32, #tpu.memory_space<vmem_shared>> -> memref<16x128xf32, #tpu.memory_space<vmem_shared>>
    tpu.wait_dma2 semaphore(%arg14 : memref<!tpu.dma_semaphore, #tpu.memory_space<semaphore_mem>>) src(%arg8 : memref<16x128xf32, #tpu.memory_space<vmem>>) dst(%dma_wait3A_400 : memref<16x128xf32, #tpu.memory_space<vmem_shared>>)
    %add3A_401 = arith.constant 384 : i32
    %add3A_402 = arith.addi %mul3A_18, %add3A_401 : i32
    %dma_wait3A_403 = arith.constant 0 : i32
    %dma_wait3A_404 = tpu.memref_slice %arg10[%add3A_402, %dma_wait3A_403] : memref<10240x128xf32, #tpu.memory_space<vmem_shared>> -> memref<16x128xf32, #tpu.memory_space<vmem_shared>>
    %dma_wait3A_405 = arith.constant 0 : i32
    %dma_wait3A_406 = tpu.memref_slice %arg10[%add3A_402, %dma_wait3A_405] : memref<10240x128xf32, #tpu.memory_space<vmem_shared>> -> memref<16x128xf32, #tpu.memory_space<vmem_shared>>
    tpu.wait_dma2 semaphore(%arg14 : memref<!tpu.dma_semaphore, #tpu.memory_space<semaphore_mem>>) src(%arg8 : memref<16x128xf32, #tpu.memory_space<vmem>>) dst(%dma_wait3A_406 : memref<16x128xf32, #tpu.memory_space<vmem_shared>>)
    %add3A_407 = arith.constant 400 : i32
    %add3A_408 = arith.addi %mul3A_18, %add3A_407 : i32
    %dma_wait3A_409 = arith.constant 0 : i32
    %dma_wait3A_410 = tpu.memref_slice %arg10[%add3A_408, %dma_wait3A_409] : memref<10240x128xf32, #tpu.memory_space<vmem_shared>> -> memref<16x128xf32, #tpu.memory_space<vmem_shared>>
    %dma_wait3A_411 = arith.constant 0 : i32
    %dma_wait3A_412 = tpu.memref_slice %arg10[%add3A_408, %dma_wait3A_411] : memref<10240x128xf32, #tpu.memory_space<vmem_shared>> -> memref<16x128xf32, #tpu.memory_space<vmem_shared>>
    tpu.wait_dma2 semaphore(%arg14 : memref<!tpu.dma_semaphore, #tpu.memory_space<semaphore_mem>>) src(%arg8 : memref<16x128xf32, #tpu.memory_space<vmem>>) dst(%dma_wait3A_412 : memref<16x128xf32, #tpu.memory_space<vmem_shared>>)
    %add3A_413 = arith.constant 416 : i32
    %add3A_414 = arith.addi %mul3A_18, %add3A_413 : i32
    %dma_wait3A_415 = arith.constant 0 : i32
    %dma_wait3A_416 = tpu.memref_slice %arg10[%add3A_414, %dma_wait3A_415] : memref<10240x128xf32, #tpu.memory_space<vmem_shared>> -> memref<16x128xf32, #tpu.memory_space<vmem_shared>>
    %dma_wait3A_417 = arith.constant 0 : i32
    %dma_wait3A_418 = tpu.memref_slice %arg10[%add3A_414, %dma_wait3A_417] : memref<10240x128xf32, #tpu.memory_space<vmem_shared>> -> memref<16x128xf32, #tpu.memory_space<vmem_shared>>
    tpu.wait_dma2 semaphore(%arg14 : memref<!tpu.dma_semaphore, #tpu.memory_space<semaphore_mem>>) src(%arg8 : memref<16x128xf32, #tpu.memory_space<vmem>>) dst(%dma_wait3A_418 : memref<16x128xf32, #tpu.memory_space<vmem_shared>>)
    %add3A_419 = arith.constant 432 : i32
    %add3A_420 = arith.addi %mul3A_18, %add3A_419 : i32
    %dma_wait3A_421 = arith.constant 0 : i32
    %dma_wait3A_422 = tpu.memref_slice %arg10[%add3A_420, %dma_wait3A_421] : memref<10240x128xf32, #tpu.memory_space<vmem_shared>> -> memref<16x128xf32, #tpu.memory_space<vmem_shared>>
    %dma_wait3A_423 = arith.constant 0 : i32
    %dma_wait3A_424 = tpu.memref_slice %arg10[%add3A_420, %dma_wait3A_423] : memref<10240x128xf32, #tpu.memory_space<vmem_shared>> -> memref<16x128xf32, #tpu.memory_space<vmem_shared>>
    tpu.wait_dma2 semaphore(%arg14 : memref<!tpu.dma_semaphore, #tpu.memory_space<semaphore_mem>>) src(%arg8 : memref<16x128xf32, #tpu.memory_space<vmem>>) dst(%dma_wait3A_424 : memref<16x128xf32, #tpu.memory_space<vmem_shared>>)
    %add3A_425 = arith.constant 448 : i32
    %add3A_426 = arith.addi %mul3A_18, %add3A_425 : i32
    %dma_wait3A_427 = arith.constant 0 : i32
    %dma_wait3A_428 = tpu.memref_slice %arg10[%add3A_426, %dma_wait3A_427] : memref<10240x128xf32, #tpu.memory_space<vmem_shared>> -> memref<16x128xf32, #tpu.memory_space<vmem_shared>>
    %dma_wait3A_429 = arith.constant 0 : i32
    %dma_wait3A_430 = tpu.memref_slice %arg10[%add3A_426, %dma_wait3A_429] : memref<10240x128xf32, #tpu.memory_space<vmem_shared>> -> memref<16x128xf32, #tpu.memory_space<vmem_shared>>
    tpu.wait_dma2 semaphore(%arg14 : memref<!tpu.dma_semaphore, #tpu.memory_space<semaphore_mem>>) src(%arg8 : memref<16x128xf32, #tpu.memory_space<vmem>>) dst(%dma_wait3A_430 : memref<16x128xf32, #tpu.memory_space<vmem_shared>>)
    %add3A_431 = arith.constant 464 : i32
    %add3A_432 = arith.addi %mul3A_18, %add3A_431 : i32
    %dma_wait3A_433 = arith.constant 0 : i32
    %dma_wait3A_434 = tpu.memref_slice %arg10[%add3A_432, %dma_wait3A_433] : memref<10240x128xf32, #tpu.memory_space<vmem_shared>> -> memref<16x128xf32, #tpu.memory_space<vmem_shared>>
    %dma_wait3A_435 = arith.constant 0 : i32
    %dma_wait3A_436 = tpu.memref_slice %arg10[%add3A_432, %dma_wait3A_435] : memref<10240x128xf32, #tpu.memory_space<vmem_shared>> -> memref<16x128xf32, #tpu.memory_space<vmem_shared>>
    tpu.wait_dma2 semaphore(%arg14 : memref<!tpu.dma_semaphore, #tpu.memory_space<semaphore_mem>>) src(%arg8 : memref<16x128xf32, #tpu.memory_space<vmem>>) dst(%dma_wait3A_436 : memref<16x128xf32, #tpu.memory_space<vmem_shared>>)
    %add3A_437 = arith.constant 480 : i32
    %add3A_438 = arith.addi %mul3A_18, %add3A_437 : i32
    %dma_wait3A_439 = arith.constant 0 : i32
    %dma_wait3A_440 = tpu.memref_slice %arg10[%add3A_438, %dma_wait3A_439] : memref<10240x128xf32, #tpu.memory_space<vmem_shared>> -> memref<16x128xf32, #tpu.memory_space<vmem_shared>>
    %dma_wait3A_441 = arith.constant 0 : i32
    %dma_wait3A_442 = tpu.memref_slice %arg10[%add3A_438, %dma_wait3A_441] : memref<10240x128xf32, #tpu.memory_space<vmem_shared>> -> memref<16x128xf32, #tpu.memory_space<vmem_shared>>
    tpu.wait_dma2 semaphore(%arg14 : memref<!tpu.dma_semaphore, #tpu.memory_space<semaphore_mem>>) src(%arg8 : memref<16x128xf32, #tpu.memory_space<vmem>>) dst(%dma_wait3A_442 : memref<16x128xf32, #tpu.memory_space<vmem_shared>>)
    %add3A_443 = arith.constant 496 : i32
    %add3A_444 = arith.addi %mul3A_18, %add3A_443 : i32
    %dma_wait3A_445 = arith.constant 0 : i32
    %dma_wait3A_446 = tpu.memref_slice %arg10[%add3A_444, %dma_wait3A_445] : memref<10240x128xf32, #tpu.memory_space<vmem_shared>> -> memref<16x128xf32, #tpu.memory_space<vmem_shared>>
    %dma_wait3A_447 = arith.constant 0 : i32
    %dma_wait3A_448 = tpu.memref_slice %arg10[%add3A_444, %dma_wait3A_447] : memref<10240x128xf32, #tpu.memory_space<vmem_shared>> -> memref<16x128xf32, #tpu.memory_space<vmem_shared>>
    tpu.wait_dma2 semaphore(%arg14 : memref<!tpu.dma_semaphore, #tpu.memory_space<semaphore_mem>>) src(%arg8 : memref<16x128xf32, #tpu.memory_space<vmem>>) dst(%dma_wait3A_448 : memref<16x128xf32, #tpu.memory_space<vmem_shared>>)
    %add3A_449 = arith.constant 512 : i32
    %add3A_450 = arith.addi %mul3A_18, %add3A_449 : i32
    %dma_wait3A_451 = arith.constant 0 : i32
    %dma_wait3A_452 = tpu.memref_slice %arg10[%add3A_450, %dma_wait3A_451] : memref<10240x128xf32, #tpu.memory_space<vmem_shared>> -> memref<16x128xf32, #tpu.memory_space<vmem_shared>>
    %dma_wait3A_453 = arith.constant 0 : i32
    %dma_wait3A_454 = tpu.memref_slice %arg10[%add3A_450, %dma_wait3A_453] : memref<10240x128xf32, #tpu.memory_space<vmem_shared>> -> memref<16x128xf32, #tpu.memory_space<vmem_shared>>
    tpu.wait_dma2 semaphore(%arg14 : memref<!tpu.dma_semaphore, #tpu.memory_space<semaphore_mem>>) src(%arg8 : memref<16x128xf32, #tpu.memory_space<vmem>>) dst(%dma_wait3A_454 : memref<16x128xf32, #tpu.memory_space<vmem_shared>>)
    %add3A_455 = arith.constant 528 : i32
    %add3A_456 = arith.addi %mul3A_18, %add3A_455 : i32
    %dma_wait3A_457 = arith.constant 0 : i32
    %dma_wait3A_458 = tpu.memref_slice %arg10[%add3A_456, %dma_wait3A_457] : memref<10240x128xf32, #tpu.memory_space<vmem_shared>> -> memref<16x128xf32, #tpu.memory_space<vmem_shared>>
    %dma_wait3A_459 = arith.constant 0 : i32
    %dma_wait3A_460 = tpu.memref_slice %arg10[%add3A_456, %dma_wait3A_459] : memref<10240x128xf32, #tpu.memory_space<vmem_shared>> -> memref<16x128xf32, #tpu.memory_space<vmem_shared>>
    tpu.wait_dma2 semaphore(%arg14 : memref<!tpu.dma_semaphore, #tpu.memory_space<semaphore_mem>>) src(%arg8 : memref<16x128xf32, #tpu.memory_space<vmem>>) dst(%dma_wait3A_460 : memref<16x128xf32, #tpu.memory_space<vmem_shared>>)
    %add3A_461 = arith.constant 544 : i32
    %add3A_462 = arith.addi %mul3A_18, %add3A_461 : i32
    %dma_wait3A_463 = arith.constant 0 : i32
    %dma_wait3A_464 = tpu.memref_slice %arg10[%add3A_462, %dma_wait3A_463] : memref<10240x128xf32, #tpu.memory_space<vmem_shared>> -> memref<16x128xf32, #tpu.memory_space<vmem_shared>>
    %dma_wait3A_465 = arith.constant 0 : i32
    %dma_wait3A_466 = tpu.memref_slice %arg10[%add3A_462, %dma_wait3A_465] : memref<10240x128xf32, #tpu.memory_space<vmem_shared>> -> memref<16x128xf32, #tpu.memory_space<vmem_shared>>
    tpu.wait_dma2 semaphore(%arg14 : memref<!tpu.dma_semaphore, #tpu.memory_space<semaphore_mem>>) src(%arg8 : memref<16x128xf32, #tpu.memory_space<vmem>>) dst(%dma_wait3A_466 : memref<16x128xf32, #tpu.memory_space<vmem_shared>>)
    %add3A_467 = arith.constant 560 : i32
    %add3A_468 = arith.addi %mul3A_18, %add3A_467 : i32
    %dma_wait3A_469 = arith.constant 0 : i32
    %dma_wait3A_470 = tpu.memref_slice %arg10[%add3A_468, %dma_wait3A_469] : memref<10240x128xf32, #tpu.memory_space<vmem_shared>> -> memref<16x128xf32, #tpu.memory_space<vmem_shared>>
    %dma_wait3A_471 = arith.constant 0 : i32
    %dma_wait3A_472 = tpu.memref_slice %arg10[%add3A_468, %dma_wait3A_471] : memref<10240x128xf32, #tpu.memory_space<vmem_shared>> -> memref<16x128xf32, #tpu.memory_space<vmem_shared>>
    tpu.wait_dma2 semaphore(%arg14 : memref<!tpu.dma_semaphore, #tpu.memory_space<semaphore_mem>>) src(%arg8 : memref<16x128xf32, #tpu.memory_space<vmem>>) dst(%dma_wait3A_472 : memref<16x128xf32, #tpu.memory_space<vmem_shared>>)
    %add3A_473 = arith.constant 576 : i32
    %add3A_474 = arith.addi %mul3A_18, %add3A_473 : i32
    %dma_wait3A_475 = arith.constant 0 : i32
    %dma_wait3A_476 = tpu.memref_slice %arg10[%add3A_474, %dma_wait3A_475] : memref<10240x128xf32, #tpu.memory_space<vmem_shared>> -> memref<16x128xf32, #tpu.memory_space<vmem_shared>>
    %dma_wait3A_477 = arith.constant 0 : i32
    %dma_wait3A_478 = tpu.memref_slice %arg10[%add3A_474, %dma_wait3A_477] : memref<10240x128xf32, #tpu.memory_space<vmem_shared>> -> memref<16x128xf32, #tpu.memory_space<vmem_shared>>
    tpu.wait_dma2 semaphore(%arg14 : memref<!tpu.dma_semaphore, #tpu.memory_space<semaphore_mem>>) src(%arg8 : memref<16x128xf32, #tpu.memory_space<vmem>>) dst(%dma_wait3A_478 : memref<16x128xf32, #tpu.memory_space<vmem_shared>>)
    %add3A_479 = arith.constant 592 : i32
    %add3A_480 = arith.addi %mul3A_18, %add3A_479 : i32
    %dma_wait3A_481 = arith.constant 0 : i32
    %dma_wait3A_482 = tpu.memref_slice %arg10[%add3A_480, %dma_wait3A_481] : memref<10240x128xf32, #tpu.memory_space<vmem_shared>> -> memref<16x128xf32, #tpu.memory_space<vmem_shared>>
    %dma_wait3A_483 = arith.constant 0 : i32
    %dma_wait3A_484 = tpu.memref_slice %arg10[%add3A_480, %dma_wait3A_483] : memref<10240x128xf32, #tpu.memory_space<vmem_shared>> -> memref<16x128xf32, #tpu.memory_space<vmem_shared>>
    tpu.wait_dma2 semaphore(%arg14 : memref<!tpu.dma_semaphore, #tpu.memory_space<semaphore_mem>>) src(%arg8 : memref<16x128xf32, #tpu.memory_space<vmem>>) dst(%dma_wait3A_484 : memref<16x128xf32, #tpu.memory_space<vmem_shared>>)
    %add3A_485 = arith.constant 608 : i32
    %add3A_486 = arith.addi %mul3A_18, %add3A_485 : i32
    %dma_wait3A_487 = arith.constant 0 : i32
    %dma_wait3A_488 = tpu.memref_slice %arg10[%add3A_486, %dma_wait3A_487] : memref<10240x128xf32, #tpu.memory_space<vmem_shared>> -> memref<16x128xf32, #tpu.memory_space<vmem_shared>>
    %dma_wait3A_489 = arith.constant 0 : i32
    %dma_wait3A_490 = tpu.memref_slice %arg10[%add3A_486, %dma_wait3A_489] : memref<10240x128xf32, #tpu.memory_space<vmem_shared>> -> memref<16x128xf32, #tpu.memory_space<vmem_shared>>
    tpu.wait_dma2 semaphore(%arg14 : memref<!tpu.dma_semaphore, #tpu.memory_space<semaphore_mem>>) src(%arg8 : memref<16x128xf32, #tpu.memory_space<vmem>>) dst(%dma_wait3A_490 : memref<16x128xf32, #tpu.memory_space<vmem_shared>>)
    %add3A_491 = arith.constant 624 : i32
    %add3A_492 = arith.addi %mul3A_18, %add3A_491 : i32
    %dma_wait3A_493 = arith.constant 0 : i32
    %dma_wait3A_494 = tpu.memref_slice %arg10[%add3A_492, %dma_wait3A_493] : memref<10240x128xf32, #tpu.memory_space<vmem_shared>> -> memref<16x128xf32, #tpu.memory_space<vmem_shared>>
    %dma_wait3A_495 = arith.constant 0 : i32
    %dma_wait3A_496 = tpu.memref_slice %arg10[%add3A_492, %dma_wait3A_495] : memref<10240x128xf32, #tpu.memory_space<vmem_shared>> -> memref<16x128xf32, #tpu.memory_space<vmem_shared>>
    tpu.wait_dma2 semaphore(%arg14 : memref<!tpu.dma_semaphore, #tpu.memory_space<semaphore_mem>>) src(%arg8 : memref<16x128xf32, #tpu.memory_space<vmem>>) dst(%dma_wait3A_496 : memref<16x128xf32, #tpu.memory_space<vmem_shared>>)
    %barrier3A = arith.constant 0 : index
    tpu.barrier barrier_id(%barrier3A)
    %add3A_497 = arith.constant 0 : i32
    %add3A_498 = arith.addi %mul3A_2, %add3A_497 : i32
    %and3A = arith.constant 0 : i32
    %and3A_499 = arith.constant 3 : i32
    %and3A_500 = arith.andi %and3A, %and3A_499 : i32
    %dma_start3A_501 = arith.constant 0 : i32
    %dma_start3A_502 = arith.constant 0 : i32
    %dma_start3A_503 = arith.constant 0 : i32
    %dma_start3A_504 = arith.constant 0 : i32
    %dma_start3A_505 = tpu.memref_slice %arg6[%and3A_500, %dma_start3A_503, %dma_start3A_504] : memref<4x2x80xi32, #tpu.memory_space<vmem>> -> memref<1x2x80xi32, #tpu.memory_space<vmem>>
    %dma_start3A_506 = tpu.memref_squeeze %dma_start3A_505 : memref<1x2x80xi32, #tpu.memory_space<vmem>> -> memref<2x80xi32, #tpu.memory_space<vmem>>
    %dma_start3A_507 = arith.constant 0 : i32
    %dma_start3A_508 = tpu.memref_slice %dma_start3A_506[%dma_start3A_502, %dma_start3A_507] : memref<2x80xi32, #tpu.memory_space<vmem>> -> memref<1x80xi32, #tpu.memory_space<vmem>>
    %dma_start3A_509 = tpu.memref_squeeze %dma_start3A_508 : memref<1x80xi32, #tpu.memory_space<vmem>> -> memref<80xi32, #tpu.memory_space<vmem>>
    %dma_start3A_510 = arith.constant 0 : i32
    %dma_start3A_511 = tpu.memref_slice %arg3[%dma_start3A_501, %add3A_498, %dma_start3A_510] : memref<2x4000x80xi32, #tpu.memory_space<hbm>> -> memref<1x1x80xi32, #tpu.memory_space<hbm>>
    %dma_start3A_512 = tpu.memref_squeeze %dma_start3A_511 : memref<1x1x80xi32, #tpu.memory_space<hbm>> -> memref<80xi32, #tpu.memory_space<hbm>>
    %dma_start3A_513 = arith.constant 0 : i32
    %dma_start3A_514 = arith.constant 0 : i32
    %dma_start3A_515 = tpu.memref_slice %arg6[%and3A_500, %dma_start3A_513, %dma_start3A_514] : memref<4x2x80xi32, #tpu.memory_space<vmem>> -> memref<1x2x80xi32, #tpu.memory_space<vmem>>
    %dma_start3A_516 = tpu.memref_squeeze %dma_start3A_515 : memref<1x2x80xi32, #tpu.memory_space<vmem>> -> memref<2x80xi32, #tpu.memory_space<vmem>>
    %dma_start3A_517 = arith.constant 0 : i32
    %dma_start3A_518 = tpu.memref_slice %dma_start3A_516[%dma_start3A_502, %dma_start3A_517] : memref<2x80xi32, #tpu.memory_space<vmem>> -> memref<1x80xi32, #tpu.memory_space<vmem>>
    %dma_start3A_519 = tpu.memref_squeeze %dma_start3A_518 : memref<1x80xi32, #tpu.memory_space<vmem>> -> memref<80xi32, #tpu.memory_space<vmem>>
    %dma_start3A_520 = arith.constant 0 : i32
    %dma_start3A_521 = tpu.memref_slice %arg3[%dma_start3A_501, %add3A_498, %dma_start3A_520] : memref<2x4000x80xi32, #tpu.memory_space<hbm>> -> memref<1x1x80xi32, #tpu.memory_space<hbm>>
    %dma_start3A_522 = tpu.memref_squeeze %dma_start3A_521 : memref<1x1x80xi32, #tpu.memory_space<hbm>> -> memref<80xi32, #tpu.memory_space<hbm>>
    tpu.enqueue_dma source(%dma_start3A_522 : memref<80xi32, #tpu.memory_space<hbm>>) target(%dma_start3A_519 : memref<80xi32, #tpu.memory_space<vmem>>) target_semaphore(%arg11 : memref<!tpu.dma_semaphore, #tpu.memory_space<semaphore_mem>>)
    %add3A_523 = arith.constant 0 : i32
    %add3A_524 = arith.addi %mul3A_2, %add3A_523 : i32
    %and3A_525 = arith.constant 0 : i32
    %and3A_526 = arith.constant 3 : i32
    %and3A_527 = arith.andi %and3A_525, %and3A_526 : i32
    %dma_start3A_528 = arith.constant 1 : i32
    %dma_start3A_529 = arith.constant 1 : i32
    %dma_start3A_530 = arith.constant 0 : i32
    %dma_start3A_531 = arith.constant 0 : i32
    %dma_start3A_532 = tpu.memref_slice %arg6[%and3A_527, %dma_start3A_530, %dma_start3A_531] : memref<4x2x80xi32, #tpu.memory_space<vmem>> -> memref<1x2x80xi32, #tpu.memory_space<vmem>>
    %dma_start3A_533 = tpu.memref_squeeze %dma_start3A_532 : memref<1x2x80xi32, #tpu.memory_space<vmem>> -> memref<2x80xi32, #tpu.memory_space<vmem>>
    %dma_start3A_534 = arith.constant 0 : i32
    %dma_start3A_535 = tpu.memref_slice %dma_start3A_533[%dma_start3A_529, %dma_start3A_534] : memref<2x80xi32, #tpu.memory_space<vmem>> -> memref<1x80xi32, #tpu.memory_space<vmem>>
    %dma_start3A_536 = tpu.memref_squeeze %dma_start3A_535 : memref<1x80xi32, #tpu.memory_space<vmem>> -> memref<80xi32, #tpu.memory_space<vmem>>
    %dma_start3A_537 = arith.constant 0 : i32
    %dma_start3A_538 = tpu.memref_slice %arg3[%dma_start3A_528, %add3A_524, %dma_start3A_537] : memref<2x4000x80xi32, #tpu.memory_space<hbm>> -> memref<1x1x80xi32, #tpu.memory_space<hbm>>
    %dma_start3A_539 = tpu.memref_squeeze %dma_start3A_538 : memref<1x1x80xi32, #tpu.memory_space<hbm>> -> memref<80xi32, #tpu.memory_space<hbm>>
    %dma_start3A_540 = arith.constant 0 : i32
    %dma_start3A_541 = arith.constant 0 : i32
    %dma_start3A_542 = tpu.memref_slice %arg6[%and3A_527, %dma_start3A_540, %dma_start3A_541] : memref<4x2x80xi32, #tpu.memory_space<vmem>> -> memref<1x2x80xi32, #tpu.memory_space<vmem>>
    %dma_start3A_543 = tpu.memref_squeeze %dma_start3A_542 : memref<1x2x80xi32, #tpu.memory_space<vmem>> -> memref<2x80xi32, #tpu.memory_space<vmem>>
    %dma_start3A_544 = arith.constant 0 : i32
    %dma_start3A_545 = tpu.memref_slice %dma_start3A_543[%dma_start3A_529, %dma_start3A_544] : memref<2x80xi32, #tpu.memory_space<vmem>> -> memref<1x80xi32, #tpu.memory_space<vmem>>
    %dma_start3A_546 = tpu.memref_squeeze %dma_start3A_545 : memref<1x80xi32, #tpu.memory_space<vmem>> -> memref<80xi32, #tpu.memory_space<vmem>>
    %dma_start3A_547 = arith.constant 0 : i32
    %dma_start3A_548 = tpu.memref_slice %arg3[%dma_start3A_528, %add3A_524, %dma_start3A_547] : memref<2x4000x80xi32, #tpu.memory_space<hbm>> -> memref<1x1x80xi32, #tpu.memory_space<hbm>>
    %dma_start3A_549 = tpu.memref_squeeze %dma_start3A_548 : memref<1x1x80xi32, #tpu.memory_space<hbm>> -> memref<80xi32, #tpu.memory_space<hbm>>
    tpu.enqueue_dma source(%dma_start3A_549 : memref<80xi32, #tpu.memory_space<hbm>>) target(%dma_start3A_546 : memref<80xi32, #tpu.memory_space<vmem>>) target_semaphore(%arg11 : memref<!tpu.dma_semaphore, #tpu.memory_space<semaphore_mem>>)
    %add3A_550 = arith.constant 1 : i32
    %add3A_551 = arith.addi %mul3A_2, %add3A_550 : i32
    %and3A_552 = arith.constant 1 : i32
    %and3A_553 = arith.constant 3 : i32
    %and3A_554 = arith.andi %and3A_552, %and3A_553 : i32
    %dma_start3A_555 = arith.constant 0 : i32
    %dma_start3A_556 = arith.constant 0 : i32
    %dma_start3A_557 = arith.constant 0 : i32
    %dma_start3A_558 = arith.constant 0 : i32
    %dma_start3A_559 = tpu.memref_slice %arg6[%and3A_554, %dma_start3A_557, %dma_start3A_558] : memref<4x2x80xi32, #tpu.memory_space<vmem>> -> memref<1x2x80xi32, #tpu.memory_space<vmem>>
    %dma_start3A_560 = tpu.memref_squeeze %dma_start3A_559 : memref<1x2x80xi32, #tpu.memory_space<vmem>> -> memref<2x80xi32, #tpu.memory_space<vmem>>
    %dma_start3A_561 = arith.constant 0 : i32
    %dma_start3A_562 = tpu.memref_slice %dma_start3A_560[%dma_start3A_556, %dma_start3A_561] : memref<2x80xi32, #tpu.memory_space<vmem>> -> memref<1x80xi32, #tpu.memory_space<vmem>>
    %dma_start3A_563 = tpu.memref_squeeze %dma_start3A_562 : memref<1x80xi32, #tpu.memory_space<vmem>> -> memref<80xi32, #tpu.memory_space<vmem>>
    %dma_start3A_564 = arith.constant 0 : i32
    %dma_start3A_565 = tpu.memref_slice %arg3[%dma_start3A_555, %add3A_551, %dma_start3A_564] : memref<2x4000x80xi32, #tpu.memory_space<hbm>> -> memref<1x1x80xi32, #tpu.memory_space<hbm>>
    %dma_start3A_566 = tpu.memref_squeeze %dma_start3A_565 : memref<1x1x80xi32, #tpu.memory_space<hbm>> -> memref<80xi32, #tpu.memory_space<hbm>>
    %dma_start3A_567 = arith.constant 0 : i32
    %dma_start3A_568 = arith.constant 0 : i32
    %dma_start3A_569 = tpu.memref_slice %arg6[%and3A_554, %dma_start3A_567, %dma_start3A_568] : memref<4x2x80xi32, #tpu.memory_space<vmem>> -> memref<1x2x80xi32, #tpu.memory_space<vmem>>
    %dma_start3A_570 = tpu.memref_squeeze %dma_start3A_569 : memref<1x2x80xi32, #tpu.memory_space<vmem>> -> memref<2x80xi32, #tpu.memory_space<vmem>>
    %dma_start3A_571 = arith.constant 0 : i32
    %dma_start3A_572 = tpu.memref_slice %dma_start3A_570[%dma_start3A_556, %dma_start3A_571] : memref<2x80xi32, #tpu.memory_space<vmem>> -> memref<1x80xi32, #tpu.memory_space<vmem>>
    %dma_start3A_573 = tpu.memref_squeeze %dma_start3A_572 : memref<1x80xi32, #tpu.memory_space<vmem>> -> memref<80xi32, #tpu.memory_space<vmem>>
    %dma_start3A_574 = arith.constant 0 : i32
    %dma_start3A_575 = tpu.memref_slice %arg3[%dma_start3A_555, %add3A_551, %dma_start3A_574] : memref<2x4000x80xi32, #tpu.memory_space<hbm>> -> memref<1x1x80xi32, #tpu.memory_space<hbm>>
    %dma_start3A_576 = tpu.memref_squeeze %dma_start3A_575 : memref<1x1x80xi32, #tpu.memory_space<hbm>> -> memref<80xi32, #tpu.memory_space<hbm>>
    tpu.enqueue_dma source(%dma_start3A_576 : memref<80xi32, #tpu.memory_space<hbm>>) target(%dma_start3A_573 : memref<80xi32, #tpu.memory_space<vmem>>) target_semaphore(%arg11 : memref<!tpu.dma_semaphore, #tpu.memory_space<semaphore_mem>>)
    %add3A_577 = arith.constant 1 : i32
    %add3A_578 = arith.addi %mul3A_2, %add3A_577 : i32
    %and3A_579 = arith.constant 1 : i32
    %and3A_580 = arith.constant 3 : i32
    %and3A_581 = arith.andi %and3A_579, %and3A_580 : i32
    %dma_start3A_582 = arith.constant 1 : i32
    %dma_start3A_583 = arith.constant 1 : i32
    %dma_start3A_584 = arith.constant 0 : i32
    %dma_start3A_585 = arith.constant 0 : i32
    %dma_start3A_586 = tpu.memref_slice %arg6[%and3A_581, %dma_start3A_584, %dma_start3A_585] : memref<4x2x80xi32, #tpu.memory_space<vmem>> -> memref<1x2x80xi32, #tpu.memory_space<vmem>>
    %dma_start3A_587 = tpu.memref_squeeze %dma_start3A_586 : memref<1x2x80xi32, #tpu.memory_space<vmem>> -> memref<2x80xi32, #tpu.memory_space<vmem>>
    %dma_start3A_588 = arith.constant 0 : i32
    %dma_start3A_589 = tpu.memref_slice %dma_start3A_587[%dma_start3A_583, %dma_start3A_588] : memref<2x80xi32, #tpu.memory_space<vmem>> -> memref<1x80xi32, #tpu.memory_space<vmem>>
    %dma_start3A_590 = tpu.memref_squeeze %dma_start3A_589 : memref<1x80xi32, #tpu.memory_space<vmem>> -> memref<80xi32, #tpu.memory_space<vmem>>
    %dma_start3A_591 = arith.constant 0 : i32
    %dma_start3A_592 = tpu.memref_slice %arg3[%dma_start3A_582, %add3A_578, %dma_start3A_591] : memref<2x4000x80xi32, #tpu.memory_space<hbm>> -> memref<1x1x80xi32, #tpu.memory_space<hbm>>
    %dma_start3A_593 = tpu.memref_squeeze %dma_start3A_592 : memref<1x1x80xi32, #tpu.memory_space<hbm>> -> memref<80xi32, #tpu.memory_space<hbm>>
    %dma_start3A_594 = arith.constant 0 : i32
    %dma_start3A_595 = arith.constant 0 : i32
    %dma_start3A_596 = tpu.memref_slice %arg6[%and3A_581, %dma_start3A_594, %dma_start3A_595] : memref<4x2x80xi32, #tpu.memory_space<vmem>> -> memref<1x2x80xi32, #tpu.memory_space<vmem>>
    %dma_start3A_597 = tpu.memref_squeeze %dma_start3A_596 : memref<1x2x80xi32, #tpu.memory_space<vmem>> -> memref<2x80xi32, #tpu.memory_space<vmem>>
    %dma_start3A_598 = arith.constant 0 : i32
    %dma_start3A_599 = tpu.memref_slice %dma_start3A_597[%dma_start3A_583, %dma_start3A_598] : memref<2x80xi32, #tpu.memory_space<vmem>> -> memref<1x80xi32, #tpu.memory_space<vmem>>
    %dma_start3A_600 = tpu.memref_squeeze %dma_start3A_599 : memref<1x80xi32, #tpu.memory_space<vmem>> -> memref<80xi32, #tpu.memory_space<vmem>>
    %dma_start3A_601 = arith.constant 0 : i32
    %dma_start3A_602 = tpu.memref_slice %arg3[%dma_start3A_582, %add3A_578, %dma_start3A_601] : memref<2x4000x80xi32, #tpu.memory_space<hbm>> -> memref<1x1x80xi32, #tpu.memory_space<hbm>>
    %dma_start3A_603 = tpu.memref_squeeze %dma_start3A_602 : memref<1x1x80xi32, #tpu.memory_space<hbm>> -> memref<80xi32, #tpu.memory_space<hbm>>
    tpu.enqueue_dma source(%dma_start3A_603 : memref<80xi32, #tpu.memory_space<hbm>>) target(%dma_start3A_600 : memref<80xi32, #tpu.memory_space<vmem>>) target_semaphore(%arg11 : memref<!tpu.dma_semaphore, #tpu.memory_space<semaphore_mem>>)
    %add3A_604 = arith.constant 2 : i32
    %add3A_605 = arith.addi %mul3A_2, %add3A_604 : i32
    %and3A_606 = arith.constant 2 : i32
    %and3A_607 = arith.constant 3 : i32
    %and3A_608 = arith.andi %and3A_606, %and3A_607 : i32
    %dma_start3A_609 = arith.constant 0 : i32
    %dma_start3A_610 = arith.constant 0 : i32
    %dma_start3A_611 = arith.constant 0 : i32
    %dma_start3A_612 = arith.constant 0 : i32
    %dma_start3A_613 = tpu.memref_slice %arg6[%and3A_608, %dma_start3A_611, %dma_start3A_612] : memref<4x2x80xi32, #tpu.memory_space<vmem>> -> memref<1x2x80xi32, #tpu.memory_space<vmem>>
    %dma_start3A_614 = tpu.memref_squeeze %dma_start3A_613 : memref<1x2x80xi32, #tpu.memory_space<vmem>> -> memref<2x80xi32, #tpu.memory_space<vmem>>
    %dma_start3A_615 = arith.constant 0 : i32
    %dma_start3A_616 = tpu.memref_slice %dma_start3A_614[%dma_start3A_610, %dma_start3A_615] : memref<2x80xi32, #tpu.memory_space<vmem>> -> memref<1x80xi32, #tpu.memory_space<vmem>>
    %dma_start3A_617 = tpu.memref_squeeze %dma_start3A_616 : memref<1x80xi32, #tpu.memory_space<vmem>> -> memref<80xi32, #tpu.memory_space<vmem>>
    %dma_start3A_618 = arith.constant 0 : i32
    %dma_start3A_619 = tpu.memref_slice %arg3[%dma_start3A_609, %add3A_605, %dma_start3A_618] : memref<2x4000x80xi32, #tpu.memory_space<hbm>> -> memref<1x1x80xi32, #tpu.memory_space<hbm>>
    %dma_start3A_620 = tpu.memref_squeeze %dma_start3A_619 : memref<1x1x80xi32, #tpu.memory_space<hbm>> -> memref<80xi32, #tpu.memory_space<hbm>>
    %dma_start3A_621 = arith.constant 0 : i32
    %dma_start3A_622 = arith.constant 0 : i32
    %dma_start3A_623 = tpu.memref_slice %arg6[%and3A_608, %dma_start3A_621, %dma_start3A_622] : memref<4x2x80xi32, #tpu.memory_space<vmem>> -> memref<1x2x80xi32, #tpu.memory_space<vmem>>
    %dma_start3A_624 = tpu.memref_squeeze %dma_start3A_623 : memref<1x2x80xi32, #tpu.memory_space<vmem>> -> memref<2x80xi32, #tpu.memory_space<vmem>>
    %dma_start3A_625 = arith.constant 0 : i32
    %dma_start3A_626 = tpu.memref_slice %dma_start3A_624[%dma_start3A_610, %dma_start3A_625] : memref<2x80xi32, #tpu.memory_space<vmem>> -> memref<1x80xi32, #tpu.memory_space<vmem>>
    %dma_start3A_627 = tpu.memref_squeeze %dma_start3A_626 : memref<1x80xi32, #tpu.memory_space<vmem>> -> memref<80xi32, #tpu.memory_space<vmem>>
    %dma_start3A_628 = arith.constant 0 : i32
    %dma_start3A_629 = tpu.memref_slice %arg3[%dma_start3A_609, %add3A_605, %dma_start3A_628] : memref<2x4000x80xi32, #tpu.memory_space<hbm>> -> memref<1x1x80xi32, #tpu.memory_space<hbm>>
    %dma_start3A_630 = tpu.memref_squeeze %dma_start3A_629 : memref<1x1x80xi32, #tpu.memory_space<hbm>> -> memref<80xi32, #tpu.memory_space<hbm>>
    tpu.enqueue_dma source(%dma_start3A_630 : memref<80xi32, #tpu.memory_space<hbm>>) target(%dma_start3A_627 : memref<80xi32, #tpu.memory_space<vmem>>) target_semaphore(%arg11 : memref<!tpu.dma_semaphore, #tpu.memory_space<semaphore_mem>>)
    %add3A_631 = arith.constant 2 : i32
    %add3A_632 = arith.addi %mul3A_2, %add3A_631 : i32
    %and3A_633 = arith.constant 2 : i32
    %and3A_634 = arith.constant 3 : i32
    %and3A_635 = arith.andi %and3A_633, %and3A_634 : i32
    %dma_start3A_636 = arith.constant 1 : i32
    %dma_start3A_637 = arith.constant 1 : i32
    %dma_start3A_638 = arith.constant 0 : i32
    %dma_start3A_639 = arith.constant 0 : i32
    %dma_start3A_640 = tpu.memref_slice %arg6[%and3A_635, %dma_start3A_638, %dma_start3A_639] : memref<4x2x80xi32, #tpu.memory_space<vmem>> -> memref<1x2x80xi32, #tpu.memory_space<vmem>>
    %dma_start3A_641 = tpu.memref_squeeze %dma_start3A_640 : memref<1x2x80xi32, #tpu.memory_space<vmem>> -> memref<2x80xi32, #tpu.memory_space<vmem>>
    %dma_start3A_642 = arith.constant 0 : i32
    %dma_start3A_643 = tpu.memref_slice %dma_start3A_641[%dma_start3A_637, %dma_start3A_642] : memref<2x80xi32, #tpu.memory_space<vmem>> -> memref<1x80xi32, #tpu.memory_space<vmem>>
    %dma_start3A_644 = tpu.memref_squeeze %dma_start3A_643 : memref<1x80xi32, #tpu.memory_space<vmem>> -> memref<80xi32, #tpu.memory_space<vmem>>
    %dma_start3A_645 = arith.constant 0 : i32
    %dma_start3A_646 = tpu.memref_slice %arg3[%dma_start3A_636, %add3A_632, %dma_start3A_645] : memref<2x4000x80xi32, #tpu.memory_space<hbm>> -> memref<1x1x80xi32, #tpu.memory_space<hbm>>
    %dma_start3A_647 = tpu.memref_squeeze %dma_start3A_646 : memref<1x1x80xi32, #tpu.memory_space<hbm>> -> memref<80xi32, #tpu.memory_space<hbm>>
    %dma_start3A_648 = arith.constant 0 : i32
    %dma_start3A_649 = arith.constant 0 : i32
    %dma_start3A_650 = tpu.memref_slice %arg6[%and3A_635, %dma_start3A_648, %dma_start3A_649] : memref<4x2x80xi32, #tpu.memory_space<vmem>> -> memref<1x2x80xi32, #tpu.memory_space<vmem>>
    %dma_start3A_651 = tpu.memref_squeeze %dma_start3A_650 : memref<1x2x80xi32, #tpu.memory_space<vmem>> -> memref<2x80xi32, #tpu.memory_space<vmem>>
    %dma_start3A_652 = arith.constant 0 : i32
    %dma_start3A_653 = tpu.memref_slice %dma_start3A_651[%dma_start3A_637, %dma_start3A_652] : memref<2x80xi32, #tpu.memory_space<vmem>> -> memref<1x80xi32, #tpu.memory_space<vmem>>
    %dma_start3A_654 = tpu.memref_squeeze %dma_start3A_653 : memref<1x80xi32, #tpu.memory_space<vmem>> -> memref<80xi32, #tpu.memory_space<vmem>>
    %dma_start3A_655 = arith.constant 0 : i32
    %dma_start3A_656 = tpu.memref_slice %arg3[%dma_start3A_636, %add3A_632, %dma_start3A_655] : memref<2x4000x80xi32, #tpu.memory_space<hbm>> -> memref<1x1x80xi32, #tpu.memory_space<hbm>>
    %dma_start3A_657 = tpu.memref_squeeze %dma_start3A_656 : memref<1x1x80xi32, #tpu.memory_space<hbm>> -> memref<80xi32, #tpu.memory_space<hbm>>
    tpu.enqueue_dma source(%dma_start3A_657 : memref<80xi32, #tpu.memory_space<hbm>>) target(%dma_start3A_654 : memref<80xi32, #tpu.memory_space<vmem>>) target_semaphore(%arg11 : memref<!tpu.dma_semaphore, #tpu.memory_space<semaphore_mem>>)
    %add3A_658 = arith.constant 3 : i32
    %add3A_659 = arith.addi %mul3A_2, %add3A_658 : i32
    %and3A_660 = arith.constant 3 : i32
    %and3A_661 = arith.constant 3 : i32
    %and3A_662 = arith.andi %and3A_660, %and3A_661 : i32
    %dma_start3A_663 = arith.constant 0 : i32
    %dma_start3A_664 = arith.constant 0 : i32
    %dma_start3A_665 = arith.constant 0 : i32
    %dma_start3A_666 = arith.constant 0 : i32
    %dma_start3A_667 = tpu.memref_slice %arg6[%and3A_662, %dma_start3A_665, %dma_start3A_666] : memref<4x2x80xi32, #tpu.memory_space<vmem>> -> memref<1x2x80xi32, #tpu.memory_space<vmem>>
    %dma_start3A_668 = tpu.memref_squeeze %dma_start3A_667 : memref<1x2x80xi32, #tpu.memory_space<vmem>> -> memref<2x80xi32, #tpu.memory_space<vmem>>
    %dma_start3A_669 = arith.constant 0 : i32
    %dma_start3A_670 = tpu.memref_slice %dma_start3A_668[%dma_start3A_664, %dma_start3A_669] : memref<2x80xi32, #tpu.memory_space<vmem>> -> memref<1x80xi32, #tpu.memory_space<vmem>>
    %dma_start3A_671 = tpu.memref_squeeze %dma_start3A_670 : memref<1x80xi32, #tpu.memory_space<vmem>> -> memref<80xi32, #tpu.memory_space<vmem>>
    %dma_start3A_672 = arith.constant 0 : i32
    %dma_start3A_673 = tpu.memref_slice %arg3[%dma_start3A_663, %add3A_659, %dma_start3A_672] : memref<2x4000x80xi32, #tpu.memory_space<hbm>> -> memref<1x1x80xi32, #tpu.memory_space<hbm>>
    %dma_start3A_674 = tpu.memref_squeeze %dma_start3A_673 : memref<1x1x80xi32, #tpu.memory_space<hbm>> -> memref<80xi32, #tpu.memory_space<hbm>>
    %dma_start3A_675 = arith.constant 0 : i32
    %dma_start3A_676 = arith.constant 0 : i32
    %dma_start3A_677 = tpu.memref_slice %arg6[%and3A_662, %dma_start3A_675, %dma_start3A_676] : memref<4x2x80xi32, #tpu.memory_space<vmem>> -> memref<1x2x80xi32, #tpu.memory_space<vmem>>
    %dma_start3A_678 = tpu.memref_squeeze %dma_start3A_677 : memref<1x2x80xi32, #tpu.memory_space<vmem>> -> memref<2x80xi32, #tpu.memory_space<vmem>>
    %dma_start3A_679 = arith.constant 0 : i32
    %dma_start3A_680 = tpu.memref_slice %dma_start3A_678[%dma_start3A_664, %dma_start3A_679] : memref<2x80xi32, #tpu.memory_space<vmem>> -> memref<1x80xi32, #tpu.memory_space<vmem>>
    %dma_start3A_681 = tpu.memref_squeeze %dma_start3A_680 : memref<1x80xi32, #tpu.memory_space<vmem>> -> memref<80xi32, #tpu.memory_space<vmem>>
    %dma_start3A_682 = arith.constant 0 : i32
    %dma_start3A_683 = tpu.memref_slice %arg3[%dma_start3A_663, %add3A_659, %dma_start3A_682] : memref<2x4000x80xi32, #tpu.memory_space<hbm>> -> memref<1x1x80xi32, #tpu.memory_space<hbm>>
    %dma_start3A_684 = tpu.memref_squeeze %dma_start3A_683 : memref<1x1x80xi32, #tpu.memory_space<hbm>> -> memref<80xi32, #tpu.memory_space<hbm>>
    tpu.enqueue_dma source(%dma_start3A_684 : memref<80xi32, #tpu.memory_space<hbm>>) target(%dma_start3A_681 : memref<80xi32, #tpu.memory_space<vmem>>) target_semaphore(%arg11 : memref<!tpu.dma_semaphore, #tpu.memory_space<semaphore_mem>>)
    %add3A_685 = arith.constant 3 : i32
    %add3A_686 = arith.addi %mul3A_2, %add3A_685 : i32
    %and3A_687 = arith.constant 3 : i32
    %and3A_688 = arith.constant 3 : i32
    %and3A_689 = arith.andi %and3A_687, %and3A_688 : i32
    %dma_start3A_690 = arith.constant 1 : i32
    %dma_start3A_691 = arith.constant 1 : i32
    %dma_start3A_692 = arith.constant 0 : i32
    %dma_start3A_693 = arith.constant 0 : i32
    %dma_start3A_694 = tpu.memref_slice %arg6[%and3A_689, %dma_start3A_692, %dma_start3A_693] : memref<4x2x80xi32, #tpu.memory_space<vmem>> -> memref<1x2x80xi32, #tpu.memory_space<vmem>>
    %dma_start3A_695 = tpu.memref_squeeze %dma_start3A_694 : memref<1x2x80xi32, #tpu.memory_space<vmem>> -> memref<2x80xi32, #tpu.memory_space<vmem>>
    %dma_start3A_696 = arith.constant 0 : i32
    %dma_start3A_697 = tpu.memref_slice %dma_start3A_695[%dma_start3A_691, %dma_start3A_696] : memref<2x80xi32, #tpu.memory_space<vmem>> -> memref<1x80xi32, #tpu.memory_space<vmem>>
    %dma_start3A_698 = tpu.memref_squeeze %dma_start3A_697 : memref<1x80xi32, #tpu.memory_space<vmem>> -> memref<80xi32, #tpu.memory_space<vmem>>
    %dma_start3A_699 = arith.constant 0 : i32
    %dma_start3A_700 = tpu.memref_slice %arg3[%dma_start3A_690, %add3A_686, %dma_start3A_699] : memref<2x4000x80xi32, #tpu.memory_space<hbm>> -> memref<1x1x80xi32, #tpu.memory_space<hbm>>
    %dma_start3A_701 = tpu.memref_squeeze %dma_start3A_700 : memref<1x1x80xi32, #tpu.memory_space<hbm>> -> memref<80xi32, #tpu.memory_space<hbm>>
    %dma_start3A_702 = arith.constant 0 : i32
    %dma_start3A_703 = arith.constant 0 : i32
    %dma_start3A_704 = tpu.memref_slice %arg6[%and3A_689, %dma_start3A_702, %dma_start3A_703] : memref<4x2x80xi32, #tpu.memory_space<vmem>> -> memref<1x2x80xi32, #tpu.memory_space<vmem>>
    %dma_start3A_705 = tpu.memref_squeeze %dma_start3A_704 : memref<1x2x80xi32, #tpu.memory_space<vmem>> -> memref<2x80xi32, #tpu.memory_space<vmem>>
    %dma_start3A_706 = arith.constant 0 : i32
    %dma_start3A_707 = tpu.memref_slice %dma_start3A_705[%dma_start3A_691, %dma_start3A_706] : memref<2x80xi32, #tpu.memory_space<vmem>> -> memref<1x80xi32, #tpu.memory_space<vmem>>
    %dma_start3A_708 = tpu.memref_squeeze %dma_start3A_707 : memref<1x80xi32, #tpu.memory_space<vmem>> -> memref<80xi32, #tpu.memory_space<vmem>>
    %dma_start3A_709 = arith.constant 0 : i32
    %dma_start3A_710 = tpu.memref_slice %arg3[%dma_start3A_690, %add3A_686, %dma_start3A_709] : memref<2x4000x80xi32, #tpu.memory_space<hbm>> -> memref<1x1x80xi32, #tpu.memory_space<hbm>>
    %dma_start3A_711 = tpu.memref_squeeze %dma_start3A_710 : memref<1x1x80xi32, #tpu.memory_space<hbm>> -> memref<80xi32, #tpu.memory_space<hbm>>
    tpu.enqueue_dma source(%dma_start3A_711 : memref<80xi32, #tpu.memory_space<hbm>>) target(%dma_start3A_708 : memref<80xi32, #tpu.memory_space<vmem>>) target_semaphore(%arg11 : memref<!tpu.dma_semaphore, #tpu.memory_space<semaphore_mem>>)
    %add3A_712 = arith.constant 0 : i32
    %add3A_713 = arith.addi %mul3A_2, %add3A_712 : i32
    %and3A_714 = arith.constant 0 : i32
    %and3A_715 = arith.constant 3 : i32
    %and3A_716 = arith.andi %and3A_714, %and3A_715 : i32
    %dma_wait3A_717 = arith.constant 0 : i32
    %dma_wait3A_718 = arith.constant 0 : i32
    %dma_wait3A_719 = arith.constant 0 : i32
    %dma_wait3A_720 = arith.constant 0 : i32
    %dma_wait3A_721 = tpu.memref_slice %arg6[%and3A_716, %dma_wait3A_719, %dma_wait3A_720] : memref<4x2x80xi32, #tpu.memory_space<vmem>> -> memref<1x2x80xi32, #tpu.memory_space<vmem>>
    %dma_wait3A_722 = tpu.memref_squeeze %dma_wait3A_721 : memref<1x2x80xi32, #tpu.memory_space<vmem>> -> memref<2x80xi32, #tpu.memory_space<vmem>>
    %dma_wait3A_723 = arith.constant 0 : i32
    %dma_wait3A_724 = tpu.memref_slice %dma_wait3A_722[%dma_wait3A_718, %dma_wait3A_723] : memref<2x80xi32, #tpu.memory_space<vmem>> -> memref<1x80xi32, #tpu.memory_space<vmem>>
    %dma_wait3A_725 = tpu.memref_squeeze %dma_wait3A_724 : memref<1x80xi32, #tpu.memory_space<vmem>> -> memref<80xi32, #tpu.memory_space<vmem>>
    %dma_wait3A_726 = arith.constant 0 : i32
    %dma_wait3A_727 = tpu.memref_slice %arg3[%dma_wait3A_717, %add3A_713, %dma_wait3A_726] : memref<2x4000x80xi32, #tpu.memory_space<hbm>> -> memref<1x1x80xi32, #tpu.memory_space<hbm>>
    %dma_wait3A_728 = tpu.memref_squeeze %dma_wait3A_727 : memref<1x1x80xi32, #tpu.memory_space<hbm>> -> memref<80xi32, #tpu.memory_space<hbm>>
    %dma_wait3A_729 = arith.constant 0 : i32
    %dma_wait3A_730 = arith.constant 0 : i32
    %dma_wait3A_731 = tpu.memref_slice %arg6[%and3A_716, %dma_wait3A_729, %dma_wait3A_730] : memref<4x2x80xi32, #tpu.memory_space<vmem>> -> memref<1x2x80xi32, #tpu.memory_space<vmem>>
    %dma_wait3A_732 = tpu.memref_squeeze %dma_wait3A_731 : memref<1x2x80xi32, #tpu.memory_space<vmem>> -> memref<2x80xi32, #tpu.memory_space<vmem>>
    %dma_wait3A_733 = arith.constant 0 : i32
    %dma_wait3A_734 = tpu.memref_slice %dma_wait3A_732[%dma_wait3A_718, %dma_wait3A_733] : memref<2x80xi32, #tpu.memory_space<vmem>> -> memref<1x80xi32, #tpu.memory_space<vmem>>
    %dma_wait3A_735 = tpu.memref_squeeze %dma_wait3A_734 : memref<1x80xi32, #tpu.memory_space<vmem>> -> memref<80xi32, #tpu.memory_space<vmem>>
    %dma_wait3A_736 = arith.constant 0 : i32
    %dma_wait3A_737 = tpu.memref_slice %arg3[%dma_wait3A_717, %add3A_713, %dma_wait3A_736] : memref<2x4000x80xi32, #tpu.memory_space<hbm>> -> memref<1x1x80xi32, #tpu.memory_space<hbm>>
    %dma_wait3A_738 = tpu.memref_squeeze %dma_wait3A_737 : memref<1x1x80xi32, #tpu.memory_space<hbm>> -> memref<80xi32, #tpu.memory_space<hbm>>
    tpu.wait_dma2 semaphore(%arg11 : memref<!tpu.dma_semaphore, #tpu.memory_space<semaphore_mem>>) src(%dma_wait3A_738 : memref<80xi32, #tpu.memory_space<hbm>>) dst(%dma_wait3A_735 : memref<80xi32, #tpu.memory_space<vmem>>)
    %add3A_739 = arith.constant 0 : i32
    %add3A_740 = arith.addi %mul3A_2, %add3A_739 : i32
    %and3A_741 = arith.constant 0 : i32
    %and3A_742 = arith.constant 3 : i32
    %and3A_743 = arith.andi %and3A_741, %and3A_742 : i32
    %dma_wait3A_744 = arith.constant 1 : i32
    %dma_wait3A_745 = arith.constant 1 : i32
    %dma_wait3A_746 = arith.constant 0 : i32
    %dma_wait3A_747 = arith.constant 0 : i32
    %dma_wait3A_748 = tpu.memref_slice %arg6[%and3A_743, %dma_wait3A_746, %dma_wait3A_747] : memref<4x2x80xi32, #tpu.memory_space<vmem>> -> memref<1x2x80xi32, #tpu.memory_space<vmem>>
    %dma_wait3A_749 = tpu.memref_squeeze %dma_wait3A_748 : memref<1x2x80xi32, #tpu.memory_space<vmem>> -> memref<2x80xi32, #tpu.memory_space<vmem>>
    %dma_wait3A_750 = arith.constant 0 : i32
    %dma_wait3A_751 = tpu.memref_slice %dma_wait3A_749[%dma_wait3A_745, %dma_wait3A_750] : memref<2x80xi32, #tpu.memory_space<vmem>> -> memref<1x80xi32, #tpu.memory_space<vmem>>
    %dma_wait3A_752 = tpu.memref_squeeze %dma_wait3A_751 : memref<1x80xi32, #tpu.memory_space<vmem>> -> memref<80xi32, #tpu.memory_space<vmem>>
    %dma_wait3A_753 = arith.constant 0 : i32
    %dma_wait3A_754 = tpu.memref_slice %arg3[%dma_wait3A_744, %add3A_740, %dma_wait3A_753] : memref<2x4000x80xi32, #tpu.memory_space<hbm>> -> memref<1x1x80xi32, #tpu.memory_space<hbm>>
    %dma_wait3A_755 = tpu.memref_squeeze %dma_wait3A_754 : memref<1x1x80xi32, #tpu.memory_space<hbm>> -> memref<80xi32, #tpu.memory_space<hbm>>
    %dma_wait3A_756 = arith.constant 0 : i32
    %dma_wait3A_757 = arith.constant 0 : i32
    %dma_wait3A_758 = tpu.memref_slice %arg6[%and3A_743, %dma_wait3A_756, %dma_wait3A_757] : memref<4x2x80xi32, #tpu.memory_space<vmem>> -> memref<1x2x80xi32, #tpu.memory_space<vmem>>
    %dma_wait3A_759 = tpu.memref_squeeze %dma_wait3A_758 : memref<1x2x80xi32, #tpu.memory_space<vmem>> -> memref<2x80xi32, #tpu.memory_space<vmem>>
    %dma_wait3A_760 = arith.constant 0 : i32
    %dma_wait3A_761 = tpu.memref_slice %dma_wait3A_759[%dma_wait3A_745, %dma_wait3A_760] : memref<2x80xi32, #tpu.memory_space<vmem>> -> memref<1x80xi32, #tpu.memory_space<vmem>>
    %dma_wait3A_762 = tpu.memref_squeeze %dma_wait3A_761 : memref<1x80xi32, #tpu.memory_space<vmem>> -> memref<80xi32, #tpu.memory_space<vmem>>
    %dma_wait3A_763 = arith.constant 0 : i32
    %dma_wait3A_764 = tpu.memref_slice %arg3[%dma_wait3A_744, %add3A_740, %dma_wait3A_763] : memref<2x4000x80xi32, #tpu.memory_space<hbm>> -> memref<1x1x80xi32, #tpu.memory_space<hbm>>
    %dma_wait3A_765 = tpu.memref_squeeze %dma_wait3A_764 : memref<1x1x80xi32, #tpu.memory_space<hbm>> -> memref<80xi32, #tpu.memory_space<hbm>>
    tpu.wait_dma2 semaphore(%arg11 : memref<!tpu.dma_semaphore, #tpu.memory_space<semaphore_mem>>) src(%dma_wait3A_765 : memref<80xi32, #tpu.memory_space<hbm>>) dst(%dma_wait3A_762 : memref<80xi32, #tpu.memory_space<vmem>>)
    %and3A_766 = arith.constant 0 : i32
    %and3A_767 = arith.constant 3 : i32
    %and3A_768 = arith.andi %and3A_766, %and3A_767 : i32
    %rem3A = arith.constant 0 : i32
    %rem3A_769 = arith.constant 3 : i32
    %rem3A_770 = arith.remsi %rem3A, %rem3A_769 : i32
    %mul3A_771 = arith.constant 80 : i32
    %mul3A_772 = arith.muli %rem3A_770, %mul3A_771 : i32
    %multiple_of3A = tpu.assume_multiple %mul3A_772, 80 : i32
    %dma_start3A_773 = arith.constant 0 : i32
    %dma_start3A_774 = arith.constant 0 : i32
    %dma_start3A_775 = tpu.memref_slice %arg7[%multiple_of3A, %dma_start3A_774] : memref<240x128xf32, #tpu.memory_space<vmem>> -> memref<80x128xf32, #tpu.memory_space<vmem>>
    %dma_start3A_776 = arith.constant 0 : i32
    %dma_start3A_777 = arith.constant 0 : i32
    %dma_start3A_778 = tpu.memref_slice %arg6[%and3A_768, %dma_start3A_776, %dma_start3A_777] : memref<4x2x80xi32, #tpu.memory_space<vmem>> -> memref<1x2x80xi32, #tpu.memory_space<vmem>>
    %dma_start3A_779 = tpu.memref_squeeze %dma_start3A_778 : memref<1x2x80xi32, #tpu.memory_space<vmem>> -> memref<2x80xi32, #tpu.memory_space<vmem>>
    %dma_start3A_780 = arith.constant 0 : i32
    %dma_start3A_781 = tpu.memref_slice %dma_start3A_779[%dma_start3A_773, %dma_start3A_780] : memref<2x80xi32, #tpu.memory_space<vmem>> -> memref<1x80xi32, #tpu.memory_space<vmem>>
    %dma_start3A_782 = tpu.memref_squeeze %dma_start3A_781 : memref<1x80xi32, #tpu.memory_space<vmem>> -> memref<80xi32, #tpu.memory_space<vmem>>
    %dma_start3A_783 = arith.constant 0 : i32
    %dma_start3A_784 = arith.constant 0 : i32
    %dma_start3A_785 = tpu.memref_slice %arg2[%dma_start3A_783, %dma_start3A_784] : memref<10000x128xf32, #tpu.memory_space<hbm>> -> memref<10000x128xf32, #tpu.memory_space<hbm>>
    tpu.enqueue_indirect_dma source(%dma_start3A_785 : memref<10000x128xf32, #tpu.memory_space<hbm>>) target(%dma_start3A_775 : memref<80x128xf32, #tpu.memory_space<vmem>>) offsets(%dma_start3A_782 : memref<80xi32, #tpu.memory_space<vmem>>) semaphore(%arg12 : memref<!tpu.dma_semaphore, #tpu.memory_space<semaphore_mem>>)
    %add3A_786 = arith.constant 1 : i32
    %add3A_787 = arith.addi %mul3A_2, %add3A_786 : i32
    %and3A_788 = arith.constant 1 : i32
    %and3A_789 = arith.constant 3 : i32
    %and3A_790 = arith.andi %and3A_788, %and3A_789 : i32
    %dma_wait3A_791 = arith.constant 0 : i32
    %dma_wait3A_792 = arith.constant 0 : i32
    %dma_wait3A_793 = arith.constant 0 : i32
    %dma_wait3A_794 = arith.constant 0 : i32
    %dma_wait3A_795 = tpu.memref_slice %arg6[%and3A_790, %dma_wait3A_793, %dma_wait3A_794] : memref<4x2x80xi32, #tpu.memory_space<vmem>> -> memref<1x2x80xi32, #tpu.memory_space<vmem>>
    %dma_wait3A_796 = tpu.memref_squeeze %dma_wait3A_795 : memref<1x2x80xi32, #tpu.memory_space<vmem>> -> memref<2x80xi32, #tpu.memory_space<vmem>>
    %dma_wait3A_797 = arith.constant 0 : i32
    %dma_wait3A_798 = tpu.memref_slice %dma_wait3A_796[%dma_wait3A_792, %dma_wait3A_797] : memref<2x80xi32, #tpu.memory_space<vmem>> -> memref<1x80xi32, #tpu.memory_space<vmem>>
    %dma_wait3A_799 = tpu.memref_squeeze %dma_wait3A_798 : memref<1x80xi32, #tpu.memory_space<vmem>> -> memref<80xi32, #tpu.memory_space<vmem>>
    %dma_wait3A_800 = arith.constant 0 : i32
    %dma_wait3A_801 = tpu.memref_slice %arg3[%dma_wait3A_791, %add3A_787, %dma_wait3A_800] : memref<2x4000x80xi32, #tpu.memory_space<hbm>> -> memref<1x1x80xi32, #tpu.memory_space<hbm>>
    %dma_wait3A_802 = tpu.memref_squeeze %dma_wait3A_801 : memref<1x1x80xi32, #tpu.memory_space<hbm>> -> memref<80xi32, #tpu.memory_space<hbm>>
    %dma_wait3A_803 = arith.constant 0 : i32
    %dma_wait3A_804 = arith.constant 0 : i32
    %dma_wait3A_805 = tpu.memref_slice %arg6[%and3A_790, %dma_wait3A_803, %dma_wait3A_804] : memref<4x2x80xi32, #tpu.memory_space<vmem>> -> memref<1x2x80xi32, #tpu.memory_space<vmem>>
    %dma_wait3A_806 = tpu.memref_squeeze %dma_wait3A_805 : memref<1x2x80xi32, #tpu.memory_space<vmem>> -> memref<2x80xi32, #tpu.memory_space<vmem>>
    %dma_wait3A_807 = arith.constant 0 : i32
    %dma_wait3A_808 = tpu.memref_slice %dma_wait3A_806[%dma_wait3A_792, %dma_wait3A_807] : memref<2x80xi32, #tpu.memory_space<vmem>> -> memref<1x80xi32, #tpu.memory_space<vmem>>
    %dma_wait3A_809 = tpu.memref_squeeze %dma_wait3A_808 : memref<1x80xi32, #tpu.memory_space<vmem>> -> memref<80xi32, #tpu.memory_space<vmem>>
    %dma_wait3A_810 = arith.constant 0 : i32
    %dma_wait3A_811 = tpu.memref_slice %arg3[%dma_wait3A_791, %add3A_787, %dma_wait3A_810] : memref<2x4000x80xi32, #tpu.memory_space<hbm>> -> memref<1x1x80xi32, #tpu.memory_space<hbm>>
    %dma_wait3A_812 = tpu.memref_squeeze %dma_wait3A_811 : memref<1x1x80xi32, #tpu.memory_space<hbm>> -> memref<80xi32, #tpu.memory_space<hbm>>
    tpu.wait_dma2 semaphore(%arg11 : memref<!tpu.dma_semaphore, #tpu.memory_space<semaphore_mem>>) src(%dma_wait3A_812 : memref<80xi32, #tpu.memory_space<hbm>>) dst(%dma_wait3A_809 : memref<80xi32, #tpu.memory_space<vmem>>)
    %add3A_813 = arith.constant 1 : i32
    %add3A_814 = arith.addi %mul3A_2, %add3A_813 : i32
    %and3A_815 = arith.constant 1 : i32
    %and3A_816 = arith.constant 3 : i32
    %and3A_817 = arith.andi %and3A_815, %and3A_816 : i32
    %dma_wait3A_818 = arith.constant 1 : i32
    %dma_wait3A_819 = arith.constant 1 : i32
    %dma_wait3A_820 = arith.constant 0 : i32
    %dma_wait3A_821 = arith.constant 0 : i32
    %dma_wait3A_822 = tpu.memref_slice %arg6[%and3A_817, %dma_wait3A_820, %dma_wait3A_821] : memref<4x2x80xi32, #tpu.memory_space<vmem>> -> memref<1x2x80xi32, #tpu.memory_space<vmem>>
    %dma_wait3A_823 = tpu.memref_squeeze %dma_wait3A_822 : memref<1x2x80xi32, #tpu.memory_space<vmem>> -> memref<2x80xi32, #tpu.memory_space<vmem>>
    %dma_wait3A_824 = arith.constant 0 : i32
    %dma_wait3A_825 = tpu.memref_slice %dma_wait3A_823[%dma_wait3A_819, %dma_wait3A_824] : memref<2x80xi32, #tpu.memory_space<vmem>> -> memref<1x80xi32, #tpu.memory_space<vmem>>
    %dma_wait3A_826 = tpu.memref_squeeze %dma_wait3A_825 : memref<1x80xi32, #tpu.memory_space<vmem>> -> memref<80xi32, #tpu.memory_space<vmem>>
    %dma_wait3A_827 = arith.constant 0 : i32
    %dma_wait3A_828 = tpu.memref_slice %arg3[%dma_wait3A_818, %add3A_814, %dma_wait3A_827] : memref<2x4000x80xi32, #tpu.memory_space<hbm>> -> memref<1x1x80xi32, #tpu.memory_space<hbm>>
    %dma_wait3A_829 = tpu.memref_squeeze %dma_wait3A_828 : memref<1x1x80xi32, #tpu.memory_space<hbm>> -> memref<80xi32, #tpu.memory_space<hbm>>
    %dma_wait3A_830 = arith.constant 0 : i32
    %dma_wait3A_831 = arith.constant 0 : i32
    %dma_wait3A_832 = tpu.memref_slice %arg6[%and3A_817, %dma_wait3A_830, %dma_wait3A_831] : memref<4x2x80xi32, #tpu.memory_space<vmem>> -> memref<1x2x80xi32, #tpu.memory_space<vmem>>
    %dma_wait3A_833 = tpu.memref_squeeze %dma_wait3A_832 : memref<1x2x80xi32, #tpu.memory_space<vmem>> -> memref<2x80xi32, #tpu.memory_space<vmem>>
    %dma_wait3A_834 = arith.constant 0 : i32
    %dma_wait3A_835 = tpu.memref_slice %dma_wait3A_833[%dma_wait3A_819, %dma_wait3A_834] : memref<2x80xi32, #tpu.memory_space<vmem>> -> memref<1x80xi32, #tpu.memory_space<vmem>>
    %dma_wait3A_836 = tpu.memref_squeeze %dma_wait3A_835 : memref<1x80xi32, #tpu.memory_space<vmem>> -> memref<80xi32, #tpu.memory_space<vmem>>
    %dma_wait3A_837 = arith.constant 0 : i32
    %dma_wait3A_838 = tpu.memref_slice %arg3[%dma_wait3A_818, %add3A_814, %dma_wait3A_837] : memref<2x4000x80xi32, #tpu.memory_space<hbm>> -> memref<1x1x80xi32, #tpu.memory_space<hbm>>
    %dma_wait3A_839 = tpu.memref_squeeze %dma_wait3A_838 : memref<1x1x80xi32, #tpu.memory_space<hbm>> -> memref<80xi32, #tpu.memory_space<hbm>>
    tpu.wait_dma2 semaphore(%arg11 : memref<!tpu.dma_semaphore, #tpu.memory_space<semaphore_mem>>) src(%dma_wait3A_839 : memref<80xi32, #tpu.memory_space<hbm>>) dst(%dma_wait3A_836 : memref<80xi32, #tpu.memory_space<vmem>>)
    %and3A_840 = arith.constant 1 : i32
    %and3A_841 = arith.constant 3 : i32
    %and3A_842 = arith.andi %and3A_840, %and3A_841 : i32
    %rem3A_843 = arith.constant 1 : i32
    %rem3A_844 = arith.constant 3 : i32
    %rem3A_845 = arith.remsi %rem3A_843, %rem3A_844 : i32
    %mul3A_846 = arith.constant 80 : i32
    %mul3A_847 = arith.muli %rem3A_845, %mul3A_846 : i32
    %multiple_of3A_848 = tpu.assume_multiple %mul3A_847, 80 : i32
    %dma_start3A_849 = arith.constant 0 : i32
    %dma_start3A_850 = arith.constant 0 : i32
    %dma_start3A_851 = tpu.memref_slice %arg7[%multiple_of3A_848, %dma_start3A_850] : memref<240x128xf32, #tpu.memory_space<vmem>> -> memref<80x128xf32, #tpu.memory_space<vmem>>
    %dma_start3A_852 = arith.constant 0 : i32
    %dma_start3A_853 = arith.constant 0 : i32
    %dma_start3A_854 = tpu.memref_slice %arg6[%and3A_842, %dma_start3A_852, %dma_start3A_853] : memref<4x2x80xi32, #tpu.memory_space<vmem>> -> memref<1x2x80xi32, #tpu.memory_space<vmem>>
    %dma_start3A_855 = tpu.memref_squeeze %dma_start3A_854 : memref<1x2x80xi32, #tpu.memory_space<vmem>> -> memref<2x80xi32, #tpu.memory_space<vmem>>
    %dma_start3A_856 = arith.constant 0 : i32
    %dma_start3A_857 = tpu.memref_slice %dma_start3A_855[%dma_start3A_849, %dma_start3A_856] : memref<2x80xi32, #tpu.memory_space<vmem>> -> memref<1x80xi32, #tpu.memory_space<vmem>>
    %dma_start3A_858 = tpu.memref_squeeze %dma_start3A_857 : memref<1x80xi32, #tpu.memory_space<vmem>> -> memref<80xi32, #tpu.memory_space<vmem>>
    %dma_start3A_859 = arith.constant 0 : i32
    %dma_start3A_860 = arith.constant 0 : i32
    %dma_start3A_861 = tpu.memref_slice %arg2[%dma_start3A_859, %dma_start3A_860] : memref<10000x128xf32, #tpu.memory_space<hbm>> -> memref<10000x128xf32, #tpu.memory_space<hbm>>
    tpu.enqueue_indirect_dma source(%dma_start3A_861 : memref<10000x128xf32, #tpu.memory_space<hbm>>) target(%dma_start3A_851 : memref<80x128xf32, #tpu.memory_space<vmem>>) offsets(%dma_start3A_858 : memref<80xi32, #tpu.memory_space<vmem>>) semaphore(%arg12 : memref<!tpu.dma_semaphore, #tpu.memory_space<semaphore_mem>>)
    %and3A_862 = arith.constant 0 : i32
    %and3A_863 = arith.constant 3 : i32
    %and3A_864 = arith.andi %and3A_862, %and3A_863 : i32
    %rem3A_865 = arith.constant 0 : i32
    %rem3A_866 = arith.constant 3 : i32
    %rem3A_867 = arith.remsi %rem3A_865, %rem3A_866 : i32
    %mul3A_868 = arith.constant 80 : i32
    %mul3A_869 = arith.muli %rem3A_867, %mul3A_868 : i32
    %multiple_of3A_870 = tpu.assume_multiple %mul3A_869, 80 : i32
    %dma_wait3A_871 = arith.constant 0 : i32
    %dma_wait3A_872 = arith.constant 0 : i32
    %dma_wait3A_873 = tpu.memref_slice %arg7[%multiple_of3A_870, %dma_wait3A_872] : memref<240x128xf32, #tpu.memory_space<vmem>> -> memref<80x128xf32, #tpu.memory_space<vmem>>
    %dma_wait3A_874 = arith.constant 0 : i32
    %dma_wait3A_875 = arith.constant 0 : i32
    %dma_wait3A_876 = tpu.memref_slice %arg6[%and3A_864, %dma_wait3A_874, %dma_wait3A_875] : memref<4x2x80xi32, #tpu.memory_space<vmem>> -> memref<1x2x80xi32, #tpu.memory_space<vmem>>
    %dma_wait3A_877 = tpu.memref_squeeze %dma_wait3A_876 : memref<1x2x80xi32, #tpu.memory_space<vmem>> -> memref<2x80xi32, #tpu.memory_space<vmem>>
    %dma_wait3A_878 = arith.constant 0 : i32
    %dma_wait3A_879 = tpu.memref_slice %dma_wait3A_877[%dma_wait3A_871, %dma_wait3A_878] : memref<2x80xi32, #tpu.memory_space<vmem>> -> memref<1x80xi32, #tpu.memory_space<vmem>>
    %dma_wait3A_880 = tpu.memref_squeeze %dma_wait3A_879 : memref<1x80xi32, #tpu.memory_space<vmem>> -> memref<80xi32, #tpu.memory_space<vmem>>
    %dma_wait3A_881 = arith.constant 0 : i32
    %dma_wait3A_882 = arith.constant 0 : i32
    %dma_wait3A_883 = tpu.memref_slice %arg2[%dma_wait3A_881, %dma_wait3A_882] : memref<10000x128xf32, #tpu.memory_space<hbm>> -> memref<10000x128xf32, #tpu.memory_space<hbm>>
    tpu.wait_indirect_dma semaphore(%arg12 : memref<!tpu.dma_semaphore, #tpu.memory_space<semaphore_mem>>) src(%dma_wait3A_883 : memref<10000x128xf32, #tpu.memory_space<hbm>>) dst(%dma_wait3A_873 : memref<80x128xf32, #tpu.memory_space<vmem>>)
    %rem3A_884 = arith.constant 0 : i32
    %rem3A_885 = arith.constant 3 : i32
    %rem3A_886 = arith.remsi %rem3A_884, %rem3A_885 : i32
    %mul3A_887 = arith.constant 80 : i32
    %mul3A_888 = arith.muli %rem3A_886, %mul3A_887 : i32
    %multiple_of3A_889 = tpu.assume_multiple %mul3A_888, 80 : i32
    %and3A_890 = arith.constant 0 : i32
    %and3A_891 = arith.constant 3 : i32
    %and3A_892 = arith.andi %and3A_890, %and3A_891 : i32
    %dma_start3A_893 = arith.constant 1 : i32
    %dma_start3A_894 = arith.constant 0 : i32
    %dma_start3A_895 = tpu.memref_slice %arg7[%multiple_of3A_889, %dma_start3A_894] : memref<240x128xf32, #tpu.memory_space<vmem>> -> memref<80x128xf32, #tpu.memory_space<vmem>>
    %dma_start3A_896 = arith.constant 0 : i32
    %dma_start3A_897 = arith.constant 0 : i32
    %dma_start3A_898 = tpu.memref_slice %arg6[%and3A_892, %dma_start3A_896, %dma_start3A_897] : memref<4x2x80xi32, #tpu.memory_space<vmem>> -> memref<1x2x80xi32, #tpu.memory_space<vmem>>
    %dma_start3A_899 = tpu.memref_squeeze %dma_start3A_898 : memref<1x2x80xi32, #tpu.memory_space<vmem>> -> memref<2x80xi32, #tpu.memory_space<vmem>>
    %dma_start3A_900 = arith.constant 0 : i32
    %dma_start3A_901 = tpu.memref_slice %dma_start3A_899[%dma_start3A_893, %dma_start3A_900] : memref<2x80xi32, #tpu.memory_space<vmem>> -> memref<1x80xi32, #tpu.memory_space<vmem>>
    %dma_start3A_902 = tpu.memref_squeeze %dma_start3A_901 : memref<1x80xi32, #tpu.memory_space<vmem>> -> memref<80xi32, #tpu.memory_space<vmem>>
    %dma_start3A_903 = arith.constant 0 : i32
    %dma_start3A_904 = arith.constant 0 : i32
    %dma_start3A_905 = tpu.memref_slice %arg10[%dma_start3A_903, %dma_start3A_904] : memref<10240x128xf32, #tpu.memory_space<vmem_shared>> -> memref<10240x128xf32, #tpu.memory_space<vmem_shared>>
    tpu.enqueue_indirect_dma source(%dma_start3A_895 : memref<80x128xf32, #tpu.memory_space<vmem>>) target(%dma_start3A_905 : memref<10240x128xf32, #tpu.memory_space<vmem_shared>>) offsets(%dma_start3A_902 : memref<80xi32, #tpu.memory_space<vmem>>) semaphore(%arg13 : memref<!tpu.dma_semaphore, #tpu.memory_space<semaphore_mem>>) {add = true}
    %and3A_906 = arith.constant 0 : i32
    %and3A_907 = arith.constant 3 : i32
    %and3A_908 = arith.andi %and3A_906, %and3A_907 : i32
    %get3A = arith.constant 1 : i32
    %get3A_909 = arith.index_cast %and3A_908 : i32 to index
    %get3A_910 = arith.index_cast %get3A : i32 to index
    %get3A_911 = arith.constant 0 : index
    %get3A_912 = tpu.vector_load %arg6[%get3A_909, %get3A_910, %get3A_911] {strides = array<i32>} : memref<4x2x80xi32, #tpu.memory_space<vmem>>, vector<16xi32>,
    %broadcast_in_dim3A_913 = arith.constant true
    %broadcast_in_dim3A_914 = vector.broadcast %broadcast_in_dim3A_913 : i1 to vector<16xi1>
    %unique3A, %unique3A_915 = tpu.scan_count mask(%broadcast_in_dim3A_914 : vector<16xi1>) value(%get3A_912 : vector<16xi32>) : vector<16xi1>, vector<16xi32>
    %shift_right_logical3A = arith.constant 7 : i32
    %shift_right_logical3A_916 = vector.broadcast %shift_right_logical3A : i32 to vector<16xi32>
    %shift_right_logical3A_917 = arith.shrui %get3A_912, %shift_right_logical3A_916 : vector<16xi32>
    %and3A_918 = arith.constant 127 : i32
    %and3A_919 = vector.broadcast %and3A_918 : i32 to vector<16xi32>
    %and3A_920 = arith.andi %get3A_912, %and3A_919 : vector<16xi32>
    %convert_element_type3A = arith.sitofp %unique3A_915 : vector<16xi32> to vector<16xf32>
    tpu.vector_store_idx %arg9[%shift_right_logical3A_917, %and3A_920], %convert_element_type3A masked %unique3A {add = true} : memref<80x128xf32, #tpu.memory_space<vmem>>[vector<16xi32>, vector<16xi32>], vector<16xf32>, vector<16xi1>
    %get3A_921 = arith.constant 1 : i32
    %get3A_922 = arith.index_cast %and3A_908 : i32 to index
    %get3A_923 = arith.index_cast %get3A_921 : i32 to index
    %get3A_924 = arith.constant 16 : index
    %get3A_925 = tpu.vector_load %arg6[%get3A_922, %get3A_923, %get3A_924] {strides = array<i32>} : memref<4x2x80xi32, #tpu.memory_space<vmem>>, vector<16xi32>,
    %broadcast_in_dim3A_926 = arith.constant true
    %broadcast_in_dim3A_927 = vector.broadcast %broadcast_in_dim3A_926 : i1 to vector<16xi1>
    %unique3A_928, %unique3A_929 = tpu.scan_count mask(%broadcast_in_dim3A_927 : vector<16xi1>) value(%get3A_925 : vector<16xi32>) : vector<16xi1>, vector<16xi32>
    %shift_right_logical3A_930 = arith.constant 7 : i32
    %shift_right_logical3A_931 = vector.broadcast %shift_right_logical3A_930 : i32 to vector<16xi32>
    %shift_right_logical3A_932 = arith.shrui %get3A_925, %shift_right_logical3A_931 : vector<16xi32>
    %and3A_933 = arith.constant 127 : i32
    %and3A_934 = vector.broadcast %and3A_933 : i32 to vector<16xi32>
    %and3A_935 = arith.andi %get3A_925, %and3A_934 : vector<16xi32>
    %convert_element_type3A_936 = arith.sitofp %unique3A_929 : vector<16xi32> to vector<16xf32>
    tpu.vector_store_idx %arg9[%shift_right_logical3A_932, %and3A_935], %convert_element_type3A_936 masked %unique3A_928 {add = true} : memref<80x128xf32, #tpu.memory_space<vmem>>[vector<16xi32>, vector<16xi32>], vector<16xf32>, vector<16xi1>
    %get3A_937 = arith.constant 1 : i32
    %get3A_938 = arith.index_cast %and3A_908 : i32 to index
    %get3A_939 = arith.index_cast %get3A_937 : i32 to index
    %get3A_940 = arith.constant 32 : index
    %get3A_941 = tpu.vector_load %arg6[%get3A_938, %get3A_939, %get3A_940] {strides = array<i32>} : memref<4x2x80xi32, #tpu.memory_space<vmem>>, vector<16xi32>,
    %broadcast_in_dim3A_942 = arith.constant true
    %broadcast_in_dim3A_943 = vector.broadcast %broadcast_in_dim3A_942 : i1 to vector<16xi1>
    %unique3A_944, %unique3A_945 = tpu.scan_count mask(%broadcast_in_dim3A_943 : vector<16xi1>) value(%get3A_941 : vector<16xi32>) : vector<16xi1>, vector<16xi32>
    %shift_right_logical3A_946 = arith.constant 7 : i32
    %shift_right_logical3A_947 = vector.broadcast %shift_right_logical3A_946 : i32 to vector<16xi32>
    %shift_right_logical3A_948 = arith.shrui %get3A_941, %shift_right_logical3A_947 : vector<16xi32>
    %and3A_949 = arith.constant 127 : i32
    %and3A_950 = vector.broadcast %and3A_949 : i32 to vector<16xi32>
    %and3A_951 = arith.andi %get3A_941, %and3A_950 : vector<16xi32>
    %convert_element_type3A_952 = arith.sitofp %unique3A_945 : vector<16xi32> to vector<16xf32>
    tpu.vector_store_idx %arg9[%shift_right_logical3A_948, %and3A_951], %convert_element_type3A_952 masked %unique3A_944 {add = true} : memref<80x128xf32, #tpu.memory_space<vmem>>[vector<16xi32>, vector<16xi32>], vector<16xf32>, vector<16xi1>
    %get3A_953 = arith.constant 1 : i32
    %get3A_954 = arith.index_cast %and3A_908 : i32 to index
    %get3A_955 = arith.index_cast %get3A_953 : i32 to index
    %get3A_956 = arith.constant 48 : index
    %get3A_957 = tpu.vector_load %arg6[%get3A_954, %get3A_955, %get3A_956] {strides = array<i32>} : memref<4x2x80xi32, #tpu.memory_space<vmem>>, vector<16xi32>,
    %broadcast_in_dim3A_958 = arith.constant true
    %broadcast_in_dim3A_959 = vector.broadcast %broadcast_in_dim3A_958 : i1 to vector<16xi1>
    %unique3A_960, %unique3A_961 = tpu.scan_count mask(%broadcast_in_dim3A_959 : vector<16xi1>) value(%get3A_957 : vector<16xi32>) : vector<16xi1>, vector<16xi32>
    %shift_right_logical3A_962 = arith.constant 7 : i32
    %shift_right_logical3A_963 = vector.broadcast %shift_right_logical3A_962 : i32 to vector<16xi32>
    %shift_right_logical3A_964 = arith.shrui %get3A_957, %shift_right_logical3A_963 : vector<16xi32>
    %and3A_965 = arith.constant 127 : i32
    %and3A_966 = vector.broadcast %and3A_965 : i32 to vector<16xi32>
    %and3A_967 = arith.andi %get3A_957, %and3A_966 : vector<16xi32>
    %convert_element_type3A_968 = arith.sitofp %unique3A_961 : vector<16xi32> to vector<16xf32>
    tpu.vector_store_idx %arg9[%shift_right_logical3A_964, %and3A_967], %convert_element_type3A_968 masked %unique3A_960 {add = true} : memref<80x128xf32, #tpu.memory_space<vmem>>[vector<16xi32>, vector<16xi32>], vector<16xf32>, vector<16xi1>
    %get3A_969 = arith.constant 1 : i32
    %get3A_970 = arith.index_cast %and3A_908 : i32 to index
    %get3A_971 = arith.index_cast %get3A_969 : i32 to index
    %get3A_972 = arith.constant 64 : index
    %get3A_973 = tpu.vector_load %arg6[%get3A_970, %get3A_971, %get3A_972] {strides = array<i32>} : memref<4x2x80xi32, #tpu.memory_space<vmem>>, vector<16xi32>,
    %broadcast_in_dim3A_974 = arith.constant true
    %broadcast_in_dim3A_975 = vector.broadcast %broadcast_in_dim3A_974 : i1 to vector<16xi1>
    %unique3A_976, %unique3A_977 = tpu.scan_count mask(%broadcast_in_dim3A_975 : vector<16xi1>) value(%get3A_973 : vector<16xi32>) : vector<16xi1>, vector<16xi32>
    %shift_right_logical3A_978 = arith.constant 7 : i32
    %shift_right_logical3A_979 = vector.broadcast %shift_right_logical3A_978 : i32 to vector<16xi32>
    %shift_right_logical3A_980 = arith.shrui %get3A_973, %shift_right_logical3A_979 : vector<16xi32>
    %and3A_981 = arith.constant 127 : i32
    %and3A_982 = vector.broadcast %and3A_981 : i32 to vector<16xi32>
    %and3A_983 = arith.andi %get3A_973, %and3A_982 : vector<16xi32>
    %convert_element_type3A_984 = arith.sitofp %unique3A_977 : vector<16xi32> to vector<16xf32>
    tpu.vector_store_idx %arg9[%shift_right_logical3A_980, %and3A_983], %convert_element_type3A_984 masked %unique3A_976 {add = true} : memref<80x128xf32, #tpu.memory_space<vmem>>[vector<16xi32>, vector<16xi32>], vector<16xf32>, vector<16xi1>
    %add3A_985 = arith.constant 4 : i32
    %add3A_986 = arith.addi %mul3A_2, %add3A_985 : i32
    %and3A_987 = arith.constant 4 : i32
    %and3A_988 = arith.constant 3 : i32
    %and3A_989 = arith.andi %and3A_987, %and3A_988 : i32
    %dma_start3A_990 = arith.constant 0 : i32
    %dma_start3A_991 = arith.constant 0 : i32
    %dma_start3A_992 = arith.constant 0 : i32
    %dma_start3A_993 = arith.constant 0 : i32
    %dma_start3A_994 = tpu.memref_slice %arg6[%and3A_989, %dma_start3A_992, %dma_start3A_993] : memref<4x2x80xi32, #tpu.memory_space<vmem>> -> memref<1x2x80xi32, #tpu.memory_space<vmem>>
    %dma_start3A_995 = tpu.memref_squeeze %dma_start3A_994 : memref<1x2x80xi32, #tpu.memory_space<vmem>> -> memref<2x80xi32, #tpu.memory_space<vmem>>
    %dma_start3A_996 = arith.constant 0 : i32
    %dma_start3A_997 = tpu.memref_slice %dma_start3A_995[%dma_start3A_991, %dma_start3A_996] : memref<2x80xi32, #tpu.memory_space<vmem>> -> memref<1x80xi32, #tpu.memory_space<vmem>>
    %dma_start3A_998 = tpu.memref_squeeze %dma_start3A_997 : memref<1x80xi32, #tpu.memory_space<vmem>> -> memref<80xi32, #tpu.memory_space<vmem>>
    %dma_start3A_999 = arith.constant 0 : i32
    %dma_start3A_1000 = tpu.memref_slice %arg3[%dma_start3A_990, %add3A_986, %dma_start3A_999] : memref<2x4000x80xi32, #tpu.memory_space<hbm>> -> memref<1x1x80xi32, #tpu.memory_space<hbm>>
    %dma_start3A_1001 = tpu.memref_squeeze %dma_start3A_1000 : memref<1x1x80xi32, #tpu.memory_space<hbm>> -> memref<80xi32, #tpu.memory_space<hbm>>
    %dma_start3A_1002 = arith.constant 0 : i32
    %dma_start3A_1003 = arith.constant 0 : i32
    %dma_start3A_1004 = tpu.memref_slice %arg6[%and3A_989, %dma_start3A_1002, %dma_start3A_1003] : memref<4x2x80xi32, #tpu.memory_space<vmem>> -> memref<1x2x80xi32, #tpu.memory_space<vmem>>
    %dma_start3A_1005 = tpu.memref_squeeze %dma_start3A_1004 : memref<1x2x80xi32, #tpu.memory_space<vmem>> -> memref<2x80xi32, #tpu.memory_space<vmem>>
    %dma_start3A_1006 = arith.constant 0 : i32
    %dma_start3A_1007 = tpu.memref_slice %dma_start3A_1005[%dma_start3A_991, %dma_start3A_1006] : memref<2x80xi32, #tpu.memory_space<vmem>> -> memref<1x80xi32, #tpu.memory_space<vmem>>
    %dma_start3A_1008 = tpu.memref_squeeze %dma_start3A_1007 : memref<1x80xi32, #tpu.memory_space<vmem>> -> memref<80xi32, #tpu.memory_space<vmem>>
    %dma_start3A_1009 = arith.constant 0 : i32
    %dma_start3A_1010 = tpu.memref_slice %arg3[%dma_start3A_990, %add3A_986, %dma_start3A_1009] : memref<2x4000x80xi32, #tpu.memory_space<hbm>> -> memref<1x1x80xi32, #tpu.memory_space<hbm>>
    %dma_start3A_1011 = tpu.memref_squeeze %dma_start3A_1010 : memref<1x1x80xi32, #tpu.memory_space<hbm>> -> memref<80xi32, #tpu.memory_space<hbm>>
    tpu.enqueue_dma source(%dma_start3A_1011 : memref<80xi32, #tpu.memory_space<hbm>>) target(%dma_start3A_1008 : memref<80xi32, #tpu.memory_space<vmem>>) target_semaphore(%arg11 : memref<!tpu.dma_semaphore, #tpu.memory_space<semaphore_mem>>)
    %add3A_1012 = arith.constant 4 : i32
    %add3A_1013 = arith.addi %mul3A_2, %add3A_1012 : i32
    %and3A_1014 = arith.constant 4 : i32
    %and3A_1015 = arith.constant 3 : i32
    %and3A_1016 = arith.andi %and3A_1014, %and3A_1015 : i32
    %dma_start3A_1017 = arith.constant 1 : i32
    %dma_start3A_1018 = arith.constant 1 : i32
    %dma_start3A_1019 = arith.constant 0 : i32
    %dma_start3A_1020 = arith.constant 0 : i32
    %dma_start3A_1021 = tpu.memref_slice %arg6[%and3A_1016, %dma_start3A_1019, %dma_start3A_1020] : memref<4x2x80xi32, #tpu.memory_space<vmem>> -> memref<1x2x80xi32, #tpu.memory_space<vmem>>
    %dma_start3A_1022 = tpu.memref_squeeze %dma_start3A_1021 : memref<1x2x80xi32, #tpu.memory_space<vmem>> -> memref<2x80xi32, #tpu.memory_space<vmem>>
    %dma_start3A_1023 = arith.constant 0 : i32
    %dma_start3A_1024 = tpu.memref_slice %dma_start3A_1022[%dma_start3A_1018, %dma_start3A_1023] : memref<2x80xi32, #tpu.memory_space<vmem>> -> memref<1x80xi32, #tpu.memory_space<vmem>>
    %dma_start3A_1025 = tpu.memref_squeeze %dma_start3A_1024 : memref<1x80xi32, #tpu.memory_space<vmem>> -> memref<80xi32, #tpu.memory_space<vmem>>
    %dma_start3A_1026 = arith.constant 0 : i32
    %dma_start3A_1027 = tpu.memref_slice %arg3[%dma_start3A_1017, %add3A_1013, %dma_start3A_1026] : memref<2x4000x80xi32, #tpu.memory_space<hbm>> -> memref<1x1x80xi32, #tpu.memory_space<hbm>>
    %dma_start3A_1028 = tpu.memref_squeeze %dma_start3A_1027 : memref<1x1x80xi32, #tpu.memory_space<hbm>> -> memref<80xi32, #tpu.memory_space<hbm>>
    %dma_start3A_1029 = arith.constant 0 : i32
    %dma_start3A_1030 = arith.constant 0 : i32
    %dma_start3A_1031 = tpu.memref_slice %arg6[%and3A_1016, %dma_start3A_1029, %dma_start3A_1030] : memref<4x2x80xi32, #tpu.memory_space<vmem>> -> memref<1x2x80xi32, #tpu.memory_space<vmem>>
    %dma_start3A_1032 = tpu.memref_squeeze %dma_start3A_1031 : memref<1x2x80xi32, #tpu.memory_space<vmem>> -> memref<2x80xi32, #tpu.memory_space<vmem>>
    %dma_start3A_1033 = arith.constant 0 : i32
    %dma_start3A_1034 = tpu.memref_slice %dma_start3A_1032[%dma_start3A_1018, %dma_start3A_1033] : memref<2x80xi32, #tpu.memory_space<vmem>> -> memref<1x80xi32, #tpu.memory_space<vmem>>
    %dma_start3A_1035 = tpu.memref_squeeze %dma_start3A_1034 : memref<1x80xi32, #tpu.memory_space<vmem>> -> memref<80xi32, #tpu.memory_space<vmem>>
    %dma_start3A_1036 = arith.constant 0 : i32
    %dma_start3A_1037 = tpu.memref_slice %arg3[%dma_start3A_1017, %add3A_1013, %dma_start3A_1036] : memref<2x4000x80xi32, #tpu.memory_space<hbm>> -> memref<1x1x80xi32, #tpu.memory_space<hbm>>
    %dma_start3A_1038 = tpu.memref_squeeze %dma_start3A_1037 : memref<1x1x80xi32, #tpu.memory_space<hbm>> -> memref<80xi32, #tpu.memory_space<hbm>>
    tpu.enqueue_dma source(%dma_start3A_1038 : memref<80xi32, #tpu.memory_space<hbm>>) target(%dma_start3A_1035 : memref<80xi32, #tpu.memory_space<vmem>>) target_semaphore(%arg11 : memref<!tpu.dma_semaphore, #tpu.memory_space<semaphore_mem>>)
    %add3A_1039 = arith.constant 2 : i32
    %add3A_1040 = arith.addi %mul3A_2, %add3A_1039 : i32
    %and3A_1041 = arith.constant 2 : i32
    %and3A_1042 = arith.constant 3 : i32
    %and3A_1043 = arith.andi %and3A_1041, %and3A_1042 : i32
    %dma_wait3A_1044 = arith.constant 0 : i32
    %dma_wait3A_1045 = arith.constant 0 : i32
    %dma_wait3A_1046 = arith.constant 0 : i32
    %dma_wait3A_1047 = arith.constant 0 : i32
    %dma_wait3A_1048 = tpu.memref_slice %arg6[%and3A_1043, %dma_wait3A_1046, %dma_wait3A_1047] : memref<4x2x80xi32, #tpu.memory_space<vmem>> -> memref<1x2x80xi32, #tpu.memory_space<vmem>>
    %dma_wait3A_1049 = tpu.memref_squeeze %dma_wait3A_1048 : memref<1x2x80xi32, #tpu.memory_space<vmem>> -> memref<2x80xi32, #tpu.memory_space<vmem>>
    %dma_wait3A_1050 = arith.constant 0 : i32
    %dma_wait3A_1051 = tpu.memref_slice %dma_wait3A_1049[%dma_wait3A_1045, %dma_wait3A_1050] : memref<2x80xi32, #tpu.memory_space<vmem>> -> memref<1x80xi32, #tpu.memory_space<vmem>>
    %dma_wait3A_1052 = tpu.memref_squeeze %dma_wait3A_1051 : memref<1x80xi32, #tpu.memory_space<vmem>> -> memref<80xi32, #tpu.memory_space<vmem>>
    %dma_wait3A_1053 = arith.constant 0 : i32
    %dma_wait3A_1054 = tpu.memref_slice %arg3[%dma_wait3A_1044, %add3A_1040, %dma_wait3A_1053] : memref<2x4000x80xi32, #tpu.memory_space<hbm>> -> memref<1x1x80xi32, #tpu.memory_space<hbm>>
    %dma_wait3A_1055 = tpu.memref_squeeze %dma_wait3A_1054 : memref<1x1x80xi32, #tpu.memory_space<hbm>> -> memref<80xi32, #tpu.memory_space<hbm>>
    %dma_wait3A_1056 = arith.constant 0 : i32
    %dma_wait3A_1057 = arith.constant 0 : i32
    %dma_wait3A_1058 = tpu.memref_slice %arg6[%and3A_1043, %dma_wait3A_1056, %dma_wait3A_1057] : memref<4x2x80xi32, #tpu.memory_space<vmem>> -> memref<1x2x80xi32, #tpu.memory_space<vmem>>
    %dma_wait3A_1059 = tpu.memref_squeeze %dma_wait3A_1058 : memref<1x2x80xi32, #tpu.memory_space<vmem>> -> memref<2x80xi32, #tpu.memory_space<vmem>>
    %dma_wait3A_1060 = arith.constant 0 : i32
    %dma_wait3A_1061 = tpu.memref_slice %dma_wait3A_1059[%dma_wait3A_1045, %dma_wait3A_1060] : memref<2x80xi32, #tpu.memory_space<vmem>> -> memref<1x80xi32, #tpu.memory_space<vmem>>
    %dma_wait3A_1062 = tpu.memref_squeeze %dma_wait3A_1061 : memref<1x80xi32, #tpu.memory_space<vmem>> -> memref<80xi32, #tpu.memory_space<vmem>>
    %dma_wait3A_1063 = arith.constant 0 : i32
    %dma_wait3A_1064 = tpu.memref_slice %arg3[%dma_wait3A_1044, %add3A_1040, %dma_wait3A_1063] : memref<2x4000x80xi32, #tpu.memory_space<hbm>> -> memref<1x1x80xi32, #tpu.memory_space<hbm>>
    %dma_wait3A_1065 = tpu.memref_squeeze %dma_wait3A_1064 : memref<1x1x80xi32, #tpu.memory_space<hbm>> -> memref<80xi32, #tpu.memory_space<hbm>>
    tpu.wait_dma2 semaphore(%arg11 : memref<!tpu.dma_semaphore, #tpu.memory_space<semaphore_mem>>) src(%dma_wait3A_1065 : memref<80xi32, #tpu.memory_space<hbm>>) dst(%dma_wait3A_1062 : memref<80xi32, #tpu.memory_space<vmem>>)
    %add3A_1066 = arith.constant 2 : i32
    %add3A_1067 = arith.addi %mul3A_2, %add3A_1066 : i32
    %and3A_1068 = arith.constant 2 : i32
    %and3A_1069 = arith.constant 3 : i32
    %and3A_1070 = arith.andi %and3A_1068, %and3A_1069 : i32
    %dma_wait3A_1071 = arith.constant 1 : i32
    %dma_wait3A_1072 = arith.constant 1 : i32
    %dma_wait3A_1073 = arith.constant 0 : i32
    %dma_wait3A_1074 = arith.constant 0 : i32
    %dma_wait3A_1075 = tpu.memref_slice %arg6[%and3A_1070, %dma_wait3A_1073, %dma_wait3A_1074] : memref<4x2x80xi32, #tpu.memory_space<vmem>> -> memref<1x2x80xi32, #tpu.memory_space<vmem>>
    %dma_wait3A_1076 = tpu.memref_squeeze %dma_wait3A_1075 : memref<1x2x80xi32, #tpu.memory_space<vmem>> -> memref<2x80xi32, #tpu.memory_space<vmem>>
    %dma_wait3A_1077 = arith.constant 0 : i32
    %dma_wait3A_1078 = tpu.memref_slice %dma_wait3A_1076[%dma_wait3A_1072, %dma_wait3A_1077] : memref<2x80xi32, #tpu.memory_space<vmem>> -> memref<1x80xi32, #tpu.memory_space<vmem>>
    %dma_wait3A_1079 = tpu.memref_squeeze %dma_wait3A_1078 : memref<1x80xi32, #tpu.memory_space<vmem>> -> memref<80xi32, #tpu.memory_space<vmem>>
    %dma_wait3A_1080 = arith.constant 0 : i32
    %dma_wait3A_1081 = tpu.memref_slice %arg3[%dma_wait3A_1071, %add3A_1067, %dma_wait3A_1080] : memref<2x4000x80xi32, #tpu.memory_space<hbm>> -> memref<1x1x80xi32, #tpu.memory_space<hbm>>
    %dma_wait3A_1082 = tpu.memref_squeeze %dma_wait3A_1081 : memref<1x1x80xi32, #tpu.memory_space<hbm>> -> memref<80xi32, #tpu.memory_space<hbm>>
    %dma_wait3A_1083 = arith.constant 0 : i32
    %dma_wait3A_1084 = arith.constant 0 : i32
    %dma_wait3A_1085 = tpu.memref_slice %arg6[%and3A_1070, %dma_wait3A_1083, %dma_wait3A_1084] : memref<4x2x80xi32, #tpu.memory_space<vmem>> -> memref<1x2x80xi32, #tpu.memory_space<vmem>>
    %dma_wait3A_1086 = tpu.memref_squeeze %dma_wait3A_1085 : memref<1x2x80xi32, #tpu.memory_space<vmem>> -> memref<2x80xi32, #tpu.memory_space<vmem>>
    %dma_wait3A_1087 = arith.constant 0 : i32
    %dma_wait3A_1088 = tpu.memref_slice %dma_wait3A_1086[%dma_wait3A_1072, %dma_wait3A_1087] : memref<2x80xi32, #tpu.memory_space<vmem>> -> memref<1x80xi32, #tpu.memory_space<vmem>>
    %dma_wait3A_1089 = tpu.memref_squeeze %dma_wait3A_1088 : memref<1x80xi32, #tpu.memory_space<vmem>> -> memref<80xi32, #tpu.memory_space<vmem>>
    %dma_wait3A_1090 = arith.constant 0 : i32
    %dma_wait3A_1091 = tpu.memref_slice %arg3[%dma_wait3A_1071, %add3A_1067, %dma_wait3A_1090] : memref<2x4000x80xi32, #tpu.memory_space<hbm>> -> memref<1x1x80xi32, #tpu.memory_space<hbm>>
    %dma_wait3A_1092 = tpu.memref_squeeze %dma_wait3A_1091 : memref<1x1x80xi32, #tpu.memory_space<hbm>> -> memref<80xi32, #tpu.memory_space<hbm>>
    tpu.wait_dma2 semaphore(%arg11 : memref<!tpu.dma_semaphore, #tpu.memory_space<semaphore_mem>>) src(%dma_wait3A_1092 : memref<80xi32, #tpu.memory_space<hbm>>) dst(%dma_wait3A_1089 : memref<80xi32, #tpu.memory_space<vmem>>)
    %and3A_1093 = arith.constant 2 : i32
    %and3A_1094 = arith.constant 3 : i32
    %and3A_1095 = arith.andi %and3A_1093, %and3A_1094 : i32
    %rem3A_1096 = arith.constant 2 : i32
    %rem3A_1097 = arith.constant 3 : i32
    %rem3A_1098 = arith.remsi %rem3A_1096, %rem3A_1097 : i32
    %mul3A_1099 = arith.constant 80 : i32
    %mul3A_1100 = arith.muli %rem3A_1098, %mul3A_1099 : i32
    %multiple_of3A_1101 = tpu.assume_multiple %mul3A_1100, 80 : i32
    %dma_start3A_1102 = arith.constant 0 : i32
    %dma_start3A_1103 = arith.constant 0 : i32
    %dma_start3A_1104 = tpu.memref_slice %arg7[%multiple_of3A_1101, %dma_start3A_1103] : memref<240x128xf32, #tpu.memory_space<vmem>> -> memref<80x128xf32, #tpu.memory_space<vmem>>
    %dma_start3A_1105 = arith.constant 0 : i32
    %dma_start3A_1106 = arith.constant 0 : i32
    %dma_start3A_1107 = tpu.memref_slice %arg6[%and3A_1095, %dma_start3A_1105, %dma_start3A_1106] : memref<4x2x80xi32, #tpu.memory_space<vmem>> -> memref<1x2x80xi32, #tpu.memory_space<vmem>>
    %dma_start3A_1108 = tpu.memref_squeeze %dma_start3A_1107 : memref<1x2x80xi32, #tpu.memory_space<vmem>> -> memref<2x80xi32, #tpu.memory_space<vmem>>
    %dma_start3A_1109 = arith.constant 0 : i32
    %dma_start3A_1110 = tpu.memref_slice %dma_start3A_1108[%dma_start3A_1102, %dma_start3A_1109] : memref<2x80xi32, #tpu.memory_space<vmem>> -> memref<1x80xi32, #tpu.memory_space<vmem>>
    %dma_start3A_1111 = tpu.memref_squeeze %dma_start3A_1110 : memref<1x80xi32, #tpu.memory_space<vmem>> -> memref<80xi32, #tpu.memory_space<vmem>>
    %dma_start3A_1112 = arith.constant 0 : i32
    %dma_start3A_1113 = arith.constant 0 : i32
    %dma_start3A_1114 = tpu.memref_slice %arg2[%dma_start3A_1112, %dma_start3A_1113] : memref<10000x128xf32, #tpu.memory_space<hbm>> -> memref<10000x128xf32, #tpu.memory_space<hbm>>
    tpu.enqueue_indirect_dma source(%dma_start3A_1114 : memref<10000x128xf32, #tpu.memory_space<hbm>>) target(%dma_start3A_1104 : memref<80x128xf32, #tpu.memory_space<vmem>>) offsets(%dma_start3A_1111 : memref<80xi32, #tpu.memory_space<vmem>>) semaphore(%arg12 : memref<!tpu.dma_semaphore, #tpu.memory_space<semaphore_mem>>)
    %scan3A_1115 = arith.constant 0 : i32
    %scan3A_1116 = arith.constant 1 : i32
    %scan3A_1117 = arith.constant 122 : i32
    %scan3A_1118 = arith.addi %scan3A_1116, %scan3A_1117 : i32
    %scan3A_1119 = arith.constant 1 : i32
    %scan3A_1120 = scf.for %scan3A_2003 = %scan3A_1116 to %scan3A_1118 step %scan3A_1119 iter_args(%scan3A_2004 = %scan3A_1115) -> (i32)  : i32 {
      %and3A_2005 = arith.constant 3 : i32
      %and3A_2006 = arith.andi %scan3A_2003, %and3A_2005 : i32
      %rem3A_2007 = arith.constant 3 : i32
      %rem3A_2008 = arith.remsi %scan3A_2003, %rem3A_2007 : i32
      %mul3A_2009 = arith.constant 80 : i32
      %mul3A_2010 = arith.muli %rem3A_2008, %mul3A_2009 : i32
      %multiple_of3A_2011 = tpu.assume_multiple %mul3A_2010, 80 : i32
      %dma_wait3A_2012 = arith.constant 0 : i32
      %dma_wait3A_2013 = arith.constant 0 : i32
      %dma_wait3A_2014 = tpu.memref_slice %arg7[%multiple_of3A_2011, %dma_wait3A_2013] : memref<240x128xf32, #tpu.memory_space<vmem>> -> memref<80x128xf32, #tpu.memory_space<vmem>>
      %dma_wait3A_2015 = arith.constant 0 : i32
      %dma_wait3A_2016 = arith.constant 0 : i32
      %dma_wait3A_2017 = tpu.memref_slice %arg6[%and3A_2006, %dma_wait3A_2015, %dma_wait3A_2016] : memref<4x2x80xi32, #tpu.memory_space<vmem>> -> memref<1x2x80xi32, #tpu.memory_space<vmem>>
      %dma_wait3A_2018 = tpu.memref_squeeze %dma_wait3A_2017 : memref<1x2x80xi32, #tpu.memory_space<vmem>> -> memref<2x80xi32, #tpu.memory_space<vmem>>
      %dma_wait3A_2019 = arith.constant 0 : i32
      %dma_wait3A_2020 = tpu.memref_slice %dma_wait3A_2018[%dma_wait3A_2012, %dma_wait3A_2019] : memref<2x80xi32, #tpu.memory_space<vmem>> -> memref<1x80xi32, #tpu.memory_space<vmem>>
      %dma_wait3A_2021 = tpu.memref_squeeze %dma_wait3A_2020 : memref<1x80xi32, #tpu.memory_space<vmem>> -> memref<80xi32, #tpu.memory_space<vmem>>
      %dma_wait3A_2022 = arith.constant 0 : i32
      %dma_wait3A_2023 = arith.constant 0 : i32
      %dma_wait3A_2024 = tpu.memref_slice %arg2[%dma_wait3A_2022, %dma_wait3A_2023] : memref<10000x128xf32, #tpu.memory_space<hbm>> -> memref<10000x128xf32, #tpu.memory_space<hbm>>
      tpu.wait_indirect_dma semaphore(%arg12 : memref<!tpu.dma_semaphore, #tpu.memory_space<semaphore_mem>>) src(%dma_wait3A_2024 : memref<10000x128xf32, #tpu.memory_space<hbm>>) dst(%dma_wait3A_2014 : memref<80x128xf32, #tpu.memory_space<vmem>>)
      %rem3A_2025 = arith.constant 3 : i32
      %rem3A_2026 = arith.remsi %scan3A_2003, %rem3A_2025 : i32
      %mul3A_2027 = arith.constant 80 : i32
      %mul3A_2028 = arith.muli %rem3A_2026, %mul3A_2027 : i32
      %multiple_of3A_2029 = tpu.assume_multiple %mul3A_2028, 80 : i32
      %and3A_2030 = arith.constant 3 : i32
      %and3A_2031 = arith.andi %scan3A_2003, %and3A_2030 : i32
      %dma_start3A_2032 = arith.constant 1 : i32
      %dma_start3A_2033 = arith.constant 0 : i32
      %dma_start3A_2034 = tpu.memref_slice %arg7[%multiple_of3A_2029, %dma_start3A_2033] : memref<240x128xf32, #tpu.memory_space<vmem>> -> memref<80x128xf32, #tpu.memory_space<vmem>>
      %dma_start3A_2035 = arith.constant 0 : i32
      %dma_start3A_2036 = arith.constant 0 : i32
      %dma_start3A_2037 = tpu.memref_slice %arg6[%and3A_2031, %dma_start3A_2035, %dma_start3A_2036] : memref<4x2x80xi32, #tpu.memory_space<vmem>> -> memref<1x2x80xi32, #tpu.memory_space<vmem>>
      %dma_start3A_2038 = tpu.memref_squeeze %dma_start3A_2037 : memref<1x2x80xi32, #tpu.memory_space<vmem>> -> memref<2x80xi32, #tpu.memory_space<vmem>>
      %dma_start3A_2039 = arith.constant 0 : i32
      %dma_start3A_2040 = tpu.memref_slice %dma_start3A_2038[%dma_start3A_2032, %dma_start3A_2039] : memref<2x80xi32, #tpu.memory_space<vmem>> -> memref<1x80xi32, #tpu.memory_space<vmem>>
      %dma_start3A_2041 = tpu.memref_squeeze %dma_start3A_2040 : memref<1x80xi32, #tpu.memory_space<vmem>> -> memref<80xi32, #tpu.memory_space<vmem>>
      %dma_start3A_2042 = arith.constant 0 : i32
      %dma_start3A_2043 = arith.constant 0 : i32
      %dma_start3A_2044 = tpu.memref_slice %arg10[%dma_start3A_2042, %dma_start3A_2043] : memref<10240x128xf32, #tpu.memory_space<vmem_shared>> -> memref<10240x128xf32, #tpu.memory_space<vmem_shared>>
      tpu.enqueue_indirect_dma source(%dma_start3A_2034 : memref<80x128xf32, #tpu.memory_space<vmem>>) target(%dma_start3A_2044 : memref<10240x128xf32, #tpu.memory_space<vmem_shared>>) offsets(%dma_start3A_2041 : memref<80xi32, #tpu.memory_space<vmem>>) semaphore(%arg13 : memref<!tpu.dma_semaphore, #tpu.memory_space<semaphore_mem>>) {add = true}
      %and3A_2045 = arith.constant 3 : i32
      %and3A_2046 = arith.andi %scan3A_2003, %and3A_2045 : i32
      %get3A_2047 = arith.constant 1 : i32
      %get3A_2048 = arith.index_cast %and3A_2046 : i32 to index
      %get3A_2049 = arith.index_cast %get3A_2047 : i32 to index
      %get3A_2050 = arith.constant 0 : index
      %get3A_2051 = tpu.vector_load %arg6[%get3A_2048, %get3A_2049, %get3A_2050] {strides = array<i32>} : memref<4x2x80xi32, #tpu.memory_space<vmem>>, vector<16xi32>,
      %broadcast_in_dim3A_2052 = arith.constant true
      %broadcast_in_dim3A_2053 = vector.broadcast %broadcast_in_dim3A_2052 : i1 to vector<16xi1>
      %unique3A_2054, %unique3A_2055 = tpu.scan_count mask(%broadcast_in_dim3A_2053 : vector<16xi1>) value(%get3A_2051 : vector<16xi32>) : vector<16xi1>, vector<16xi32>
      %shift_right_logical3A_2056 = arith.constant 7 : i32
      %shift_right_logical3A_2057 = vector.broadcast %shift_right_logical3A_2056 : i32 to vector<16xi32>
      %shift_right_logical3A_2058 = arith.shrui %get3A_2051, %shift_right_logical3A_2057 : vector<16xi32>
      %and3A_2059 = arith.constant 127 : i32
      %and3A_2060 = vector.broadcast %and3A_2059 : i32 to vector<16xi32>
      %and3A_2061 = arith.andi %get3A_2051, %and3A_2060 : vector<16xi32>
      %convert_element_type3A_2062 = arith.sitofp %unique3A_2055 : vector<16xi32> to vector<16xf32>
      tpu.vector_store_idx %arg9[%shift_right_logical3A_2058, %and3A_2061], %convert_element_type3A_2062 masked %unique3A_2054 {add = true} : memref<80x128xf32, #tpu.memory_space<vmem>>[vector<16xi32>, vector<16xi32>], vector<16xf32>, vector<16xi1>
      %get3A_2063 = arith.constant 1 : i32
      %get3A_2064 = arith.index_cast %and3A_2046 : i32 to index
      %get3A_2065 = arith.index_cast %get3A_2063 : i32 to index
      %get3A_2066 = arith.constant 16 : index
      %get3A_2067 = tpu.vector_load %arg6[%get3A_2064, %get3A_2065, %get3A_2066] {strides = array<i32>} : memref<4x2x80xi32, #tpu.memory_space<vmem>>, vector<16xi32>,
      %broadcast_in_dim3A_2068 = arith.constant true
      %broadcast_in_dim3A_2069 = vector.broadcast %broadcast_in_dim3A_2068 : i1 to vector<16xi1>
      %unique3A_2070, %unique3A_2071 = tpu.scan_count mask(%broadcast_in_dim3A_2069 : vector<16xi1>) value(%get3A_2067 : vector<16xi32>) : vector<16xi1>, vector<16xi32>
      %shift_right_logical3A_2072 = arith.constant 7 : i32
      %shift_right_logical3A_2073 = vector.broadcast %shift_right_logical3A_2072 : i32 to vector<16xi32>
      %shift_right_logical3A_2074 = arith.shrui %get3A_2067, %shift_right_logical3A_2073 : vector<16xi32>
      %and3A_2075 = arith.constant 127 : i32
      %and3A_2076 = vector.broadcast %and3A_2075 : i32 to vector<16xi32>
      %and3A_2077 = arith.andi %get3A_2067, %and3A_2076 : vector<16xi32>
      %convert_element_type3A_2078 = arith.sitofp %unique3A_2071 : vector<16xi32> to vector<16xf32>
      tpu.vector_store_idx %arg9[%shift_right_logical3A_2074, %and3A_2077], %convert_element_type3A_2078 masked %unique3A_2070 {add = true} : memref<80x128xf32, #tpu.memory_space<vmem>>[vector<16xi32>, vector<16xi32>], vector<16xf32>, vector<16xi1>
      %get3A_2079 = arith.constant 1 : i32
      %get3A_2080 = arith.index_cast %and3A_2046 : i32 to index
      %get3A_2081 = arith.index_cast %get3A_2079 : i32 to index
      %get3A_2082 = arith.constant 32 : index
      %get3A_2083 = tpu.vector_load %arg6[%get3A_2080, %get3A_2081, %get3A_2082] {strides = array<i32>} : memref<4x2x80xi32, #tpu.memory_space<vmem>>, vector<16xi32>,
      %broadcast_in_dim3A_2084 = arith.constant true
      %broadcast_in_dim3A_2085 = vector.broadcast %broadcast_in_dim3A_2084 : i1 to vector<16xi1>
      %unique3A_2086, %unique3A_2087 = tpu.scan_count mask(%broadcast_in_dim3A_2085 : vector<16xi1>) value(%get3A_2083 : vector<16xi32>) : vector<16xi1>, vector<16xi32>
      %shift_right_logical3A_2088 = arith.constant 7 : i32
      %shift_right_logical3A_2089 = vector.broadcast %shift_right_logical3A_2088 : i32 to vector<16xi32>
      %shift_right_logical3A_2090 = arith.shrui %get3A_2083, %shift_right_logical3A_2089 : vector<16xi32>
      %and3A_2091 = arith.constant 127 : i32
      %and3A_2092 = vector.broadcast %and3A_2091 : i32 to vector<16xi32>
      %and3A_2093 = arith.andi %get3A_2083, %and3A_2092 : vector<16xi32>
      %convert_element_type3A_2094 = arith.sitofp %unique3A_2087 : vector<16xi32> to vector<16xf32>
      tpu.vector_store_idx %arg9[%shift_right_logical3A_2090, %and3A_2093], %convert_element_type3A_2094 masked %unique3A_2086 {add = true} : memref<80x128xf32, #tpu.memory_space<vmem>>[vector<16xi32>, vector<16xi32>], vector<16xf32>, vector<16xi1>
      %get3A_2095 = arith.constant 1 : i32
      %get3A_2096 = arith.index_cast %and3A_2046 : i32 to index
      %get3A_2097 = arith.index_cast %get3A_2095 : i32 to index
      %get3A_2098 = arith.constant 48 : index
      %get3A_2099 = tpu.vector_load %arg6[%get3A_2096, %get3A_2097, %get3A_2098] {strides = array<i32>} : memref<4x2x80xi32, #tpu.memory_space<vmem>>, vector<16xi32>,
      %broadcast_in_dim3A_2100 = arith.constant true
      %broadcast_in_dim3A_2101 = vector.broadcast %broadcast_in_dim3A_2100 : i1 to vector<16xi1>
      %unique3A_2102, %unique3A_2103 = tpu.scan_count mask(%broadcast_in_dim3A_2101 : vector<16xi1>) value(%get3A_2099 : vector<16xi32>) : vector<16xi1>, vector<16xi32>
      %shift_right_logical3A_2104 = arith.constant 7 : i32
      %shift_right_logical3A_2105 = vector.broadcast %shift_right_logical3A_2104 : i32 to vector<16xi32>
      %shift_right_logical3A_2106 = arith.shrui %get3A_2099, %shift_right_logical3A_2105 : vector<16xi32>
      %and3A_2107 = arith.constant 127 : i32
      %and3A_2108 = vector.broadcast %and3A_2107 : i32 to vector<16xi32>
      %and3A_2109 = arith.andi %get3A_2099, %and3A_2108 : vector<16xi32>
      %convert_element_type3A_2110 = arith.sitofp %unique3A_2103 : vector<16xi32> to vector<16xf32>
      tpu.vector_store_idx %arg9[%shift_right_logical3A_2106, %and3A_2109], %convert_element_type3A_2110 masked %unique3A_2102 {add = true} : memref<80x128xf32, #tpu.memory_space<vmem>>[vector<16xi32>, vector<16xi32>], vector<16xf32>, vector<16xi1>
      %get3A_2111 = arith.constant 1 : i32
      %get3A_2112 = arith.index_cast %and3A_2046 : i32 to index
      %get3A_2113 = arith.index_cast %get3A_2111 : i32 to index
      %get3A_2114 = arith.constant 64 : index
      %get3A_2115 = tpu.vector_load %arg6[%get3A_2112, %get3A_2113, %get3A_2114] {strides = array<i32>} : memref<4x2x80xi32, #tpu.memory_space<vmem>>, vector<16xi32>,
      %broadcast_in_dim3A_2116 = arith.constant true
      %broadcast_in_dim3A_2117 = vector.broadcast %broadcast_in_dim3A_2116 : i1 to vector<16xi1>
      %unique3A_2118, %unique3A_2119 = tpu.scan_count mask(%broadcast_in_dim3A_2117 : vector<16xi1>) value(%get3A_2115 : vector<16xi32>) : vector<16xi1>, vector<16xi32>
      %shift_right_logical3A_2120 = arith.constant 7 : i32
      %shift_right_logical3A_2121 = vector.broadcast %shift_right_logical3A_2120 : i32 to vector<16xi32>
      %shift_right_logical3A_2122 = arith.shrui %get3A_2115, %shift_right_logical3A_2121 : vector<16xi32>
      %and3A_2123 = arith.constant 127 : i32
      %and3A_2124 = vector.broadcast %and3A_2123 : i32 to vector<16xi32>
      %and3A_2125 = arith.andi %get3A_2115, %and3A_2124 : vector<16xi32>
      %convert_element_type3A_2126 = arith.sitofp %unique3A_2119 : vector<16xi32> to vector<16xf32>
      tpu.vector_store_idx %arg9[%shift_right_logical3A_2122, %and3A_2125], %convert_element_type3A_2126 masked %unique3A_2118 {add = true} : memref<80x128xf32, #tpu.memory_space<vmem>>[vector<16xi32>, vector<16xi32>], vector<16xf32>, vector<16xi1>
      %add3A_2127 = arith.constant 4 : i32
      %add3A_2128 = arith.addi %scan3A_2003, %add3A_2127 : i32
      %lt3A = arith.constant 125 : i32
      %lt3A_2129 = arith.cmpi slt, %add3A_2128, %lt3A : i32
      %convert_element_type3A_2130 = arith.extui %lt3A_2129 : i1 to i32
      %cond3A = arith.constant 0 : i32
      %cond3A_2131 = arith.cmpi ne, %convert_element_type3A_2130, %cond3A : i32
      scf.if %cond3A_2131 {
        %add3A_2228 = arith.constant 4 : i32
        %add3A_2229 = arith.addi %scan3A_2003, %add3A_2228 : i32
        %add3A_2230 = arith.addi %mul3A_2, %add3A_2229 : i32
        %and3A_2231 = arith.constant 3 : i32
        %and3A_2232 = arith.andi %add3A_2229, %and3A_2231 : i32
        %dma_start3A_2233 = arith.constant 0 : i32
        %dma_start3A_2234 = arith.constant 0 : i32
        %dma_start3A_2235 = arith.constant 0 : i32
        %dma_start3A_2236 = arith.constant 0 : i32
        %dma_start3A_2237 = tpu.memref_slice %arg6[%and3A_2232, %dma_start3A_2235, %dma_start3A_2236] : memref<4x2x80xi32, #tpu.memory_space<vmem>> -> memref<1x2x80xi32, #tpu.memory_space<vmem>>
        %dma_start3A_2238 = tpu.memref_squeeze %dma_start3A_2237 : memref<1x2x80xi32, #tpu.memory_space<vmem>> -> memref<2x80xi32, #tpu.memory_space<vmem>>
        %dma_start3A_2239 = arith.constant 0 : i32
        %dma_start3A_2240 = tpu.memref_slice %dma_start3A_2238[%dma_start3A_2234, %dma_start3A_2239] : memref<2x80xi32, #tpu.memory_space<vmem>> -> memref<1x80xi32, #tpu.memory_space<vmem>>
        %dma_start3A_2241 = tpu.memref_squeeze %dma_start3A_2240 : memref<1x80xi32, #tpu.memory_space<vmem>> -> memref<80xi32, #tpu.memory_space<vmem>>
        %dma_start3A_2242 = arith.constant 0 : i32
        %dma_start3A_2243 = tpu.memref_slice %arg3[%dma_start3A_2233, %add3A_2230, %dma_start3A_2242] : memref<2x4000x80xi32, #tpu.memory_space<hbm>> -> memref<1x1x80xi32, #tpu.memory_space<hbm>>
        %dma_start3A_2244 = tpu.memref_squeeze %dma_start3A_2243 : memref<1x1x80xi32, #tpu.memory_space<hbm>> -> memref<80xi32, #tpu.memory_space<hbm>>
        %dma_start3A_2245 = arith.constant 0 : i32
        %dma_start3A_2246 = arith.constant 0 : i32
        %dma_start3A_2247 = tpu.memref_slice %arg6[%and3A_2232, %dma_start3A_2245, %dma_start3A_2246] : memref<4x2x80xi32, #tpu.memory_space<vmem>> -> memref<1x2x80xi32, #tpu.memory_space<vmem>>
        %dma_start3A_2248 = tpu.memref_squeeze %dma_start3A_2247 : memref<1x2x80xi32, #tpu.memory_space<vmem>> -> memref<2x80xi32, #tpu.memory_space<vmem>>
        %dma_start3A_2249 = arith.constant 0 : i32
        %dma_start3A_2250 = tpu.memref_slice %dma_start3A_2248[%dma_start3A_2234, %dma_start3A_2249] : memref<2x80xi32, #tpu.memory_space<vmem>> -> memref<1x80xi32, #tpu.memory_space<vmem>>
        %dma_start3A_2251 = tpu.memref_squeeze %dma_start3A_2250 : memref<1x80xi32, #tpu.memory_space<vmem>> -> memref<80xi32, #tpu.memory_space<vmem>>
        %dma_start3A_2252 = arith.constant 0 : i32
        %dma_start3A_2253 = tpu.memref_slice %arg3[%dma_start3A_2233, %add3A_2230, %dma_start3A_2252] : memref<2x4000x80xi32, #tpu.memory_space<hbm>> -> memref<1x1x80xi32, #tpu.memory_space<hbm>>
        %dma_start3A_2254 = tpu.memref_squeeze %dma_start3A_2253 : memref<1x1x80xi32, #tpu.memory_space<hbm>> -> memref<80xi32, #tpu.memory_space<hbm>>
        tpu.enqueue_dma source(%dma_start3A_2254 : memref<80xi32, #tpu.memory_space<hbm>>) target(%dma_start3A_2251 : memref<80xi32, #tpu.memory_space<vmem>>) target_semaphore(%arg11 : memref<!tpu.dma_semaphore, #tpu.memory_space<semaphore_mem>>)
        %add3A_2255 = arith.addi %mul3A_2, %add3A_2229 : i32
        %and3A_2256 = arith.constant 3 : i32
        %and3A_2257 = arith.andi %add3A_2229, %and3A_2256 : i32
        %dma_start3A_2258 = arith.constant 1 : i32
        %dma_start3A_2259 = arith.constant 1 : i32
        %dma_start3A_2260 = arith.constant 0 : i32
        %dma_start3A_2261 = arith.constant 0 : i32
        %dma_start3A_2262 = tpu.memref_slice %arg6[%and3A_2257, %dma_start3A_2260, %dma_start3A_2261] : memref<4x2x80xi32, #tpu.memory_space<vmem>> -> memref<1x2x80xi32, #tpu.memory_space<vmem>>
        %dma_start3A_2263 = tpu.memref_squeeze %dma_start3A_2262 : memref<1x2x80xi32, #tpu.memory_space<vmem>> -> memref<2x80xi32, #tpu.memory_space<vmem>>
        %dma_start3A_2264 = arith.constant 0 : i32
        %dma_start3A_2265 = tpu.memref_slice %dma_start3A_2263[%dma_start3A_2259, %dma_start3A_2264] : memref<2x80xi32, #tpu.memory_space<vmem>> -> memref<1x80xi32, #tpu.memory_space<vmem>>
        %dma_start3A_2266 = tpu.memref_squeeze %dma_start3A_2265 : memref<1x80xi32, #tpu.memory_space<vmem>> -> memref<80xi32, #tpu.memory_space<vmem>>
        %dma_start3A_2267 = arith.constant 0 : i32
        %dma_start3A_2268 = tpu.memref_slice %arg3[%dma_start3A_2258, %add3A_2255, %dma_start3A_2267] : memref<2x4000x80xi32, #tpu.memory_space<hbm>> -> memref<1x1x80xi32, #tpu.memory_space<hbm>>
        %dma_start3A_2269 = tpu.memref_squeeze %dma_start3A_2268 : memref<1x1x80xi32, #tpu.memory_space<hbm>> -> memref<80xi32, #tpu.memory_space<hbm>>
        %dma_start3A_2270 = arith.constant 0 : i32
        %dma_start3A_2271 = arith.constant 0 : i32
        %dma_start3A_2272 = tpu.memref_slice %arg6[%and3A_2257, %dma_start3A_2270, %dma_start3A_2271] : memref<4x2x80xi32, #tpu.memory_space<vmem>> -> memref<1x2x80xi32, #tpu.memory_space<vmem>>
        %dma_start3A_2273 = tpu.memref_squeeze %dma_start3A_2272 : memref<1x2x80xi32, #tpu.memory_space<vmem>> -> memref<2x80xi32, #tpu.memory_space<vmem>>
        %dma_start3A_2274 = arith.constant 0 : i32
        %dma_start3A_2275 = tpu.memref_slice %dma_start3A_2273[%dma_start3A_2259, %dma_start3A_2274] : memref<2x80xi32, #tpu.memory_space<vmem>> -> memref<1x80xi32, #tpu.memory_space<vmem>>
        %dma_start3A_2276 = tpu.memref_squeeze %dma_start3A_2275 : memref<1x80xi32, #tpu.memory_space<vmem>> -> memref<80xi32, #tpu.memory_space<vmem>>
        %dma_start3A_2277 = arith.constant 0 : i32
        %dma_start3A_2278 = tpu.memref_slice %arg3[%dma_start3A_2258, %add3A_2255, %dma_start3A_2277] : memref<2x4000x80xi32, #tpu.memory_space<hbm>> -> memref<1x1x80xi32, #tpu.memory_space<hbm>>
        %dma_start3A_2279 = tpu.memref_squeeze %dma_start3A_2278 : memref<1x1x80xi32, #tpu.memory_space<hbm>> -> memref<80xi32, #tpu.memory_space<hbm>>
        tpu.enqueue_dma source(%dma_start3A_2279 : memref<80xi32, #tpu.memory_space<hbm>>) target(%dma_start3A_2276 : memref<80xi32, #tpu.memory_space<vmem>>) target_semaphore(%arg11 : memref<!tpu.dma_semaphore, #tpu.memory_space<semaphore_mem>>)
      } else {
      }
      %sub3A = arith.constant 1 : i32
      %sub3A_2132 = arith.subi %scan3A_2003, %sub3A : i32
      %rem3A_2133 = arith.constant 3 : i32
      %rem3A_2134 = arith.remsi %sub3A_2132, %rem3A_2133 : i32
      %mul3A_2135 = arith.constant 80 : i32
      %mul3A_2136 = arith.muli %rem3A_2134, %mul3A_2135 : i32
      %multiple_of3A_2137 = tpu.assume_multiple %mul3A_2136, 80 : i32
      %and3A_2138 = arith.constant 3 : i32
      %and3A_2139 = arith.andi %sub3A_2132, %and3A_2138 : i32
      %dma_wait3A_2140 = arith.constant 1 : i32
      %dma_wait3A_2141 = arith.constant 0 : i32
      %dma_wait3A_2142 = tpu.memref_slice %arg7[%multiple_of3A_2137, %dma_wait3A_2141] : memref<240x128xf32, #tpu.memory_space<vmem>> -> memref<80x128xf32, #tpu.memory_space<vmem>>
      %dma_wait3A_2143 = arith.constant 0 : i32
      %dma_wait3A_2144 = arith.constant 0 : i32
      %dma_wait3A_2145 = tpu.memref_slice %arg6[%and3A_2139, %dma_wait3A_2143, %dma_wait3A_2144] : memref<4x2x80xi32, #tpu.memory_space<vmem>> -> memref<1x2x80xi32, #tpu.memory_space<vmem>>
      %dma_wait3A_2146 = tpu.memref_squeeze %dma_wait3A_2145 : memref<1x2x80xi32, #tpu.memory_space<vmem>> -> memref<2x80xi32, #tpu.memory_space<vmem>>
      %dma_wait3A_2147 = arith.constant 0 : i32
      %dma_wait3A_2148 = tpu.memref_slice %dma_wait3A_2146[%dma_wait3A_2140, %dma_wait3A_2147] : memref<2x80xi32, #tpu.memory_space<vmem>> -> memref<1x80xi32, #tpu.memory_space<vmem>>
      %dma_wait3A_2149 = tpu.memref_squeeze %dma_wait3A_2148 : memref<1x80xi32, #tpu.memory_space<vmem>> -> memref<80xi32, #tpu.memory_space<vmem>>
      %dma_wait3A_2150 = arith.constant 0 : i32
      %dma_wait3A_2151 = arith.constant 0 : i32
      %dma_wait3A_2152 = tpu.memref_slice %arg10[%dma_wait3A_2150, %dma_wait3A_2151] : memref<10240x128xf32, #tpu.memory_space<vmem_shared>> -> memref<10240x128xf32, #tpu.memory_space<vmem_shared>>
      tpu.wait_indirect_dma semaphore(%arg13 : memref<!tpu.dma_semaphore, #tpu.memory_space<semaphore_mem>>) src(%dma_wait3A_2142 : memref<80x128xf32, #tpu.memory_space<vmem>>) dst(%dma_wait3A_2152 : memref<10240x128xf32, #tpu.memory_space<vmem_shared>>)
      %add3A_2153 = arith.constant 2 : i32
      %add3A_2154 = arith.addi %scan3A_2003, %add3A_2153 : i32
      %add3A_2155 = arith.addi %mul3A_2, %add3A_2154 : i32
      %and3A_2156 = arith.constant 3 : i32
      %and3A_2157 = arith.andi %add3A_2154, %and3A_2156 : i32
      %dma_wait3A_2158 = arith.constant 0 : i32
      %dma_wait3A_2159 = arith.constant 0 : i32
      %dma_wait3A_2160 = arith.constant 0 : i32
      %dma_wait3A_2161 = arith.constant 0 : i32
      %dma_wait3A_2162 = tpu.memref_slice %arg6[%and3A_2157, %dma_wait3A_2160, %dma_wait3A_2161] : memref<4x2x80xi32, #tpu.memory_space<vmem>> -> memref<1x2x80xi32, #tpu.memory_space<vmem>>
      %dma_wait3A_2163 = tpu.memref_squeeze %dma_wait3A_2162 : memref<1x2x80xi32, #tpu.memory_space<vmem>> -> memref<2x80xi32, #tpu.memory_space<vmem>>
      %dma_wait3A_2164 = arith.constant 0 : i32
      %dma_wait3A_2165 = tpu.memref_slice %dma_wait3A_2163[%dma_wait3A_2159, %dma_wait3A_2164] : memref<2x80xi32, #tpu.memory_space<vmem>> -> memref<1x80xi32, #tpu.memory_space<vmem>>
      %dma_wait3A_2166 = tpu.memref_squeeze %dma_wait3A_2165 : memref<1x80xi32, #tpu.memory_space<vmem>> -> memref<80xi32, #tpu.memory_space<vmem>>
      %dma_wait3A_2167 = arith.constant 0 : i32
      %dma_wait3A_2168 = tpu.memref_slice %arg3[%dma_wait3A_2158, %add3A_2155, %dma_wait3A_2167] : memref<2x4000x80xi32, #tpu.memory_space<hbm>> -> memref<1x1x80xi32, #tpu.memory_space<hbm>>
      %dma_wait3A_2169 = tpu.memref_squeeze %dma_wait3A_2168 : memref<1x1x80xi32, #tpu.memory_space<hbm>> -> memref<80xi32, #tpu.memory_space<hbm>>
      %dma_wait3A_2170 = arith.constant 0 : i32
      %dma_wait3A_2171 = arith.constant 0 : i32
      %dma_wait3A_2172 = tpu.memref_slice %arg6[%and3A_2157, %dma_wait3A_2170, %dma_wait3A_2171] : memref<4x2x80xi32, #tpu.memory_space<vmem>> -> memref<1x2x80xi32, #tpu.memory_space<vmem>>
      %dma_wait3A_2173 = tpu.memref_squeeze %dma_wait3A_2172 : memref<1x2x80xi32, #tpu.memory_space<vmem>> -> memref<2x80xi32, #tpu.memory_space<vmem>>
      %dma_wait3A_2174 = arith.constant 0 : i32
      %dma_wait3A_2175 = tpu.memref_slice %dma_wait3A_2173[%dma_wait3A_2159, %dma_wait3A_2174] : memref<2x80xi32, #tpu.memory_space<vmem>> -> memref<1x80xi32, #tpu.memory_space<vmem>>
      %dma_wait3A_2176 = tpu.memref_squeeze %dma_wait3A_2175 : memref<1x80xi32, #tpu.memory_space<vmem>> -> memref<80xi32, #tpu.memory_space<vmem>>
      %dma_wait3A_2177 = arith.constant 0 : i32
      %dma_wait3A_2178 = tpu.memref_slice %arg3[%dma_wait3A_2158, %add3A_2155, %dma_wait3A_2177] : memref<2x4000x80xi32, #tpu.memory_space<hbm>> -> memref<1x1x80xi32, #tpu.memory_space<hbm>>
      %dma_wait3A_2179 = tpu.memref_squeeze %dma_wait3A_2178 : memref<1x1x80xi32, #tpu.memory_space<hbm>> -> memref<80xi32, #tpu.memory_space<hbm>>
      tpu.wait_dma2 semaphore(%arg11 : memref<!tpu.dma_semaphore, #tpu.memory_space<semaphore_mem>>) src(%dma_wait3A_2179 : memref<80xi32, #tpu.memory_space<hbm>>) dst(%dma_wait3A_2176 : memref<80xi32, #tpu.memory_space<vmem>>)
      %add3A_2180 = arith.addi %mul3A_2, %add3A_2154 : i32
      %and3A_2181 = arith.constant 3 : i32
      %and3A_2182 = arith.andi %add3A_2154, %and3A_2181 : i32
      %dma_wait3A_2183 = arith.constant 1 : i32
      %dma_wait3A_2184 = arith.constant 1 : i32
      %dma_wait3A_2185 = arith.constant 0 : i32
      %dma_wait3A_2186 = arith.constant 0 : i32
      %dma_wait3A_2187 = tpu.memref_slice %arg6[%and3A_2182, %dma_wait3A_2185, %dma_wait3A_2186] : memref<4x2x80xi32, #tpu.memory_space<vmem>> -> memref<1x2x80xi32, #tpu.memory_space<vmem>>
      %dma_wait3A_2188 = tpu.memref_squeeze %dma_wait3A_2187 : memref<1x2x80xi32, #tpu.memory_space<vmem>> -> memref<2x80xi32, #tpu.memory_space<vmem>>
      %dma_wait3A_2189 = arith.constant 0 : i32
      %dma_wait3A_2190 = tpu.memref_slice %dma_wait3A_2188[%dma_wait3A_2184, %dma_wait3A_2189] : memref<2x80xi32, #tpu.memory_space<vmem>> -> memref<1x80xi32, #tpu.memory_space<vmem>>
      %dma_wait3A_2191 = tpu.memref_squeeze %dma_wait3A_2190 : memref<1x80xi32, #tpu.memory_space<vmem>> -> memref<80xi32, #tpu.memory_space<vmem>>
      %dma_wait3A_2192 = arith.constant 0 : i32
      %dma_wait3A_2193 = tpu.memref_slice %arg3[%dma_wait3A_2183, %add3A_2180, %dma_wait3A_2192] : memref<2x4000x80xi32, #tpu.memory_space<hbm>> -> memref<1x1x80xi32, #tpu.memory_space<hbm>>
      %dma_wait3A_2194 = tpu.memref_squeeze %dma_wait3A_2193 : memref<1x1x80xi32, #tpu.memory_space<hbm>> -> memref<80xi32, #tpu.memory_space<hbm>>
      %dma_wait3A_2195 = arith.constant 0 : i32
      %dma_wait3A_2196 = arith.constant 0 : i32
      %dma_wait3A_2197 = tpu.memref_slice %arg6[%and3A_2182, %dma_wait3A_2195, %dma_wait3A_2196] : memref<4x2x80xi32, #tpu.memory_space<vmem>> -> memref<1x2x80xi32, #tpu.memory_space<vmem>>
      %dma_wait3A_2198 = tpu.memref_squeeze %dma_wait3A_2197 : memref<1x2x80xi32, #tpu.memory_space<vmem>> -> memref<2x80xi32, #tpu.memory_space<vmem>>
      %dma_wait3A_2199 = arith.constant 0 : i32
      %dma_wait3A_2200 = tpu.memref_slice %dma_wait3A_2198[%dma_wait3A_2184, %dma_wait3A_2199] : memref<2x80xi32, #tpu.memory_space<vmem>> -> memref<1x80xi32, #tpu.memory_space<vmem>>
      %dma_wait3A_2201 = tpu.memref_squeeze %dma_wait3A_2200 : memref<1x80xi32, #tpu.memory_space<vmem>> -> memref<80xi32, #tpu.memory_space<vmem>>
      %dma_wait3A_2202 = arith.constant 0 : i32
      %dma_wait3A_2203 = tpu.memref_slice %arg3[%dma_wait3A_2183, %add3A_2180, %dma_wait3A_2202] : memref<2x4000x80xi32, #tpu.memory_space<hbm>> -> memref<1x1x80xi32, #tpu.memory_space<hbm>>
      %dma_wait3A_2204 = tpu.memref_squeeze %dma_wait3A_2203 : memref<1x1x80xi32, #tpu.memory_space<hbm>> -> memref<80xi32, #tpu.memory_space<hbm>>
      tpu.wait_dma2 semaphore(%arg11 : memref<!tpu.dma_semaphore, #tpu.memory_space<semaphore_mem>>) src(%dma_wait3A_2204 : memref<80xi32, #tpu.memory_space<hbm>>) dst(%dma_wait3A_2201 : memref<80xi32, #tpu.memory_space<vmem>>)
      %add3A_2205 = arith.constant 2 : i32
      %add3A_2206 = arith.addi %scan3A_2003, %add3A_2205 : i32
      %and3A_2207 = arith.constant 3 : i32
      %and3A_2208 = arith.andi %add3A_2206, %and3A_2207 : i32
      %rem3A_2209 = arith.constant 3 : i32
      %rem3A_2210 = arith.remsi %add3A_2206, %rem3A_2209 : i32
      %mul3A_2211 = arith.constant 80 : i32
      %mul3A_2212 = arith.muli %rem3A_2210, %mul3A_2211 : i32
      %multiple_of3A_2213 = tpu.assume_multiple %mul3A_2212, 80 : i32
      %dma_start3A_2214 = arith.constant 0 : i32
      %dma_start3A_2215 = arith.constant 0 : i32
      %dma_start3A_2216 = tpu.memref_slice %arg7[%multiple_of3A_2213, %dma_start3A_2215] : memref<240x128xf32, #tpu.memory_space<vmem>> -> memref<80x128xf32, #tpu.memory_space<vmem>>
      %dma_start3A_2217 = arith.constant 0 : i32
      %dma_start3A_2218 = arith.constant 0 : i32
      %dma_start3A_2219 = tpu.memref_slice %arg6[%and3A_2208, %dma_start3A_2217, %dma_start3A_2218] : memref<4x2x80xi32, #tpu.memory_space<vmem>> -> memref<1x2x80xi32, #tpu.memory_space<vmem>>
      %dma_start3A_2220 = tpu.memref_squeeze %dma_start3A_2219 : memref<1x2x80xi32, #tpu.memory_space<vmem>> -> memref<2x80xi32, #tpu.memory_space<vmem>>
      %dma_start3A_2221 = arith.constant 0 : i32
      %dma_start3A_2222 = tpu.memref_slice %dma_start3A_2220[%dma_start3A_2214, %dma_start3A_2221] : memref<2x80xi32, #tpu.memory_space<vmem>> -> memref<1x80xi32, #tpu.memory_space<vmem>>
      %dma_start3A_2223 = tpu.memref_squeeze %dma_start3A_2222 : memref<1x80xi32, #tpu.memory_space<vmem>> -> memref<80xi32, #tpu.memory_space<vmem>>
      %dma_start3A_2224 = arith.constant 0 : i32
      %dma_start3A_2225 = arith.constant 0 : i32
      %dma_start3A_2226 = tpu.memref_slice %arg2[%dma_start3A_2224, %dma_start3A_2225] : memref<10000x128xf32, #tpu.memory_space<hbm>> -> memref<10000x128xf32, #tpu.memory_space<hbm>>
      tpu.enqueue_indirect_dma source(%dma_start3A_2226 : memref<10000x128xf32, #tpu.memory_space<hbm>>) target(%dma_start3A_2216 : memref<80x128xf32, #tpu.memory_space<vmem>>) offsets(%dma_start3A_2223 : memref<80xi32, #tpu.memory_space<vmem>>) semaphore(%arg12 : memref<!tpu.dma_semaphore, #tpu.memory_space<semaphore_mem>>)
      %scan3A_2227 = arith.constant 0 : i32
      scf.yield %scan3A_2227 : i32
    }
    %scan3A_1121 = arith.constant 122 : i32
    %and3A_1122 = arith.constant 123 : i32
    %and3A_1123 = arith.constant 3 : i32
    %and3A_1124 = arith.andi %and3A_1122, %and3A_1123 : i32
    %rem3A_1125 = arith.constant 123 : i32
    %rem3A_1126 = arith.constant 3 : i32
    %rem3A_1127 = arith.remsi %rem3A_1125, %rem3A_1126 : i32
    %mul3A_1128 = arith.constant 80 : i32
    %mul3A_1129 = arith.muli %rem3A_1127, %mul3A_1128 : i32
    %multiple_of3A_1130 = tpu.assume_multiple %mul3A_1129, 80 : i32
    %dma_wait3A_1131 = arith.constant 0 : i32
    %dma_wait3A_1132 = arith.constant 0 : i32
    %dma_wait3A_1133 = tpu.memref_slice %arg7[%multiple_of3A_1130, %dma_wait3A_1132] : memref<240x128xf32, #tpu.memory_space<vmem>> -> memref<80x128xf32, #tpu.memory_space<vmem>>
    %dma_wait3A_1134 = arith.constant 0 : i32
    %dma_wait3A_1135 = arith.constant 0 : i32
    %dma_wait3A_1136 = tpu.memref_slice %arg6[%and3A_1124, %dma_wait3A_1134, %dma_wait3A_1135] : memref<4x2x80xi32, #tpu.memory_space<vmem>> -> memref<1x2x80xi32, #tpu.memory_space<vmem>>
    %dma_wait3A_1137 = tpu.memref_squeeze %dma_wait3A_1136 : memref<1x2x80xi32, #tpu.memory_space<vmem>> -> memref<2x80xi32, #tpu.memory_space<vmem>>
    %dma_wait3A_1138 = arith.constant 0 : i32
    %dma_wait3A_1139 = tpu.memref_slice %dma_wait3A_1137[%dma_wait3A_1131, %dma_wait3A_1138] : memref<2x80xi32, #tpu.memory_space<vmem>> -> memref<1x80xi32, #tpu.memory_space<vmem>>
    %dma_wait3A_1140 = tpu.memref_squeeze %dma_wait3A_1139 : memref<1x80xi32, #tpu.memory_space<vmem>> -> memref<80xi32, #tpu.memory_space<vmem>>
    %dma_wait3A_1141 = arith.constant 0 : i32
    %dma_wait3A_1142 = arith.constant 0 : i32
    %dma_wait3A_1143 = tpu.memref_slice %arg2[%dma_wait3A_1141, %dma_wait3A_1142] : memref<10000x128xf32, #tpu.memory_space<hbm>> -> memref<10000x128xf32, #tpu.memory_space<hbm>>
    tpu.wait_indirect_dma semaphore(%arg12 : memref<!tpu.dma_semaphore, #tpu.memory_space<semaphore_mem>>) src(%dma_wait3A_1143 : memref<10000x128xf32, #tpu.memory_space<hbm>>) dst(%dma_wait3A_1133 : memref<80x128xf32, #tpu.memory_space<vmem>>)
    %rem3A_1144 = arith.constant 123 : i32
    %rem3A_1145 = arith.constant 3 : i32
    %rem3A_1146 = arith.remsi %rem3A_1144, %rem3A_1145 : i32
    %mul3A_1147 = arith.constant 80 : i32
    %mul3A_1148 = arith.muli %rem3A_1146, %mul3A_1147 : i32
    %multiple_of3A_1149 = tpu.assume_multiple %mul3A_1148, 80 : i32
    %and3A_1150 = arith.constant 123 : i32
    %and3A_1151 = arith.constant 3 : i32
    %and3A_1152 = arith.andi %and3A_1150, %and3A_1151 : i32
    %dma_start3A_1153 = arith.constant 1 : i32
    %dma_start3A_1154 = arith.constant 0 : i32
    %dma_start3A_1155 = tpu.memref_slice %arg7[%multiple_of3A_1149, %dma_start3A_1154] : memref<240x128xf32, #tpu.memory_space<vmem>> -> memref<80x128xf32, #tpu.memory_space<vmem>>
    %dma_start3A_1156 = arith.constant 0 : i32
    %dma_start3A_1157 = arith.constant 0 : i32
    %dma_start3A_1158 = tpu.memref_slice %arg6[%and3A_1152, %dma_start3A_1156, %dma_start3A_1157] : memref<4x2x80xi32, #tpu.memory_space<vmem>> -> memref<1x2x80xi32, #tpu.memory_space<vmem>>
    %dma_start3A_1159 = tpu.memref_squeeze %dma_start3A_1158 : memref<1x2x80xi32, #tpu.memory_space<vmem>> -> memref<2x80xi32, #tpu.memory_space<vmem>>
    %dma_start3A_1160 = arith.constant 0 : i32
    %dma_start3A_1161 = tpu.memref_slice %dma_start3A_1159[%dma_start3A_1153, %dma_start3A_1160] : memref<2x80xi32, #tpu.memory_space<vmem>> -> memref<1x80xi32, #tpu.memory_space<vmem>>
    %dma_start3A_1162 = tpu.memref_squeeze %dma_start3A_1161 : memref<1x80xi32, #tpu.memory_space<vmem>> -> memref<80xi32, #tpu.memory_space<vmem>>
    %dma_start3A_1163 = arith.constant 0 : i32
    %dma_start3A_1164 = arith.constant 0 : i32
    %dma_start3A_1165 = tpu.memref_slice %arg10[%dma_start3A_1163, %dma_start3A_1164] : memref<10240x128xf32, #tpu.memory_space<vmem_shared>> -> memref<10240x128xf32, #tpu.memory_space<vmem_shared>>
    tpu.enqueue_indirect_dma source(%dma_start3A_1155 : memref<80x128xf32, #tpu.memory_space<vmem>>) target(%dma_start3A_1165 : memref<10240x128xf32, #tpu.memory_space<vmem_shared>>) offsets(%dma_start3A_1162 : memref<80xi32, #tpu.memory_space<vmem>>) semaphore(%arg13 : memref<!tpu.dma_semaphore, #tpu.memory_space<semaphore_mem>>) {add = true}
    %and3A_1166 = arith.constant 123 : i32
    %and3A_1167 = arith.constant 3 : i32
    %and3A_1168 = arith.andi %and3A_1166, %and3A_1167 : i32
    %get3A_1169 = arith.constant 1 : i32
    %get3A_1170 = arith.index_cast %and3A_1168 : i32 to index
    %get3A_1171 = arith.index_cast %get3A_1169 : i32 to index
    %get3A_1172 = arith.constant 0 : index
    %get3A_1173 = tpu.vector_load %arg6[%get3A_1170, %get3A_1171, %get3A_1172] {strides = array<i32>} : memref<4x2x80xi32, #tpu.memory_space<vmem>>, vector<16xi32>,
    %broadcast_in_dim3A_1174 = arith.constant true
    %broadcast_in_dim3A_1175 = vector.broadcast %broadcast_in_dim3A_1174 : i1 to vector<16xi1>
    %unique3A_1176, %unique3A_1177 = tpu.scan_count mask(%broadcast_in_dim3A_1175 : vector<16xi1>) value(%get3A_1173 : vector<16xi32>) : vector<16xi1>, vector<16xi32>
    %shift_right_logical3A_1178 = arith.constant 7 : i32
    %shift_right_logical3A_1179 = vector.broadcast %shift_right_logical3A_1178 : i32 to vector<16xi32>
    %shift_right_logical3A_1180 = arith.shrui %get3A_1173, %shift_right_logical3A_1179 : vector<16xi32>
    %and3A_1181 = arith.constant 127 : i32
    %and3A_1182 = vector.broadcast %and3A_1181 : i32 to vector<16xi32>
    %and3A_1183 = arith.andi %get3A_1173, %and3A_1182 : vector<16xi32>
    %convert_element_type3A_1184 = arith.sitofp %unique3A_1177 : vector<16xi32> to vector<16xf32>
    tpu.vector_store_idx %arg9[%shift_right_logical3A_1180, %and3A_1183], %convert_element_type3A_1184 masked %unique3A_1176 {add = true} : memref<80x128xf32, #tpu.memory_space<vmem>>[vector<16xi32>, vector<16xi32>], vector<16xf32>, vector<16xi1>
    %get3A_1185 = arith.constant 1 : i32
    %get3A_1186 = arith.index_cast %and3A_1168 : i32 to index
    %get3A_1187 = arith.index_cast %get3A_1185 : i32 to index
    %get3A_1188 = arith.constant 16 : index
    %get3A_1189 = tpu.vector_load %arg6[%get3A_1186, %get3A_1187, %get3A_1188] {strides = array<i32>} : memref<4x2x80xi32, #tpu.memory_space<vmem>>, vector<16xi32>,
    %broadcast_in_dim3A_1190 = arith.constant true
    %broadcast_in_dim3A_1191 = vector.broadcast %broadcast_in_dim3A_1190 : i1 to vector<16xi1>
    %unique3A_1192, %unique3A_1193 = tpu.scan_count mask(%broadcast_in_dim3A_1191 : vector<16xi1>) value(%get3A_1189 : vector<16xi32>) : vector<16xi1>, vector<16xi32>
    %shift_right_logical3A_1194 = arith.constant 7 : i32
    %shift_right_logical3A_1195 = vector.broadcast %shift_right_logical3A_1194 : i32 to vector<16xi32>
    %shift_right_logical3A_1196 = arith.shrui %get3A_1189, %shift_right_logical3A_1195 : vector<16xi32>
    %and3A_1197 = arith.constant 127 : i32
    %and3A_1198 = vector.broadcast %and3A_1197 : i32 to vector<16xi32>
    %and3A_1199 = arith.andi %get3A_1189, %and3A_1198 : vector<16xi32>
    %convert_element_type3A_1200 = arith.sitofp %unique3A_1193 : vector<16xi32> to vector<16xf32>
    tpu.vector_store_idx %arg9[%shift_right_logical3A_1196, %and3A_1199], %convert_element_type3A_1200 masked %unique3A_1192 {add = true} : memref<80x128xf32, #tpu.memory_space<vmem>>[vector<16xi32>, vector<16xi32>], vector<16xf32>, vector<16xi1>
    %get3A_1201 = arith.constant 1 : i32
    %get3A_1202 = arith.index_cast %and3A_1168 : i32 to index
    %get3A_1203 = arith.index_cast %get3A_1201 : i32 to index
    %get3A_1204 = arith.constant 32 : index
    %get3A_1205 = tpu.vector_load %arg6[%get3A_1202, %get3A_1203, %get3A_1204] {strides = array<i32>} : memref<4x2x80xi32, #tpu.memory_space<vmem>>, vector<16xi32>,
    %broadcast_in_dim3A_1206 = arith.constant true
    %broadcast_in_dim3A_1207 = vector.broadcast %broadcast_in_dim3A_1206 : i1 to vector<16xi1>
    %unique3A_1208, %unique3A_1209 = tpu.scan_count mask(%broadcast_in_dim3A_1207 : vector<16xi1>) value(%get3A_1205 : vector<16xi32>) : vector<16xi1>, vector<16xi32>
    %shift_right_logical3A_1210 = arith.constant 7 : i32
    %shift_right_logical3A_1211 = vector.broadcast %shift_right_logical3A_1210 : i32 to vector<16xi32>
    %shift_right_logical3A_1212 = arith.shrui %get3A_1205, %shift_right_logical3A_1211 : vector<16xi32>
    %and3A_1213 = arith.constant 127 : i32
    %and3A_1214 = vector.broadcast %and3A_1213 : i32 to vector<16xi32>
    %and3A_1215 = arith.andi %get3A_1205, %and3A_1214 : vector<16xi32>
    %convert_element_type3A_1216 = arith.sitofp %unique3A_1209 : vector<16xi32> to vector<16xf32>
    tpu.vector_store_idx %arg9[%shift_right_logical3A_1212, %and3A_1215], %convert_element_type3A_1216 masked %unique3A_1208 {add = true} : memref<80x128xf32, #tpu.memory_space<vmem>>[vector<16xi32>, vector<16xi32>], vector<16xf32>, vector<16xi1>
    %get3A_1217 = arith.constant 1 : i32
    %get3A_1218 = arith.index_cast %and3A_1168 : i32 to index
    %get3A_1219 = arith.index_cast %get3A_1217 : i32 to index
    %get3A_1220 = arith.constant 48 : index
    %get3A_1221 = tpu.vector_load %arg6[%get3A_1218, %get3A_1219, %get3A_1220] {strides = array<i32>} : memref<4x2x80xi32, #tpu.memory_space<vmem>>, vector<16xi32>,
    %broadcast_in_dim3A_1222 = arith.constant true
    %broadcast_in_dim3A_1223 = vector.broadcast %broadcast_in_dim3A_1222 : i1 to vector<16xi1>
    %unique3A_1224, %unique3A_1225 = tpu.scan_count mask(%broadcast_in_dim3A_1223 : vector<16xi1>) value(%get3A_1221 : vector<16xi32>) : vector<16xi1>, vector<16xi32>
    %shift_right_logical3A_1226 = arith.constant 7 : i32
    %shift_right_logical3A_1227 = vector.broadcast %shift_right_logical3A_1226 : i32 to vector<16xi32>
    %shift_right_logical3A_1228 = arith.shrui %get3A_1221, %shift_right_logical3A_1227 : vector<16xi32>
    %and3A_1229 = arith.constant 127 : i32
    %and3A_1230 = vector.broadcast %and3A_1229 : i32 to vector<16xi32>
    %and3A_1231 = arith.andi %get3A_1221, %and3A_1230 : vector<16xi32>
    %convert_element_type3A_1232 = arith.sitofp %unique3A_1225 : vector<16xi32> to vector<16xf32>
    tpu.vector_store_idx %arg9[%shift_right_logical3A_1228, %and3A_1231], %convert_element_type3A_1232 masked %unique3A_1224 {add = true} : memref<80x128xf32, #tpu.memory_space<vmem>>[vector<16xi32>, vector<16xi32>], vector<16xf32>, vector<16xi1>
    %get3A_1233 = arith.constant 1 : i32
    %get3A_1234 = arith.index_cast %and3A_1168 : i32 to index
    %get3A_1235 = arith.index_cast %get3A_1233 : i32 to index
    %get3A_1236 = arith.constant 64 : index
    %get3A_1237 = tpu.vector_load %arg6[%get3A_1234, %get3A_1235, %get3A_1236] {strides = array<i32>} : memref<4x2x80xi32, #tpu.memory_space<vmem>>, vector<16xi32>,
    %broadcast_in_dim3A_1238 = arith.constant true
    %broadcast_in_dim3A_1239 = vector.broadcast %broadcast_in_dim3A_1238 : i1 to vector<16xi1>
    %unique3A_1240, %unique3A_1241 = tpu.scan_count mask(%broadcast_in_dim3A_1239 : vector<16xi1>) value(%get3A_1237 : vector<16xi32>) : vector<16xi1>, vector<16xi32>
    %shift_right_logical3A_1242 = arith.constant 7 : i32
    %shift_right_logical3A_1243 = vector.broadcast %shift_right_logical3A_1242 : i32 to vector<16xi32>
    %shift_right_logical3A_1244 = arith.shrui %get3A_1237, %shift_right_logical3A_1243 : vector<16xi32>
    %and3A_1245 = arith.constant 127 : i32
    %and3A_1246 = vector.broadcast %and3A_1245 : i32 to vector<16xi32>
    %and3A_1247 = arith.andi %get3A_1237, %and3A_1246 : vector<16xi32>
    %convert_element_type3A_1248 = arith.sitofp %unique3A_1241 : vector<16xi32> to vector<16xf32>
    tpu.vector_store_idx %arg9[%shift_right_logical3A_1244, %and3A_1247], %convert_element_type3A_1248 masked %unique3A_1240 {add = true} : memref<80x128xf32, #tpu.memory_space<vmem>>[vector<16xi32>, vector<16xi32>], vector<16xf32>, vector<16xi1>
    %and3A_1249 = arith.constant 124 : i32
    %and3A_1250 = arith.constant 3 : i32
    %and3A_1251 = arith.andi %and3A_1249, %and3A_1250 : i32
    %rem3A_1252 = arith.constant 124 : i32
    %rem3A_1253 = arith.constant 3 : i32
    %rem3A_1254 = arith.remsi %rem3A_1252, %rem3A_1253 : i32
    %mul3A_1255 = arith.constant 80 : i32
    %mul3A_1256 = arith.muli %rem3A_1254, %mul3A_1255 : i32
    %multiple_of3A_1257 = tpu.assume_multiple %mul3A_1256, 80 : i32
    %dma_wait3A_1258 = arith.constant 0 : i32
    %dma_wait3A_1259 = arith.constant 0 : i32
    %dma_wait3A_1260 = tpu.memref_slice %arg7[%multiple_of3A_1257, %dma_wait3A_1259] : memref<240x128xf32, #tpu.memory_space<vmem>> -> memref<80x128xf32, #tpu.memory_space<vmem>>
    %dma_wait3A_1261 = arith.constant 0 : i32
    %dma_wait3A_1262 = arith.constant 0 : i32
    %dma_wait3A_1263 = tpu.memref_slice %arg6[%and3A_1251, %dma_wait3A_1261, %dma_wait3A_1262] : memref<4x2x80xi32, #tpu.memory_space<vmem>> -> memref<1x2x80xi32, #tpu.memory_space<vmem>>
    %dma_wait3A_1264 = tpu.memref_squeeze %dma_wait3A_1263 : memref<1x2x80xi32, #tpu.memory_space<vmem>> -> memref<2x80xi32, #tpu.memory_space<vmem>>
    %dma_wait3A_1265 = arith.constant 0 : i32
    %dma_wait3A_1266 = tpu.memref_slice %dma_wait3A_1264[%dma_wait3A_1258, %dma_wait3A_1265] : memref<2x80xi32, #tpu.memory_space<vmem>> -> memref<1x80xi32, #tpu.memory_space<vmem>>
    %dma_wait3A_1267 = tpu.memref_squeeze %dma_wait3A_1266 : memref<1x80xi32, #tpu.memory_space<vmem>> -> memref<80xi32, #tpu.memory_space<vmem>>
    %dma_wait3A_1268 = arith.constant 0 : i32
    %dma_wait3A_1269 = arith.constant 0 : i32
    %dma_wait3A_1270 = tpu.memref_slice %arg2[%dma_wait3A_1268, %dma_wait3A_1269] : memref<10000x128xf32, #tpu.memory_space<hbm>> -> memref<10000x128xf32, #tpu.memory_space<hbm>>
    tpu.wait_indirect_dma semaphore(%arg12 : memref<!tpu.dma_semaphore, #tpu.memory_space<semaphore_mem>>) src(%dma_wait3A_1270 : memref<10000x128xf32, #tpu.memory_space<hbm>>) dst(%dma_wait3A_1260 : memref<80x128xf32, #tpu.memory_space<vmem>>)
    %rem3A_1271 = arith.constant 124 : i32
    %rem3A_1272 = arith.constant 3 : i32
    %rem3A_1273 = arith.remsi %rem3A_1271, %rem3A_1272 : i32
    %mul3A_1274 = arith.constant 80 : i32
    %mul3A_1275 = arith.muli %rem3A_1273, %mul3A_1274 : i32
    %multiple_of3A_1276 = tpu.assume_multiple %mul3A_1275, 80 : i32
    %and3A_1277 = arith.constant 124 : i32
    %and3A_1278 = arith.constant 3 : i32
    %and3A_1279 = arith.andi %and3A_1277, %and3A_1278 : i32
    %dma_start3A_1280 = arith.constant 1 : i32
    %dma_start3A_1281 = arith.constant 0 : i32
    %dma_start3A_1282 = tpu.memref_slice %arg7[%multiple_of3A_1276, %dma_start3A_1281] : memref<240x128xf32, #tpu.memory_space<vmem>> -> memref<80x128xf32, #tpu.memory_space<vmem>>
    %dma_start3A_1283 = arith.constant 0 : i32
    %dma_start3A_1284 = arith.constant 0 : i32
    %dma_start3A_1285 = tpu.memref_slice %arg6[%and3A_1279, %dma_start3A_1283, %dma_start3A_1284] : memref<4x2x80xi32, #tpu.memory_space<vmem>> -> memref<1x2x80xi32, #tpu.memory_space<vmem>>
    %dma_start3A_1286 = tpu.memref_squeeze %dma_start3A_1285 : memref<1x2x80xi32, #tpu.memory_space<vmem>> -> memref<2x80xi32, #tpu.memory_space<vmem>>
    %dma_start3A_1287 = arith.constant 0 : i32
    %dma_start3A_1288 = tpu.memref_slice %dma_start3A_1286[%dma_start3A_1280, %dma_start3A_1287] : memref<2x80xi32, #tpu.memory_space<vmem>> -> memref<1x80xi32, #tpu.memory_space<vmem>>
    %dma_start3A_1289 = tpu.memref_squeeze %dma_start3A_1288 : memref<1x80xi32, #tpu.memory_space<vmem>> -> memref<80xi32, #tpu.memory_space<vmem>>
    %dma_start3A_1290 = arith.constant 0 : i32
    %dma_start3A_1291 = arith.constant 0 : i32
    %dma_start3A_1292 = tpu.memref_slice %arg10[%dma_start3A_1290, %dma_start3A_1291] : memref<10240x128xf32, #tpu.memory_space<vmem_shared>> -> memref<10240x128xf32, #tpu.memory_space<vmem_shared>>
    tpu.enqueue_indirect_dma source(%dma_start3A_1282 : memref<80x128xf32, #tpu.memory_space<vmem>>) target(%dma_start3A_1292 : memref<10240x128xf32, #tpu.memory_space<vmem_shared>>) offsets(%dma_start3A_1289 : memref<80xi32, #tpu.memory_space<vmem>>) semaphore(%arg13 : memref<!tpu.dma_semaphore, #tpu.memory_space<semaphore_mem>>) {add = true}
    %and3A_1293 = arith.constant 124 : i32
    %and3A_1294 = arith.constant 3 : i32
    %and3A_1295 = arith.andi %and3A_1293, %and3A_1294 : i32
    %get3A_1296 = arith.constant 1 : i32
    %get3A_1297 = arith.index_cast %and3A_1295 : i32 to index
    %get3A_1298 = arith.index_cast %get3A_1296 : i32 to index
    %get3A_1299 = arith.constant 0 : index
    %get3A_1300 = tpu.vector_load %arg6[%get3A_1297, %get3A_1298, %get3A_1299] {strides = array<i32>} : memref<4x2x80xi32, #tpu.memory_space<vmem>>, vector<16xi32>,
    %broadcast_in_dim3A_1301 = arith.constant true
    %broadcast_in_dim3A_1302 = vector.broadcast %broadcast_in_dim3A_1301 : i1 to vector<16xi1>
    %unique3A_1303, %unique3A_1304 = tpu.scan_count mask(%broadcast_in_dim3A_1302 : vector<16xi1>) value(%get3A_1300 : vector<16xi32>) : vector<16xi1>, vector<16xi32>
    %shift_right_logical3A_1305 = arith.constant 7 : i32
    %shift_right_logical3A_1306 = vector.broadcast %shift_right_logical3A_1305 : i32 to vector<16xi32>
    %shift_right_logical3A_1307 = arith.shrui %get3A_1300, %shift_right_logical3A_1306 : vector<16xi32>
    %and3A_1308 = arith.constant 127 : i32
    %and3A_1309 = vector.broadcast %and3A_1308 : i32 to vector<16xi32>
    %and3A_1310 = arith.andi %get3A_1300, %and3A_1309 : vector<16xi32>
    %convert_element_type3A_1311 = arith.sitofp %unique3A_1304 : vector<16xi32> to vector<16xf32>
    tpu.vector_store_idx %arg9[%shift_right_logical3A_1307, %and3A_1310], %convert_element_type3A_1311 masked %unique3A_1303 {add = true} : memref<80x128xf32, #tpu.memory_space<vmem>>[vector<16xi32>, vector<16xi32>], vector<16xf32>, vector<16xi1>
    %get3A_1312 = arith.constant 1 : i32
    %get3A_1313 = arith.index_cast %and3A_1295 : i32 to index
    %get3A_1314 = arith.index_cast %get3A_1312 : i32 to index
    %get3A_1315 = arith.constant 16 : index
    %get3A_1316 = tpu.vector_load %arg6[%get3A_1313, %get3A_1314, %get3A_1315] {strides = array<i32>} : memref<4x2x80xi32, #tpu.memory_space<vmem>>, vector<16xi32>,
    %broadcast_in_dim3A_1317 = arith.constant true
    %broadcast_in_dim3A_1318 = vector.broadcast %broadcast_in_dim3A_1317 : i1 to vector<16xi1>
    %unique3A_1319, %unique3A_1320 = tpu.scan_count mask(%broadcast_in_dim3A_1318 : vector<16xi1>) value(%get3A_1316 : vector<16xi32>) : vector<16xi1>, vector<16xi32>
    %shift_right_logical3A_1321 = arith.constant 7 : i32
    %shift_right_logical3A_1322 = vector.broadcast %shift_right_logical3A_1321 : i32 to vector<16xi32>
    %shift_right_logical3A_1323 = arith.shrui %get3A_1316, %shift_right_logical3A_1322 : vector<16xi32>
    %and3A_1324 = arith.constant 127 : i32
    %and3A_1325 = vector.broadcast %and3A_1324 : i32 to vector<16xi32>
    %and3A_1326 = arith.andi %get3A_1316, %and3A_1325 : vector<16xi32>
    %convert_element_type3A_1327 = arith.sitofp %unique3A_1320 : vector<16xi32> to vector<16xf32>
    tpu.vector_store_idx %arg9[%shift_right_logical3A_1323, %and3A_1326], %convert_element_type3A_1327 masked %unique3A_1319 {add = true} : memref<80x128xf32, #tpu.memory_space<vmem>>[vector<16xi32>, vector<16xi32>], vector<16xf32>, vector<16xi1>
    %get3A_1328 = arith.constant 1 : i32
    %get3A_1329 = arith.index_cast %and3A_1295 : i32 to index
    %get3A_1330 = arith.index_cast %get3A_1328 : i32 to index
    %get3A_1331 = arith.constant 32 : index
    %get3A_1332 = tpu.vector_load %arg6[%get3A_1329, %get3A_1330, %get3A_1331] {strides = array<i32>} : memref<4x2x80xi32, #tpu.memory_space<vmem>>, vector<16xi32>,
    %broadcast_in_dim3A_1333 = arith.constant true
    %broadcast_in_dim3A_1334 = vector.broadcast %broadcast_in_dim3A_1333 : i1 to vector<16xi1>
    %unique3A_1335, %unique3A_1336 = tpu.scan_count mask(%broadcast_in_dim3A_1334 : vector<16xi1>) value(%get3A_1332 : vector<16xi32>) : vector<16xi1>, vector<16xi32>
    %shift_right_logical3A_1337 = arith.constant 7 : i32
    %shift_right_logical3A_1338 = vector.broadcast %shift_right_logical3A_1337 : i32 to vector<16xi32>
    %shift_right_logical3A_1339 = arith.shrui %get3A_1332, %shift_right_logical3A_1338 : vector<16xi32>
    %and3A_1340 = arith.constant 127 : i32
    %and3A_1341 = vector.broadcast %and3A_1340 : i32 to vector<16xi32>
    %and3A_1342 = arith.andi %get3A_1332, %and3A_1341 : vector<16xi32>
    %convert_element_type3A_1343 = arith.sitofp %unique3A_1336 : vector<16xi32> to vector<16xf32>
    tpu.vector_store_idx %arg9[%shift_right_logical3A_1339, %and3A_1342], %convert_element_type3A_1343 masked %unique3A_1335 {add = true} : memref<80x128xf32, #tpu.memory_space<vmem>>[vector<16xi32>, vector<16xi32>], vector<16xf32>, vector<16xi1>
    %get3A_1344 = arith.constant 1 : i32
    %get3A_1345 = arith.index_cast %and3A_1295 : i32 to index
    %get3A_1346 = arith.index_cast %get3A_1344 : i32 to index
    %get3A_1347 = arith.constant 48 : index
    %get3A_1348 = tpu.vector_load %arg6[%get3A_1345, %get3A_1346, %get3A_1347] {strides = array<i32>} : memref<4x2x80xi32, #tpu.memory_space<vmem>>, vector<16xi32>,
    %broadcast_in_dim3A_1349 = arith.constant true
    %broadcast_in_dim3A_1350 = vector.broadcast %broadcast_in_dim3A_1349 : i1 to vector<16xi1>
    %unique3A_1351, %unique3A_1352 = tpu.scan_count mask(%broadcast_in_dim3A_1350 : vector<16xi1>) value(%get3A_1348 : vector<16xi32>) : vector<16xi1>, vector<16xi32>
    %shift_right_logical3A_1353 = arith.constant 7 : i32
    %shift_right_logical3A_1354 = vector.broadcast %shift_right_logical3A_1353 : i32 to vector<16xi32>
    %shift_right_logical3A_1355 = arith.shrui %get3A_1348, %shift_right_logical3A_1354 : vector<16xi32>
    %and3A_1356 = arith.constant 127 : i32
    %and3A_1357 = vector.broadcast %and3A_1356 : i32 to vector<16xi32>
    %and3A_1358 = arith.andi %get3A_1348, %and3A_1357 : vector<16xi32>
    %convert_element_type3A_1359 = arith.sitofp %unique3A_1352 : vector<16xi32> to vector<16xf32>
    tpu.vector_store_idx %arg9[%shift_right_logical3A_1355, %and3A_1358], %convert_element_type3A_1359 masked %unique3A_1351 {add = true} : memref<80x128xf32, #tpu.memory_space<vmem>>[vector<16xi32>, vector<16xi32>], vector<16xf32>, vector<16xi1>
    %get3A_1360 = arith.constant 1 : i32
    %get3A_1361 = arith.index_cast %and3A_1295 : i32 to index
    %get3A_1362 = arith.index_cast %get3A_1360 : i32 to index
    %get3A_1363 = arith.constant 64 : index
    %get3A_1364 = tpu.vector_load %arg6[%get3A_1361, %get3A_1362, %get3A_1363] {strides = array<i32>} : memref<4x2x80xi32, #tpu.memory_space<vmem>>, vector<16xi32>,
    %broadcast_in_dim3A_1365 = arith.constant true
    %broadcast_in_dim3A_1366 = vector.broadcast %broadcast_in_dim3A_1365 : i1 to vector<16xi1>
    %unique3A_1367, %unique3A_1368 = tpu.scan_count mask(%broadcast_in_dim3A_1366 : vector<16xi1>) value(%get3A_1364 : vector<16xi32>) : vector<16xi1>, vector<16xi32>
    %shift_right_logical3A_1369 = arith.constant 7 : i32
    %shift_right_logical3A_1370 = vector.broadcast %shift_right_logical3A_1369 : i32 to vector<16xi32>
    %shift_right_logical3A_1371 = arith.shrui %get3A_1364, %shift_right_logical3A_1370 : vector<16xi32>
    %and3A_1372 = arith.constant 127 : i32
    %and3A_1373 = vector.broadcast %and3A_1372 : i32 to vector<16xi32>
    %and3A_1374 = arith.andi %get3A_1364, %and3A_1373 : vector<16xi32>
    %convert_element_type3A_1375 = arith.sitofp %unique3A_1368 : vector<16xi32> to vector<16xf32>
    tpu.vector_store_idx %arg9[%shift_right_logical3A_1371, %and3A_1374], %convert_element_type3A_1375 masked %unique3A_1367 {add = true} : memref<80x128xf32, #tpu.memory_space<vmem>>[vector<16xi32>, vector<16xi32>], vector<16xf32>, vector<16xi1>
    %rem3A_1376 = arith.constant 122 : i32
    %rem3A_1377 = arith.constant 3 : i32
    %rem3A_1378 = arith.remsi %rem3A_1376, %rem3A_1377 : i32
    %mul3A_1379 = arith.constant 80 : i32
    %mul3A_1380 = arith.muli %rem3A_1378, %mul3A_1379 : i32
    %multiple_of3A_1381 = tpu.assume_multiple %mul3A_1380, 80 : i32
    %and3A_1382 = arith.constant 122 : i32
    %and3A_1383 = arith.constant 3 : i32
    %and3A_1384 = arith.andi %and3A_1382, %and3A_1383 : i32
    %dma_wait3A_1385 = arith.constant 1 : i32
    %dma_wait3A_1386 = arith.constant 0 : i32
    %dma_wait3A_1387 = tpu.memref_slice %arg7[%multiple_of3A_1381, %dma_wait3A_1386] : memref<240x128xf32, #tpu.memory_space<vmem>> -> memref<80x128xf32, #tpu.memory_space<vmem>>
    %dma_wait3A_1388 = arith.constant 0 : i32
    %dma_wait3A_1389 = arith.constant 0 : i32
    %dma_wait3A_1390 = tpu.memref_slice %arg6[%and3A_1384, %dma_wait3A_1388, %dma_wait3A_1389] : memref<4x2x80xi32, #tpu.memory_space<vmem>> -> memref<1x2x80xi32, #tpu.memory_space<vmem>>
    %dma_wait3A_1391 = tpu.memref_squeeze %dma_wait3A_1390 : memref<1x2x80xi32, #tpu.memory_space<vmem>> -> memref<2x80xi32, #tpu.memory_space<vmem>>
    %dma_wait3A_1392 = arith.constant 0 : i32
    %dma_wait3A_1393 = tpu.memref_slice %dma_wait3A_1391[%dma_wait3A_1385, %dma_wait3A_1392] : memref<2x80xi32, #tpu.memory_space<vmem>> -> memref<1x80xi32, #tpu.memory_space<vmem>>
    %dma_wait3A_1394 = tpu.memref_squeeze %dma_wait3A_1393 : memref<1x80xi32, #tpu.memory_space<vmem>> -> memref<80xi32, #tpu.memory_space<vmem>>
    %dma_wait3A_1395 = arith.constant 0 : i32
    %dma_wait3A_1396 = arith.constant 0 : i32
    %dma_wait3A_1397 = tpu.memref_slice %arg10[%dma_wait3A_1395, %dma_wait3A_1396] : memref<10240x128xf32, #tpu.memory_space<vmem_shared>> -> memref<10240x128xf32, #tpu.memory_space<vmem_shared>>
    tpu.wait_indirect_dma semaphore(%arg13 : memref<!tpu.dma_semaphore, #tpu.memory_space<semaphore_mem>>) src(%dma_wait3A_1387 : memref<80x128xf32, #tpu.memory_space<vmem>>) dst(%dma_wait3A_1397 : memref<10240x128xf32, #tpu.memory_space<vmem_shared>>)
    %rem3A_1398 = arith.constant 123 : i32
    %rem3A_1399 = arith.constant 3 : i32
    %rem3A_1400 = arith.remsi %rem3A_1398, %rem3A_1399 : i32
    %mul3A_1401 = arith.constant 80 : i32
    %mul3A_1402 = arith.muli %rem3A_1400, %mul3A_1401 : i32
    %multiple_of3A_1403 = tpu.assume_multiple %mul3A_1402, 80 : i32
    %and3A_1404 = arith.constant 123 : i32
    %and3A_1405 = arith.constant 3 : i32
    %and3A_1406 = arith.andi %and3A_1404, %and3A_1405 : i32
    %dma_wait3A_1407 = arith.constant 1 : i32
    %dma_wait3A_1408 = arith.constant 0 : i32
    %dma_wait3A_1409 = tpu.memref_slice %arg7[%multiple_of3A_1403, %dma_wait3A_1408] : memref<240x128xf32, #tpu.memory_space<vmem>> -> memref<80x128xf32, #tpu.memory_space<vmem>>
    %dma_wait3A_1410 = arith.constant 0 : i32
    %dma_wait3A_1411 = arith.constant 0 : i32
    %dma_wait3A_1412 = tpu.memref_slice %arg6[%and3A_1406, %dma_wait3A_1410, %dma_wait3A_1411] : memref<4x2x80xi32, #tpu.memory_space<vmem>> -> memref<1x2x80xi32, #tpu.memory_space<vmem>>
    %dma_wait3A_1413 = tpu.memref_squeeze %dma_wait3A_1412 : memref<1x2x80xi32, #tpu.memory_space<vmem>> -> memref<2x80xi32, #tpu.memory_space<vmem>>
    %dma_wait3A_1414 = arith.constant 0 : i32
    %dma_wait3A_1415 = tpu.memref_slice %dma_wait3A_1413[%dma_wait3A_1407, %dma_wait3A_1414] : memref<2x80xi32, #tpu.memory_space<vmem>> -> memref<1x80xi32, #tpu.memory_space<vmem>>
    %dma_wait3A_1416 = tpu.memref_squeeze %dma_wait3A_1415 : memref<1x80xi32, #tpu.memory_space<vmem>> -> memref<80xi32, #tpu.memory_space<vmem>>
    %dma_wait3A_1417 = arith.constant 0 : i32
    %dma_wait3A_1418 = arith.constant 0 : i32
    %dma_wait3A_1419 = tpu.memref_slice %arg10[%dma_wait3A_1417, %dma_wait3A_1418] : memref<10240x128xf32, #tpu.memory_space<vmem_shared>> -> memref<10240x128xf32, #tpu.memory_space<vmem_shared>>
    tpu.wait_indirect_dma semaphore(%arg13 : memref<!tpu.dma_semaphore, #tpu.memory_space<semaphore_mem>>) src(%dma_wait3A_1409 : memref<80x128xf32, #tpu.memory_space<vmem>>) dst(%dma_wait3A_1419 : memref<10240x128xf32, #tpu.memory_space<vmem_shared>>)
    %rem3A_1420 = arith.constant 124 : i32
    %rem3A_1421 = arith.constant 3 : i32
    %rem3A_1422 = arith.remsi %rem3A_1420, %rem3A_1421 : i32
    %mul3A_1423 = arith.constant 80 : i32
    %mul3A_1424 = arith.muli %rem3A_1422, %mul3A_1423 : i32
    %multiple_of3A_1425 = tpu.assume_multiple %mul3A_1424, 80 : i32
    %and3A_1426 = arith.constant 124 : i32
    %and3A_1427 = arith.constant 3 : i32
    %and3A_1428 = arith.andi %and3A_1426, %and3A_1427 : i32
    %dma_wait3A_1429 = arith.constant 1 : i32
    %dma_wait3A_1430 = arith.constant 0 : i32
    %dma_wait3A_1431 = tpu.memref_slice %arg7[%multiple_of3A_1425, %dma_wait3A_1430] : memref<240x128xf32, #tpu.memory_space<vmem>> -> memref<80x128xf32, #tpu.memory_space<vmem>>
    %dma_wait3A_1432 = arith.constant 0 : i32
    %dma_wait3A_1433 = arith.constant 0 : i32
    %dma_wait3A_1434 = tpu.memref_slice %arg6[%and3A_1428, %dma_wait3A_1432, %dma_wait3A_1433] : memref<4x2x80xi32, #tpu.memory_space<vmem>> -> memref<1x2x80xi32, #tpu.memory_space<vmem>>
    %dma_wait3A_1435 = tpu.memref_squeeze %dma_wait3A_1434 : memref<1x2x80xi32, #tpu.memory_space<vmem>> -> memref<2x80xi32, #tpu.memory_space<vmem>>
    %dma_wait3A_1436 = arith.constant 0 : i32
    %dma_wait3A_1437 = tpu.memref_slice %dma_wait3A_1435[%dma_wait3A_1429, %dma_wait3A_1436] : memref<2x80xi32, #tpu.memory_space<vmem>> -> memref<1x80xi32, #tpu.memory_space<vmem>>
    %dma_wait3A_1438 = tpu.memref_squeeze %dma_wait3A_1437 : memref<1x80xi32, #tpu.memory_space<vmem>> -> memref<80xi32, #tpu.memory_space<vmem>>
    %dma_wait3A_1439 = arith.constant 0 : i32
    %dma_wait3A_1440 = arith.constant 0 : i32
    %dma_wait3A_1441 = tpu.memref_slice %arg10[%dma_wait3A_1439, %dma_wait3A_1440] : memref<10240x128xf32, #tpu.memory_space<vmem_shared>> -> memref<10240x128xf32, #tpu.memory_space<vmem_shared>>
    tpu.wait_indirect_dma semaphore(%arg13 : memref<!tpu.dma_semaphore, #tpu.memory_space<semaphore_mem>>) src(%dma_wait3A_1431 : memref<80x128xf32, #tpu.memory_space<vmem>>) dst(%dma_wait3A_1441 : memref<10240x128xf32, #tpu.memory_space<vmem_shared>>)
    %barrier3A_1442 = arith.constant 0 : index
    tpu.barrier barrier_id(%barrier3A_1442)
    %add3A_1443 = arith.constant 0 : i32
    %add3A_1444 = arith.addi %mul3A_18, %add3A_1443 : i32
    %dma_start3A_1445 = arith.constant 0 : i32
    %dma_start3A_1446 = tpu.memref_slice %arg4[%arg0, %add3A_1444, %dma_start3A_1445] : memref<2x10240x128xf32, #tpu.memory_space<hbm>> -> memref<1x16x128xf32, #tpu.memory_space<hbm>>
    %dma_start3A_1447 = tpu.memref_squeeze %dma_start3A_1446 : memref<1x16x128xf32, #tpu.memory_space<hbm>> -> memref<16x128xf32, #tpu.memory_space<hbm>>
    %dma_start3A_1448 = arith.constant 0 : i32
    %dma_start3A_1449 = tpu.memref_slice %arg10[%add3A_1444, %dma_start3A_1448] : memref<10240x128xf32, #tpu.memory_space<vmem_shared>> -> memref<16x128xf32, #tpu.memory_space<vmem_shared>>
    tpu.enqueue_dma source(%dma_start3A_1449 : memref<16x128xf32, #tpu.memory_space<vmem_shared>>) target(%dma_start3A_1447 : memref<16x128xf32, #tpu.memory_space<hbm>>) target_semaphore(%arg14 : memref<!tpu.dma_semaphore, #tpu.memory_space<semaphore_mem>>)
    %add3A_1450 = arith.constant 16 : i32
    %add3A_1451 = arith.addi %mul3A_18, %add3A_1450 : i32
    %dma_start3A_1452 = arith.constant 0 : i32
    %dma_start3A_1453 = tpu.memref_slice %arg4[%arg0, %add3A_1451, %dma_start3A_1452] : memref<2x10240x128xf32, #tpu.memory_space<hbm>> -> memref<1x16x128xf32, #tpu.memory_space<hbm>>
    %dma_start3A_1454 = tpu.memref_squeeze %dma_start3A_1453 : memref<1x16x128xf32, #tpu.memory_space<hbm>> -> memref<16x128xf32, #tpu.memory_space<hbm>>
    %dma_start3A_1455 = arith.constant 0 : i32
    %dma_start3A_1456 = tpu.memref_slice %arg10[%add3A_1451, %dma_start3A_1455] : memref<10240x128xf32, #tpu.memory_space<vmem_shared>> -> memref<16x128xf32, #tpu.memory_space<vmem_shared>>
    tpu.enqueue_dma source(%dma_start3A_1456 : memref<16x128xf32, #tpu.memory_space<vmem_shared>>) target(%dma_start3A_1454 : memref<16x128xf32, #tpu.memory_space<hbm>>) target_semaphore(%arg14 : memref<!tpu.dma_semaphore, #tpu.memory_space<semaphore_mem>>)
    %add3A_1457 = arith.constant 32 : i32
    %add3A_1458 = arith.addi %mul3A_18, %add3A_1457 : i32
    %dma_start3A_1459 = arith.constant 0 : i32
    %dma_start3A_1460 = tpu.memref_slice %arg4[%arg0, %add3A_1458, %dma_start3A_1459] : memref<2x10240x128xf32, #tpu.memory_space<hbm>> -> memref<1x16x128xf32, #tpu.memory_space<hbm>>
    %dma_start3A_1461 = tpu.memref_squeeze %dma_start3A_1460 : memref<1x16x128xf32, #tpu.memory_space<hbm>> -> memref<16x128xf32, #tpu.memory_space<hbm>>
    %dma_start3A_1462 = arith.constant 0 : i32
    %dma_start3A_1463 = tpu.memref_slice %arg10[%add3A_1458, %dma_start3A_1462] : memref<10240x128xf32, #tpu.memory_space<vmem_shared>> -> memref<16x128xf32, #tpu.memory_space<vmem_shared>>
    tpu.enqueue_dma source(%dma_start3A_1463 : memref<16x128xf32, #tpu.memory_space<vmem_shared>>) target(%dma_start3A_1461 : memref<16x128xf32, #tpu.memory_space<hbm>>) target_semaphore(%arg14 : memref<!tpu.dma_semaphore, #tpu.memory_space<semaphore_mem>>)
    %add3A_1464 = arith.constant 48 : i32
    %add3A_1465 = arith.addi %mul3A_18, %add3A_1464 : i32
    %dma_start3A_1466 = arith.constant 0 : i32
    %dma_start3A_1467 = tpu.memref_slice %arg4[%arg0, %add3A_1465, %dma_start3A_1466] : memref<2x10240x128xf32, #tpu.memory_space<hbm>> -> memref<1x16x128xf32, #tpu.memory_space<hbm>>
    %dma_start3A_1468 = tpu.memref_squeeze %dma_start3A_1467 : memref<1x16x128xf32, #tpu.memory_space<hbm>> -> memref<16x128xf32, #tpu.memory_space<hbm>>
    %dma_start3A_1469 = arith.constant 0 : i32
    %dma_start3A_1470 = tpu.memref_slice %arg10[%add3A_1465, %dma_start3A_1469] : memref<10240x128xf32, #tpu.memory_space<vmem_shared>> -> memref<16x128xf32, #tpu.memory_space<vmem_shared>>
    tpu.enqueue_dma source(%dma_start3A_1470 : memref<16x128xf32, #tpu.memory_space<vmem_shared>>) target(%dma_start3A_1468 : memref<16x128xf32, #tpu.memory_space<hbm>>) target_semaphore(%arg14 : memref<!tpu.dma_semaphore, #tpu.memory_space<semaphore_mem>>)
    %add3A_1471 = arith.constant 64 : i32
    %add3A_1472 = arith.addi %mul3A_18, %add3A_1471 : i32
    %dma_start3A_1473 = arith.constant 0 : i32
    %dma_start3A_1474 = tpu.memref_slice %arg4[%arg0, %add3A_1472, %dma_start3A_1473] : memref<2x10240x128xf32, #tpu.memory_space<hbm>> -> memref<1x16x128xf32, #tpu.memory_space<hbm>>
    %dma_start3A_1475 = tpu.memref_squeeze %dma_start3A_1474 : memref<1x16x128xf32, #tpu.memory_space<hbm>> -> memref<16x128xf32, #tpu.memory_space<hbm>>
    %dma_start3A_1476 = arith.constant 0 : i32
    %dma_start3A_1477 = tpu.memref_slice %arg10[%add3A_1472, %dma_start3A_1476] : memref<10240x128xf32, #tpu.memory_space<vmem_shared>> -> memref<16x128xf32, #tpu.memory_space<vmem_shared>>
    tpu.enqueue_dma source(%dma_start3A_1477 : memref<16x128xf32, #tpu.memory_space<vmem_shared>>) target(%dma_start3A_1475 : memref<16x128xf32, #tpu.memory_space<hbm>>) target_semaphore(%arg14 : memref<!tpu.dma_semaphore, #tpu.memory_space<semaphore_mem>>)
    %add3A_1478 = arith.constant 80 : i32
    %add3A_1479 = arith.addi %mul3A_18, %add3A_1478 : i32
    %dma_start3A_1480 = arith.constant 0 : i32
    %dma_start3A_1481 = tpu.memref_slice %arg4[%arg0, %add3A_1479, %dma_start3A_1480] : memref<2x10240x128xf32, #tpu.memory_space<hbm>> -> memref<1x16x128xf32, #tpu.memory_space<hbm>>
    %dma_start3A_1482 = tpu.memref_squeeze %dma_start3A_1481 : memref<1x16x128xf32, #tpu.memory_space<hbm>> -> memref<16x128xf32, #tpu.memory_space<hbm>>
    %dma_start3A_1483 = arith.constant 0 : i32
    %dma_start3A_1484 = tpu.memref_slice %arg10[%add3A_1479, %dma_start3A_1483] : memref<10240x128xf32, #tpu.memory_space<vmem_shared>> -> memref<16x128xf32, #tpu.memory_space<vmem_shared>>
    tpu.enqueue_dma source(%dma_start3A_1484 : memref<16x128xf32, #tpu.memory_space<vmem_shared>>) target(%dma_start3A_1482 : memref<16x128xf32, #tpu.memory_space<hbm>>) target_semaphore(%arg14 : memref<!tpu.dma_semaphore, #tpu.memory_space<semaphore_mem>>)
    %add3A_1485 = arith.constant 96 : i32
    %add3A_1486 = arith.addi %mul3A_18, %add3A_1485 : i32
    %dma_start3A_1487 = arith.constant 0 : i32
    %dma_start3A_1488 = tpu.memref_slice %arg4[%arg0, %add3A_1486, %dma_start3A_1487] : memref<2x10240x128xf32, #tpu.memory_space<hbm>> -> memref<1x16x128xf32, #tpu.memory_space<hbm>>
    %dma_start3A_1489 = tpu.memref_squeeze %dma_start3A_1488 : memref<1x16x128xf32, #tpu.memory_space<hbm>> -> memref<16x128xf32, #tpu.memory_space<hbm>>
    %dma_start3A_1490 = arith.constant 0 : i32
    %dma_start3A_1491 = tpu.memref_slice %arg10[%add3A_1486, %dma_start3A_1490] : memref<10240x128xf32, #tpu.memory_space<vmem_shared>> -> memref<16x128xf32, #tpu.memory_space<vmem_shared>>
    tpu.enqueue_dma source(%dma_start3A_1491 : memref<16x128xf32, #tpu.memory_space<vmem_shared>>) target(%dma_start3A_1489 : memref<16x128xf32, #tpu.memory_space<hbm>>) target_semaphore(%arg14 : memref<!tpu.dma_semaphore, #tpu.memory_space<semaphore_mem>>)
    %add3A_1492 = arith.constant 112 : i32
    %add3A_1493 = arith.addi %mul3A_18, %add3A_1492 : i32
    %dma_start3A_1494 = arith.constant 0 : i32
    %dma_start3A_1495 = tpu.memref_slice %arg4[%arg0, %add3A_1493, %dma_start3A_1494] : memref<2x10240x128xf32, #tpu.memory_space<hbm>> -> memref<1x16x128xf32, #tpu.memory_space<hbm>>
    %dma_start3A_1496 = tpu.memref_squeeze %dma_start3A_1495 : memref<1x16x128xf32, #tpu.memory_space<hbm>> -> memref<16x128xf32, #tpu.memory_space<hbm>>
    %dma_start3A_1497 = arith.constant 0 : i32
    %dma_start3A_1498 = tpu.memref_slice %arg10[%add3A_1493, %dma_start3A_1497] : memref<10240x128xf32, #tpu.memory_space<vmem_shared>> -> memref<16x128xf32, #tpu.memory_space<vmem_shared>>
    tpu.enqueue_dma source(%dma_start3A_1498 : memref<16x128xf32, #tpu.memory_space<vmem_shared>>) target(%dma_start3A_1496 : memref<16x128xf32, #tpu.memory_space<hbm>>) target_semaphore(%arg14 : memref<!tpu.dma_semaphore, #tpu.memory_space<semaphore_mem>>)
    %add3A_1499 = arith.constant 128 : i32
    %add3A_1500 = arith.addi %mul3A_18, %add3A_1499 : i32
    %dma_start3A_1501 = arith.constant 0 : i32
    %dma_start3A_1502 = tpu.memref_slice %arg4[%arg0, %add3A_1500, %dma_start3A_1501] : memref<2x10240x128xf32, #tpu.memory_space<hbm>> -> memref<1x16x128xf32, #tpu.memory_space<hbm>>
    %dma_start3A_1503 = tpu.memref_squeeze %dma_start3A_1502 : memref<1x16x128xf32, #tpu.memory_space<hbm>> -> memref<16x128xf32, #tpu.memory_space<hbm>>
    %dma_start3A_1504 = arith.constant 0 : i32
    %dma_start3A_1505 = tpu.memref_slice %arg10[%add3A_1500, %dma_start3A_1504] : memref<10240x128xf32, #tpu.memory_space<vmem_shared>> -> memref<16x128xf32, #tpu.memory_space<vmem_shared>>
    tpu.enqueue_dma source(%dma_start3A_1505 : memref<16x128xf32, #tpu.memory_space<vmem_shared>>) target(%dma_start3A_1503 : memref<16x128xf32, #tpu.memory_space<hbm>>) target_semaphore(%arg14 : memref<!tpu.dma_semaphore, #tpu.memory_space<semaphore_mem>>)
    %add3A_1506 = arith.constant 144 : i32
    %add3A_1507 = arith.addi %mul3A_18, %add3A_1506 : i32
    %dma_start3A_1508 = arith.constant 0 : i32
    %dma_start3A_1509 = tpu.memref_slice %arg4[%arg0, %add3A_1507, %dma_start3A_1508] : memref<2x10240x128xf32, #tpu.memory_space<hbm>> -> memref<1x16x128xf32, #tpu.memory_space<hbm>>
    %dma_start3A_1510 = tpu.memref_squeeze %dma_start3A_1509 : memref<1x16x128xf32, #tpu.memory_space<hbm>> -> memref<16x128xf32, #tpu.memory_space<hbm>>
    %dma_start3A_1511 = arith.constant 0 : i32
    %dma_start3A_1512 = tpu.memref_slice %arg10[%add3A_1507, %dma_start3A_1511] : memref<10240x128xf32, #tpu.memory_space<vmem_shared>> -> memref<16x128xf32, #tpu.memory_space<vmem_shared>>
    tpu.enqueue_dma source(%dma_start3A_1512 : memref<16x128xf32, #tpu.memory_space<vmem_shared>>) target(%dma_start3A_1510 : memref<16x128xf32, #tpu.memory_space<hbm>>) target_semaphore(%arg14 : memref<!tpu.dma_semaphore, #tpu.memory_space<semaphore_mem>>)
    %add3A_1513 = arith.constant 160 : i32
    %add3A_1514 = arith.addi %mul3A_18, %add3A_1513 : i32
    %dma_start3A_1515 = arith.constant 0 : i32
    %dma_start3A_1516 = tpu.memref_slice %arg4[%arg0, %add3A_1514, %dma_start3A_1515] : memref<2x10240x128xf32, #tpu.memory_space<hbm>> -> memref<1x16x128xf32, #tpu.memory_space<hbm>>
    %dma_start3A_1517 = tpu.memref_squeeze %dma_start3A_1516 : memref<1x16x128xf32, #tpu.memory_space<hbm>> -> memref<16x128xf32, #tpu.memory_space<hbm>>
    %dma_start3A_1518 = arith.constant 0 : i32
    %dma_start3A_1519 = tpu.memref_slice %arg10[%add3A_1514, %dma_start3A_1518] : memref<10240x128xf32, #tpu.memory_space<vmem_shared>> -> memref<16x128xf32, #tpu.memory_space<vmem_shared>>
    tpu.enqueue_dma source(%dma_start3A_1519 : memref<16x128xf32, #tpu.memory_space<vmem_shared>>) target(%dma_start3A_1517 : memref<16x128xf32, #tpu.memory_space<hbm>>) target_semaphore(%arg14 : memref<!tpu.dma_semaphore, #tpu.memory_space<semaphore_mem>>)
    %add3A_1520 = arith.constant 176 : i32
    %add3A_1521 = arith.addi %mul3A_18, %add3A_1520 : i32
    %dma_start3A_1522 = arith.constant 0 : i32
    %dma_start3A_1523 = tpu.memref_slice %arg4[%arg0, %add3A_1521, %dma_start3A_1522] : memref<2x10240x128xf32, #tpu.memory_space<hbm>> -> memref<1x16x128xf32, #tpu.memory_space<hbm>>
    %dma_start3A_1524 = tpu.memref_squeeze %dma_start3A_1523 : memref<1x16x128xf32, #tpu.memory_space<hbm>> -> memref<16x128xf32, #tpu.memory_space<hbm>>
    %dma_start3A_1525 = arith.constant 0 : i32
    %dma_start3A_1526 = tpu.memref_slice %arg10[%add3A_1521, %dma_start3A_1525] : memref<10240x128xf32, #tpu.memory_space<vmem_shared>> -> memref<16x128xf32, #tpu.memory_space<vmem_shared>>
    tpu.enqueue_dma source(%dma_start3A_1526 : memref<16x128xf32, #tpu.memory_space<vmem_shared>>) target(%dma_start3A_1524 : memref<16x128xf32, #tpu.memory_space<hbm>>) target_semaphore(%arg14 : memref<!tpu.dma_semaphore, #tpu.memory_space<semaphore_mem>>)
    %add3A_1527 = arith.constant 192 : i32
    %add3A_1528 = arith.addi %mul3A_18, %add3A_1527 : i32
    %dma_start3A_1529 = arith.constant 0 : i32
    %dma_start3A_1530 = tpu.memref_slice %arg4[%arg0, %add3A_1528, %dma_start3A_1529] : memref<2x10240x128xf32, #tpu.memory_space<hbm>> -> memref<1x16x128xf32, #tpu.memory_space<hbm>>
    %dma_start3A_1531 = tpu.memref_squeeze %dma_start3A_1530 : memref<1x16x128xf32, #tpu.memory_space<hbm>> -> memref<16x128xf32, #tpu.memory_space<hbm>>
    %dma_start3A_1532 = arith.constant 0 : i32
    %dma_start3A_1533 = tpu.memref_slice %arg10[%add3A_1528, %dma_start3A_1532] : memref<10240x128xf32, #tpu.memory_space<vmem_shared>> -> memref<16x128xf32, #tpu.memory_space<vmem_shared>>
    tpu.enqueue_dma source(%dma_start3A_1533 : memref<16x128xf32, #tpu.memory_space<vmem_shared>>) target(%dma_start3A_1531 : memref<16x128xf32, #tpu.memory_space<hbm>>) target_semaphore(%arg14 : memref<!tpu.dma_semaphore, #tpu.memory_space<semaphore_mem>>)
    %add3A_1534 = arith.constant 208 : i32
    %add3A_1535 = arith.addi %mul3A_18, %add3A_1534 : i32
    %dma_start3A_1536 = arith.constant 0 : i32
    %dma_start3A_1537 = tpu.memref_slice %arg4[%arg0, %add3A_1535, %dma_start3A_1536] : memref<2x10240x128xf32, #tpu.memory_space<hbm>> -> memref<1x16x128xf32, #tpu.memory_space<hbm>>
    %dma_start3A_1538 = tpu.memref_squeeze %dma_start3A_1537 : memref<1x16x128xf32, #tpu.memory_space<hbm>> -> memref<16x128xf32, #tpu.memory_space<hbm>>
    %dma_start3A_1539 = arith.constant 0 : i32
    %dma_start3A_1540 = tpu.memref_slice %arg10[%add3A_1535, %dma_start3A_1539] : memref<10240x128xf32, #tpu.memory_space<vmem_shared>> -> memref<16x128xf32, #tpu.memory_space<vmem_shared>>
    tpu.enqueue_dma source(%dma_start3A_1540 : memref<16x128xf32, #tpu.memory_space<vmem_shared>>) target(%dma_start3A_1538 : memref<16x128xf32, #tpu.memory_space<hbm>>) target_semaphore(%arg14 : memref<!tpu.dma_semaphore, #tpu.memory_space<semaphore_mem>>)
    %add3A_1541 = arith.constant 224 : i32
    %add3A_1542 = arith.addi %mul3A_18, %add3A_1541 : i32
    %dma_start3A_1543 = arith.constant 0 : i32
    %dma_start3A_1544 = tpu.memref_slice %arg4[%arg0, %add3A_1542, %dma_start3A_1543] : memref<2x10240x128xf32, #tpu.memory_space<hbm>> -> memref<1x16x128xf32, #tpu.memory_space<hbm>>
    %dma_start3A_1545 = tpu.memref_squeeze %dma_start3A_1544 : memref<1x16x128xf32, #tpu.memory_space<hbm>> -> memref<16x128xf32, #tpu.memory_space<hbm>>
    %dma_start3A_1546 = arith.constant 0 : i32
    %dma_start3A_1547 = tpu.memref_slice %arg10[%add3A_1542, %dma_start3A_1546] : memref<10240x128xf32, #tpu.memory_space<vmem_shared>> -> memref<16x128xf32, #tpu.memory_space<vmem_shared>>
    tpu.enqueue_dma source(%dma_start3A_1547 : memref<16x128xf32, #tpu.memory_space<vmem_shared>>) target(%dma_start3A_1545 : memref<16x128xf32, #tpu.memory_space<hbm>>) target_semaphore(%arg14 : memref<!tpu.dma_semaphore, #tpu.memory_space<semaphore_mem>>)
    %add3A_1548 = arith.constant 240 : i32
    %add3A_1549 = arith.addi %mul3A_18, %add3A_1548 : i32
    %dma_start3A_1550 = arith.constant 0 : i32
    %dma_start3A_1551 = tpu.memref_slice %arg4[%arg0, %add3A_1549, %dma_start3A_1550] : memref<2x10240x128xf32, #tpu.memory_space<hbm>> -> memref<1x16x128xf32, #tpu.memory_space<hbm>>
    %dma_start3A_1552 = tpu.memref_squeeze %dma_start3A_1551 : memref<1x16x128xf32, #tpu.memory_space<hbm>> -> memref<16x128xf32, #tpu.memory_space<hbm>>
    %dma_start3A_1553 = arith.constant 0 : i32
    %dma_start3A_1554 = tpu.memref_slice %arg10[%add3A_1549, %dma_start3A_1553] : memref<10240x128xf32, #tpu.memory_space<vmem_shared>> -> memref<16x128xf32, #tpu.memory_space<vmem_shared>>
    tpu.enqueue_dma source(%dma_start3A_1554 : memref<16x128xf32, #tpu.memory_space<vmem_shared>>) target(%dma_start3A_1552 : memref<16x128xf32, #tpu.memory_space<hbm>>) target_semaphore(%arg14 : memref<!tpu.dma_semaphore, #tpu.memory_space<semaphore_mem>>)
    %add3A_1555 = arith.constant 256 : i32
    %add3A_1556 = arith.addi %mul3A_18, %add3A_1555 : i32
    %dma_start3A_1557 = arith.constant 0 : i32
    %dma_start3A_1558 = tpu.memref_slice %arg4[%arg0, %add3A_1556, %dma_start3A_1557] : memref<2x10240x128xf32, #tpu.memory_space<hbm>> -> memref<1x16x128xf32, #tpu.memory_space<hbm>>
    %dma_start3A_1559 = tpu.memref_squeeze %dma_start3A_1558 : memref<1x16x128xf32, #tpu.memory_space<hbm>> -> memref<16x128xf32, #tpu.memory_space<hbm>>
    %dma_start3A_1560 = arith.constant 0 : i32
    %dma_start3A_1561 = tpu.memref_slice %arg10[%add3A_1556, %dma_start3A_1560] : memref<10240x128xf32, #tpu.memory_space<vmem_shared>> -> memref<16x128xf32, #tpu.memory_space<vmem_shared>>
    tpu.enqueue_dma source(%dma_start3A_1561 : memref<16x128xf32, #tpu.memory_space<vmem_shared>>) target(%dma_start3A_1559 : memref<16x128xf32, #tpu.memory_space<hbm>>) target_semaphore(%arg14 : memref<!tpu.dma_semaphore, #tpu.memory_space<semaphore_mem>>)
    %add3A_1562 = arith.constant 272 : i32
    %add3A_1563 = arith.addi %mul3A_18, %add3A_1562 : i32
    %dma_start3A_1564 = arith.constant 0 : i32
    %dma_start3A_1565 = tpu.memref_slice %arg4[%arg0, %add3A_1563, %dma_start3A_1564] : memref<2x10240x128xf32, #tpu.memory_space<hbm>> -> memref<1x16x128xf32, #tpu.memory_space<hbm>>
    %dma_start3A_1566 = tpu.memref_squeeze %dma_start3A_1565 : memref<1x16x128xf32, #tpu.memory_space<hbm>> -> memref<16x128xf32, #tpu.memory_space<hbm>>
    %dma_start3A_1567 = arith.constant 0 : i32
    %dma_start3A_1568 = tpu.memref_slice %arg10[%add3A_1563, %dma_start3A_1567] : memref<10240x128xf32, #tpu.memory_space<vmem_shared>> -> memref<16x128xf32, #tpu.memory_space<vmem_shared>>
    tpu.enqueue_dma source(%dma_start3A_1568 : memref<16x128xf32, #tpu.memory_space<vmem_shared>>) target(%dma_start3A_1566 : memref<16x128xf32, #tpu.memory_space<hbm>>) target_semaphore(%arg14 : memref<!tpu.dma_semaphore, #tpu.memory_space<semaphore_mem>>)
    %add3A_1569 = arith.constant 288 : i32
    %add3A_1570 = arith.addi %mul3A_18, %add3A_1569 : i32
    %dma_start3A_1571 = arith.constant 0 : i32
    %dma_start3A_1572 = tpu.memref_slice %arg4[%arg0, %add3A_1570, %dma_start3A_1571] : memref<2x10240x128xf32, #tpu.memory_space<hbm>> -> memref<1x16x128xf32, #tpu.memory_space<hbm>>
    %dma_start3A_1573 = tpu.memref_squeeze %dma_start3A_1572 : memref<1x16x128xf32, #tpu.memory_space<hbm>> -> memref<16x128xf32, #tpu.memory_space<hbm>>
    %dma_start3A_1574 = arith.constant 0 : i32
    %dma_start3A_1575 = tpu.memref_slice %arg10[%add3A_1570, %dma_start3A_1574] : memref<10240x128xf32, #tpu.memory_space<vmem_shared>> -> memref<16x128xf32, #tpu.memory_space<vmem_shared>>
    tpu.enqueue_dma source(%dma_start3A_1575 : memref<16x128xf32, #tpu.memory_space<vmem_shared>>) target(%dma_start3A_1573 : memref<16x128xf32, #tpu.memory_space<hbm>>) target_semaphore(%arg14 : memref<!tpu.dma_semaphore, #tpu.memory_space<semaphore_mem>>)
    %add3A_1576 = arith.constant 304 : i32
    %add3A_1577 = arith.addi %mul3A_18, %add3A_1576 : i32
    %dma_start3A_1578 = arith.constant 0 : i32
    %dma_start3A_1579 = tpu.memref_slice %arg4[%arg0, %add3A_1577, %dma_start3A_1578] : memref<2x10240x128xf32, #tpu.memory_space<hbm>> -> memref<1x16x128xf32, #tpu.memory_space<hbm>>
    %dma_start3A_1580 = tpu.memref_squeeze %dma_start3A_1579 : memref<1x16x128xf32, #tpu.memory_space<hbm>> -> memref<16x128xf32, #tpu.memory_space<hbm>>
    %dma_start3A_1581 = arith.constant 0 : i32
    %dma_start3A_1582 = tpu.memref_slice %arg10[%add3A_1577, %dma_start3A_1581] : memref<10240x128xf32, #tpu.memory_space<vmem_shared>> -> memref<16x128xf32, #tpu.memory_space<vmem_shared>>
    tpu.enqueue_dma source(%dma_start3A_1582 : memref<16x128xf32, #tpu.memory_space<vmem_shared>>) target(%dma_start3A_1580 : memref<16x128xf32, #tpu.memory_space<hbm>>) target_semaphore(%arg14 : memref<!tpu.dma_semaphore, #tpu.memory_space<semaphore_mem>>)
    %add3A_1583 = arith.constant 320 : i32
    %add3A_1584 = arith.addi %mul3A_18, %add3A_1583 : i32
    %dma_start3A_1585 = arith.constant 0 : i32
    %dma_start3A_1586 = tpu.memref_slice %arg4[%arg0, %add3A_1584, %dma_start3A_1585] : memref<2x10240x128xf32, #tpu.memory_space<hbm>> -> memref<1x16x128xf32, #tpu.memory_space<hbm>>
    %dma_start3A_1587 = tpu.memref_squeeze %dma_start3A_1586 : memref<1x16x128xf32, #tpu.memory_space<hbm>> -> memref<16x128xf32, #tpu.memory_space<hbm>>
    %dma_start3A_1588 = arith.constant 0 : i32
    %dma_start3A_1589 = tpu.memref_slice %arg10[%add3A_1584, %dma_start3A_1588] : memref<10240x128xf32, #tpu.memory_space<vmem_shared>> -> memref<16x128xf32, #tpu.memory_space<vmem_shared>>
    tpu.enqueue_dma source(%dma_start3A_1589 : memref<16x128xf32, #tpu.memory_space<vmem_shared>>) target(%dma_start3A_1587 : memref<16x128xf32, #tpu.memory_space<hbm>>) target_semaphore(%arg14 : memref<!tpu.dma_semaphore, #tpu.memory_space<semaphore_mem>>)
    %add3A_1590 = arith.constant 336 : i32
    %add3A_1591 = arith.addi %mul3A_18, %add3A_1590 : i32
    %dma_start3A_1592 = arith.constant 0 : i32
    %dma_start3A_1593 = tpu.memref_slice %arg4[%arg0, %add3A_1591, %dma_start3A_1592] : memref<2x10240x128xf32, #tpu.memory_space<hbm>> -> memref<1x16x128xf32, #tpu.memory_space<hbm>>
    %dma_start3A_1594 = tpu.memref_squeeze %dma_start3A_1593 : memref<1x16x128xf32, #tpu.memory_space<hbm>> -> memref<16x128xf32, #tpu.memory_space<hbm>>
    %dma_start3A_1595 = arith.constant 0 : i32
    %dma_start3A_1596 = tpu.memref_slice %arg10[%add3A_1591, %dma_start3A_1595] : memref<10240x128xf32, #tpu.memory_space<vmem_shared>> -> memref<16x128xf32, #tpu.memory_space<vmem_shared>>
    tpu.enqueue_dma source(%dma_start3A_1596 : memref<16x128xf32, #tpu.memory_space<vmem_shared>>) target(%dma_start3A_1594 : memref<16x128xf32, #tpu.memory_space<hbm>>) target_semaphore(%arg14 : memref<!tpu.dma_semaphore, #tpu.memory_space<semaphore_mem>>)
    %add3A_1597 = arith.constant 352 : i32
    %add3A_1598 = arith.addi %mul3A_18, %add3A_1597 : i32
    %dma_start3A_1599 = arith.constant 0 : i32
    %dma_start3A_1600 = tpu.memref_slice %arg4[%arg0, %add3A_1598, %dma_start3A_1599] : memref<2x10240x128xf32, #tpu.memory_space<hbm>> -> memref<1x16x128xf32, #tpu.memory_space<hbm>>
    %dma_start3A_1601 = tpu.memref_squeeze %dma_start3A_1600 : memref<1x16x128xf32, #tpu.memory_space<hbm>> -> memref<16x128xf32, #tpu.memory_space<hbm>>
    %dma_start3A_1602 = arith.constant 0 : i32
    %dma_start3A_1603 = tpu.memref_slice %arg10[%add3A_1598, %dma_start3A_1602] : memref<10240x128xf32, #tpu.memory_space<vmem_shared>> -> memref<16x128xf32, #tpu.memory_space<vmem_shared>>
    tpu.enqueue_dma source(%dma_start3A_1603 : memref<16x128xf32, #tpu.memory_space<vmem_shared>>) target(%dma_start3A_1601 : memref<16x128xf32, #tpu.memory_space<hbm>>) target_semaphore(%arg14 : memref<!tpu.dma_semaphore, #tpu.memory_space<semaphore_mem>>)
    %add3A_1604 = arith.constant 368 : i32
    %add3A_1605 = arith.addi %mul3A_18, %add3A_1604 : i32
    %dma_start3A_1606 = arith.constant 0 : i32
    %dma_start3A_1607 = tpu.memref_slice %arg4[%arg0, %add3A_1605, %dma_start3A_1606] : memref<2x10240x128xf32, #tpu.memory_space<hbm>> -> memref<1x16x128xf32, #tpu.memory_space<hbm>>
    %dma_start3A_1608 = tpu.memref_squeeze %dma_start3A_1607 : memref<1x16x128xf32, #tpu.memory_space<hbm>> -> memref<16x128xf32, #tpu.memory_space<hbm>>
    %dma_start3A_1609 = arith.constant 0 : i32
    %dma_start3A_1610 = tpu.memref_slice %arg10[%add3A_1605, %dma_start3A_1609] : memref<10240x128xf32, #tpu.memory_space<vmem_shared>> -> memref<16x128xf32, #tpu.memory_space<vmem_shared>>
    tpu.enqueue_dma source(%dma_start3A_1610 : memref<16x128xf32, #tpu.memory_space<vmem_shared>>) target(%dma_start3A_1608 : memref<16x128xf32, #tpu.memory_space<hbm>>) target_semaphore(%arg14 : memref<!tpu.dma_semaphore, #tpu.memory_space<semaphore_mem>>)
    %add3A_1611 = arith.constant 384 : i32
    %add3A_1612 = arith.addi %mul3A_18, %add3A_1611 : i32
    %dma_start3A_1613 = arith.constant 0 : i32
    %dma_start3A_1614 = tpu.memref_slice %arg4[%arg0, %add3A_1612, %dma_start3A_1613] : memref<2x10240x128xf32, #tpu.memory_space<hbm>> -> memref<1x16x128xf32, #tpu.memory_space<hbm>>
    %dma_start3A_1615 = tpu.memref_squeeze %dma_start3A_1614 : memref<1x16x128xf32, #tpu.memory_space<hbm>> -> memref<16x128xf32, #tpu.memory_space<hbm>>
    %dma_start3A_1616 = arith.constant 0 : i32
    %dma_start3A_1617 = tpu.memref_slice %arg10[%add3A_1612, %dma_start3A_1616] : memref<10240x128xf32, #tpu.memory_space<vmem_shared>> -> memref<16x128xf32, #tpu.memory_space<vmem_shared>>
    tpu.enqueue_dma source(%dma_start3A_1617 : memref<16x128xf32, #tpu.memory_space<vmem_shared>>) target(%dma_start3A_1615 : memref<16x128xf32, #tpu.memory_space<hbm>>) target_semaphore(%arg14 : memref<!tpu.dma_semaphore, #tpu.memory_space<semaphore_mem>>)
    %add3A_1618 = arith.constant 400 : i32
    %add3A_1619 = arith.addi %mul3A_18, %add3A_1618 : i32
    %dma_start3A_1620 = arith.constant 0 : i32
    %dma_start3A_1621 = tpu.memref_slice %arg4[%arg0, %add3A_1619, %dma_start3A_1620] : memref<2x10240x128xf32, #tpu.memory_space<hbm>> -> memref<1x16x128xf32, #tpu.memory_space<hbm>>
    %dma_start3A_1622 = tpu.memref_squeeze %dma_start3A_1621 : memref<1x16x128xf32, #tpu.memory_space<hbm>> -> memref<16x128xf32, #tpu.memory_space<hbm>>
    %dma_start3A_1623 = arith.constant 0 : i32
    %dma_start3A_1624 = tpu.memref_slice %arg10[%add3A_1619, %dma_start3A_1623] : memref<10240x128xf32, #tpu.memory_space<vmem_shared>> -> memref<16x128xf32, #tpu.memory_space<vmem_shared>>
    tpu.enqueue_dma source(%dma_start3A_1624 : memref<16x128xf32, #tpu.memory_space<vmem_shared>>) target(%dma_start3A_1622 : memref<16x128xf32, #tpu.memory_space<hbm>>) target_semaphore(%arg14 : memref<!tpu.dma_semaphore, #tpu.memory_space<semaphore_mem>>)
    %add3A_1625 = arith.constant 416 : i32
    %add3A_1626 = arith.addi %mul3A_18, %add3A_1625 : i32
    %dma_start3A_1627 = arith.constant 0 : i32
    %dma_start3A_1628 = tpu.memref_slice %arg4[%arg0, %add3A_1626, %dma_start3A_1627] : memref<2x10240x128xf32, #tpu.memory_space<hbm>> -> memref<1x16x128xf32, #tpu.memory_space<hbm>>
    %dma_start3A_1629 = tpu.memref_squeeze %dma_start3A_1628 : memref<1x16x128xf32, #tpu.memory_space<hbm>> -> memref<16x128xf32, #tpu.memory_space<hbm>>
    %dma_start3A_1630 = arith.constant 0 : i32
    %dma_start3A_1631 = tpu.memref_slice %arg10[%add3A_1626, %dma_start3A_1630] : memref<10240x128xf32, #tpu.memory_space<vmem_shared>> -> memref<16x128xf32, #tpu.memory_space<vmem_shared>>
    tpu.enqueue_dma source(%dma_start3A_1631 : memref<16x128xf32, #tpu.memory_space<vmem_shared>>) target(%dma_start3A_1629 : memref<16x128xf32, #tpu.memory_space<hbm>>) target_semaphore(%arg14 : memref<!tpu.dma_semaphore, #tpu.memory_space<semaphore_mem>>)
    %add3A_1632 = arith.constant 432 : i32
    %add3A_1633 = arith.addi %mul3A_18, %add3A_1632 : i32
    %dma_start3A_1634 = arith.constant 0 : i32
    %dma_start3A_1635 = tpu.memref_slice %arg4[%arg0, %add3A_1633, %dma_start3A_1634] : memref<2x10240x128xf32, #tpu.memory_space<hbm>> -> memref<1x16x128xf32, #tpu.memory_space<hbm>>
    %dma_start3A_1636 = tpu.memref_squeeze %dma_start3A_1635 : memref<1x16x128xf32, #tpu.memory_space<hbm>> -> memref<16x128xf32, #tpu.memory_space<hbm>>
    %dma_start3A_1637 = arith.constant 0 : i32
    %dma_start3A_1638 = tpu.memref_slice %arg10[%add3A_1633, %dma_start3A_1637] : memref<10240x128xf32, #tpu.memory_space<vmem_shared>> -> memref<16x128xf32, #tpu.memory_space<vmem_shared>>
    tpu.enqueue_dma source(%dma_start3A_1638 : memref<16x128xf32, #tpu.memory_space<vmem_shared>>) target(%dma_start3A_1636 : memref<16x128xf32, #tpu.memory_space<hbm>>) target_semaphore(%arg14 : memref<!tpu.dma_semaphore, #tpu.memory_space<semaphore_mem>>)
    %add3A_1639 = arith.constant 448 : i32
    %add3A_1640 = arith.addi %mul3A_18, %add3A_1639 : i32
    %dma_start3A_1641 = arith.constant 0 : i32
    %dma_start3A_1642 = tpu.memref_slice %arg4[%arg0, %add3A_1640, %dma_start3A_1641] : memref<2x10240x128xf32, #tpu.memory_space<hbm>> -> memref<1x16x128xf32, #tpu.memory_space<hbm>>
    %dma_start3A_1643 = tpu.memref_squeeze %dma_start3A_1642 : memref<1x16x128xf32, #tpu.memory_space<hbm>> -> memref<16x128xf32, #tpu.memory_space<hbm>>
    %dma_start3A_1644 = arith.constant 0 : i32
    %dma_start3A_1645 = tpu.memref_slice %arg10[%add3A_1640, %dma_start3A_1644] : memref<10240x128xf32, #tpu.memory_space<vmem_shared>> -> memref<16x128xf32, #tpu.memory_space<vmem_shared>>
    tpu.enqueue_dma source(%dma_start3A_1645 : memref<16x128xf32, #tpu.memory_space<vmem_shared>>) target(%dma_start3A_1643 : memref<16x128xf32, #tpu.memory_space<hbm>>) target_semaphore(%arg14 : memref<!tpu.dma_semaphore, #tpu.memory_space<semaphore_mem>>)
    %add3A_1646 = arith.constant 464 : i32
    %add3A_1647 = arith.addi %mul3A_18, %add3A_1646 : i32
    %dma_start3A_1648 = arith.constant 0 : i32
    %dma_start3A_1649 = tpu.memref_slice %arg4[%arg0, %add3A_1647, %dma_start3A_1648] : memref<2x10240x128xf32, #tpu.memory_space<hbm>> -> memref<1x16x128xf32, #tpu.memory_space<hbm>>
    %dma_start3A_1650 = tpu.memref_squeeze %dma_start3A_1649 : memref<1x16x128xf32, #tpu.memory_space<hbm>> -> memref<16x128xf32, #tpu.memory_space<hbm>>
    %dma_start3A_1651 = arith.constant 0 : i32
    %dma_start3A_1652 = tpu.memref_slice %arg10[%add3A_1647, %dma_start3A_1651] : memref<10240x128xf32, #tpu.memory_space<vmem_shared>> -> memref<16x128xf32, #tpu.memory_space<vmem_shared>>
    tpu.enqueue_dma source(%dma_start3A_1652 : memref<16x128xf32, #tpu.memory_space<vmem_shared>>) target(%dma_start3A_1650 : memref<16x128xf32, #tpu.memory_space<hbm>>) target_semaphore(%arg14 : memref<!tpu.dma_semaphore, #tpu.memory_space<semaphore_mem>>)
    %add3A_1653 = arith.constant 480 : i32
    %add3A_1654 = arith.addi %mul3A_18, %add3A_1653 : i32
    %dma_start3A_1655 = arith.constant 0 : i32
    %dma_start3A_1656 = tpu.memref_slice %arg4[%arg0, %add3A_1654, %dma_start3A_1655] : memref<2x10240x128xf32, #tpu.memory_space<hbm>> -> memref<1x16x128xf32, #tpu.memory_space<hbm>>
    %dma_start3A_1657 = tpu.memref_squeeze %dma_start3A_1656 : memref<1x16x128xf32, #tpu.memory_space<hbm>> -> memref<16x128xf32, #tpu.memory_space<hbm>>
    %dma_start3A_1658 = arith.constant 0 : i32
    %dma_start3A_1659 = tpu.memref_slice %arg10[%add3A_1654, %dma_start3A_1658] : memref<10240x128xf32, #tpu.memory_space<vmem_shared>> -> memref<16x128xf32, #tpu.memory_space<vmem_shared>>
    tpu.enqueue_dma source(%dma_start3A_1659 : memref<16x128xf32, #tpu.memory_space<vmem_shared>>) target(%dma_start3A_1657 : memref<16x128xf32, #tpu.memory_space<hbm>>) target_semaphore(%arg14 : memref<!tpu.dma_semaphore, #tpu.memory_space<semaphore_mem>>)
    %add3A_1660 = arith.constant 496 : i32
    %add3A_1661 = arith.addi %mul3A_18, %add3A_1660 : i32
    %dma_start3A_1662 = arith.constant 0 : i32
    %dma_start3A_1663 = tpu.memref_slice %arg4[%arg0, %add3A_1661, %dma_start3A_1662] : memref<2x10240x128xf32, #tpu.memory_space<hbm>> -> memref<1x16x128xf32, #tpu.memory_space<hbm>>
    %dma_start3A_1664 = tpu.memref_squeeze %dma_start3A_1663 : memref<1x16x128xf32, #tpu.memory_space<hbm>> -> memref<16x128xf32, #tpu.memory_space<hbm>>
    %dma_start3A_1665 = arith.constant 0 : i32
    %dma_start3A_1666 = tpu.memref_slice %arg10[%add3A_1661, %dma_start3A_1665] : memref<10240x128xf32, #tpu.memory_space<vmem_shared>> -> memref<16x128xf32, #tpu.memory_space<vmem_shared>>
    tpu.enqueue_dma source(%dma_start3A_1666 : memref<16x128xf32, #tpu.memory_space<vmem_shared>>) target(%dma_start3A_1664 : memref<16x128xf32, #tpu.memory_space<hbm>>) target_semaphore(%arg14 : memref<!tpu.dma_semaphore, #tpu.memory_space<semaphore_mem>>)
    %add3A_1667 = arith.constant 512 : i32
    %add3A_1668 = arith.addi %mul3A_18, %add3A_1667 : i32
    %dma_start3A_1669 = arith.constant 0 : i32
    %dma_start3A_1670 = tpu.memref_slice %arg4[%arg0, %add3A_1668, %dma_start3A_1669] : memref<2x10240x128xf32, #tpu.memory_space<hbm>> -> memref<1x16x128xf32, #tpu.memory_space<hbm>>
    %dma_start3A_1671 = tpu.memref_squeeze %dma_start3A_1670 : memref<1x16x128xf32, #tpu.memory_space<hbm>> -> memref<16x128xf32, #tpu.memory_space<hbm>>
    %dma_start3A_1672 = arith.constant 0 : i32
    %dma_start3A_1673 = tpu.memref_slice %arg10[%add3A_1668, %dma_start3A_1672] : memref<10240x128xf32, #tpu.memory_space<vmem_shared>> -> memref<16x128xf32, #tpu.memory_space<vmem_shared>>
    tpu.enqueue_dma source(%dma_start3A_1673 : memref<16x128xf32, #tpu.memory_space<vmem_shared>>) target(%dma_start3A_1671 : memref<16x128xf32, #tpu.memory_space<hbm>>) target_semaphore(%arg14 : memref<!tpu.dma_semaphore, #tpu.memory_space<semaphore_mem>>)
    %add3A_1674 = arith.constant 528 : i32
    %add3A_1675 = arith.addi %mul3A_18, %add3A_1674 : i32
    %dma_start3A_1676 = arith.constant 0 : i32
    %dma_start3A_1677 = tpu.memref_slice %arg4[%arg0, %add3A_1675, %dma_start3A_1676] : memref<2x10240x128xf32, #tpu.memory_space<hbm>> -> memref<1x16x128xf32, #tpu.memory_space<hbm>>
    %dma_start3A_1678 = tpu.memref_squeeze %dma_start3A_1677 : memref<1x16x128xf32, #tpu.memory_space<hbm>> -> memref<16x128xf32, #tpu.memory_space<hbm>>
    %dma_start3A_1679 = arith.constant 0 : i32
    %dma_start3A_1680 = tpu.memref_slice %arg10[%add3A_1675, %dma_start3A_1679] : memref<10240x128xf32, #tpu.memory_space<vmem_shared>> -> memref<16x128xf32, #tpu.memory_space<vmem_shared>>
    tpu.enqueue_dma source(%dma_start3A_1680 : memref<16x128xf32, #tpu.memory_space<vmem_shared>>) target(%dma_start3A_1678 : memref<16x128xf32, #tpu.memory_space<hbm>>) target_semaphore(%arg14 : memref<!tpu.dma_semaphore, #tpu.memory_space<semaphore_mem>>)
    %add3A_1681 = arith.constant 544 : i32
    %add3A_1682 = arith.addi %mul3A_18, %add3A_1681 : i32
    %dma_start3A_1683 = arith.constant 0 : i32
    %dma_start3A_1684 = tpu.memref_slice %arg4[%arg0, %add3A_1682, %dma_start3A_1683] : memref<2x10240x128xf32, #tpu.memory_space<hbm>> -> memref<1x16x128xf32, #tpu.memory_space<hbm>>
    %dma_start3A_1685 = tpu.memref_squeeze %dma_start3A_1684 : memref<1x16x128xf32, #tpu.memory_space<hbm>> -> memref<16x128xf32, #tpu.memory_space<hbm>>
    %dma_start3A_1686 = arith.constant 0 : i32
    %dma_start3A_1687 = tpu.memref_slice %arg10[%add3A_1682, %dma_start3A_1686] : memref<10240x128xf32, #tpu.memory_space<vmem_shared>> -> memref<16x128xf32, #tpu.memory_space<vmem_shared>>
    tpu.enqueue_dma source(%dma_start3A_1687 : memref<16x128xf32, #tpu.memory_space<vmem_shared>>) target(%dma_start3A_1685 : memref<16x128xf32, #tpu.memory_space<hbm>>) target_semaphore(%arg14 : memref<!tpu.dma_semaphore, #tpu.memory_space<semaphore_mem>>)
    %add3A_1688 = arith.constant 560 : i32
    %add3A_1689 = arith.addi %mul3A_18, %add3A_1688 : i32
    %dma_start3A_1690 = arith.constant 0 : i32
    %dma_start3A_1691 = tpu.memref_slice %arg4[%arg0, %add3A_1689, %dma_start3A_1690] : memref<2x10240x128xf32, #tpu.memory_space<hbm>> -> memref<1x16x128xf32, #tpu.memory_space<hbm>>
    %dma_start3A_1692 = tpu.memref_squeeze %dma_start3A_1691 : memref<1x16x128xf32, #tpu.memory_space<hbm>> -> memref<16x128xf32, #tpu.memory_space<hbm>>
    %dma_start3A_1693 = arith.constant 0 : i32
    %dma_start3A_1694 = tpu.memref_slice %arg10[%add3A_1689, %dma_start3A_1693] : memref<10240x128xf32, #tpu.memory_space<vmem_shared>> -> memref<16x128xf32, #tpu.memory_space<vmem_shared>>
    tpu.enqueue_dma source(%dma_start3A_1694 : memref<16x128xf32, #tpu.memory_space<vmem_shared>>) target(%dma_start3A_1692 : memref<16x128xf32, #tpu.memory_space<hbm>>) target_semaphore(%arg14 : memref<!tpu.dma_semaphore, #tpu.memory_space<semaphore_mem>>)
    %add3A_1695 = arith.constant 576 : i32
    %add3A_1696 = arith.addi %mul3A_18, %add3A_1695 : i32
    %dma_start3A_1697 = arith.constant 0 : i32
    %dma_start3A_1698 = tpu.memref_slice %arg4[%arg0, %add3A_1696, %dma_start3A_1697] : memref<2x10240x128xf32, #tpu.memory_space<hbm>> -> memref<1x16x128xf32, #tpu.memory_space<hbm>>
    %dma_start3A_1699 = tpu.memref_squeeze %dma_start3A_1698 : memref<1x16x128xf32, #tpu.memory_space<hbm>> -> memref<16x128xf32, #tpu.memory_space<hbm>>
    %dma_start3A_1700 = arith.constant 0 : i32
    %dma_start3A_1701 = tpu.memref_slice %arg10[%add3A_1696, %dma_start3A_1700] : memref<10240x128xf32, #tpu.memory_space<vmem_shared>> -> memref<16x128xf32, #tpu.memory_space<vmem_shared>>
    tpu.enqueue_dma source(%dma_start3A_1701 : memref<16x128xf32, #tpu.memory_space<vmem_shared>>) target(%dma_start3A_1699 : memref<16x128xf32, #tpu.memory_space<hbm>>) target_semaphore(%arg14 : memref<!tpu.dma_semaphore, #tpu.memory_space<semaphore_mem>>)
    %add3A_1702 = arith.constant 592 : i32
    %add3A_1703 = arith.addi %mul3A_18, %add3A_1702 : i32
    %dma_start3A_1704 = arith.constant 0 : i32
    %dma_start3A_1705 = tpu.memref_slice %arg4[%arg0, %add3A_1703, %dma_start3A_1704] : memref<2x10240x128xf32, #tpu.memory_space<hbm>> -> memref<1x16x128xf32, #tpu.memory_space<hbm>>
    %dma_start3A_1706 = tpu.memref_squeeze %dma_start3A_1705 : memref<1x16x128xf32, #tpu.memory_space<hbm>> -> memref<16x128xf32, #tpu.memory_space<hbm>>
    %dma_start3A_1707 = arith.constant 0 : i32
    %dma_start3A_1708 = tpu.memref_slice %arg10[%add3A_1703, %dma_start3A_1707] : memref<10240x128xf32, #tpu.memory_space<vmem_shared>> -> memref<16x128xf32, #tpu.memory_space<vmem_shared>>
    tpu.enqueue_dma source(%dma_start3A_1708 : memref<16x128xf32, #tpu.memory_space<vmem_shared>>) target(%dma_start3A_1706 : memref<16x128xf32, #tpu.memory_space<hbm>>) target_semaphore(%arg14 : memref<!tpu.dma_semaphore, #tpu.memory_space<semaphore_mem>>)
    %add3A_1709 = arith.constant 608 : i32
    %add3A_1710 = arith.addi %mul3A_18, %add3A_1709 : i32
    %dma_start3A_1711 = arith.constant 0 : i32
    %dma_start3A_1712 = tpu.memref_slice %arg4[%arg0, %add3A_1710, %dma_start3A_1711] : memref<2x10240x128xf32, #tpu.memory_space<hbm>> -> memref<1x16x128xf32, #tpu.memory_space<hbm>>
    %dma_start3A_1713 = tpu.memref_squeeze %dma_start3A_1712 : memref<1x16x128xf32, #tpu.memory_space<hbm>> -> memref<16x128xf32, #tpu.memory_space<hbm>>
    %dma_start3A_1714 = arith.constant 0 : i32
    %dma_start3A_1715 = tpu.memref_slice %arg10[%add3A_1710, %dma_start3A_1714] : memref<10240x128xf32, #tpu.memory_space<vmem_shared>> -> memref<16x128xf32, #tpu.memory_space<vmem_shared>>
    tpu.enqueue_dma source(%dma_start3A_1715 : memref<16x128xf32, #tpu.memory_space<vmem_shared>>) target(%dma_start3A_1713 : memref<16x128xf32, #tpu.memory_space<hbm>>) target_semaphore(%arg14 : memref<!tpu.dma_semaphore, #tpu.memory_space<semaphore_mem>>)
    %add3A_1716 = arith.constant 624 : i32
    %add3A_1717 = arith.addi %mul3A_18, %add3A_1716 : i32
    %dma_start3A_1718 = arith.constant 0 : i32
    %dma_start3A_1719 = tpu.memref_slice %arg4[%arg0, %add3A_1717, %dma_start3A_1718] : memref<2x10240x128xf32, #tpu.memory_space<hbm>> -> memref<1x16x128xf32, #tpu.memory_space<hbm>>
    %dma_start3A_1720 = tpu.memref_squeeze %dma_start3A_1719 : memref<1x16x128xf32, #tpu.memory_space<hbm>> -> memref<16x128xf32, #tpu.memory_space<hbm>>
    %dma_start3A_1721 = arith.constant 0 : i32
    %dma_start3A_1722 = tpu.memref_slice %arg10[%add3A_1717, %dma_start3A_1721] : memref<10240x128xf32, #tpu.memory_space<vmem_shared>> -> memref<16x128xf32, #tpu.memory_space<vmem_shared>>
    tpu.enqueue_dma source(%dma_start3A_1722 : memref<16x128xf32, #tpu.memory_space<vmem_shared>>) target(%dma_start3A_1720 : memref<16x128xf32, #tpu.memory_space<hbm>>) target_semaphore(%arg14 : memref<!tpu.dma_semaphore, #tpu.memory_space<semaphore_mem>>)
    %add3A_1723 = arith.constant 0 : i32
    %add3A_1724 = arith.addi %mul3A_18, %add3A_1723 : i32
    %dma_wait3A_1725 = arith.constant 0 : i32
    %dma_wait3A_1726 = tpu.memref_slice %arg4[%arg0, %add3A_1724, %dma_wait3A_1725] : memref<2x10240x128xf32, #tpu.memory_space<hbm>> -> memref<1x16x128xf32, #tpu.memory_space<hbm>>
    %dma_wait3A_1727 = tpu.memref_squeeze %dma_wait3A_1726 : memref<1x16x128xf32, #tpu.memory_space<hbm>> -> memref<16x128xf32, #tpu.memory_space<hbm>>
    %dma_wait3A_1728 = arith.constant 0 : i32
    %dma_wait3A_1729 = tpu.memref_slice %arg10[%add3A_1724, %dma_wait3A_1728] : memref<10240x128xf32, #tpu.memory_space<vmem_shared>> -> memref<16x128xf32, #tpu.memory_space<vmem_shared>>
    tpu.wait_dma2 semaphore(%arg14 : memref<!tpu.dma_semaphore, #tpu.memory_space<semaphore_mem>>) src(%dma_wait3A_1729 : memref<16x128xf32, #tpu.memory_space<vmem_shared>>) dst(%dma_wait3A_1727 : memref<16x128xf32, #tpu.memory_space<hbm>>)
    %add3A_1730 = arith.constant 16 : i32
    %add3A_1731 = arith.addi %mul3A_18, %add3A_1730 : i32
    %dma_wait3A_1732 = arith.constant 0 : i32
    %dma_wait3A_1733 = tpu.memref_slice %arg4[%arg0, %add3A_1731, %dma_wait3A_1732] : memref<2x10240x128xf32, #tpu.memory_space<hbm>> -> memref<1x16x128xf32, #tpu.memory_space<hbm>>
    %dma_wait3A_1734 = tpu.memref_squeeze %dma_wait3A_1733 : memref<1x16x128xf32, #tpu.memory_space<hbm>> -> memref<16x128xf32, #tpu.memory_space<hbm>>
    %dma_wait3A_1735 = arith.constant 0 : i32
    %dma_wait3A_1736 = tpu.memref_slice %arg10[%add3A_1731, %dma_wait3A_1735] : memref<10240x128xf32, #tpu.memory_space<vmem_shared>> -> memref<16x128xf32, #tpu.memory_space<vmem_shared>>
    tpu.wait_dma2 semaphore(%arg14 : memref<!tpu.dma_semaphore, #tpu.memory_space<semaphore_mem>>) src(%dma_wait3A_1736 : memref<16x128xf32, #tpu.memory_space<vmem_shared>>) dst(%dma_wait3A_1734 : memref<16x128xf32, #tpu.memory_space<hbm>>)
    %add3A_1737 = arith.constant 32 : i32
    %add3A_1738 = arith.addi %mul3A_18, %add3A_1737 : i32
    %dma_wait3A_1739 = arith.constant 0 : i32
    %dma_wait3A_1740 = tpu.memref_slice %arg4[%arg0, %add3A_1738, %dma_wait3A_1739] : memref<2x10240x128xf32, #tpu.memory_space<hbm>> -> memref<1x16x128xf32, #tpu.memory_space<hbm>>
    %dma_wait3A_1741 = tpu.memref_squeeze %dma_wait3A_1740 : memref<1x16x128xf32, #tpu.memory_space<hbm>> -> memref<16x128xf32, #tpu.memory_space<hbm>>
    %dma_wait3A_1742 = arith.constant 0 : i32
    %dma_wait3A_1743 = tpu.memref_slice %arg10[%add3A_1738, %dma_wait3A_1742] : memref<10240x128xf32, #tpu.memory_space<vmem_shared>> -> memref<16x128xf32, #tpu.memory_space<vmem_shared>>
    tpu.wait_dma2 semaphore(%arg14 : memref<!tpu.dma_semaphore, #tpu.memory_space<semaphore_mem>>) src(%dma_wait3A_1743 : memref<16x128xf32, #tpu.memory_space<vmem_shared>>) dst(%dma_wait3A_1741 : memref<16x128xf32, #tpu.memory_space<hbm>>)
    %add3A_1744 = arith.constant 48 : i32
    %add3A_1745 = arith.addi %mul3A_18, %add3A_1744 : i32
    %dma_wait3A_1746 = arith.constant 0 : i32
    %dma_wait3A_1747 = tpu.memref_slice %arg4[%arg0, %add3A_1745, %dma_wait3A_1746] : memref<2x10240x128xf32, #tpu.memory_space<hbm>> -> memref<1x16x128xf32, #tpu.memory_space<hbm>>
    %dma_wait3A_1748 = tpu.memref_squeeze %dma_wait3A_1747 : memref<1x16x128xf32, #tpu.memory_space<hbm>> -> memref<16x128xf32, #tpu.memory_space<hbm>>
    %dma_wait3A_1749 = arith.constant 0 : i32
    %dma_wait3A_1750 = tpu.memref_slice %arg10[%add3A_1745, %dma_wait3A_1749] : memref<10240x128xf32, #tpu.memory_space<vmem_shared>> -> memref<16x128xf32, #tpu.memory_space<vmem_shared>>
    tpu.wait_dma2 semaphore(%arg14 : memref<!tpu.dma_semaphore, #tpu.memory_space<semaphore_mem>>) src(%dma_wait3A_1750 : memref<16x128xf32, #tpu.memory_space<vmem_shared>>) dst(%dma_wait3A_1748 : memref<16x128xf32, #tpu.memory_space<hbm>>)
    %add3A_1751 = arith.constant 64 : i32
    %add3A_1752 = arith.addi %mul3A_18, %add3A_1751 : i32
    %dma_wait3A_1753 = arith.constant 0 : i32
    %dma_wait3A_1754 = tpu.memref_slice %arg4[%arg0, %add3A_1752, %dma_wait3A_1753] : memref<2x10240x128xf32, #tpu.memory_space<hbm>> -> memref<1x16x128xf32, #tpu.memory_space<hbm>>
    %dma_wait3A_1755 = tpu.memref_squeeze %dma_wait3A_1754 : memref<1x16x128xf32, #tpu.memory_space<hbm>> -> memref<16x128xf32, #tpu.memory_space<hbm>>
    %dma_wait3A_1756 = arith.constant 0 : i32
    %dma_wait3A_1757 = tpu.memref_slice %arg10[%add3A_1752, %dma_wait3A_1756] : memref<10240x128xf32, #tpu.memory_space<vmem_shared>> -> memref<16x128xf32, #tpu.memory_space<vmem_shared>>
    tpu.wait_dma2 semaphore(%arg14 : memref<!tpu.dma_semaphore, #tpu.memory_space<semaphore_mem>>) src(%dma_wait3A_1757 : memref<16x128xf32, #tpu.memory_space<vmem_shared>>) dst(%dma_wait3A_1755 : memref<16x128xf32, #tpu.memory_space<hbm>>)
    %add3A_1758 = arith.constant 80 : i32
    %add3A_1759 = arith.addi %mul3A_18, %add3A_1758 : i32
    %dma_wait3A_1760 = arith.constant 0 : i32
    %dma_wait3A_1761 = tpu.memref_slice %arg4[%arg0, %add3A_1759, %dma_wait3A_1760] : memref<2x10240x128xf32, #tpu.memory_space<hbm>> -> memref<1x16x128xf32, #tpu.memory_space<hbm>>
    %dma_wait3A_1762 = tpu.memref_squeeze %dma_wait3A_1761 : memref<1x16x128xf32, #tpu.memory_space<hbm>> -> memref<16x128xf32, #tpu.memory_space<hbm>>
    %dma_wait3A_1763 = arith.constant 0 : i32
    %dma_wait3A_1764 = tpu.memref_slice %arg10[%add3A_1759, %dma_wait3A_1763] : memref<10240x128xf32, #tpu.memory_space<vmem_shared>> -> memref<16x128xf32, #tpu.memory_space<vmem_shared>>
    tpu.wait_dma2 semaphore(%arg14 : memref<!tpu.dma_semaphore, #tpu.memory_space<semaphore_mem>>) src(%dma_wait3A_1764 : memref<16x128xf32, #tpu.memory_space<vmem_shared>>) dst(%dma_wait3A_1762 : memref<16x128xf32, #tpu.memory_space<hbm>>)
    %add3A_1765 = arith.constant 96 : i32
    %add3A_1766 = arith.addi %mul3A_18, %add3A_1765 : i32
    %dma_wait3A_1767 = arith.constant 0 : i32
    %dma_wait3A_1768 = tpu.memref_slice %arg4[%arg0, %add3A_1766, %dma_wait3A_1767] : memref<2x10240x128xf32, #tpu.memory_space<hbm>> -> memref<1x16x128xf32, #tpu.memory_space<hbm>>
    %dma_wait3A_1769 = tpu.memref_squeeze %dma_wait3A_1768 : memref<1x16x128xf32, #tpu.memory_space<hbm>> -> memref<16x128xf32, #tpu.memory_space<hbm>>
    %dma_wait3A_1770 = arith.constant 0 : i32
    %dma_wait3A_1771 = tpu.memref_slice %arg10[%add3A_1766, %dma_wait3A_1770] : memref<10240x128xf32, #tpu.memory_space<vmem_shared>> -> memref<16x128xf32, #tpu.memory_space<vmem_shared>>
    tpu.wait_dma2 semaphore(%arg14 : memref<!tpu.dma_semaphore, #tpu.memory_space<semaphore_mem>>) src(%dma_wait3A_1771 : memref<16x128xf32, #tpu.memory_space<vmem_shared>>) dst(%dma_wait3A_1769 : memref<16x128xf32, #tpu.memory_space<hbm>>)
    %add3A_1772 = arith.constant 112 : i32
    %add3A_1773 = arith.addi %mul3A_18, %add3A_1772 : i32
    %dma_wait3A_1774 = arith.constant 0 : i32
    %dma_wait3A_1775 = tpu.memref_slice %arg4[%arg0, %add3A_1773, %dma_wait3A_1774] : memref<2x10240x128xf32, #tpu.memory_space<hbm>> -> memref<1x16x128xf32, #tpu.memory_space<hbm>>
    %dma_wait3A_1776 = tpu.memref_squeeze %dma_wait3A_1775 : memref<1x16x128xf32, #tpu.memory_space<hbm>> -> memref<16x128xf32, #tpu.memory_space<hbm>>
    %dma_wait3A_1777 = arith.constant 0 : i32
    %dma_wait3A_1778 = tpu.memref_slice %arg10[%add3A_1773, %dma_wait3A_1777] : memref<10240x128xf32, #tpu.memory_space<vmem_shared>> -> memref<16x128xf32, #tpu.memory_space<vmem_shared>>
    tpu.wait_dma2 semaphore(%arg14 : memref<!tpu.dma_semaphore, #tpu.memory_space<semaphore_mem>>) src(%dma_wait3A_1778 : memref<16x128xf32, #tpu.memory_space<vmem_shared>>) dst(%dma_wait3A_1776 : memref<16x128xf32, #tpu.memory_space<hbm>>)
    %add3A_1779 = arith.constant 128 : i32
    %add3A_1780 = arith.addi %mul3A_18, %add3A_1779 : i32
    %dma_wait3A_1781 = arith.constant 0 : i32
    %dma_wait3A_1782 = tpu.memref_slice %arg4[%arg0, %add3A_1780, %dma_wait3A_1781] : memref<2x10240x128xf32, #tpu.memory_space<hbm>> -> memref<1x16x128xf32, #tpu.memory_space<hbm>>
    %dma_wait3A_1783 = tpu.memref_squeeze %dma_wait3A_1782 : memref<1x16x128xf32, #tpu.memory_space<hbm>> -> memref<16x128xf32, #tpu.memory_space<hbm>>
    %dma_wait3A_1784 = arith.constant 0 : i32
    %dma_wait3A_1785 = tpu.memref_slice %arg10[%add3A_1780, %dma_wait3A_1784] : memref<10240x128xf32, #tpu.memory_space<vmem_shared>> -> memref<16x128xf32, #tpu.memory_space<vmem_shared>>
    tpu.wait_dma2 semaphore(%arg14 : memref<!tpu.dma_semaphore, #tpu.memory_space<semaphore_mem>>) src(%dma_wait3A_1785 : memref<16x128xf32, #tpu.memory_space<vmem_shared>>) dst(%dma_wait3A_1783 : memref<16x128xf32, #tpu.memory_space<hbm>>)
    %add3A_1786 = arith.constant 144 : i32
    %add3A_1787 = arith.addi %mul3A_18, %add3A_1786 : i32
    %dma_wait3A_1788 = arith.constant 0 : i32
    %dma_wait3A_1789 = tpu.memref_slice %arg4[%arg0, %add3A_1787, %dma_wait3A_1788] : memref<2x10240x128xf32, #tpu.memory_space<hbm>> -> memref<1x16x128xf32, #tpu.memory_space<hbm>>
    %dma_wait3A_1790 = tpu.memref_squeeze %dma_wait3A_1789 : memref<1x16x128xf32, #tpu.memory_space<hbm>> -> memref<16x128xf32, #tpu.memory_space<hbm>>
    %dma_wait3A_1791 = arith.constant 0 : i32
    %dma_wait3A_1792 = tpu.memref_slice %arg10[%add3A_1787, %dma_wait3A_1791] : memref<10240x128xf32, #tpu.memory_space<vmem_shared>> -> memref<16x128xf32, #tpu.memory_space<vmem_shared>>
    tpu.wait_dma2 semaphore(%arg14 : memref<!tpu.dma_semaphore, #tpu.memory_space<semaphore_mem>>) src(%dma_wait3A_1792 : memref<16x128xf32, #tpu.memory_space<vmem_shared>>) dst(%dma_wait3A_1790 : memref<16x128xf32, #tpu.memory_space<hbm>>)
    %add3A_1793 = arith.constant 160 : i32
    %add3A_1794 = arith.addi %mul3A_18, %add3A_1793 : i32
    %dma_wait3A_1795 = arith.constant 0 : i32
    %dma_wait3A_1796 = tpu.memref_slice %arg4[%arg0, %add3A_1794, %dma_wait3A_1795] : memref<2x10240x128xf32, #tpu.memory_space<hbm>> -> memref<1x16x128xf32, #tpu.memory_space<hbm>>
    %dma_wait3A_1797 = tpu.memref_squeeze %dma_wait3A_1796 : memref<1x16x128xf32, #tpu.memory_space<hbm>> -> memref<16x128xf32, #tpu.memory_space<hbm>>
    %dma_wait3A_1798 = arith.constant 0 : i32
    %dma_wait3A_1799 = tpu.memref_slice %arg10[%add3A_1794, %dma_wait3A_1798] : memref<10240x128xf32, #tpu.memory_space<vmem_shared>> -> memref<16x128xf32, #tpu.memory_space<vmem_shared>>
    tpu.wait_dma2 semaphore(%arg14 : memref<!tpu.dma_semaphore, #tpu.memory_space<semaphore_mem>>) src(%dma_wait3A_1799 : memref<16x128xf32, #tpu.memory_space<vmem_shared>>) dst(%dma_wait3A_1797 : memref<16x128xf32, #tpu.memory_space<hbm>>)
    %add3A_1800 = arith.constant 176 : i32
    %add3A_1801 = arith.addi %mul3A_18, %add3A_1800 : i32
    %dma_wait3A_1802 = arith.constant 0 : i32
    %dma_wait3A_1803 = tpu.memref_slice %arg4[%arg0, %add3A_1801, %dma_wait3A_1802] : memref<2x10240x128xf32, #tpu.memory_space<hbm>> -> memref<1x16x128xf32, #tpu.memory_space<hbm>>
    %dma_wait3A_1804 = tpu.memref_squeeze %dma_wait3A_1803 : memref<1x16x128xf32, #tpu.memory_space<hbm>> -> memref<16x128xf32, #tpu.memory_space<hbm>>
    %dma_wait3A_1805 = arith.constant 0 : i32
    %dma_wait3A_1806 = tpu.memref_slice %arg10[%add3A_1801, %dma_wait3A_1805] : memref<10240x128xf32, #tpu.memory_space<vmem_shared>> -> memref<16x128xf32, #tpu.memory_space<vmem_shared>>
    tpu.wait_dma2 semaphore(%arg14 : memref<!tpu.dma_semaphore, #tpu.memory_space<semaphore_mem>>) src(%dma_wait3A_1806 : memref<16x128xf32, #tpu.memory_space<vmem_shared>>) dst(%dma_wait3A_1804 : memref<16x128xf32, #tpu.memory_space<hbm>>)
    %add3A_1807 = arith.constant 192 : i32
    %add3A_1808 = arith.addi %mul3A_18, %add3A_1807 : i32
    %dma_wait3A_1809 = arith.constant 0 : i32
    %dma_wait3A_1810 = tpu.memref_slice %arg4[%arg0, %add3A_1808, %dma_wait3A_1809] : memref<2x10240x128xf32, #tpu.memory_space<hbm>> -> memref<1x16x128xf32, #tpu.memory_space<hbm>>
    %dma_wait3A_1811 = tpu.memref_squeeze %dma_wait3A_1810 : memref<1x16x128xf32, #tpu.memory_space<hbm>> -> memref<16x128xf32, #tpu.memory_space<hbm>>
    %dma_wait3A_1812 = arith.constant 0 : i32
    %dma_wait3A_1813 = tpu.memref_slice %arg10[%add3A_1808, %dma_wait3A_1812] : memref<10240x128xf32, #tpu.memory_space<vmem_shared>> -> memref<16x128xf32, #tpu.memory_space<vmem_shared>>
    tpu.wait_dma2 semaphore(%arg14 : memref<!tpu.dma_semaphore, #tpu.memory_space<semaphore_mem>>) src(%dma_wait3A_1813 : memref<16x128xf32, #tpu.memory_space<vmem_shared>>) dst(%dma_wait3A_1811 : memref<16x128xf32, #tpu.memory_space<hbm>>)
    %add3A_1814 = arith.constant 208 : i32
    %add3A_1815 = arith.addi %mul3A_18, %add3A_1814 : i32
    %dma_wait3A_1816 = arith.constant 0 : i32
    %dma_wait3A_1817 = tpu.memref_slice %arg4[%arg0, %add3A_1815, %dma_wait3A_1816] : memref<2x10240x128xf32, #tpu.memory_space<hbm>> -> memref<1x16x128xf32, #tpu.memory_space<hbm>>
    %dma_wait3A_1818 = tpu.memref_squeeze %dma_wait3A_1817 : memref<1x16x128xf32, #tpu.memory_space<hbm>> -> memref<16x128xf32, #tpu.memory_space<hbm>>
    %dma_wait3A_1819 = arith.constant 0 : i32
    %dma_wait3A_1820 = tpu.memref_slice %arg10[%add3A_1815, %dma_wait3A_1819] : memref<10240x128xf32, #tpu.memory_space<vmem_shared>> -> memref<16x128xf32, #tpu.memory_space<vmem_shared>>
    tpu.wait_dma2 semaphore(%arg14 : memref<!tpu.dma_semaphore, #tpu.memory_space<semaphore_mem>>) src(%dma_wait3A_1820 : memref<16x128xf32, #tpu.memory_space<vmem_shared>>) dst(%dma_wait3A_1818 : memref<16x128xf32, #tpu.memory_space<hbm>>)
    %add3A_1821 = arith.constant 224 : i32
    %add3A_1822 = arith.addi %mul3A_18, %add3A_1821 : i32
    %dma_wait3A_1823 = arith.constant 0 : i32
    %dma_wait3A_1824 = tpu.memref_slice %arg4[%arg0, %add3A_1822, %dma_wait3A_1823] : memref<2x10240x128xf32, #tpu.memory_space<hbm>> -> memref<1x16x128xf32, #tpu.memory_space<hbm>>
    %dma_wait3A_1825 = tpu.memref_squeeze %dma_wait3A_1824 : memref<1x16x128xf32, #tpu.memory_space<hbm>> -> memref<16x128xf32, #tpu.memory_space<hbm>>
    %dma_wait3A_1826 = arith.constant 0 : i32
    %dma_wait3A_1827 = tpu.memref_slice %arg10[%add3A_1822, %dma_wait3A_1826] : memref<10240x128xf32, #tpu.memory_space<vmem_shared>> -> memref<16x128xf32, #tpu.memory_space<vmem_shared>>
    tpu.wait_dma2 semaphore(%arg14 : memref<!tpu.dma_semaphore, #tpu.memory_space<semaphore_mem>>) src(%dma_wait3A_1827 : memref<16x128xf32, #tpu.memory_space<vmem_shared>>) dst(%dma_wait3A_1825 : memref<16x128xf32, #tpu.memory_space<hbm>>)
    %add3A_1828 = arith.constant 240 : i32
    %add3A_1829 = arith.addi %mul3A_18, %add3A_1828 : i32
    %dma_wait3A_1830 = arith.constant 0 : i32
    %dma_wait3A_1831 = tpu.memref_slice %arg4[%arg0, %add3A_1829, %dma_wait3A_1830] : memref<2x10240x128xf32, #tpu.memory_space<hbm>> -> memref<1x16x128xf32, #tpu.memory_space<hbm>>
    %dma_wait3A_1832 = tpu.memref_squeeze %dma_wait3A_1831 : memref<1x16x128xf32, #tpu.memory_space<hbm>> -> memref<16x128xf32, #tpu.memory_space<hbm>>
    %dma_wait3A_1833 = arith.constant 0 : i32
    %dma_wait3A_1834 = tpu.memref_slice %arg10[%add3A_1829, %dma_wait3A_1833] : memref<10240x128xf32, #tpu.memory_space<vmem_shared>> -> memref<16x128xf32, #tpu.memory_space<vmem_shared>>
    tpu.wait_dma2 semaphore(%arg14 : memref<!tpu.dma_semaphore, #tpu.memory_space<semaphore_mem>>) src(%dma_wait3A_1834 : memref<16x128xf32, #tpu.memory_space<vmem_shared>>) dst(%dma_wait3A_1832 : memref<16x128xf32, #tpu.memory_space<hbm>>)
    %add3A_1835 = arith.constant 256 : i32
    %add3A_1836 = arith.addi %mul3A_18, %add3A_1835 : i32
    %dma_wait3A_1837 = arith.constant 0 : i32
    %dma_wait3A_1838 = tpu.memref_slice %arg4[%arg0, %add3A_1836, %dma_wait3A_1837] : memref<2x10240x128xf32, #tpu.memory_space<hbm>> -> memref<1x16x128xf32, #tpu.memory_space<hbm>>
    %dma_wait3A_1839 = tpu.memref_squeeze %dma_wait3A_1838 : memref<1x16x128xf32, #tpu.memory_space<hbm>> -> memref<16x128xf32, #tpu.memory_space<hbm>>
    %dma_wait3A_1840 = arith.constant 0 : i32
    %dma_wait3A_1841 = tpu.memref_slice %arg10[%add3A_1836, %dma_wait3A_1840] : memref<10240x128xf32, #tpu.memory_space<vmem_shared>> -> memref<16x128xf32, #tpu.memory_space<vmem_shared>>
    tpu.wait_dma2 semaphore(%arg14 : memref<!tpu.dma_semaphore, #tpu.memory_space<semaphore_mem>>) src(%dma_wait3A_1841 : memref<16x128xf32, #tpu.memory_space<vmem_shared>>) dst(%dma_wait3A_1839 : memref<16x128xf32, #tpu.memory_space<hbm>>)
    %add3A_1842 = arith.constant 272 : i32
    %add3A_1843 = arith.addi %mul3A_18, %add3A_1842 : i32
    %dma_wait3A_1844 = arith.constant 0 : i32
    %dma_wait3A_1845 = tpu.memref_slice %arg4[%arg0, %add3A_1843, %dma_wait3A_1844] : memref<2x10240x128xf32, #tpu.memory_space<hbm>> -> memref<1x16x128xf32, #tpu.memory_space<hbm>>
    %dma_wait3A_1846 = tpu.memref_squeeze %dma_wait3A_1845 : memref<1x16x128xf32, #tpu.memory_space<hbm>> -> memref<16x128xf32, #tpu.memory_space<hbm>>
    %dma_wait3A_1847 = arith.constant 0 : i32
    %dma_wait3A_1848 = tpu.memref_slice %arg10[%add3A_1843, %dma_wait3A_1847] : memref<10240x128xf32, #tpu.memory_space<vmem_shared>> -> memref<16x128xf32, #tpu.memory_space<vmem_shared>>
    tpu.wait_dma2 semaphore(%arg14 : memref<!tpu.dma_semaphore, #tpu.memory_space<semaphore_mem>>) src(%dma_wait3A_1848 : memref<16x128xf32, #tpu.memory_space<vmem_shared>>) dst(%dma_wait3A_1846 : memref<16x128xf32, #tpu.memory_space<hbm>>)
    %add3A_1849 = arith.constant 288 : i32
    %add3A_1850 = arith.addi %mul3A_18, %add3A_1849 : i32
    %dma_wait3A_1851 = arith.constant 0 : i32
    %dma_wait3A_1852 = tpu.memref_slice %arg4[%arg0, %add3A_1850, %dma_wait3A_1851] : memref<2x10240x128xf32, #tpu.memory_space<hbm>> -> memref<1x16x128xf32, #tpu.memory_space<hbm>>
    %dma_wait3A_1853 = tpu.memref_squeeze %dma_wait3A_1852 : memref<1x16x128xf32, #tpu.memory_space<hbm>> -> memref<16x128xf32, #tpu.memory_space<hbm>>
    %dma_wait3A_1854 = arith.constant 0 : i32
    %dma_wait3A_1855 = tpu.memref_slice %arg10[%add3A_1850, %dma_wait3A_1854] : memref<10240x128xf32, #tpu.memory_space<vmem_shared>> -> memref<16x128xf32, #tpu.memory_space<vmem_shared>>
    tpu.wait_dma2 semaphore(%arg14 : memref<!tpu.dma_semaphore, #tpu.memory_space<semaphore_mem>>) src(%dma_wait3A_1855 : memref<16x128xf32, #tpu.memory_space<vmem_shared>>) dst(%dma_wait3A_1853 : memref<16x128xf32, #tpu.memory_space<hbm>>)
    %add3A_1856 = arith.constant 304 : i32
    %add3A_1857 = arith.addi %mul3A_18, %add3A_1856 : i32
    %dma_wait3A_1858 = arith.constant 0 : i32
    %dma_wait3A_1859 = tpu.memref_slice %arg4[%arg0, %add3A_1857, %dma_wait3A_1858] : memref<2x10240x128xf32, #tpu.memory_space<hbm>> -> memref<1x16x128xf32, #tpu.memory_space<hbm>>
    %dma_wait3A_1860 = tpu.memref_squeeze %dma_wait3A_1859 : memref<1x16x128xf32, #tpu.memory_space<hbm>> -> memref<16x128xf32, #tpu.memory_space<hbm>>
    %dma_wait3A_1861 = arith.constant 0 : i32
    %dma_wait3A_1862 = tpu.memref_slice %arg10[%add3A_1857, %dma_wait3A_1861] : memref<10240x128xf32, #tpu.memory_space<vmem_shared>> -> memref<16x128xf32, #tpu.memory_space<vmem_shared>>
    tpu.wait_dma2 semaphore(%arg14 : memref<!tpu.dma_semaphore, #tpu.memory_space<semaphore_mem>>) src(%dma_wait3A_1862 : memref<16x128xf32, #tpu.memory_space<vmem_shared>>) dst(%dma_wait3A_1860 : memref<16x128xf32, #tpu.memory_space<hbm>>)
    %add3A_1863 = arith.constant 320 : i32
    %add3A_1864 = arith.addi %mul3A_18, %add3A_1863 : i32
    %dma_wait3A_1865 = arith.constant 0 : i32
    %dma_wait3A_1866 = tpu.memref_slice %arg4[%arg0, %add3A_1864, %dma_wait3A_1865] : memref<2x10240x128xf32, #tpu.memory_space<hbm>> -> memref<1x16x128xf32, #tpu.memory_space<hbm>>
    %dma_wait3A_1867 = tpu.memref_squeeze %dma_wait3A_1866 : memref<1x16x128xf32, #tpu.memory_space<hbm>> -> memref<16x128xf32, #tpu.memory_space<hbm>>
    %dma_wait3A_1868 = arith.constant 0 : i32
    %dma_wait3A_1869 = tpu.memref_slice %arg10[%add3A_1864, %dma_wait3A_1868] : memref<10240x128xf32, #tpu.memory_space<vmem_shared>> -> memref<16x128xf32, #tpu.memory_space<vmem_shared>>
    tpu.wait_dma2 semaphore(%arg14 : memref<!tpu.dma_semaphore, #tpu.memory_space<semaphore_mem>>) src(%dma_wait3A_1869 : memref<16x128xf32, #tpu.memory_space<vmem_shared>>) dst(%dma_wait3A_1867 : memref<16x128xf32, #tpu.memory_space<hbm>>)
    %add3A_1870 = arith.constant 336 : i32
    %add3A_1871 = arith.addi %mul3A_18, %add3A_1870 : i32
    %dma_wait3A_1872 = arith.constant 0 : i32
    %dma_wait3A_1873 = tpu.memref_slice %arg4[%arg0, %add3A_1871, %dma_wait3A_1872] : memref<2x10240x128xf32, #tpu.memory_space<hbm>> -> memref<1x16x128xf32, #tpu.memory_space<hbm>>
    %dma_wait3A_1874 = tpu.memref_squeeze %dma_wait3A_1873 : memref<1x16x128xf32, #tpu.memory_space<hbm>> -> memref<16x128xf32, #tpu.memory_space<hbm>>
    %dma_wait3A_1875 = arith.constant 0 : i32
    %dma_wait3A_1876 = tpu.memref_slice %arg10[%add3A_1871, %dma_wait3A_1875] : memref<10240x128xf32, #tpu.memory_space<vmem_shared>> -> memref<16x128xf32, #tpu.memory_space<vmem_shared>>
    tpu.wait_dma2 semaphore(%arg14 : memref<!tpu.dma_semaphore, #tpu.memory_space<semaphore_mem>>) src(%dma_wait3A_1876 : memref<16x128xf32, #tpu.memory_space<vmem_shared>>) dst(%dma_wait3A_1874 : memref<16x128xf32, #tpu.memory_space<hbm>>)
    %add3A_1877 = arith.constant 352 : i32
    %add3A_1878 = arith.addi %mul3A_18, %add3A_1877 : i32
    %dma_wait3A_1879 = arith.constant 0 : i32
    %dma_wait3A_1880 = tpu.memref_slice %arg4[%arg0, %add3A_1878, %dma_wait3A_1879] : memref<2x10240x128xf32, #tpu.memory_space<hbm>> -> memref<1x16x128xf32, #tpu.memory_space<hbm>>
    %dma_wait3A_1881 = tpu.memref_squeeze %dma_wait3A_1880 : memref<1x16x128xf32, #tpu.memory_space<hbm>> -> memref<16x128xf32, #tpu.memory_space<hbm>>
    %dma_wait3A_1882 = arith.constant 0 : i32
    %dma_wait3A_1883 = tpu.memref_slice %arg10[%add3A_1878, %dma_wait3A_1882] : memref<10240x128xf32, #tpu.memory_space<vmem_shared>> -> memref<16x128xf32, #tpu.memory_space<vmem_shared>>
    tpu.wait_dma2 semaphore(%arg14 : memref<!tpu.dma_semaphore, #tpu.memory_space<semaphore_mem>>) src(%dma_wait3A_1883 : memref<16x128xf32, #tpu.memory_space<vmem_shared>>) dst(%dma_wait3A_1881 : memref<16x128xf32, #tpu.memory_space<hbm>>)
    %add3A_1884 = arith.constant 368 : i32
    %add3A_1885 = arith.addi %mul3A_18, %add3A_1884 : i32
    %dma_wait3A_1886 = arith.constant 0 : i32
    %dma_wait3A_1887 = tpu.memref_slice %arg4[%arg0, %add3A_1885, %dma_wait3A_1886] : memref<2x10240x128xf32, #tpu.memory_space<hbm>> -> memref<1x16x128xf32, #tpu.memory_space<hbm>>
    %dma_wait3A_1888 = tpu.memref_squeeze %dma_wait3A_1887 : memref<1x16x128xf32, #tpu.memory_space<hbm>> -> memref<16x128xf32, #tpu.memory_space<hbm>>
    %dma_wait3A_1889 = arith.constant 0 : i32
    %dma_wait3A_1890 = tpu.memref_slice %arg10[%add3A_1885, %dma_wait3A_1889] : memref<10240x128xf32, #tpu.memory_space<vmem_shared>> -> memref<16x128xf32, #tpu.memory_space<vmem_shared>>
    tpu.wait_dma2 semaphore(%arg14 : memref<!tpu.dma_semaphore, #tpu.memory_space<semaphore_mem>>) src(%dma_wait3A_1890 : memref<16x128xf32, #tpu.memory_space<vmem_shared>>) dst(%dma_wait3A_1888 : memref<16x128xf32, #tpu.memory_space<hbm>>)
    %add3A_1891 = arith.constant 384 : i32
    %add3A_1892 = arith.addi %mul3A_18, %add3A_1891 : i32
    %dma_wait3A_1893 = arith.constant 0 : i32
    %dma_wait3A_1894 = tpu.memref_slice %arg4[%arg0, %add3A_1892, %dma_wait3A_1893] : memref<2x10240x128xf32, #tpu.memory_space<hbm>> -> memref<1x16x128xf32, #tpu.memory_space<hbm>>
    %dma_wait3A_1895 = tpu.memref_squeeze %dma_wait3A_1894 : memref<1x16x128xf32, #tpu.memory_space<hbm>> -> memref<16x128xf32, #tpu.memory_space<hbm>>
    %dma_wait3A_1896 = arith.constant 0 : i32
    %dma_wait3A_1897 = tpu.memref_slice %arg10[%add3A_1892, %dma_wait3A_1896] : memref<10240x128xf32, #tpu.memory_space<vmem_shared>> -> memref<16x128xf32, #tpu.memory_space<vmem_shared>>
    tpu.wait_dma2 semaphore(%arg14 : memref<!tpu.dma_semaphore, #tpu.memory_space<semaphore_mem>>) src(%dma_wait3A_1897 : memref<16x128xf32, #tpu.memory_space<vmem_shared>>) dst(%dma_wait3A_1895 : memref<16x128xf32, #tpu.memory_space<hbm>>)
    %add3A_1898 = arith.constant 400 : i32
    %add3A_1899 = arith.addi %mul3A_18, %add3A_1898 : i32
    %dma_wait3A_1900 = arith.constant 0 : i32
    %dma_wait3A_1901 = tpu.memref_slice %arg4[%arg0, %add3A_1899, %dma_wait3A_1900] : memref<2x10240x128xf32, #tpu.memory_space<hbm>> -> memref<1x16x128xf32, #tpu.memory_space<hbm>>
    %dma_wait3A_1902 = tpu.memref_squeeze %dma_wait3A_1901 : memref<1x16x128xf32, #tpu.memory_space<hbm>> -> memref<16x128xf32, #tpu.memory_space<hbm>>
    %dma_wait3A_1903 = arith.constant 0 : i32
    %dma_wait3A_1904 = tpu.memref_slice %arg10[%add3A_1899, %dma_wait3A_1903] : memref<10240x128xf32, #tpu.memory_space<vmem_shared>> -> memref<16x128xf32, #tpu.memory_space<vmem_shared>>
    tpu.wait_dma2 semaphore(%arg14 : memref<!tpu.dma_semaphore, #tpu.memory_space<semaphore_mem>>) src(%dma_wait3A_1904 : memref<16x128xf32, #tpu.memory_space<vmem_shared>>) dst(%dma_wait3A_1902 : memref<16x128xf32, #tpu.memory_space<hbm>>)
    %add3A_1905 = arith.constant 416 : i32
    %add3A_1906 = arith.addi %mul3A_18, %add3A_1905 : i32
    %dma_wait3A_1907 = arith.constant 0 : i32
    %dma_wait3A_1908 = tpu.memref_slice %arg4[%arg0, %add3A_1906, %dma_wait3A_1907] : memref<2x10240x128xf32, #tpu.memory_space<hbm>> -> memref<1x16x128xf32, #tpu.memory_space<hbm>>
    %dma_wait3A_1909 = tpu.memref_squeeze %dma_wait3A_1908 : memref<1x16x128xf32, #tpu.memory_space<hbm>> -> memref<16x128xf32, #tpu.memory_space<hbm>>
    %dma_wait3A_1910 = arith.constant 0 : i32
    %dma_wait3A_1911 = tpu.memref_slice %arg10[%add3A_1906, %dma_wait3A_1910] : memref<10240x128xf32, #tpu.memory_space<vmem_shared>> -> memref<16x128xf32, #tpu.memory_space<vmem_shared>>
    tpu.wait_dma2 semaphore(%arg14 : memref<!tpu.dma_semaphore, #tpu.memory_space<semaphore_mem>>) src(%dma_wait3A_1911 : memref<16x128xf32, #tpu.memory_space<vmem_shared>>) dst(%dma_wait3A_1909 : memref<16x128xf32, #tpu.memory_space<hbm>>)
    %add3A_1912 = arith.constant 432 : i32
    %add3A_1913 = arith.addi %mul3A_18, %add3A_1912 : i32
    %dma_wait3A_1914 = arith.constant 0 : i32
    %dma_wait3A_1915 = tpu.memref_slice %arg4[%arg0, %add3A_1913, %dma_wait3A_1914] : memref<2x10240x128xf32, #tpu.memory_space<hbm>> -> memref<1x16x128xf32, #tpu.memory_space<hbm>>
    %dma_wait3A_1916 = tpu.memref_squeeze %dma_wait3A_1915 : memref<1x16x128xf32, #tpu.memory_space<hbm>> -> memref<16x128xf32, #tpu.memory_space<hbm>>
    %dma_wait3A_1917 = arith.constant 0 : i32
    %dma_wait3A_1918 = tpu.memref_slice %arg10[%add3A_1913, %dma_wait3A_1917] : memref<10240x128xf32, #tpu.memory_space<vmem_shared>> -> memref<16x128xf32, #tpu.memory_space<vmem_shared>>
    tpu.wait_dma2 semaphore(%arg14 : memref<!tpu.dma_semaphore, #tpu.memory_space<semaphore_mem>>) src(%dma_wait3A_1918 : memref<16x128xf32, #tpu.memory_space<vmem_shared>>) dst(%dma_wait3A_1916 : memref<16x128xf32, #tpu.memory_space<hbm>>)
    %add3A_1919 = arith.constant 448 : i32
    %add3A_1920 = arith.addi %mul3A_18, %add3A_1919 : i32
    %dma_wait3A_1921 = arith.constant 0 : i32
    %dma_wait3A_1922 = tpu.memref_slice %arg4[%arg0, %add3A_1920, %dma_wait3A_1921] : memref<2x10240x128xf32, #tpu.memory_space<hbm>> -> memref<1x16x128xf32, #tpu.memory_space<hbm>>
    %dma_wait3A_1923 = tpu.memref_squeeze %dma_wait3A_1922 : memref<1x16x128xf32, #tpu.memory_space<hbm>> -> memref<16x128xf32, #tpu.memory_space<hbm>>
    %dma_wait3A_1924 = arith.constant 0 : i32
    %dma_wait3A_1925 = tpu.memref_slice %arg10[%add3A_1920, %dma_wait3A_1924] : memref<10240x128xf32, #tpu.memory_space<vmem_shared>> -> memref<16x128xf32, #tpu.memory_space<vmem_shared>>
    tpu.wait_dma2 semaphore(%arg14 : memref<!tpu.dma_semaphore, #tpu.memory_space<semaphore_mem>>) src(%dma_wait3A_1925 : memref<16x128xf32, #tpu.memory_space<vmem_shared>>) dst(%dma_wait3A_1923 : memref<16x128xf32, #tpu.memory_space<hbm>>)
    %add3A_1926 = arith.constant 464 : i32
    %add3A_1927 = arith.addi %mul3A_18, %add3A_1926 : i32
    %dma_wait3A_1928 = arith.constant 0 : i32
    %dma_wait3A_1929 = tpu.memref_slice %arg4[%arg0, %add3A_1927, %dma_wait3A_1928] : memref<2x10240x128xf32, #tpu.memory_space<hbm>> -> memref<1x16x128xf32, #tpu.memory_space<hbm>>
    %dma_wait3A_1930 = tpu.memref_squeeze %dma_wait3A_1929 : memref<1x16x128xf32, #tpu.memory_space<hbm>> -> memref<16x128xf32, #tpu.memory_space<hbm>>
    %dma_wait3A_1931 = arith.constant 0 : i32
    %dma_wait3A_1932 = tpu.memref_slice %arg10[%add3A_1927, %dma_wait3A_1931] : memref<10240x128xf32, #tpu.memory_space<vmem_shared>> -> memref<16x128xf32, #tpu.memory_space<vmem_shared>>
    tpu.wait_dma2 semaphore(%arg14 : memref<!tpu.dma_semaphore, #tpu.memory_space<semaphore_mem>>) src(%dma_wait3A_1932 : memref<16x128xf32, #tpu.memory_space<vmem_shared>>) dst(%dma_wait3A_1930 : memref<16x128xf32, #tpu.memory_space<hbm>>)
    %add3A_1933 = arith.constant 480 : i32
    %add3A_1934 = arith.addi %mul3A_18, %add3A_1933 : i32
    %dma_wait3A_1935 = arith.constant 0 : i32
    %dma_wait3A_1936 = tpu.memref_slice %arg4[%arg0, %add3A_1934, %dma_wait3A_1935] : memref<2x10240x128xf32, #tpu.memory_space<hbm>> -> memref<1x16x128xf32, #tpu.memory_space<hbm>>
    %dma_wait3A_1937 = tpu.memref_squeeze %dma_wait3A_1936 : memref<1x16x128xf32, #tpu.memory_space<hbm>> -> memref<16x128xf32, #tpu.memory_space<hbm>>
    %dma_wait3A_1938 = arith.constant 0 : i32
    %dma_wait3A_1939 = tpu.memref_slice %arg10[%add3A_1934, %dma_wait3A_1938] : memref<10240x128xf32, #tpu.memory_space<vmem_shared>> -> memref<16x128xf32, #tpu.memory_space<vmem_shared>>
    tpu.wait_dma2 semaphore(%arg14 : memref<!tpu.dma_semaphore, #tpu.memory_space<semaphore_mem>>) src(%dma_wait3A_1939 : memref<16x128xf32, #tpu.memory_space<vmem_shared>>) dst(%dma_wait3A_1937 : memref<16x128xf32, #tpu.memory_space<hbm>>)
    %add3A_1940 = arith.constant 496 : i32
    %add3A_1941 = arith.addi %mul3A_18, %add3A_1940 : i32
    %dma_wait3A_1942 = arith.constant 0 : i32
    %dma_wait3A_1943 = tpu.memref_slice %arg4[%arg0, %add3A_1941, %dma_wait3A_1942] : memref<2x10240x128xf32, #tpu.memory_space<hbm>> -> memref<1x16x128xf32, #tpu.memory_space<hbm>>
    %dma_wait3A_1944 = tpu.memref_squeeze %dma_wait3A_1943 : memref<1x16x128xf32, #tpu.memory_space<hbm>> -> memref<16x128xf32, #tpu.memory_space<hbm>>
    %dma_wait3A_1945 = arith.constant 0 : i32
    %dma_wait3A_1946 = tpu.memref_slice %arg10[%add3A_1941, %dma_wait3A_1945] : memref<10240x128xf32, #tpu.memory_space<vmem_shared>> -> memref<16x128xf32, #tpu.memory_space<vmem_shared>>
    tpu.wait_dma2 semaphore(%arg14 : memref<!tpu.dma_semaphore, #tpu.memory_space<semaphore_mem>>) src(%dma_wait3A_1946 : memref<16x128xf32, #tpu.memory_space<vmem_shared>>) dst(%dma_wait3A_1944 : memref<16x128xf32, #tpu.memory_space<hbm>>)
    %add3A_1947 = arith.constant 512 : i32
    %add3A_1948 = arith.addi %mul3A_18, %add3A_1947 : i32
    %dma_wait3A_1949 = arith.constant 0 : i32
    %dma_wait3A_1950 = tpu.memref_slice %arg4[%arg0, %add3A_1948, %dma_wait3A_1949] : memref<2x10240x128xf32, #tpu.memory_space<hbm>> -> memref<1x16x128xf32, #tpu.memory_space<hbm>>
    %dma_wait3A_1951 = tpu.memref_squeeze %dma_wait3A_1950 : memref<1x16x128xf32, #tpu.memory_space<hbm>> -> memref<16x128xf32, #tpu.memory_space<hbm>>
    %dma_wait3A_1952 = arith.constant 0 : i32
    %dma_wait3A_1953 = tpu.memref_slice %arg10[%add3A_1948, %dma_wait3A_1952] : memref<10240x128xf32, #tpu.memory_space<vmem_shared>> -> memref<16x128xf32, #tpu.memory_space<vmem_shared>>
    tpu.wait_dma2 semaphore(%arg14 : memref<!tpu.dma_semaphore, #tpu.memory_space<semaphore_mem>>) src(%dma_wait3A_1953 : memref<16x128xf32, #tpu.memory_space<vmem_shared>>) dst(%dma_wait3A_1951 : memref<16x128xf32, #tpu.memory_space<hbm>>)
    %add3A_1954 = arith.constant 528 : i32
    %add3A_1955 = arith.addi %mul3A_18, %add3A_1954 : i32
    %dma_wait3A_1956 = arith.constant 0 : i32
    %dma_wait3A_1957 = tpu.memref_slice %arg4[%arg0, %add3A_1955, %dma_wait3A_1956] : memref<2x10240x128xf32, #tpu.memory_space<hbm>> -> memref<1x16x128xf32, #tpu.memory_space<hbm>>
    %dma_wait3A_1958 = tpu.memref_squeeze %dma_wait3A_1957 : memref<1x16x128xf32, #tpu.memory_space<hbm>> -> memref<16x128xf32, #tpu.memory_space<hbm>>
    %dma_wait3A_1959 = arith.constant 0 : i32
    %dma_wait3A_1960 = tpu.memref_slice %arg10[%add3A_1955, %dma_wait3A_1959] : memref<10240x128xf32, #tpu.memory_space<vmem_shared>> -> memref<16x128xf32, #tpu.memory_space<vmem_shared>>
    tpu.wait_dma2 semaphore(%arg14 : memref<!tpu.dma_semaphore, #tpu.memory_space<semaphore_mem>>) src(%dma_wait3A_1960 : memref<16x128xf32, #tpu.memory_space<vmem_shared>>) dst(%dma_wait3A_1958 : memref<16x128xf32, #tpu.memory_space<hbm>>)
    %add3A_1961 = arith.constant 544 : i32
    %add3A_1962 = arith.addi %mul3A_18, %add3A_1961 : i32
    %dma_wait3A_1963 = arith.constant 0 : i32
    %dma_wait3A_1964 = tpu.memref_slice %arg4[%arg0, %add3A_1962, %dma_wait3A_1963] : memref<2x10240x128xf32, #tpu.memory_space<hbm>> -> memref<1x16x128xf32, #tpu.memory_space<hbm>>
    %dma_wait3A_1965 = tpu.memref_squeeze %dma_wait3A_1964 : memref<1x16x128xf32, #tpu.memory_space<hbm>> -> memref<16x128xf32, #tpu.memory_space<hbm>>
    %dma_wait3A_1966 = arith.constant 0 : i32
    %dma_wait3A_1967 = tpu.memref_slice %arg10[%add3A_1962, %dma_wait3A_1966] : memref<10240x128xf32, #tpu.memory_space<vmem_shared>> -> memref<16x128xf32, #tpu.memory_space<vmem_shared>>
    tpu.wait_dma2 semaphore(%arg14 : memref<!tpu.dma_semaphore, #tpu.memory_space<semaphore_mem>>) src(%dma_wait3A_1967 : memref<16x128xf32, #tpu.memory_space<vmem_shared>>) dst(%dma_wait3A_1965 : memref<16x128xf32, #tpu.memory_space<hbm>>)
    %add3A_1968 = arith.constant 560 : i32
    %add3A_1969 = arith.addi %mul3A_18, %add3A_1968 : i32
    %dma_wait3A_1970 = arith.constant 0 : i32
    %dma_wait3A_1971 = tpu.memref_slice %arg4[%arg0, %add3A_1969, %dma_wait3A_1970] : memref<2x10240x128xf32, #tpu.memory_space<hbm>> -> memref<1x16x128xf32, #tpu.memory_space<hbm>>
    %dma_wait3A_1972 = tpu.memref_squeeze %dma_wait3A_1971 : memref<1x16x128xf32, #tpu.memory_space<hbm>> -> memref<16x128xf32, #tpu.memory_space<hbm>>
    %dma_wait3A_1973 = arith.constant 0 : i32
    %dma_wait3A_1974 = tpu.memref_slice %arg10[%add3A_1969, %dma_wait3A_1973] : memref<10240x128xf32, #tpu.memory_space<vmem_shared>> -> memref<16x128xf32, #tpu.memory_space<vmem_shared>>
    tpu.wait_dma2 semaphore(%arg14 : memref<!tpu.dma_semaphore, #tpu.memory_space<semaphore_mem>>) src(%dma_wait3A_1974 : memref<16x128xf32, #tpu.memory_space<vmem_shared>>) dst(%dma_wait3A_1972 : memref<16x128xf32, #tpu.memory_space<hbm>>)
    %add3A_1975 = arith.constant 576 : i32
    %add3A_1976 = arith.addi %mul3A_18, %add3A_1975 : i32
    %dma_wait3A_1977 = arith.constant 0 : i32
    %dma_wait3A_1978 = tpu.memref_slice %arg4[%arg0, %add3A_1976, %dma_wait3A_1977] : memref<2x10240x128xf32, #tpu.memory_space<hbm>> -> memref<1x16x128xf32, #tpu.memory_space<hbm>>
    %dma_wait3A_1979 = tpu.memref_squeeze %dma_wait3A_1978 : memref<1x16x128xf32, #tpu.memory_space<hbm>> -> memref<16x128xf32, #tpu.memory_space<hbm>>
    %dma_wait3A_1980 = arith.constant 0 : i32
    %dma_wait3A_1981 = tpu.memref_slice %arg10[%add3A_1976, %dma_wait3A_1980] : memref<10240x128xf32, #tpu.memory_space<vmem_shared>> -> memref<16x128xf32, #tpu.memory_space<vmem_shared>>
    tpu.wait_dma2 semaphore(%arg14 : memref<!tpu.dma_semaphore, #tpu.memory_space<semaphore_mem>>) src(%dma_wait3A_1981 : memref<16x128xf32, #tpu.memory_space<vmem_shared>>) dst(%dma_wait3A_1979 : memref<16x128xf32, #tpu.memory_space<hbm>>)
    %add3A_1982 = arith.constant 592 : i32
    %add3A_1983 = arith.addi %mul3A_18, %add3A_1982 : i32
    %dma_wait3A_1984 = arith.constant 0 : i32
    %dma_wait3A_1985 = tpu.memref_slice %arg4[%arg0, %add3A_1983, %dma_wait3A_1984] : memref<2x10240x128xf32, #tpu.memory_space<hbm>> -> memref<1x16x128xf32, #tpu.memory_space<hbm>>
    %dma_wait3A_1986 = tpu.memref_squeeze %dma_wait3A_1985 : memref<1x16x128xf32, #tpu.memory_space<hbm>> -> memref<16x128xf32, #tpu.memory_space<hbm>>
    %dma_wait3A_1987 = arith.constant 0 : i32
    %dma_wait3A_1988 = tpu.memref_slice %arg10[%add3A_1983, %dma_wait3A_1987] : memref<10240x128xf32, #tpu.memory_space<vmem_shared>> -> memref<16x128xf32, #tpu.memory_space<vmem_shared>>
    tpu.wait_dma2 semaphore(%arg14 : memref<!tpu.dma_semaphore, #tpu.memory_space<semaphore_mem>>) src(%dma_wait3A_1988 : memref<16x128xf32, #tpu.memory_space<vmem_shared>>) dst(%dma_wait3A_1986 : memref<16x128xf32, #tpu.memory_space<hbm>>)
    %add3A_1989 = arith.constant 608 : i32
    %add3A_1990 = arith.addi %mul3A_18, %add3A_1989 : i32
    %dma_wait3A_1991 = arith.constant 0 : i32
    %dma_wait3A_1992 = tpu.memref_slice %arg4[%arg0, %add3A_1990, %dma_wait3A_1991] : memref<2x10240x128xf32, #tpu.memory_space<hbm>> -> memref<1x16x128xf32, #tpu.memory_space<hbm>>
    %dma_wait3A_1993 = tpu.memref_squeeze %dma_wait3A_1992 : memref<1x16x128xf32, #tpu.memory_space<hbm>> -> memref<16x128xf32, #tpu.memory_space<hbm>>
    %dma_wait3A_1994 = arith.constant 0 : i32
    %dma_wait3A_1995 = tpu.memref_slice %arg10[%add3A_1990, %dma_wait3A_1994] : memref<10240x128xf32, #tpu.memory_space<vmem_shared>> -> memref<16x128xf32, #tpu.memory_space<vmem_shared>>
    tpu.wait_dma2 semaphore(%arg14 : memref<!tpu.dma_semaphore, #tpu.memory_space<semaphore_mem>>) src(%dma_wait3A_1995 : memref<16x128xf32, #tpu.memory_space<vmem_shared>>) dst(%dma_wait3A_1993 : memref<16x128xf32, #tpu.memory_space<hbm>>)
    %add3A_1996 = arith.constant 624 : i32
    %add3A_1997 = arith.addi %mul3A_18, %add3A_1996 : i32
    %dma_wait3A_1998 = arith.constant 0 : i32
    %dma_wait3A_1999 = tpu.memref_slice %arg4[%arg0, %add3A_1997, %dma_wait3A_1998] : memref<2x10240x128xf32, #tpu.memory_space<hbm>> -> memref<1x16x128xf32, #tpu.memory_space<hbm>>
    %dma_wait3A_2000 = tpu.memref_squeeze %dma_wait3A_1999 : memref<1x16x128xf32, #tpu.memory_space<hbm>> -> memref<16x128xf32, #tpu.memory_space<hbm>>
    %dma_wait3A_2001 = arith.constant 0 : i32
    %dma_wait3A_2002 = tpu.memref_slice %arg10[%add3A_1997, %dma_wait3A_2001] : memref<10240x128xf32, #tpu.memory_space<vmem_shared>> -> memref<16x128xf32, #tpu.memory_space<vmem_shared>>
    tpu.wait_dma2 semaphore(%arg14 : memref<!tpu.dma_semaphore, #tpu.memory_space<semaphore_mem>>) src(%dma_wait3A_2002 : memref<16x128xf32, #tpu.memory_space<vmem_shared>>) dst(%dma_wait3A_2000 : memref<16x128xf32, #tpu.memory_space<hbm>>)
    "tpu.region"() ({
      %run_scoped3A = tpu.sem_alloc : memref<!tpu.dma_semaphore, #tpu.memory_space<semaphore_mem>>
      %dma_start3A_2003 = arith.constant 0 : i32
      %dma_start3A_2004 = arith.constant 0 : i32
      %dma_start3A_2005 = tpu.memref_slice %arg5[%arg0, %arg1, %dma_start3A_2003, %dma_start3A_2004] : memref<2x16x80x128xf32, #tpu.memory_space<hbm>> -> memref<1x1x80x128xf32, #tpu.memory_space<hbm>>
      %dma_start3A_2006 = tpu.memref_squeeze %dma_start3A_2005 : memref<1x1x80x128xf32, #tpu.memory_space<hbm>> -> memref<80x128xf32, #tpu.memory_space<hbm>>
      %dma_start3A_2007 = arith.constant 0 : i32
      %dma_start3A_2008 = arith.constant 0 : i32
      %dma_start3A_2009 = tpu.memref_slice %arg5[%arg0, %arg1, %dma_start3A_2007, %dma_start3A_2008] : memref<2x16x80x128xf32, #tpu.memory_space<hbm>> -> memref<1x1x80x128xf32, #tpu.memory_space<hbm>>
      %dma_start3A_2010 = tpu.memref_squeeze %dma_start3A_2009 : memref<1x1x80x128xf32, #tpu.memory_space<hbm>> -> memref<80x128xf32, #tpu.memory_space<hbm>>
      tpu.enqueue_dma source(%arg9 : memref<80x128xf32, #tpu.memory_space<vmem>>) target(%dma_start3A_2010 : memref<80x128xf32, #tpu.memory_space<hbm>>) target_semaphore(%run_scoped3A : memref<!tpu.dma_semaphore, #tpu.memory_space<semaphore_mem>>)
      %dma_wait3A_2011 = arith.constant 0 : i32
      %dma_wait3A_2012 = arith.constant 0 : i32
      %dma_wait3A_2013 = tpu.memref_slice %arg5[%arg0, %arg1, %dma_wait3A_2011, %dma_wait3A_2012] : memref<2x16x80x128xf32, #tpu.memory_space<hbm>> -> memref<1x1x80x128xf32, #tpu.memory_space<hbm>>
      %dma_wait3A_2014 = tpu.memref_squeeze %dma_wait3A_2013 : memref<1x1x80x128xf32, #tpu.memory_space<hbm>> -> memref<80x128xf32, #tpu.memory_space<hbm>>
      %dma_wait3A_2015 = arith.constant 0 : i32
      %dma_wait3A_2016 = arith.constant 0 : i32
      %dma_wait3A_2017 = tpu.memref_slice %arg5[%arg0, %arg1, %dma_wait3A_2015, %dma_wait3A_2016] : memref<2x16x80x128xf32, #tpu.memory_space<hbm>> -> memref<1x1x80x128xf32, #tpu.memory_space<hbm>>
      %dma_wait3A_2018 = tpu.memref_squeeze %dma_wait3A_2017 : memref<1x1x80x128xf32, #tpu.memory_space<hbm>> -> memref<80x128xf32, #tpu.memory_space<hbm>>
      tpu.wait_dma2 semaphore(%run_scoped3A : memref<!tpu.dma_semaphore, #tpu.memory_space<semaphore_mem>>) src(%arg9 : memref<80x128xf32, #tpu.memory_space<vmem>>) dst(%dma_wait3A_2018 : memref<80x128xf32, #tpu.memory_space<hbm>>)
      tpu.yield
    }) : () -> ()
    return
  }
}

module attributes {stable_mosaic.version = 14 : i64} {
  func.func @_mlp_body(%arg0: i32, %arg1: memref<2x2048x128xf32, #tpu.memory_space<vmem>>, %arg2: memref<2x16x16x128xf32, #tpu.memory_space<vmem>>, %arg3: memref<2048x128xf32, #tpu.memory_space<vmem>>, %arg4: memref<2048x20xf32, #tpu.memory_space<vmem>>, %arg5: memref<128x128xf32, #tpu.memory_space<vmem>>, %arg6: memref<1x128xf32, #tpu.memory_space<vmem>>, %arg7: memref<128x37xf32, #tpu.memory_space<vmem>>, %arg8: memref<20x37xf32, #tpu.memory_space<vmem>>, %arg9: memref<1x37xf32, #tpu.memory_space<vmem>>, %arg10: memref<37x3xf32, #tpu.memory_space<vmem>>, %arg11: memref<1x3xf32, #tpu.memory_space<vmem>>, %arg12: memref<2048x3xf32, #tpu.memory_space<vmem>>) attributes {dimension_semantics = [#tpu.dimension_semantics<arbitrary>], iteration_bounds = array<i64: 5>, scalar_prefetch = 0 : i64, scratch_operands = 0 : i64, tpu.core_type = #tpu.core_type<tc>, window_params = [{transform_indices = @transform_0, window_bounds = array<i64: 2, 2048, 128>}, {transform_indices = @transform_1, window_bounds = array<i64: 2, 16, 16, 128>}, {transform_indices = @transform_2, window_bounds = array<i64: 2048, 128>}, {transform_indices = @transform_3, window_bounds = array<i64: 2048, 20>}, {pipeline_mode = #tpu.pipeline_mode<synchronous>, transform_indices = @transform_4, window_bounds = array<i64: 128, 128>}, {pipeline_mode = #tpu.pipeline_mode<synchronous>, transform_indices = @transform_5, window_bounds = array<i64: 1, 128>}, {pipeline_mode = #tpu.pipeline_mode<synchronous>, transform_indices = @transform_6, window_bounds = array<i64: 128, 37>}, {pipeline_mode = #tpu.pipeline_mode<synchronous>, transform_indices = @transform_7, window_bounds = array<i64: 20, 37>}, {pipeline_mode = #tpu.pipeline_mode<synchronous>, transform_indices = @transform_8, window_bounds = array<i64: 1, 37>}, {pipeline_mode = #tpu.pipeline_mode<synchronous>, transform_indices = @transform_9, window_bounds = array<i64: 37, 3>}, {pipeline_mode = #tpu.pipeline_mode<synchronous>, transform_indices = @transform_10, window_bounds = array<i64: 1, 3>}, {transform_indices = @transform_11, window_bounds = array<i64: 2048, 3>}]} {
    %get3A = arith.constant 0 : index
    %get3A_0 = arith.constant 0 : index
    %get3A_1 = arith.constant 0 : index
    %get3A_2 = vector.load %arg1[%get3A, %get3A_0, %get3A_1] : memref<2x2048x128xf32, #tpu.memory_space<vmem>>, vector<1x2048x128xf32>
    %get3A_3 = vector.shape_cast %get3A_2 : vector<1x2048x128xf32> to vector<2048x128xf32>
    %get3A_4 = arith.constant 1 : index
    %get3A_5 = arith.constant 0 : index
    %get3A_6 = arith.constant 0 : index
    %get3A_7 = vector.load %arg1[%get3A_4, %get3A_5, %get3A_6] : memref<2x2048x128xf32, #tpu.memory_space<vmem>>, vector<1x2048x128xf32>
    %get3A_8 = vector.shape_cast %get3A_7 : vector<1x2048x128xf32> to vector<2048x128xf32>
    %add3A = arith.addf %get3A_3, %get3A_8 : vector<2048x128xf32>
    %get3A_9 = arith.constant 0 : index
    %get3A_10 = arith.constant 0 : index
    %get3A_11 = arith.constant 0 : index
    %get3A_12 = arith.constant 0 : index
    %get3A_13 = vector.load %arg2[%get3A_9, %get3A_10, %get3A_11, %get3A_12] : memref<2x16x16x128xf32, #tpu.memory_space<vmem>>, vector<2x16x16x128xf32>
    %reduce_sum3A = arith.constant dense<0.000000e+00> : vector<16x128xf32>
    %reduce_sum3A_14 = vector.multi_reduction <add>, %get3A_13, %reduce_sum3A [0, 1] : vector<2x16x16x128xf32> to vector<16x128xf32>
    %max3A = arith.constant 1.000000e+00 : f32
    %max3A_15 = vector.broadcast %max3A : f32 to vector<16x128xf32>
    %max3A_16 = arith.maximumf %reduce_sum3A_14, %max3A_15 : vector<16x128xf32>
    %div3A = arith.constant 1.000000e+00 : f32
    %div3A_17 = vector.broadcast %div3A : f32 to vector<16x128xf32>
    %div3A_18 = arith.divf %div3A_17, %max3A_16 : vector<16x128xf32>
    %iota3A = tpu.iota {dimensions = array<i32: 0>} : vector<2048x16xi32>
    %jit3A = arith.constant 128 : i32
    %div3A_19 = vector.broadcast %jit3A : i32 to vector<2048x16xi32>
    %div3A_20 = arith.divsi %iota3A, %div3A_19 : vector<2048x16xi32>
    %sign3A = arith.constant 0 : i32
    %sign3A_21 = vector.broadcast %sign3A : i32 to vector<2048x16xi32>
    %sign3A_22 = arith.cmpi sgt, %iota3A, %sign3A_21 : vector<2048x16xi32>
    %sign3A_23 = arith.extui %sign3A_22 : vector<2048x16xi1> to vector<2048x16xi32>
    %sign3A_24 = arith.constant 0 : i32
    %sign3A_25 = vector.broadcast %sign3A_24 : i32 to vector<2048x16xi32>
    %sign3A_26 = arith.cmpi slt, %iota3A, %sign3A_25 : vector<2048x16xi32>
    %sign3A_27 = arith.extui %sign3A_26 : vector<2048x16xi1> to vector<2048x16xi32>
    %sign3A_28 = arith.subi %sign3A_23, %sign3A_27 : vector<2048x16xi32>
    %sign3A_29 = arith.constant 0 : i32
    %sign3A_30 = arith.cmpi sgt, %jit3A, %sign3A_29 : i32
    %sign3A_31 = arith.extui %sign3A_30 : i1 to i32
    %sign3A_32 = arith.constant 0 : i32
    %sign3A_33 = arith.cmpi slt, %jit3A, %sign3A_32 : i32
    %sign3A_34 = arith.extui %sign3A_33 : i1 to i32
    %sign3A_35 = arith.subi %sign3A_31, %sign3A_34 : i32
    %ne3A = vector.broadcast %sign3A_35 : i32 to vector<2048x16xi32>
    %ne3A_36 = arith.cmpi ne, %sign3A_28, %ne3A : vector<2048x16xi32>
    %rem3A = vector.broadcast %jit3A : i32 to vector<2048x16xi32>
    %rem3A_37 = arith.remsi %iota3A, %rem3A : vector<2048x16xi32>
    %ne3A_38 = arith.constant 0 : i32
    %ne3A_39 = vector.broadcast %ne3A_38 : i32 to vector<2048x16xi32>
    %ne3A_40 = arith.cmpi ne, %rem3A_37, %ne3A_39 : vector<2048x16xi32>
    %and3A = arith.andi %ne3A_36, %ne3A_40 : vector<2048x16xi1>
    %sub3A = arith.constant 1 : i32
    %sub3A_41 = vector.broadcast %sub3A : i32 to vector<2048x16xi32>
    %sub3A_42 = arith.subi %div3A_20, %sub3A_41 : vector<2048x16xi32>
    %select_n3A = arith.select %and3A, %sub3A_42, %div3A_20 : vector<2048x16xi1>, vector<2048x16xi32>
    %iota3A_43 = tpu.iota {dimensions = array<i32: 1>} : vector<2048x16xi32>
    %eq3A = arith.cmpi eq, %select_n3A, %iota3A_43 : vector<2048x16xi32>
    %convert_element_type3A = arith.extui %eq3A : vector<2048x16xi1> to vector<2048x16xi32>
    %convert_element_type3A_44 = arith.sitofp %convert_element_type3A : vector<2048x16xi32> to vector<2048x16xf32>
    %dot_general3A = arith.constant dense<0.000000e+00> : vector<2048x128xf32>
    %dot_general3A_45 = tpu.matmul %convert_element_type3A_44, %div3A_18, %dot_general3A {dimension_numbers = #tpu.dot_dimension_numbers<[1], [0], [0], [1], [0, 0, 1, 1], [], []>, transpose_lhs_hint = false} : vector<2048x16xf32>, vector<16x128xf32>, vector<2048x128xf32> -> vector<2048x128xf32>
    %iota3A_46 = tpu.iota {dimensions = array<i32: 1>} : vector<2048x128xi32>
    %iota3A_47 = tpu.iota {dimensions = array<i32: 0>} : vector<2048x128xi32>
    %jit3A_48 = arith.constant 128 : i32
    %eq3A_49 = arith.constant 0 : i32
    %eq3A_50 = arith.cmpi eq, %jit3A_48, %eq3A_49 : i32
    %jit3A_51 = arith.constant 1 : i32
    %select_n3A_52 = arith.select %eq3A_50, %jit3A_51, %jit3A_48 : i32
    %rem3A_53 = vector.broadcast %select_n3A_52 : i32 to vector<2048x128xi32>
    %rem3A_54 = arith.remsi %iota3A_47, %rem3A_53 : vector<2048x128xi32>
    %ne3A_55 = arith.constant 0 : i32
    %ne3A_56 = vector.broadcast %ne3A_55 : i32 to vector<2048x128xi32>
    %ne3A_57 = arith.cmpi ne, %rem3A_54, %ne3A_56 : vector<2048x128xi32>
    %lt3A = arith.constant 0 : i32
    %lt3A_58 = vector.broadcast %lt3A : i32 to vector<2048x128xi32>
    %lt3A_59 = arith.cmpi slt, %rem3A_54, %lt3A_58 : vector<2048x128xi32>
    %lt3A_60 = arith.constant 0 : i32
    %lt3A_61 = arith.cmpi slt, %select_n3A_52, %lt3A_60 : i32
    %ne3A_62 = vector.broadcast %lt3A_61 : i1 to vector<2048x128xi1>
    %ne3A_63 = vector.broadcast %ne3A_62 : vector<2048x128xi1> to vector<2048x128xi1>
    %ne3A_64 = arith.xori %lt3A_59, %ne3A_63 : vector<2048x128xi1>
    %and3A_65 = arith.andi %ne3A_64, %ne3A_57 : vector<2048x128xi1>
    %add3A_66 = vector.broadcast %select_n3A_52 : i32 to vector<2048x128xi32>
    %add3A_67 = arith.addi %rem3A_54, %add3A_66 : vector<2048x128xi32>
    %select_n3A_68 = arith.select %and3A_65, %add3A_67, %rem3A_54 : vector<2048x128xi1>, vector<2048x128xi32>
    %eq3A_69 = arith.cmpi eq, %iota3A_46, %select_n3A_68 : vector<2048x128xi32>
    %jit3A_70 = arith.constant 0.000000e+00 : f32
    %broadcast_in_dim3A = vector.broadcast %jit3A_70 : f32 to vector<2048x128xf32>
    %select_n3A_71 = arith.select %eq3A_69, %dot_general3A_45, %broadcast_in_dim3A : vector<2048x128xi1>, vector<2048x128xf32>
    %reduce_sum3A_72 = arith.constant dense<0.000000e+00> : vector<2048xf32>
    %reduce_sum3A_73 = vector.multi_reduction <add>, %select_n3A_71, %reduce_sum3A_72 [1] : vector<2048x128xf32> to vector<2048xf32>
    %broadcast_in_dim3A_74 = vector.shape_cast %reduce_sum3A_73 : vector<2048xf32> to vector<2048x1xf32>
    %mul3A = vector.broadcast %broadcast_in_dim3A_74 : vector<2048x1xf32> to vector<2048x128xf32>
    %mul3A_75 = arith.mulf %add3A, %mul3A : vector<2048x128xf32>
    %get3A_76 = arith.constant 0 : index
    %get3A_77 = arith.constant 0 : index
    %get3A_78 = vector.load %arg5[%get3A_76, %get3A_77] : memref<128x128xf32, #tpu.memory_space<vmem>>, vector<128x128xf32>
    %dot_general3A_79 = arith.constant dense<0.000000e+00> : vector<2048x128xf32>
    %dot_general3A_80 = tpu.matmul %mul3A_75, %get3A_78, %dot_general3A_79 {dimension_numbers = #tpu.dot_dimension_numbers<[1], [0], [0], [1], [0, 0, 1, 1], [], []>, transpose_lhs_hint = false} : vector<2048x128xf32>, vector<128x128xf32>, vector<2048x128xf32> -> vector<2048x128xf32>
    %get3A_81 = arith.constant 0 : index
    %get3A_82 = arith.constant 0 : index
    %get3A_83 = vector.load %arg3[%get3A_81, %get3A_82] : memref<2048x128xf32, #tpu.memory_space<vmem>>, vector<2048x128xf32>
    %add3A_84 = arith.addf %dot_general3A_80, %get3A_83 : vector<2048x128xf32>
    %get3A_85 = arith.constant 0 : index
    %get3A_86 = arith.constant 0 : index
    %get3A_87 = vector.load %arg6[%get3A_85, %get3A_86] : memref<1x128xf32, #tpu.memory_space<vmem>>, vector<1x128xf32>
    %add3A_88 = vector.broadcast %get3A_87 : vector<1x128xf32> to vector<2048x128xf32>
    %add3A_89 = arith.addf %add3A_84, %add3A_88 : vector<2048x128xf32>
    %ge3A = arith.constant 0.000000e+00 : f32
    %ge3A_90 = vector.broadcast %ge3A : f32 to vector<2048x128xf32>
    %ge3A_91 = arith.cmpf oge, %add3A_89, %ge3A_90 : vector<2048x128xf32>
    %mul3A_92 = arith.constant 0.00999999977 : f32
    %mul3A_93 = vector.broadcast %mul3A_92 : f32 to vector<2048x128xf32>
    %mul3A_94 = arith.mulf %mul3A_93, %add3A_89 : vector<2048x128xf32>
    %select_n3A_95 = arith.select %ge3A_91, %add3A_89, %mul3A_94 : vector<2048x128xi1>, vector<2048x128xf32>
    %get3A_96 = arith.constant 0 : index
    %get3A_97 = arith.constant 0 : index
    %get3A_98 = vector.load %arg7[%get3A_96, %get3A_97] : memref<128x37xf32, #tpu.memory_space<vmem>>, vector<128x37xf32>
    %dot_general3A_99 = arith.constant dense<0.000000e+00> : vector<2048x37xf32>
    %dot_general3A_100 = tpu.matmul %select_n3A_95, %get3A_98, %dot_general3A_99 {dimension_numbers = #tpu.dot_dimension_numbers<[1], [0], [0], [1], [0, 0, 1, 1], [], []>, transpose_lhs_hint = false} : vector<2048x128xf32>, vector<128x37xf32>, vector<2048x37xf32> -> vector<2048x37xf32>
    %get3A_101 = arith.constant 0 : index
    %get3A_102 = arith.constant 0 : index
    %get3A_103 = vector.load %arg4[%get3A_101, %get3A_102] : memref<2048x20xf32, #tpu.memory_space<vmem>>, vector<2048x20xf32>
    %get3A_104 = arith.constant 0 : index
    %get3A_105 = arith.constant 0 : index
    %get3A_106 = vector.load %arg8[%get3A_104, %get3A_105] : memref<20x37xf32, #tpu.memory_space<vmem>>, vector<20x37xf32>
    %dot_general3A_107 = arith.constant dense<0.000000e+00> : vector<2048x37xf32>
    %dot_general3A_108 = tpu.matmul %get3A_103, %get3A_106, %dot_general3A_107 {dimension_numbers = #tpu.dot_dimension_numbers<[1], [0], [0], [1], [0, 0, 1, 1], [], []>, transpose_lhs_hint = false} : vector<2048x20xf32>, vector<20x37xf32>, vector<2048x37xf32> -> vector<2048x37xf32>
    %add3A_109 = arith.addf %dot_general3A_100, %dot_general3A_108 : vector<2048x37xf32>
    %get3A_110 = arith.constant 0 : index
    %get3A_111 = arith.constant 0 : index
    %get3A_112 = vector.load %arg9[%get3A_110, %get3A_111] : memref<1x37xf32, #tpu.memory_space<vmem>>, vector<1x37xf32>
    %add3A_113 = vector.broadcast %get3A_112 : vector<1x37xf32> to vector<2048x37xf32>
    %add3A_114 = arith.addf %add3A_109, %add3A_113 : vector<2048x37xf32>
    %max3A_115 = arith.constant 0.000000e+00 : f32
    %max3A_116 = vector.broadcast %max3A_115 : f32 to vector<2048x37xf32>
    %max3A_117 = arith.maximumf %add3A_114, %max3A_116 : vector<2048x37xf32>
    %get3A_118 = arith.constant 0 : index
    %get3A_119 = arith.constant 0 : index
    %get3A_120 = vector.load %arg10[%get3A_118, %get3A_119] : memref<37x3xf32, #tpu.memory_space<vmem>>, vector<37x3xf32>
    %dot_general3A_121 = arith.constant dense<0.000000e+00> : vector<2048x3xf32>
    %dot_general3A_122 = tpu.matmul %max3A_117, %get3A_120, %dot_general3A_121 {dimension_numbers = #tpu.dot_dimension_numbers<[1], [0], [0], [1], [0, 0, 1, 1], [], []>, transpose_lhs_hint = false} : vector<2048x37xf32>, vector<37x3xf32>, vector<2048x3xf32> -> vector<2048x3xf32>
    %get3A_123 = arith.constant 0 : index
    %get3A_124 = arith.constant 0 : index
    %get3A_125 = vector.load %arg11[%get3A_123, %get3A_124] : memref<1x3xf32, #tpu.memory_space<vmem>>, vector<1x3xf32>
    %add3A_126 = vector.broadcast %get3A_125 : vector<1x3xf32> to vector<2048x3xf32>
    %add3A_127 = arith.addf %dot_general3A_122, %add3A_126 : vector<2048x3xf32>
    %swap3A = arith.constant 0 : index
    %swap3A_128 = arith.constant 0 : index
    %swap3A_129 = vector.load %arg12[%swap3A, %swap3A_128] : memref<2048x3xf32, #tpu.memory_space<vmem>>, vector<2048x3xf32>
    tpu.vector_store %arg12[%swap3A, %swap3A_128], %add3A_127 {strides = array<i32>} : memref<2048x3xf32, #tpu.memory_space<vmem>>, vector<2048x3xf32>,
    return
  }
  func.func @transform_0(%arg0: i32) -> (i32, i32, i32) {
    %c0_i32 = arith.constant 0 : i32
    %c0_i32_0 = arith.constant 0 : i32
    %c0_i32_1 = arith.constant 0 : i32
    return %c0_i32, %arg0, %c0_i32_0 : i32, i32, i32
  }
  func.func @transform_1(%arg0: i32) -> (i32, i32, i32, i32) {
    %c0_i32 = arith.constant 0 : i32
    %c0_i32_0 = arith.constant 0 : i32
    %c0_i32_1 = arith.constant 0 : i32
    %c0_i32_2 = arith.constant 0 : i32
    return %c0_i32, %c0_i32_0, %arg0, %c0_i32_1 : i32, i32, i32, i32
  }
  func.func @transform_2(%arg0: i32) -> (i32, i32) {
    %c0_i32 = arith.constant 0 : i32
    %c0_i32_0 = arith.constant 0 : i32
    return %arg0, %c0_i32 : i32, i32
  }
  func.func @transform_3(%arg0: i32) -> (i32, i32) {
    %c0_i32 = arith.constant 0 : i32
    %c0_i32_0 = arith.constant 0 : i32
    return %arg0, %c0_i32 : i32, i32
  }
  func.func @transform_4(%arg0: i32) -> (i32, i32) {
    %c0_i32 = arith.constant 0 : i32
    %c0_i32_0 = arith.constant 0 : i32
    %c0_i32_1 = arith.constant 0 : i32
    return %c0_i32, %c0_i32_0 : i32, i32
  }
  func.func @transform_5(%arg0: i32) -> (i32, i32) {
    %c0_i32 = arith.constant 0 : i32
    %c0_i32_0 = arith.constant 0 : i32
    %c0_i32_1 = arith.constant 0 : i32
    return %c0_i32, %c0_i32_0 : i32, i32
  }
  func.func @transform_6(%arg0: i32) -> (i32, i32) {
    %c0_i32 = arith.constant 0 : i32
    %c0_i32_0 = arith.constant 0 : i32
    %c0_i32_1 = arith.constant 0 : i32
    return %c0_i32, %c0_i32_0 : i32, i32
  }
  func.func @transform_7(%arg0: i32) -> (i32, i32) {
    %c0_i32 = arith.constant 0 : i32
    %c0_i32_0 = arith.constant 0 : i32
    %c0_i32_1 = arith.constant 0 : i32
    return %c0_i32, %c0_i32_0 : i32, i32
  }
  func.func @transform_8(%arg0: i32) -> (i32, i32) {
    %c0_i32 = arith.constant 0 : i32
    %c0_i32_0 = arith.constant 0 : i32
    %c0_i32_1 = arith.constant 0 : i32
    return %c0_i32, %c0_i32_0 : i32, i32
  }
  func.func @transform_9(%arg0: i32) -> (i32, i32) {
    %c0_i32 = arith.constant 0 : i32
    %c0_i32_0 = arith.constant 0 : i32
    %c0_i32_1 = arith.constant 0 : i32
    return %c0_i32, %c0_i32_0 : i32, i32
  }
  func.func @transform_10(%arg0: i32) -> (i32, i32) {
    %c0_i32 = arith.constant 0 : i32
    %c0_i32_0 = arith.constant 0 : i32
    %c0_i32_1 = arith.constant 0 : i32
    return %c0_i32, %c0_i32_0 : i32, i32
  }
  func.func @transform_11(%arg0: i32) -> (i32, i32) {
    %c0_i32 = arith.constant 0 : i32
    %c0_i32_0 = arith.constant 0 : i32
    return %arg0, %c0_i32 : i32, i32
  }
}

module attributes {stable_mosaic.version = 14 : i64} {
  func.func @_xr_body(%arg0: i32, %arg1: memref<1024x128xf32, #tpu.memory_space<vmem>>, %arg2: memref<128x128xf32, #tpu.memory_space<vmem>>, %arg3: memref<1024x128xf32, #tpu.memory_space<vmem>>) attributes {dimension_semantics = [#tpu.dimension_semantics<arbitrary>], iteration_bounds = array<i64: 10>, scalar_prefetch = 0 : i64, scratch_operands = 0 : i64, tpu.core_type = #tpu.core_type<tc>, window_params = [{transform_indices = @transform_0, window_bounds = array<i64: 1024, 128>}, {pipeline_mode = #tpu.pipeline_mode<synchronous>, transform_indices = @transform_1, window_bounds = array<i64: 128, 128>}, {transform_indices = @transform_2, window_bounds = array<i64: 1024, 128>}]} {
    %get3A = arith.constant 0 : index
    %get3A_0 = arith.constant 0 : index
    %get3A_1 = vector.load %arg1[%get3A, %get3A_0] : memref<1024x128xf32, #tpu.memory_space<vmem>>, vector<1024x128xf32>
    %get3A_2 = arith.constant 0 : index
    %get3A_3 = arith.constant 0 : index
    %get3A_4 = vector.load %arg2[%get3A_2, %get3A_3] : memref<128x128xf32, #tpu.memory_space<vmem>>, vector<128x128xf32>
    %dot_general3A = arith.constant dense<0.000000e+00> : vector<1024x128xf32>
    %dot_general3A_5 = tpu.matmul %get3A_1, %get3A_4, %dot_general3A {dimension_numbers = #tpu.dot_dimension_numbers<[1], [0], [0], [1], [0, 0, 1, 1], [], []>, transpose_lhs_hint = false} : vector<1024x128xf32>, vector<128x128xf32>, vector<1024x128xf32> -> vector<1024x128xf32>
    %swap3A = arith.constant 0 : index
    %swap3A_6 = arith.constant 0 : index
    %swap3A_7 = vector.load %arg3[%swap3A, %swap3A_6] : memref<1024x128xf32, #tpu.memory_space<vmem>>, vector<1024x128xf32>
    tpu.vector_store %arg3[%swap3A, %swap3A_6], %dot_general3A_5 {strides = array<i32>} : memref<1024x128xf32, #tpu.memory_space<vmem>>, vector<1024x128xf32>,
    return
  }
  func.func @transform_0(%arg0: i32) -> (i32, i32) {
    %c0_i32 = arith.constant 0 : i32
    %c0_i32_0 = arith.constant 0 : i32
    return %arg0, %c0_i32 : i32, i32
  }
  func.func @transform_1(%arg0: i32) -> (i32, i32) {
    %c0_i32 = arith.constant 0 : i32
    %c0_i32_0 = arith.constant 0 : i32
    %c0_i32_1 = arith.constant 0 : i32
    return %c0_i32, %c0_i32_0 : i32, i32
  }
  func.func @transform_2(%arg0: i32) -> (i32, i32) {
    %c0_i32 = arith.constant 0 : i32
    %c0_i32_0 = arith.constant 0 : i32
    return %arg0, %c0_i32 : i32, i32
  }
}

</mosaic_0001>

<sc_bundles>
// kernel: kernel.5.cloned.1.call-start
scs
__scs_entry_jumppad:
0x0: {  	(pc) =	sbr.rel $0x88, $3  }
0x1: {  	(tag) =	ssettag $0x0;
	lr =	simm.s32 $0x1  }
0x2: {  	[smem:$0x3F93] =	sst lr;
	_ =	strace $0xD0000000  }
0x3: {  	_ = 	snop  }
0x4: {  	_ = 	snop  }
0x5: {  	_ = 	snop  }
0x6: {  	_ = 	snop  }
0x7: {  	_ = 	snop  }
__scs_overlays_trampoline_lowered:
0x8: {  	[smem:$0x3FA2] =	sst s0  }
0x9: {  	[smem:$0x3FA3] =	sst s1  }
0xa: {  	[smem:$0x3FA4] =	sst s2  }
0xb: {  	[smem:$0x3FA5] =	sst s3  }
0xc: {  	[smem:$0x3FA6] =	sst s4  }
0xd: {  	[smem:$0x3FA7] =	sst s5  }
0xe: {  	[smem:$0x3FA8] =	sst s6  }
0xf: {  	[smem:$0x3FA9] =	sst s7  }
0x10: {  	[smem:$0x3FAA] =	sst s8  }
0x11: {  	[smem:$0x3FAB] =	sst s9;
	s0 =	simm.s32 @!p0 $0x0  }
0x12: {  	s1 =	sld [smem:$0x3F91];
	s0 =	simm.s32 @p0 $0x1  }
0x13: {  	[smem:$0x3FAC] =	sst s0;
	s0 =	simm.s32 @!p1 $0x0  }
0x14: {  	s2 =	sld [smem:$0x3F90];
	s0 =	simm.s32 @p1 $0x1  }
0x15: {  	[smem:$0x3FAD] =	sst s0;
	s0 =	simm.s32 @!p2 $0x0  }
0x16: {  	s3 =	sld [smem:$0x3FDB];
	s0 =	simm.s32 @p2 $0x1  }
0x17: {  	s4 =	simm.s32 $0x1BF5;
	[smem:$0x3FAF] =	sst s0  }
0x18: {  	s0 =	sld [smem:$0x3F92];
	_ =	swait.ge [sflag:s4], $0x0  }
0x19: {  	s7 =	sld [smem:$0x3F93]  }
0x1a: {  	s8 =	sadd.s32 $0xFFFFE003, lr  }
0x1b: {  	s9 =	sadd.s32 $0xFFFFFEF7, lr;
	s5 =	simm.s32 $0xFFFFFFFF;
	p2 =	slt.u32 s8, $0xFFFFF086  }
0x1c: {  	p1 =	slt.u32 s9, $0xF7A;
	s5 =	simm.s32 @!p2 $0x0  }
0x1d: {  	s5 =	simm.s32 @p1 $0x1;
	p0 =	seq.s32 s7, s2  }
0x1e: {  	s7 =	smul.u32 @!p0 $0xF7A, s2;
	p2 =	seq.s32 @!p0 s5, $0x0  }
0x1f: {  	s9 =	smul.u32 $0xF7A, s1;
	s8 =	simm.s32 @!p0 $0x1BF5;
	p2 =	por !p2, p0  }
0x20: {  	[sflag:s8] =	ssyncset.s32 @!p0 $0xFFFFF086;
	s6 =	sadd.s32 @!p0 s3, s7;
	s7 =	simm.s32 @!p0 $0x108  }
0x21: {  	s3 =	sadd.s32 s3, s9;
	s6 =	sadd.s32 @!p0 $0x88, s6;
	s7 =	simm.s32 @p2 $0x1082  }
0x22: {  	[simem:s7], [sflag:s8] =	dma.local @!p0 [hbm:s6], $0xF7A  }
0x23: {  	s9 =	sor.u32 $0xD0000000, s2;
	s6 =	simm.s32 $0x108;
	_ =	swait.ge @!p0 [sflag:s8], $0x0  }
0x24: {  	s3 =	sadd.s32 $0x88, s3;
	s6 =	simm.s32 @!p1 $0x1082;
	[sflag:s4] =	ssyncset.s32 $0xFFFFF086  }
0x25: {  	[simem:s6], [sflag:s4] =	dma.local [hbm:s3], $0xF7A  }
0x26: {  	[smem:$0x3F93] =	sst s1;
	(tag) =	ssettag s2;
	_ =	strace s9  }
0x27: {  	s1 =	sld [smem:$0x3FA3]  }
0x28: {  	s2 =	sld [smem:$0x3FA4]  }
0x29: {  	s4 =	sld [smem:$0x3FA6]  }
0x2a: {  	p0 =	seq.s32 s5, $0x0;
	s5 =	sld [smem:$0x3FA7]  }
0x2b: {  	s6 =	sld [smem:$0x3FA8]  }
0x2c: {  	s7 =	sld [smem:$0x3FA9]  }
0x2d: {  	s3 =	simm.s32 $0x108;
	s8 =	sld [smem:$0x3FAA]  }
0x2e: {  	s3 =	simm.s32 @!p0 $0x1082;
	s9 =	sld [smem:$0x3FAB]  }
0x2f: {  	lr =	sadd.s32 s0, s3;
	s0 =	sld [smem:$0x3FA2]  }
0x30: {  	s3 =	sld [smem:$0x3FA5]  }
0x31: {  	[smem:$0x3FAE] =	sst s10  }
0x32: {  	s10 =	sld [smem:$0x3FAC];
	_ =	sdelay $0x3  }
0x33: {  	p0 =	seq.s32 s10, $0x1;
	s10 =	sld [smem:$0x3FAE];
	_ =	sdelay $0x3  }
0x34: {  	[smem:$0x3FAE] =	sst s10  }
0x35: {  	s10 =	sld [smem:$0x3FAD];
	_ =	sdelay $0x3  }
0x36: {  	p1 =	seq.s32 s10, $0x1;
	s10 =	sld [smem:$0x3FAE];
	_ =	sdelay $0x3  }
0x37: {  	[smem:$0x3FAE] =	sst s10  }
0x38: {  	s10 =	sld [smem:$0x3FAF]  }
0x39: {  	_ = 	snop;
	(pc) =	sbr.ind lr, $3  }
0x3a: {  	_ = 	snop  }
0x3b: {  	_ = 	snop  }
0x3c: {  	p2 =	seq.s32 s10, $0x1;
	s10 =	sld [smem:$0x3FAE]  }
0x3d: {  	_ =	shalt  }
0x3e: {  	_ =	shalt  }
0x3f: {  	_ =	shalt  }
0x40: {  	_ =	shalt  }
0x41: {  	_ =	shalt  }
0x42: {  	_ =	shalt  }
0x43: {  	_ =	shalt  }
0x44: {  	_ =	shalt  }
0x45: {  	_ =	shalt  }
0x46: {  	_ =	shalt  }
0x47: {  	_ =	shalt  }
0x48: {  	_ =	shalt  }
0x49: {  	_ =	shalt  }
0x4a: {  	_ =	shalt  }
0x4b: {  	_ =	shalt  }
0x4c: {  	_ =	shalt  }
0x4d: {  	_ =	shalt  }
0x4e: {  	_ =	shalt  }
0x4f: {  	_ =	shalt  }
0x50: {  	_ =	shalt  }
0x51: {  	_ =	shalt  }
0x52: {  	_ =	shalt  }
0x53: {  	_ =	shalt  }
0x54: {  	_ =	shalt  }
0x55: {  	_ =	shalt  }
0x56: {  	_ =	shalt  }
0x57: {  	_ =	shalt  }
0x58: {  	_ =	shalt  }
0x59: {  	_ =	shalt  }
0x5a: {  	_ =	shalt  }
0x5b: {  	_ =	shalt  }
0x5c: {  	_ =	shalt  }
0x5d: {  	_ =	shalt  }
0x5e: {  	_ =	shalt  }
0x5f: {  	_ =	shalt  }
0x60: {  	_ =	shalt  }
0x61: {  	_ =	shalt  }
0x62: {  	_ =	shalt  }
0x63: {  	_ =	shalt  }
0x64: {  	_ =	shalt  }
0x65: {  	_ =	shalt  }
0x66: {  	_ =	shalt  }
0x67: {  	_ =	shalt  }
0x68: {  	_ =	shalt  }
0x69: {  	_ =	shalt  }
0x6a: {  	_ =	shalt  }
0x6b: {  	_ =	shalt  }
0x6c: {  	_ =	shalt  }
0x6d: {  	_ =	shalt  }
0x6e: {  	_ =	shalt  }
0x6f: {  	_ =	shalt  }
0x70: {  	_ =	shalt  }
0x71: {  	_ =	shalt  }
0x72: {  	_ =	shalt  }
0x73: {  	_ =	shalt  }
0x74: {  	_ =	shalt  }
0x75: {  	_ =	shalt  }
0x76: {  	_ =	shalt  }
0x77: {  	_ =	shalt  }
0x78: {  	_ =	shalt  }
0x79: {  	_ =	shalt  }
0x7a: {  	_ =	shalt  }
0x7b: {  	_ =	shalt  }
0x7c: {  	_ =	shalt  }
0x7d: {  	_ =	shalt  }
0x7e: {  	_ =	shalt  }
0x7f: {  	_ =	shalt  }
0x80: {  	_ =	shalt  }
0x81: {  	_ =	shalt  }
0x82: {  	_ =	shalt  }
0x83: {  	_ =	shalt  }
0x84: {  	_ =	shalt  }
0x85: {  	_ =	shalt  }
0x86: {  	_ =	shalt  }
0x87: {  	_ =	shalt  }
.Lfunc_end0:
.L_simem_size_0:
called_computation_lowered:
.L_overlay_start_0:
0x88: {  	s2 =	sld [smem:$0x3FD9]  }
0x89: {  	s3 =	sld [smem:$0x3FFE];
	_ =	sdelay $0x1  }
0x8a: {  	s1 =	srdreg.scid  }
0x8b: {  	s0 =	sand.u32 $0x1, s1  }
0x8c: {  	s17 =	sshll.u32 s0, $0xA;
	s2 =	sadd.s32 s3, s2  }
0x8d: {  	s2 =	sadd.s32 s2, s17  }
0x8e: {  	[smem:$0x3FBA] =	sst s2  }
0x8f: {  	_ = 	snop  }
0x90: {  	s2 =	sld [smem:$0x3FC9];
	(tm) =	ssettm $0x1  }
0x91: {  	s18 =	sld [smem:$0x3FFB];
	_ =	sdelay $0x3  }
0x92: {  	_ =	strace s18  }
0x93: {  	s3 =	sld [smem:$0x3FFC];
	_ =	sdelay $0x3  }
0x94: {  	_ =	strace s3  }
0x95: {  	s3 =	sld [smem:$0x3FFD];
	_ =	sdelay $0x3  }
0x96: {  	_ =	strace s3  }
0x97: {  	_ =	strace $0x8FFFFFFF  }
0x98: {  	s19 =	sld [smem:$0x3FDB];
	_ =	sdelay $0x1  }
0x99: {  	s4 =	simm.s32 $_scs_section_size  }
0x9a: {  	s5 =	simm.s32 $_size__tile_overlayer_lowered;
	s6 =	simm.s32 $_tile_overlayer_lowered  }
0x9b: {  	s22 =	simm.s32 $0x1BFF;
	s21 =	sshll.u32 s6, $0x1;
	s3 =	sadd.s32 s4, s19  }
0x9c: {  	s7 =	simm.s32 $0x0;
	s20 =	sshll.u32 s5, $0x1;
	s5 =	sadd.s32 s21, s3  }
0x9d: {  	[timem:s7], [sflag:s22] =	dma.local [hbm:s5], s20  }
0x9e: {  	_ =	swait.ge [sflag:s22], s20  }
0x9f: {  	s4 =	ssub.s32 $0x0, s20;
	[sflag:s22] =	ssyncset.done $0x0  }
0xa0: {  	[sflag:s22] =	ssyncadd.s32 s4;
	_ =	sdelay $0x1  }
0xa1: {  	s23 =	simm.s32 $0x1B8B  }
0xa2: {  	_ =	swait.ge [sflag:s23], $0x1  }
0xa3: {  	[sflag:s23] =	ssyncset.done $0x0  }
0xa4: {  	s25 =	simm.s32 $0x1B8E;
	s24 =	sld [smem:$0x3FFE];
	[sflag:s23] =	ssyncadd.s32 $0xFFFFFFFF  }
0xa5: {  	s26 =	simm.s32 $execute0_lowered;
	[smem:$0x3FD2] =	sst s25  }
0xa6: {  	s5 =	sshll.u32 s26, $0x1;
	_ =	strace $0x80000046;
	[dreg:$0x1] =	wrdreg $0xFFFFFFFF  }
0xa7: {  	s28 =	simm.s32 $_size_execute0_lowered;
	s3 =	sadd.s32 s3, s5;
	[dreg:$0x0] =	wrdreg $0x0  }
0xa8: {  	s5 =	sshll.u32 s28, $0x1;
	[dreg:$0x2] =	wrdreg s3  }
0xa9: {  	[dreg:$0x3] =	wrdreg s5  }
0xaa: {  	[dreg:$0x4] =	wrdreg $0xC0  }
0xab: {  	_ =	task [dreg:s7], $0x5FFFF  }
0xac: {  	[dreg:$0x1] =	wrdreg $0xFFFFFFFF  }
0xad: {  	[dreg:$0x0] =	wrdreg $0x60  }
0xae: {  	[dreg:$0x2] =	wrdreg s2  }
0xaf: {  	[dreg:$0x3] =	wrdreg s24  }
0xb0: {  	[dreg:$0x4] =	wrdreg $0xAC000  }
0xb1: {  	[dreg:$0x5] =	wrdreg $0x9  }
0xb2: {  	_ =	task.clear_ibuf [dreg:s7], $0x6FFFF;
	_ =	strace $0x90000046  }
0xb3: {  	s29 =	simm.s32 $0x9;
	_ =	strace $0x80000048  }
0xb4: {  	_ =	swait.ge [sflag:s29], $0x1  }
0xb5: {  	[sflag:s29] =	ssyncadd.s32 $0xFFFFFFFF  }
0xb6: {  	_ =	strace $0x90000048  }
0xb7: {  	_ =	sfence  }
0xb8: {  	s30 =	sld [smem:$0x0];
	_ =	sdelay $0x2  }
0xb9: {  	s31 =	sshll.u32 s1, $0xD;
	s1 =	sshrl.u32 s1, $0x2  }
0xba: {  	s3 =	sand.u32 $0x4000, s31;
	s1 =	sadd.s32 s1, s30  }
0xbb: {  	s0 =	sor.u32 s3, s0;
	s1 =	sshll.u32 s1, $0x11  }
0xbc: {  	s0 =	sor.u32 s1, s0  }
0xbd: {  	s0 =	sadd.s32 $0x8F2B, s0  }
0xbe: {  	[sflag:s0] =	ssyncadd.remote.s32 $0x1  }
0xbf: {  	_ =	sfence.sel $0xFFFF  }
0xc0: {  	[dreg:$0x0] =	wrdreg $0xFFFFFFFF;
	(pc) =	sbr.abs _section_cstart, $3  }
0xc1: {  	[dreg:$0x1] =	wrdreg $0xFFFFFFFF  }
0xc2: {  	_ =	task.clear_ibuf [dreg:s7], $0x2FFFF;
	_ =	strace $0x9FFFFFFF  }
0xc3: {  	(tm) =	ssettm $0x7FFFFFFF  }
tec
execute0_lowered:
.L_overlay_start_1:
0x0: {  	(tag) =	ssettag $0x1  }
0x1: {  	s0 =	srdreg.scid;
	s9 =	stileid.u32  }
0x2: {  	s13 =	sand.u32 $0x1, s0;
	s3 =	smul.u32 $0x2800, s9  }
0x3: {  	s0 =	smul.u32 $0x28000, s13  }
0x4: {  	s4 =	rddreg [dreg:$0x1];
	s22 =	ssub.s32 $0x2, s13  }
0x5: {  	s2 =	sadd.s32 $0x3000, s4;
	s5 =	sshrl.u32 s22, $0x1;
	s0 =	sadd.s32 s3, s0  }
0x6: {  	s3 =	ssub.s32 s22, s5;
	s8 =	sshrl.u32 s0, $0x3;
	s0 =	smul.u32 $0x14000, s9  }
0x7: {  	s6 =	sadd.s32 $0x2C400, s4;
	[smem:$0x7FA] =	sst s3;
	s4 =	sadd.s32 s8, s4  }
0x8: {  	s7 =	sshll.u32 s9, $0x1;
	[smem:$0x7F8] =	sst s4;
	s4 =	sor.u32 $0x800, s0  }
0x9: {  	s23 =	sor.u32 s13, s7;
	s7 =	sor.u32 $0x1000, s0;
	[smem:$0x7BC] =	sst s4  }
0xa: {  	s8 =	sor.u32 $0x1800, s0;
	[smem:$0x7BE] =	sst s7  }
0xb: {  	s9 =	sor.u32 $0x2000, s0;
	[smem:$0x7C0] =	sst s8  }
0xc: {  	s10 =	sor.u32 $0x2800, s0;
	[smem:$0x7C2] =	sst s9  }
0xd: {  	s11 =	sor.u32 $0x3000, s0;
	[smem:$0x7C4] =	sst s10  }
0xe: {  	s12 =	sor.u32 $0x3800, s0;
	[smem:$0x7C6] =	sst s11  }
0xf: {  	s24 =	sadd.s32 $0x4000, s0;
	[smem:$0x7C8] =	sst s12  }
0x10: {  	s16 =	sadd.s32 $0x4800, s0;
	[smem:$0x7CA] =	sst s24  }
0x11: {  	s17 =	sadd.s32 $0x5000, s0;
	[smem:$0x7CC] =	sst s16  }
0x12: {  	s18 =	sadd.s32 $0x5800, s0;
	[smem:$0x7CE] =	sst s17  }
0x13: {  	s19 =	sadd.s32 $0x6000, s0;
	[smem:$0x7D0] =	sst s18  }
0x14: {  	s20 =	sadd.s32 $0x6800, s0;
	[smem:$0x7D2] =	sst s19  }
0x15: {  	s21 =	sadd.s32 $0x7000, s0;
	[smem:$0x7D4] =	sst s20  }
0x16: {  	s22 =	sadd.s32 $0x7800, s0;
	[smem:$0x7D6] =	sst s21  }
0x17: {  	s5 =	sadd.s32 $0x8000, s0;
	[smem:$0x7D8] =	sst s22  }
0x18: {  	s30 =	smul.u32 $0x3E80, s23;
	s14 =	sadd.s32 $0x8800, s0;
	[smem:$0x7DA] =	sst s5  }
0x19: {  	s3 =	smul.u32 $0x280, s23;
	s26 =	sadd.s32 $0x9000, s0;
	[smem:$0x7DC] =	sst s14  }
0x1a: {  	s25 =	sand.u32 $0x7FC00, s30;
	s23 =	sadd.s32 $0x9800, s0;
	[smem:$0x7DE] =	sst s26  }
0x1b: {  	s3 =	sand.u32 $0x380, s3;
	s15 =	sadd.s32 $0xC800, s0;
	[smem:$0x7E0] =	sst s23  }
0x1c: {  	s3 =	sor.u32 s3, s25;
	[smem:$0x7A0] =	sst s15  }
0x1d: {  	s15 =	sadd.s32 $0xD000, s0;
	[smem:$0x7ED] =	sst s3  }
0x1e: {  	[smem:$0x7A1] =	sst s15  }
0x1f: {  	s15 =	sadd.s32 $0xD800, s0;
	s31 =	sld [smem:$0x7A0]  }
0x20: {  	s3 =	sadd.s32 $0x11000, s0;
	[smem:$0x7A2] =	sst s15  }
0x21: {  	s15 =	sadd.s32 $0xE000, s0;
	[smem:$0x7AE] =	sst s3  }
0x22: {  	s3 =	sadd.s32 $0x11800, s0;
	[smem:$0x7A3] =	sst s15  }
0x23: {  	s15 =	sadd.s32 $0xE800, s0;
	[smem:$0x7B0] =	sst s3  }
0x24: {  	s3 =	sadd.s32 $0x12000, s0;
	[smem:$0x7A4] =	sst s15  }
0x25: {  	s15 =	sadd.s32 $0xF000, s0;
	[smem:$0x7B2] =	sst s3  }
0x26: {  	s3 =	sadd.s32 $0x12800, s0;
	[smem:$0x7A6] =	sst s15  }
0x27: {  	s28 =	sadd.s32 $0xB000, s0;
	s15 =	sadd.s32 $0xF800, s0;
	[smem:$0x7B4] =	sst s3  }
0x28: {  	s29 =	sadd.s32 $0xB800, s0;
	[smem:$0x7A8] =	sst s15;
	s15 =	sadd.s32 $0x10000, s0  }
0x29: {  	s25 =	sadd.s32 $0xA000, s0;
	[smem:$0x7AA] =	sst s15;
	s15 =	sadd.s32 $0x10800, s0  }
0x2a: {  	s3 =	sadd.s32 $0x13000, s0;
	[smem:$0x7AC] =	sst s15;
	s15 =	smul.u32 $0x140000, s13  }
0x2b: {  	s26 =	sadd.s32 $0xA800, s0;
	s24 =	sadd.s32 $0xC000, s0;
	[smem:$0x7B7] =	sst s3  }
0x2c: {  	s3 =	sadd.s32 s0, s15;
	s0 =	sadd.s32 $0x13800, s0;
	s4 =	sadd.s32 s15, s4  }
0x2d: {  	s8 =	sadd.s32 s15, s8;
	s11 =	sadd.s32 s15, s11;
	s3 =	sshrl.u32 s3, $0x3  }
0x2e: {  	s19 =	sadd.s32 s15, s19;
	[smem:$0x7B8] =	sst s0;
	s0 =	sadd.s32 s6, s3  }
0x2f: {  	s3 =	sshrl.u32 s4, $0x3;
	s4 =	sadd.s32 s15, s7;
	[dreg:$0x4] =	wrdreg s0  }
0x30: {  	s0 =	sadd.s32 s6, s3;
	s7 =	sshrl.u32 s4, $0x3;
	s4 =	sshrl.u32 s8, $0x3  }
0x31: {  	s3 =	sshrl.u32 s11, $0x3;
	[dreg:$0x5] =	wrdreg s0;
	s0 =	sadd.s32 s6, s7  }
0x32: {  	s7 =	sadd.s32 s15, s9;
	s9 =	sadd.s32 s15, s10;
	[dreg:$0x6] =	wrdreg s0  }
0x33: {  	s0 =	sadd.s32 s6, s4;
	s8 =	sshrl.u32 s7, $0x3;
	s10 =	sshrl.u32 s9, $0x3  }
0x34: {  	s4 =	sadd.s32 s15, s12;
	s12 =	sadd.s32 s15, s17;
	s17 =	sadd.s32 s15, s18  }
0x35: {  	[dreg:$0x7] =	wrdreg s0;
	s0 =	sadd.s32 s6, s8;
	s7 =	sshrl.u32 s4, $0x3  }
0x36: {  	s8 =	sld [smem:$0x7CA];
	s18 =	sshrl.u32 s17, $0x3;
	s4 =	sadd.s32 s15, s20  }
0x37: {  	s17 =	sadd.s32 s15, s14;
	[dreg:$0x8] =	wrdreg s0;
	s0 =	sadd.s32 s6, s10  }
0x38: {  	s10 =	sadd.s32 s15, s16;
	s16 =	sshrl.u32 s12, $0x3;
	s12 =	sadd.s32 s15, s5  }
0x39: {  	s5 =	sadd.s32 s15, s26;
	[dreg:$0x9] =	wrdreg s0;
	s0 =	sadd.s32 s6, s3  }
0x3a: {  	s11 =	sshrl.u32 s10, $0x3;
	[dreg:$0xa] =	wrdreg s0;
	s3 =	sadd.s32 s15, s8  }
0x3b: {  	s0 =	sadd.s32 s6, s7;
	s7 =	sshrl.u32 s4, $0x3;
	s8 =	sadd.s32 s15, s21  }
0x3c: {  	s21 =	sadd.s32 s15, s23;
	s23 =	sadd.s32 s15, s25;
	[dreg:$0xb] =	wrdreg s0  }
0x3d: {  	s9 =	sshrl.u32 s3, $0x3;
	s3 =	sshrl.u32 s19, $0x3;
	s19 =	sld [smem:$0x7DE]  }
0x3e: {  	s4 =	sshrl.u32 s23, $0x3;
	s23 =	sld [smem:$0x7A1];
	s0 =	sadd.s32 s6, s9  }
0x3f: {  	s10 =	sadd.s32 s15, s22;
	[dreg:$0xc] =	wrdreg s0;
	s0 =	sadd.s32 s6, s11  }
0x40: {  	s22 =	sshrl.u32 s21, $0x3;
	[dreg:$0xd] =	wrdreg s0;
	s0 =	sadd.s32 s6, s16  }
0x41: {  	s9 =	sshrl.u32 s8, $0x3;
	[dreg:$0xe] =	wrdreg s0;
	s0 =	sadd.s32 s6, s18  }
0x42: {  	s8 =	sadd.s32 s15, s28;
	[dreg:$0xf] =	wrdreg s0;
	s0 =	sadd.s32 s6, s3  }
0x43: {  	s11 =	sshrl.u32 s10, $0x3;
	[dreg:$0x10] =	wrdreg s0;
	s0 =	sadd.s32 s6, s7  }
0x44: {  	s10 =	sadd.s32 s15, s29;
	[dreg:$0x11] =	wrdreg s0;
	s0 =	sadd.s32 s6, s9  }
0x45: {  	s16 =	sshrl.u32 s12, $0x3;
	[dreg:$0x12] =	wrdreg s0;
	s0 =	sadd.s32 s6, s11  }
0x46: {  	s18 =	sshrl.u32 s17, $0x3;
	[dreg:$0x13] =	wrdreg s0;
	s0 =	sadd.s32 s6, s16  }
0x47: {  	s3 =	sadd.s32 s15, s19;
	s16 =	sadd.s32 s15, s31;
	[dreg:$0x14] =	wrdreg s0  }
0x48: {  	s0 =	sadd.s32 s6, s18;
	s17 =	sshrl.u32 s16, $0x3;
	s16 =	sld [smem:$0x7A2]  }
0x49: {  	s20 =	sshrl.u32 s3, $0x3;
	s18 =	sadd.s32 s15, s23;
	[dreg:$0x15] =	wrdreg s0  }
0x4a: {  	s0 =	sadd.s32 s6, s20;
	s19 =	sshrl.u32 s18, $0x3;
	s18 =	sld [smem:$0x7A4]  }
0x4b: {  	s12 =	sadd.s32 s15, s24;
	[dreg:$0x16] =	wrdreg s0;
	s0 =	sadd.s32 s6, s22  }
0x4c: {  	s7 =	sshrl.u32 s5, $0x3;
	[dreg:$0x17] =	wrdreg s0;
	s0 =	sadd.s32 s6, s4  }
0x4d: {  	s9 =	sshrl.u32 s8, $0x3;
	s20 =	sadd.s32 s15, s16;
	[dreg:$0x18] =	wrdreg s0  }
0x4e: {  	s0 =	sadd.s32 s6, s7;
	s21 =	sshrl.u32 s20, $0x3;
	s20 =	sld [smem:$0x7AA]  }
0x4f: {  	s11 =	sshrl.u32 s10, $0x3;
	[dreg:$0x19] =	wrdreg s0;
	s0 =	sadd.s32 s6, s9  }
0x50: {  	s14 =	sshrl.u32 s12, $0x3;
	[dreg:$0x1a] =	wrdreg s0;
	s0 =	sadd.s32 s6, s11  }
0x51: {  	[dreg:$0x1b] =	wrdreg s0;
	s0 =	sadd.s32 s6, s14  }
0x52: {  	[dreg:$0x1c] =	wrdreg s0  }
0x53: {  	s11 =	sadd.s32 s15, s20;
	s0 =	sadd.s32 s6, s17;
	s17 =	sld [smem:$0x7A3]  }
0x54: {  	s12 =	sshrl.u32 s11, $0x3;
	s11 =	sld [smem:$0x7B2]  }
0x55: {  	[dreg:$0x1d] =	wrdreg s0  }
0x56: {  	s0 =	sadd.s32 s6, s19;
	s19 =	sld [smem:$0x7AC]  }
0x57: {  	[dreg:$0x1e] =	wrdreg s0  }
0x58: {  	s0 =	sadd.s32 s6, s21;
	s21 =	sld [smem:$0x7A8];
	s22 =	sadd.s32 s15, s17  }
0x59: {  	s4 =	sadd.s32 s15, s18;
	s3 =	sshrl.u32 s22, $0x3;
	s22 =	sld [smem:$0x7A6]  }
0x5a: {  	s5 =	sshrl.u32 s4, $0x3;
	[dreg:$0x1f] =	wrdreg s0  }
0x5b: {  	s14 =	sadd.s32 s15, s19;
	s0 =	sadd.s32 s6, s3;
	s9 =	sadd.s32 s15, s21  }
0x5c: {  	s4 =	sshrl.u32 s14, $0x3;
	s14 =	sld [smem:$0x7AE];
	s7 =	sadd.s32 s15, s22  }
0x5d: {  	[smem:$0x7A5] =	sst s0;
	s0 =	sadd.s32 s6, s5;
	s8 =	sshrl.u32 s7, $0x3  }
0x5e: {  	s10 =	sshrl.u32 s9, $0x3;
	[smem:$0x7A7] =	sst s0;
	s0 =	sadd.s32 s6, s8  }
0x5f: {  	[smem:$0x7A9] =	sst s0;
	s0 =	sadd.s32 s6, s10  }
0x60: {  	[smem:$0x7AB] =	sst s0  }
0x61: {  	s5 =	sadd.s32 s15, s14;
	s0 =	sadd.s32 s6, s12;
	s12 =	sld [smem:$0x7B0]  }
0x62: {  	s7 =	sshrl.u32 s5, $0x3;
	s10 =	sadd.s32 s15, s11;
	[smem:$0x7AD] =	sst s0  }
0x63: {  	s0 =	sadd.s32 s6, s4;
	s4 =	sshrl.u32 s10, $0x3;
	s10 =	sld [smem:$0x7B4]  }
0x64: {  	[smem:$0x7AF] =	sst s0;
	s0 =	sadd.s32 s6, s7;
	s8 =	sadd.s32 s15, s12  }
0x65: {  	[smem:$0x7B1] =	sst s0;
	s9 =	sshrl.u32 s8, $0x3  }
0x66: {  	s5 =	sadd.s32 s15, s10;
	s0 =	sadd.s32 s6, s9;
	s9 =	sld [smem:$0x7B7]  }
0x67: {  	s1 =	simm.s32 $0x0;
	s7 =	sshrl.u32 s5, $0x3  }
0x68: {  	s5 =	smul.u32 $0x7D0, s13;
	[smem:$0x7B3] =	sst s0;
	s0 =	sadd.s32 s6, s4  }
0x69: {  	[smem:$0x7B5] =	sst s0;
	s0 =	sadd.s32 s6, s7;
	s8 =	sadd.s32 s15, s9  }
0x6a: {  	s7 =	smul.u32 $0x7D, s13;
	s13 =	sshrl.u32 s8, $0x3;
	s8 =	sld [smem:$0x7B8]  }
0x6b: {  	[smem:$0x7FF] =	sst s1  }
0x6c: {  	s3 =	stileid.u32;
	[smem:$0x7B6] =	sst s0;
	s13 =	sadd.s32 s6, s13  }
0x6d: {  	s4 =	stileid.u32;
	[smem:$0x7B9] =	sst s13;
	s15 =	sadd.s32 s15, s8  }
0x6e: {  	s0 =	smul.u32 $0xFA0, s4;
	s13 =	rddreg [dreg:$0x0];
	s15 =	sshrl.u32 s15, $0x3  }
0x6f: {  	s4 =	smul.u32 $0x50000, s4;
	s6 =	sadd.s32 s6, s15;
	s15 =	rddreg [dreg:$0x2]  }
0x70: {  	s3 =	smul.u32 $0xFA, s3;
	s0 =	sadd.s32 s0, s2;
	[smem:$0x7BA] =	sst s6  }
0x71: {  	s6 =	sadd.s32 s5, s0;
	s5 =	sshrl.u32 s4, $0x2;
	s25 =	sadd.s32 s25, s15  }
0x72: {  	s26 =	sadd.s32 s26, s15;
	_ =	strace $0x80000047;
	[smem:$0x7E2] =	sst s25  }
0x73: {  	s0 =	sadd.s32 s7, s3;
	s3 =	sadd.s32 s5, s15;
	[smem:$0x7E3] =	sst s26  }
0x74: {  	[smem:$0x7BB] =	sst s3  }
0x75: {  	s7 =	sld [smem:$0x7BC]  }
0x76: {  	s4 =	sld [smem:$0x7BE]  }
0x77: {  	s25 =	sadd.s32 s23, s15;
	s5 =	sld [smem:$0x7C0]  }
0x78: {  	s26 =	sadd.s32 s22, s15;
	[smem:$0x7E8] =	sst s25  }
0x79: {  	s0 =	sshll.u32 s0, $0x7;
	[smem:$0x7E9] =	sst s26  }
0x7a: {  	s25 =	sadd.s32 s11, s15;
	s11 =	sld [smem:$0x7ED];
	s0 =	sadd.s32 $0x280, s0  }
0x7b: {  	[smem:$0x7FD] =	sst s0  }
0x7c: {  	s3 =	sadd.s32 s7, s15;
	s7 =	sld [smem:$0x7C2]  }
0x7d: {  	[smem:$0x7BD] =	sst s3  }
0x7e: {  	s3 =	sadd.s32 s4, s15;
	s4 =	sld [smem:$0x7C4]  }
0x7f: {  	[smem:$0x7BF] =	sst s3  }
0x80: {  	s3 =	sadd.s32 s5, s15;
	s5 =	sld [smem:$0x7C6]  }
0x81: {  	[smem:$0x7C1] =	sst s3  }
0x82: {  	s3 =	sadd.s32 s7, s15;
	s7 =	sld [smem:$0x7C8]  }
0x83: {  	[smem:$0x7C3] =	sst s3  }
0x84: {  	s3 =	sadd.s32 s4, s15;
	s4 =	sld [smem:$0x7CA]  }
0x85: {  	[smem:$0x7C5] =	sst s3  }
0x86: {  	s3 =	sadd.s32 s5, s15;
	s5 =	sld [smem:$0x7CC]  }
0x87: {  	[smem:$0x7C7] =	sst s3  }
0x88: {  	s3 =	sadd.s32 s7, s15;
	s7 =	sld [smem:$0x7CE]  }
0x89: {  	[smem:$0x7C9] =	sst s3  }
0x8a: {  	s3 =	sadd.s32 s4, s15;
	s4 =	sld [smem:$0x7D0]  }
0x8b: {  	[smem:$0x7CB] =	sst s3  }
0x8c: {  	s3 =	sadd.s32 s5, s15;
	s5 =	sld [smem:$0x7D2]  }
0x8d: {  	[smem:$0x7CD] =	sst s3  }
0x8e: {  	s3 =	sadd.s32 s7, s15;
	s7 =	sld [smem:$0x7D4]  }
0x8f: {  	[smem:$0x7CF] =	sst s3  }
0x90: {  	s3 =	sadd.s32 s4, s15;
	s4 =	sld [smem:$0x7D6]  }
0x91: {  	[smem:$0x7D1] =	sst s3  }
0x92: {  	s3 =	sadd.s32 s5, s15;
	s5 =	sld [smem:$0x7D8]  }
0x93: {  	[smem:$0x7D3] =	sst s3  }
0x94: {  	s3 =	sadd.s32 s7, s15;
	s7 =	sld [smem:$0x7DA]  }
0x95: {  	[smem:$0x7D5] =	sst s3  }
0x96: {  	s3 =	sadd.s32 s4, s15;
	s4 =	sld [smem:$0x7DC]  }
0x97: {  	[smem:$0x7D7] =	sst s3  }
0x98: {  	s3 =	sadd.s32 s5, s15;
	s5 =	sld [smem:$0x7DE]  }
0x99: {  	s16 =	sadd.s32 s16, s15;
	[smem:$0x7D9] =	sst s3  }
0x9a: {  	s17 =	sadd.s32 s17, s15;
	s3 =	sadd.s32 s7, s15;
	s7 =	sld [smem:$0x7E0]  }
0x9b: {  	s18 =	sadd.s32 s18, s15;
	[smem:$0x7DB] =	sst s3;
	s3 =	sadd.s32 s4, s15  }
0x9c: {  	s22 =	sadd.s32 s19, s15;
	s4 =	sadd.s32 s28, s15;
	[smem:$0x7DD] =	sst s3  }
0x9d: {  	s23 =	sadd.s32 $0x7D180, s30;
	s3 =	sadd.s32 s5, s15;
	[smem:$0x7E4] =	sst s4  }
0x9e: {  	s26 =	sadd.s32 s10, s15;
	s5 =	sadd.s32 s29, s15;
	[smem:$0x7DF] =	sst s3  }
0x9f: {  	s10 =	sadd.s32 $0x7D200, s30;
	s4 =	sadd.s32 s21, s15;
	[smem:$0x7E5] =	sst s5  }
0xa0: {  	s0 =	simm.s32 $0x80;
	s3 =	sadd.s32 s7, s15;
	[smem:$0x7EA] =	sst s4  }
0xa1: {  	s28 =	sadd.s32 s9, s15;
	s7 =	sadd.s32 s24, s15;
	[smem:$0x7E1] =	sst s3  }
0xa2: {  	s29 =	sadd.s32 s8, s15;
	s24 =	sadd.s32 s31, s15;
	[smem:$0x7E6] =	sst s7  }
0xa3: {  	s21 =	sadd.s32 $0x7D100, s30;
	s5 =	sadd.s32 s20, s15;
	[smem:$0x7E7] =	sst s24  }
0xa4: {  	s4 =	sshrl.u32 s11, $0x3;
	[smem:$0x7EB] =	sst s5;
	s7 =	sadd.s32 s14, s15  }
0xa5: {  	s24 =	sadd.s32 s12, s15;
	s5 =	sshrl.u32 s21, $0x3;
	s21 =	sld [smem:$0x7FA]  }
0xa6: {  	s12 =	sadd.s32 $0x7D000, s11;
	s4 =	sadd.s32 s2, s4;
	[smem:$0x7EC] =	sst s7  }
0xa7: {  	s20 =	sadd.s32 $0x7D080, s30;
	s3 =	sshrl.u32 s12, $0x3;
	[smem:$0x7EE] =	sst s4  }
0xa8: {  	s4 =	sshrl.u32 s20, $0x3;
	s8 =	sadd.s32 s2, s5;
	s20 =	sld [smem:$0x7F8]  }
0xa9: {  	s7 =	sshrl.u32 s23, $0x3;
	s23 =	sadd.s32 $0x50, s6;
	[smem:$0x7F1] =	sst s8  }
0xaa: {  	s31 =	simm.s32 $0x4;
	s3 =	sadd.s32 s2, s3;
	[smem:$0x7FC] =	sst s23  }
0xab: {  	s14 =	sshrl.u32 s30, $0x3;
	s4 =	sadd.s32 s2, s4;
	[smem:$0x7EF] =	sst s3  }
0xac: {  	s19 =	sadd.s32 s2, s14;
	s9 =	sadd.s32 s2, s7;
	[smem:$0x7F0] =	sst s4  }
0xad: {  	s30 =	simm.s32 $0x7C00;
	s11 =	sadd.s32 $0x10, s19;
	[smem:$0x7F2] =	sst s9  }
0xae: {  	s5 =	simm.s32 $0x2;
	s12 =	sadd.s32 $0x20, s19;
	[smem:$0x7F3] =	sst s11  }
0xaf: {  	s6 =	simm.s32 $0x8400;
	s14 =	sadd.s32 $0x30, s19;
	[smem:$0x7F4] =	sst s12  }
0xb0: {  	[smem:$0x7F5] =	sst s14;
	s3 =	sadd.s32 $0x40, s19;
	s19 =	sshrl.u32 s10, $0x3  }
0xb1: {  	s7 =	simm.s32 $0x3;
	[smem:$0x7F6] =	sst s3;
	s3 =	sadd.s32 s2, s19  }
0xb2: {  	s8 =	simm.s32 $0x0;
	[smem:$0x7F7] =	sst s3;
	s3 =	sadd.s32 $0x22400, s20  }
0xb3: {  	s14 =	simm.s32 $0x380;
	[smem:$0x7F9] =	sst s3;
	s3 =	smax.u32 s21, $0x1  }
0xb4: {  	v0 =	vimm.f32 $0.0e+00;
	s4 =	simm.s32 $0x50;
	[smem:$0x7FB] =	sst s3;
	s3 =	simm.s32 $0x1  }
.LBB2_1:
0xb5: {  	s9 =	simm.s32 $0x0;
	s10 =	simm.s32 $0x200  }
.LBB2_2:
0xb6: {  	p0 =	sne.s32 s10, $0x1E00;
	[tilespmem:s9+$0x7C70] =	vst v0  }
0xb7: {  	[tilespmem:s9+$0x7C00] =	vst v0  }
0xb8: {  	[tilespmem:s9+$0x7C10] =	vst v0  }
.Ltmp0:
0xb9: {  	[tilespmem:s9+$0x7C20] =	vst v0;
	(pc) =	sbr.rel @p0 .LBB2_2-.Ltmp0, $4  }
0xba: {  	[tilespmem:s9+$0x7C30] =	vst v0  }
0xbb: {  	[tilespmem:s9+$0x7C40] =	vst v0  }
0xbc: {  	[tilespmem:s9+$0x7C50] =	vst v0  }
0xbd: {  	[tilespmem:s9+$0x7C60] =	vst v0;
	s9 =	sshra.s32 s10, $0x2;
	s10 =	sadd.s32 $0x200, s10  }
0xbe: {  	[tilespmem:s9+$0x7C70] =	vst v0  }
0xbf: {  	[tilespmem:s9+$0x7C00] =	vst v0  }
0xc0: {  	[tilespmem:s9+$0x7C10] =	vst v0  }
0xc1: {  	[tilespmem:s9+$0x7C20] =	vst v0  }
0xc2: {  	[tilespmem:s9+$0x7C30] =	vst v0  }
0xc3: {  	[tilespmem:s9+$0x7C40] =	vst v0  }
0xc4: {  	[tilespmem:s9+$0x7C50] =	vst v0  }
0xc5: {  	[tilespmem:s9+$0x7C60] =	vst v0;
	s9 =	simm.s32 $0x0;
	s10 =	simm.s32 $0x200  }
.LBB2_4:
0xc6: {  	p0 =	sne.s32 s10, $0x9E00;
	[tilespmem:s9+$0x8470] =	vst v0  }
0xc7: {  	[tilespmem:s9+$0x8400] =	vst v0  }
0xc8: {  	[tilespmem:s9+$0x8410] =	vst v0  }
.Ltmp1:
0xc9: {  	[tilespmem:s9+$0x8420] =	vst v0;
	(pc) =	sbr.rel @p0 .LBB2_4-.Ltmp1, $4  }
0xca: {  	[tilespmem:s9+$0x8430] =	vst v0  }
0xcb: {  	[tilespmem:s9+$0x8440] =	vst v0  }
0xcc: {  	[tilespmem:s9+$0x8450] =	vst v0  }
0xcd: {  	[tilespmem:s9+$0x8460] =	vst v0;
	s9 =	sshra.s32 s10, $0x2;
	s10 =	sadd.s32 $0x200, s10  }
0xce: {  	[tilespmem:s9+$0x8470] =	vst v0  }
0xcf: {  	[tilespmem:s9+$0x8400] =	vst v0  }
0xd0: {  	[tilespmem:s9+$0x8410] =	vst v0  }
0xd1: {  	[tilespmem:s9+$0x8420] =	vst v0  }
0xd2: {  	[tilespmem:s9+$0x8430] =	vst v0  }
0xd3: {  	[tilespmem:s9+$0x8440] =	vst v0;
	s20 =	sld [smem:$0x7BB]  }
0xd4: {  	[tilespmem:s9+$0x8450] =	vst v0  }
0xd5: {  	[tilespmem:s9+$0x8460] =	vst v0;
	s21 =	sld [smem:$0x7BD]  }
0xd6: {  	[spmem:s20] =	stream.linear.scatter [tilespmem:s30], [sflag:$0x4], $0x800, $0x38;
	[tilespmem:$0x1EC00] =	vst v63  }
0xd7: {  	s23 =	sld [smem:$0x7BF]  }
0xd8: {  	[spmem:s21] =	stream.linear.scatter [tilespmem:s30], [sflag:$0x4], $0x800, $0x38;
	[tilespmem:$0x1EC00] =	vst v63  }
0xd9: {  	s10 =	sld [smem:$0x7C1]  }
0xda: {  	[spmem:s23] =	stream.linear.scatter [tilespmem:s30], [sflag:$0x4], $0x800, $0x38;
	[tilespmem:$0x1EC00] =	vst v63  }
0xdb: {  	s11 =	sld [smem:$0x7C3]  }
0xdc: {  	[spmem:s10] =	stream.linear.scatter [tilespmem:s30], [sflag:$0x4], $0x800, $0x38;
	[tilespmem:$0x1EC00] =	vst v63  }
0xdd: {  	s12 =	sld [smem:$0x7C5]  }
0xde: {  	[spmem:s11] =	stream.linear.scatter [tilespmem:s30], [sflag:$0x4], $0x800, $0x38;
	[tilespmem:$0x1EC00] =	vst v63  }
0xdf: {  	s19 =	sld [smem:$0x7C7]  }
0xe0: {  	[spmem:s12] =	stream.linear.scatter [tilespmem:s30], [sflag:$0x4], $0x800, $0x38;
	[tilespmem:$0x1EC00] =	vst v63  }
0xe1: {  	s20 =	sld [smem:$0x7C9]  }
0xe2: {  	[spmem:s19] =	stream.linear.scatter [tilespmem:s30], [sflag:$0x4], $0x800, $0x38;
	[tilespmem:$0x1EC00] =	vst v63  }
0xe3: {  	s21 =	sld [smem:$0x7CB]  }
0xe4: {  	[spmem:s20] =	stream.linear.scatter [tilespmem:s30], [sflag:$0x4], $0x800, $0x38;
	[tilespmem:$0x1EC00] =	vst v63  }
0xe5: {  	s23 =	sld [smem:$0x7CD]  }
0xe6: {  	[spmem:s21] =	stream.linear.scatter [tilespmem:s30], [sflag:$0x4], $0x800, $0x38;
	[tilespmem:$0x1EC00] =	vst v63  }
0xe7: {  	s10 =	sld [smem:$0x7CF]  }
0xe8: {  	[spmem:s23] =	stream.linear.scatter [tilespmem:s30], [sflag:$0x4], $0x800, $0x38;
	[tilespmem:$0x1EC00] =	vst v63  }
0xe9: {  	s11 =	sld [smem:$0x7D1]  }
0xea: {  	[spmem:s10] =	stream.linear.scatter [tilespmem:s30], [sflag:$0x4], $0x800, $0x38;
	[tilespmem:$0x1EC00] =	vst v63  }
0xeb: {  	s12 =	sld [smem:$0x7D3]  }
0xec: {  	[spmem:s11] =	stream.linear.scatter [tilespmem:s30], [sflag:$0x4], $0x800, $0x38;
	[tilespmem:$0x1EC00] =	vst v63  }
0xed: {  	s19 =	sld [smem:$0x7D5]  }
0xee: {  	[spmem:s12] =	stream.linear.scatter [tilespmem:s30], [sflag:$0x4], $0x800, $0x38;
	[tilespmem:$0x1EC00] =	vst v63  }
0xef: {  	s20 =	sld [smem:$0x7D7]  }
0xf0: {  	[spmem:s19] =	stream.linear.scatter [tilespmem:s30], [sflag:$0x4], $0x800, $0x38;
	[tilespmem:$0x1EC00] =	vst v63  }
0xf1: {  	s21 =	sld [smem:$0x7D9]  }
0xf2: {  	[spmem:s20] =	stream.linear.scatter [tilespmem:s30], [sflag:$0x4], $0x800, $0x38;
	[tilespmem:$0x1EC00] =	vst v63  }
0xf3: {  	s23 =	sld [smem:$0x7DB]  }
0xf4: {  	[spmem:s21] =	stream.linear.scatter [tilespmem:s30], [sflag:$0x4], $0x800, $0x38;
	[tilespmem:$0x1EC00] =	vst v63  }
0xf5: {  	s10 =	sld [smem:$0x7DD]  }
0xf6: {  	[spmem:s23] =	stream.linear.scatter [tilespmem:s30], [sflag:$0x4], $0x800, $0x38;
	[tilespmem:$0x1EC00] =	vst v63  }
0xf7: {  	s11 =	sld [smem:$0x7DF]  }
0xf8: {  	[spmem:s10] =	stream.linear.scatter [tilespmem:s30], [sflag:$0x4], $0x800, $0x38;
	[tilespmem:$0x1EC00] =	vst v63  }
0xf9: {  	s12 =	sld [smem:$0x7E1]  }
0xfa: {  	[spmem:s11] =	stream.linear.scatter [tilespmem:s30], [sflag:$0x4], $0x800, $0x38;
	[tilespmem:$0x1EC00] =	vst v63  }
0xfb: {  	s19 =	sld [smem:$0x7E2]  }
0xfc: {  	[spmem:s12] =	stream.linear.scatter [tilespmem:s30], [sflag:$0x4], $0x800, $0x38;
	[tilespmem:$0x1EC00] =	vst v63  }
0xfd: {  	s20 =	sld [smem:$0x7E3]  }
0xfe: {  	[spmem:s19] =	stream.linear.scatter [tilespmem:s30], [sflag:$0x4], $0x800, $0x38;
	[tilespmem:$0x1EC00] =	vst v63  }
0xff: {  	s21 =	sld [smem:$0x7E4]  }
0x100: {  	[spmem:s20] =	stream.linear.scatter [tilespmem:s30], [sflag:$0x4], $0x800, $0x38;
	[tilespmem:$0x1EC00] =	vst v63  }
0x101: {  	s23 =	sld [smem:$0x7E5]  }
0x102: {  	[spmem:s21] =	stream.linear.scatter [tilespmem:s30], [sflag:$0x4], $0x800, $0x38;
	[tilespmem:$0x1EC00] =	vst v63  }
0x103: {  	s10 =	sld [smem:$0x7E6]  }
0x104: {  	[spmem:s23] =	stream.linear.scatter [tilespmem:s30], [sflag:$0x4], $0x800, $0x38;
	[tilespmem:$0x1EC00] =	vst v63  }
0x105: {  	s11 =	sld [smem:$0x7E7]  }
0x106: {  	[spmem:s10] =	stream.linear.scatter [tilespmem:s30], [sflag:$0x4], $0x800, $0x38;
	[tilespmem:$0x1EC00] =	vst v63  }
0x107: {  	s12 =	sld [smem:$0x7E8]  }
0x108: {  	[spmem:s11] =	stream.linear.scatter [tilespmem:s30], [sflag:$0x4], $0x800, $0x38;
	[tilespmem:$0x1EC00] =	vst v63  }
0x109: {  	_ = 	snop  }
0x10a: {  	[spmem:s12] =	stream.linear.scatter [tilespmem:s30], [sflag:$0x4], $0x800, $0x38;
	[tilespmem:$0x1EC00] =	vst v63  }
0x10b: {  	_ = 	snop  }
0x10c: {  	[spmem:s16] =	stream.linear.scatter [tilespmem:s30], [sflag:$0x4], $0x800, $0x38;
	[tilespmem:$0x1EC00] =	vst v63  }
0x10d: {  	_ = 	snop  }
0x10e: {  	[spmem:s17] =	stream.linear.scatter [tilespmem:s30], [sflag:$0x4], $0x800, $0x38;
	[tilespmem:$0x1EC00] =	vst v63  }
0x10f: {  	s19 =	smov.u32 s16;
	s16 =	sld [smem:$0x7E9]  }
0x110: {  	[spmem:s18] =	stream.linear.scatter [tilespmem:s30], [sflag:$0x4], $0x800, $0x38;
	[tilespmem:$0x1EC00] =	vst v63  }
0x111: {  	s20 =	smov.u32 s17;
	s17 =	sld [smem:$0x7EA]  }
0x112: {  	[spmem:s16] =	stream.linear.scatter [tilespmem:s30], [sflag:$0x4], $0x800, $0x38;
	[tilespmem:$0x1EC00] =	vst v63  }
0x113: {  	s21 =	smov.u32 s18;
	s18 =	sld [smem:$0x7EB]  }
0x114: {  	[spmem:s17] =	stream.linear.scatter [tilespmem:s30], [sflag:$0x4], $0x800, $0x38;
	[tilespmem:$0x1EC00] =	vst v63  }
0x115: {  	_ = 	snop  }
0x116: {  	[spmem:s18] =	stream.linear.scatter [tilespmem:s30], [sflag:$0x4], $0x800, $0x38;
	[tilespmem:$0x1EC00] =	vst v63  }
0x117: {  	_ = 	snop  }
0x118: {  	[spmem:s22] =	stream.linear.scatter [tilespmem:s30], [sflag:$0x4], $0x800, $0x38;
	[tilespmem:$0x1EC00] =	vst v63  }
0x119: {  	s23 =	smov.u32 s22;
	s22 =	sld [smem:$0x7EC];
	_ =	sdelay $0x2  }
0x11a: {  	[spmem:s22] =	stream.linear.scatter [tilespmem:s30], [sflag:$0x4], $0x800, $0x38;
	[tilespmem:$0x1EC00] =	vst v63  }
0x11b: {  	_ = 	snop  }
0x11c: {  	[spmem:s24] =	stream.linear.scatter [tilespmem:s30], [sflag:$0x4], $0x800, $0x38;
	[tilespmem:$0x1EC00] =	vst v63  }
0x11d: {  	_ = 	snop  }
0x11e: {  	[spmem:s25] =	stream.linear.scatter [tilespmem:s30], [sflag:$0x4], $0x800, $0x38;
	[tilespmem:$0x1EC00] =	vst v63  }
0x11f: {  	_ = 	snop  }
0x120: {  	[spmem:s26] =	stream.linear.scatter [tilespmem:s30], [sflag:$0x4], $0x800, $0x38;
	[tilespmem:$0x1EC00] =	vst v63  }
0x121: {  	_ = 	snop  }
0x122: {  	[spmem:s28] =	stream.linear.scatter [tilespmem:s30], [sflag:$0x4], $0x800, $0x38;
	[tilespmem:$0x1EC00] =	vst v63  }
0x123: {  	_ = 	snop  }
0x124: {  	[spmem:s29] =	stream.linear.scatter [tilespmem:s30], [sflag:$0x4], $0x800, $0x38;
	[tilespmem:$0x1EC00] =	vst v63  }
0x125: {  	_ =	swait.ge [sflag:s31], $0x800  }
0x126: {  	[sflag:s31] =	ssyncset.done $0x0  }
0x127: {  	[sflag:s31] =	ssyncadd.s32 $0xFFFFF800  }
0x128: {  	_ =	swait.ge [sflag:s31], $0x800  }
0x129: {  	[sflag:s31] =	ssyncset.done $0x0  }
0x12a: {  	[sflag:s31] =	ssyncadd.s32 $0xFFFFF800  }
0x12b: {  	_ =	swait.ge [sflag:s31], $0x800  }
0x12c: {  	[sflag:s31] =	ssyncset.done $0x0  }
0x12d: {  	[sflag:s31] =	ssyncadd.s32 $0xFFFFF800  }
0x12e: {  	_ =	swait.ge [sflag:s31], $0x800  }
0x12f: {  	[sflag:s31] =	ssyncset.done $0x0  }
0x130: {  	[sflag:s31] =	ssyncadd.s32 $0xFFFFF800  }
0x131: {  	_ =	swait.ge [sflag:s31], $0x800  }
0x132: {  	[sflag:s31] =	ssyncset.done $0x0  }
0x133: {  	[sflag:s31] =	ssyncadd.s32 $0xFFFFF800  }
0x134: {  	_ =	swait.ge [sflag:s31], $0x800  }
0x135: {  	[sflag:s31] =	ssyncset.done $0x0  }
0x136: {  	[sflag:s31] =	ssyncadd.s32 $0xFFFFF800  }
0x137: {  	_ =	swait.ge [sflag:s31], $0x800  }
0x138: {  	[sflag:s31] =	ssyncset.done $0x0  }
0x139: {  	[sflag:s31] =	ssyncadd.s32 $0xFFFFF800  }
0x13a: {  	_ =	swait.ge [sflag:s31], $0x800  }
0x13b: {  	[sflag:s31] =	ssyncset.done $0x0  }
0x13c: {  	[sflag:s31] =	ssyncadd.s32 $0xFFFFF800  }
0x13d: {  	_ =	swait.ge [sflag:s31], $0x800  }
0x13e: {  	[sflag:s31] =	ssyncset.done $0x0  }
0x13f: {  	[sflag:s31] =	ssyncadd.s32 $0xFFFFF800  }
0x140: {  	_ =	swait.ge [sflag:s31], $0x800  }
0x141: {  	[sflag:s31] =	ssyncset.done $0x0  }
0x142: {  	[sflag:s31] =	ssyncadd.s32 $0xFFFFF800  }
0x143: {  	_ =	swait.ge [sflag:s31], $0x800  }
0x144: {  	[sflag:s31] =	ssyncset.done $0x0  }
0x145: {  	[sflag:s31] =	ssyncadd.s32 $0xFFFFF800  }
0x146: {  	_ =	swait.ge [sflag:s31], $0x800  }
0x147: {  	[sflag:s31] =	ssyncset.done $0x0  }
0x148: {  	[sflag:s31] =	ssyncadd.s32 $0xFFFFF800  }
0x149: {  	_ =	swait.ge [sflag:s31], $0x800  }
0x14a: {  	[sflag:s31] =	ssyncset.done $0x0  }
0x14b: {  	[sflag:s31] =	ssyncadd.s32 $0xFFFFF800  }
0x14c: {  	_ =	swait.ge [sflag:s31], $0x800  }
0x14d: {  	[sflag:s31] =	ssyncset.done $0x0  }
0x14e: {  	[sflag:s31] =	ssyncadd.s32 $0xFFFFF800  }
0x14f: {  	_ =	swait.ge [sflag:s31], $0x800  }
0x150: {  	[sflag:s31] =	ssyncset.done $0x0  }
0x151: {  	[sflag:s31] =	ssyncadd.s32 $0xFFFFF800  }
0x152: {  	_ =	swait.ge [sflag:s31], $0x800  }
0x153: {  	[sflag:s31] =	ssyncset.done $0x0  }
0x154: {  	[sflag:s31] =	ssyncadd.s32 $0xFFFFF800  }
0x155: {  	_ =	swait.ge [sflag:s31], $0x800  }
0x156: {  	[sflag:s31] =	ssyncset.done $0x0  }
0x157: {  	[sflag:s31] =	ssyncadd.s32 $0xFFFFF800  }
0x158: {  	_ =	swait.ge [sflag:s31], $0x800  }
0x159: {  	[sflag:s31] =	ssyncset.done $0x0  }
0x15a: {  	[sflag:s31] =	ssyncadd.s32 $0xFFFFF800  }
0x15b: {  	_ =	swait.ge [sflag:s31], $0x800  }
0x15c: {  	[sflag:s31] =	ssyncset.done $0x0  }
0x15d: {  	[sflag:s31] =	ssyncadd.s32 $0xFFFFF800  }
0x15e: {  	_ =	swait.ge [sflag:s31], $0x800  }
0x15f: {  	[sflag:s31] =	ssyncset.done $0x0  }
0x160: {  	[sflag:s31] =	ssyncadd.s32 $0xFFFFF800  }
0x161: {  	_ =	swait.ge [sflag:s31], $0x800  }
0x162: {  	[sflag:s31] =	ssyncset.done $0x0  }
0x163: {  	[sflag:s31] =	ssyncadd.s32 $0xFFFFF800  }
0x164: {  	_ =	swait.ge [sflag:s31], $0x800  }
0x165: {  	[sflag:s31] =	ssyncset.done $0x0  }
0x166: {  	[sflag:s31] =	ssyncadd.s32 $0xFFFFF800  }
0x167: {  	_ =	swait.ge [sflag:s31], $0x800  }
0x168: {  	[sflag:s31] =	ssyncset.done $0x0  }
0x169: {  	[sflag:s31] =	ssyncadd.s32 $0xFFFFF800  }
0x16a: {  	_ =	swait.ge [sflag:s31], $0x800  }
0x16b: {  	[sflag:s31] =	ssyncset.done $0x0  }
0x16c: {  	[sflag:s31] =	ssyncadd.s32 $0xFFFFF800  }
0x16d: {  	_ =	swait.ge [sflag:s31], $0x800  }
0x16e: {  	[sflag:s31] =	ssyncset.done $0x0  }
0x16f: {  	[sflag:s31] =	ssyncadd.s32 $0xFFFFF800  }
0x170: {  	_ =	swait.ge [sflag:s31], $0x800  }
0x171: {  	[sflag:s31] =	ssyncset.done $0x0  }
0x172: {  	[sflag:s31] =	ssyncadd.s32 $0xFFFFF800  }
0x173: {  	_ =	swait.ge [sflag:s31], $0x800  }
0x174: {  	[sflag:s31] =	ssyncset.done $0x0  }
0x175: {  	[sflag:s31] =	ssyncadd.s32 $0xFFFFF800  }
0x176: {  	_ =	swait.ge [sflag:s31], $0x800  }
0x177: {  	[sflag:s31] =	ssyncset.done $0x0  }
0x178: {  	[sflag:s31] =	ssyncadd.s32 $0xFFFFF800  }
0x179: {  	_ =	swait.ge [sflag:s31], $0x800  }
0x17a: {  	[sflag:s31] =	ssyncset.done $0x0  }
0x17b: {  	[sflag:s31] =	ssyncadd.s32 $0xFFFFF800  }
0x17c: {  	_ =	swait.ge [sflag:s31], $0x800  }
0x17d: {  	[sflag:s31] =	ssyncset.done $0x0  }
0x17e: {  	[sflag:s31] =	ssyncadd.s32 $0xFFFFF800  }
0x17f: {  	_ =	swait.ge [sflag:s31], $0x800  }
0x180: {  	[sflag:s31] =	ssyncset.done $0x0  }
0x181: {  	[sflag:s31] =	ssyncadd.s32 $0xFFFFF800  }
0x182: {  	_ =	swait.ge [sflag:s31], $0x800  }
0x183: {  	[sflag:s31] =	ssyncset.done $0x0  }
0x184: {  	[sflag:s31] =	ssyncadd.s32 $0xFFFFF800  }
0x185: {  	_ =	swait.ge [sflag:s31], $0x800  }
0x186: {  	[sflag:s31] =	ssyncset.done $0x0  }
0x187: {  	[sflag:s31] =	ssyncadd.s32 $0xFFFFF800  }
0x188: {  	_ =	swait.ge [sflag:s31], $0x800  }
0x189: {  	[sflag:s31] =	ssyncset.done $0x0  }
0x18a: {  	[sflag:s31] =	ssyncadd.s32 $0xFFFFF800  }
0x18b: {  	_ =	swait.ge [sflag:s31], $0x800  }
0x18c: {  	[sflag:s31] =	ssyncset.done $0x0  }
0x18d: {  	[sflag:s31] =	ssyncadd.s32 $0xFFFFF800  }
0x18e: {  	_ =	swait.ge [sflag:s31], $0x800  }
0x18f: {  	[sflag:s31] =	ssyncset.done $0x0  }
0x190: {  	[sflag:s31] =	ssyncadd.s32 $0xFFFFF800  }
0x191: {  	_ =	swait.ge [sflag:s31], $0x800  }
0x192: {  	[sflag:s31] =	ssyncset.done $0x0  }
0x193: {  	[sflag:s31] =	ssyncadd.s32 $0xFFFFF800  }
0x194: {  	_ =	swait.ge [sflag:s31], $0x800  }
0x195: {  	[sflag:s31] =	ssyncset.done $0x0  }
0x196: {  	[sflag:s31] =	ssyncadd.s32 $0xFFFFF800  }
0x197: {  	_ =	swait.ge [sflag:s31], $0x800  }
0x198: {  	[sflag:s31] =	ssyncset.done $0x0  }
0x199: {  	[sflag:s31] =	ssyncadd.s32 $0xFFFFF800  }
0x19a: {  	_ =	swait.ge [sflag:s31], $0x800  }
0x19b: {  	[sflag:s31] =	ssyncset.done $0x0  }
0x19c: {  	[sflag:s31] =	ssyncadd.s32 $0xFFFFF800  }
0x19d: {  	[bflag:$0x0] =	sbarrier.arrive $0xFFFF  }
0x19e: {  	s10 =	sld [smem:$0x7EE];
	_ =	sdelay $0x1  }
0x19f: {  	s11 =	sld [smem:$0x7EF]  }
0x1a0: {  	[tilespmem:s1], [sflag:$0x1] =	stream.linear.gather [hbm4b:s10+s1], $0x80, $0x38;
	[tilespmem:$0x1EC00] =	vst v63  }
0x1a1: {  	s12 =	sld [smem:$0x7F3]  }
0x1a2: {  	[tilespmem:s0], [sflag:$0x1] =	stream.linear.gather [hbm4b:s11+s1], $0x80, $0x38;
	[tilespmem:$0x1EC00] =	vst v63  }
0x1a3: {  	s16 =	sld [smem:$0x7F0];
	s11 =	simm.s32 $0x100  }
0x1a4: {  	[tilespmem:s11], [sflag:$0x1] =	stream.linear.gather [hbm4b:s12+s1], $0x80, $0x38;
	[tilespmem:$0x1EC00] =	vst v63  }
0x1a5: {  	s17 =	sld [smem:$0x7F4];
	s10 =	simm.s32 $0x180  }
0x1a6: {  	[tilespmem:s10], [sflag:$0x1] =	stream.linear.gather [hbm4b:s16+s1], $0x80, $0x38;
	[tilespmem:$0x1EC00] =	vst v63  }
0x1a7: {  	s18 =	sld [smem:$0x7F1];
	s12 =	simm.s32 $0x200  }
0x1a8: {  	[tilespmem:s12], [sflag:$0x1] =	stream.linear.gather [hbm4b:s17+s1], $0x80, $0x38;
	[tilespmem:$0x1EC00] =	vst v63  }
0x1a9: {  	s22 =	simm.s32 $0x280;
	s16 =	sld [smem:$0x7F5]  }
0x1aa: {  	[tilespmem:s22], [sflag:$0x1] =	stream.linear.gather [hbm4b:s18+s1], $0x80, $0x38;
	[tilespmem:$0x1EC00] =	vst v63  }
0x1ab: {  	s9 =	simm.s32 $0x300;
	s17 =	sld [smem:$0x7F2]  }
0x1ac: {  	[tilespmem:s9], [sflag:$0x1] =	stream.linear.gather [hbm4b:s16+s1], $0x80, $0x38;
	[tilespmem:$0x1EC00] =	vst v63  }
0x1ad: {  	_ = 	snop  }
0x1ae: {  	[tilespmem:s14], [sflag:$0x1] =	stream.linear.gather [hbm4b:s17+s1], $0x80, $0x38;
	[tilespmem:$0x1EC00] =	vst v63  }
0x1af: {  	_ =	swait.ge [sflag:s3], $0x80  }
0x1b0: {  	[sflag:s3] =	ssyncset.done $0x0  }
0x1b1: {  	[sflag:s3] =	ssyncadd.s32 $0xFFFFFF80  }
0x1b2: {  	_ =	swait.ge [sflag:s3], $0x80  }
0x1b3: {  	[sflag:s3] =	ssyncset.done $0x0  }
0x1b4: {  	s18 =	simm.s32 $0x400;
	[sflag:s3] =	ssyncadd.s32 $0xFFFFFF80  }
0x1b5: {  	[tilespmem:s18], [sflag:$0x2] =	stream.indirect.gather [hbm4b:s13+s4], $0x80, s1, s4, $0xb8;
	[tilespmem:$0x1EC00] =	vst v63  }
0x1b6: {  	_ =	swait.ge [sflag:s3], $0x80  }
0x1b7: {  	[sflag:s3] =	ssyncset.done $0x0  }
0x1b8: {  	[sflag:s3] =	ssyncadd.s32 $0xFFFFFF80  }
0x1b9: {  	_ =	swait.ge [sflag:s3], $0x80  }
0x1ba: {  	[sflag:s3] =	ssyncset.done $0x0  }
0x1bb: {  	s22 =	simm.s32 $0x2C00;
	[sflag:s3] =	ssyncadd.s32 $0xFFFFFF80  }
0x1bc: {  	[tilespmem:s22], [sflag:$0x2] =	stream.indirect.gather [hbm4b:s13+s4], $0x80, s11, s4, $0xb8;
	[tilespmem:$0x1EC00] =	vst v63  }
0x1bd: {  	_ =	swait.ge [sflag:s5], $0x2800  }
0x1be: {  	[sflag:s5] =	ssyncset.done $0x0  }
0x1bf: {  	[sflag:s5] =	ssyncadd.s32 $0xFFFFD800  }
0x1c0: {  	[spmem:s15] =	stream.indirect.scatter.add.f32 [tilespmem:s18], [sflag:$0x3], $0x80, s0, s4, $0xb8;
	[tilespmem:$0x1EC00] =	vst v63  }
0x1c1: {  	v1 =	vld [tilespmem:$0x80];
	_ =	sdelay $0x4  }
0x1c2: {  	(xrf1) =	vunique.msk.u32 $0xffff, v1;
	_ =	sdelay $0xd  }
0x1c3: {  	_, v2, vm0 =	vpop (xrf1);
	_ =	sdelay $0x3  }
0x1c4: {  	v2 =	vcvt.s32.f32 v2;
	_ =	sdelay $0x1  }
0x1c5: {  	[tilespmem:v1+s6+$0x0] =	vst.idx.add.f32.msk vm0, v2  }
0x1c6: {  	v1 =	vld [tilespmem:$0x90];
	_ =	sdelay $0x4  }
0x1c7: {  	(xrf1) =	vunique.msk.u32 $0xffff, v1;
	_ =	sdelay $0xd  }
0x1c8: {  	_, v2, vm0 =	vpop (xrf1);
	_ =	sdelay $0x3  }
0x1c9: {  	v2 =	vcvt.s32.f32 v2;
	_ =	sdelay $0x1  }
0x1ca: {  	[tilespmem:v1+s6+$0x0] =	vst.idx.add.f32.msk vm0, v2  }
0x1cb: {  	v1 =	vld [tilespmem:$0xA0];
	_ =	sdelay $0x4  }
0x1cc: {  	(xrf1) =	vunique.msk.u32 $0xffff, v1;
	_ =	sdelay $0xd  }
0x1cd: {  	_, v2, vm0 =	vpop (xrf1);
	_ =	sdelay $0x3  }
0x1ce: {  	v2 =	vcvt.s32.f32 v2;
	_ =	sdelay $0x1  }
0x1cf: {  	[tilespmem:v1+s6+$0x0] =	vst.idx.add.f32.msk vm0, v2  }
0x1d0: {  	v1 =	vld [tilespmem:$0xB0];
	_ =	sdelay $0x4  }
0x1d1: {  	(xrf1) =	vunique.msk.u32 $0xffff, v1;
	_ =	sdelay $0xd  }
0x1d2: {  	_, v2, vm0 =	vpop (xrf1);
	_ =	sdelay $0x3  }
0x1d3: {  	v2 =	vcvt.s32.f32 v2;
	_ =	sdelay $0x1  }
0x1d4: {  	[tilespmem:v1+s6+$0x0] =	vst.idx.add.f32.msk vm0, v2  }
0x1d5: {  	v1 =	vld [tilespmem:$0xC0];
	_ =	sdelay $0x4  }
0x1d6: {  	(xrf1) =	vunique.msk.u32 $0xffff, v1;
	_ =	sdelay $0xd  }
0x1d7: {  	_, v2, vm0 =	vpop (xrf1);
	_ =	sdelay $0x3  }
0x1d8: {  	s16 =	sld [smem:$0x7F6];
	v2 =	vcvt.s32.f32 v2;
	_ =	sdelay $0x1  }
0x1d9: {  	s17 =	sld [smem:$0x7F7];
	[tilespmem:v1+s6+$0x0] =	vst.idx.add.f32.msk vm0, v2  }
0x1da: {  	[tilespmem:s1], [sflag:$0x1] =	stream.linear.gather [hbm4b:s16+s1], $0x80, $0x38;
	[tilespmem:$0x1EC00] =	vst v63  }
0x1db: {  	_ = 	snop  }
0x1dc: {  	[tilespmem:s0], [sflag:$0x1] =	stream.linear.gather [hbm4b:s17+s1], $0x80, $0x38;
	[tilespmem:$0x1EC00] =	vst v63  }
0x1dd: {  	_ =	swait.ge [sflag:s3], $0x80  }
0x1de: {  	[sflag:s3] =	ssyncset.done $0x0  }
0x1df: {  	[sflag:s3] =	ssyncadd.s32 $0xFFFFFF80  }
0x1e0: {  	_ =	swait.ge [sflag:s3], $0x80  }
0x1e1: {  	[sflag:s3] =	ssyncset.done $0x0  }
0x1e2: {  	s18 =	simm.s32 $0x5400;
	s11 =	sld [smem:$0x7FD];
	[sflag:s3] =	ssyncadd.s32 $0xFFFFFF80  }
0x1e3: {  	[tilespmem:s18], [sflag:$0x2] =	stream.indirect.gather [hbm4b:s13+s4], $0x80, s12, s4, $0xb8;
	[tilespmem:$0x1EC00] =	vst v63  }
0x1e4: {  	s10 =	simm.s32 $0x3;
	s22 =	simm.s32 $0x400;
	s12 =	sld [smem:$0x7FC]  }
.LBB2_6:
0x1e5: {  	s14 =	sadd.s32 $0xFFFFFFFE, s10  }
0x1e6: {  	s16 =	smul.u32 $0xAB, s14;
	_ =	sdelay $0x1  }
0x1e7: {  	s16 =	sshrl.u32 s16, $0x9  }
0x1e8: {  	s16 =	sand.u32 $0x7F, s16  }
0x1e9: {  	s16 =	smul.u32 $0x3, s16;
	_ =	sdelay $0x1  }
0x1ea: {  	s16 =	ssub.s32 s14, s16  }
0x1eb: {  	s16 =	sand.u32 $0xFF, s16  }
0x1ec: {  	s16 =	smul.u32 $0xA000, s16  }
0x1ed: {  	_ =	swait.ge [sflag:s5], $0x2800;
	s17 =	sadd.s32 $0xFFFFFE00, s9  }
0x1ee: {  	[sflag:s5] =	ssyncset.done $0x0;
	s17 =	sand.u32 $0x300, s17;
	s16 =	sshrl.u32 s16, $0x2  }
0x1ef: {  	[sflag:s5] =	ssyncadd.s32 $0xFFFFD800;
	s18 =	sor.u32 $0x80, s17;
	s16 =	sor.u32 $0x400, s16  }
0x1f0: {  	[spmem:s15] =	stream.indirect.scatter.add.f32 [tilespmem:s16], [sflag:$0x3], $0x80, s18, s4, $0xb8;
	[tilespmem:$0x1EC00] =	vst v63  }
0x1f1: {  	v1 =	vld [tilespmem:s17+$0x80];
	_ =	sdelay $0x4  }
0x1f2: {  	(xrf1) =	vunique.msk.u32 $0xffff, v1;
	_ =	sdelay $0xd  }
0x1f3: {  	_, v2, vm0 =	vpop (xrf1);
	_ =	sdelay $0x3  }
0x1f4: {  	v2 =	vcvt.s32.f32 v2;
	_ =	sdelay $0x1  }
0x1f5: {  	[tilespmem:v1+s6+$0x0] =	vst.idx.add.f32.msk vm0, v2  }
0x1f6: {  	v1 =	vld [tilespmem:s17+$0x90];
	_ =	sdelay $0x4  }
0x1f7: {  	(xrf1) =	vunique.msk.u32 $0xffff, v1;
	_ =	sdelay $0xd  }
0x1f8: {  	_, v2, vm0 =	vpop (xrf1);
	_ =	sdelay $0x3  }
0x1f9: {  	v2 =	vcvt.s32.f32 v2;
	_ =	sdelay $0x1  }
0x1fa: {  	[tilespmem:v1+s6+$0x0] =	vst.idx.add.f32.msk vm0, v2  }
0x1fb: {  	v1 =	vld [tilespmem:s17+$0xA0];
	_ =	sdelay $0x4  }
0x1fc: {  	(xrf1) =	vunique.msk.u32 $0xffff, v1;
	_ =	sdelay $0xd  }
0x1fd: {  	_, v2, vm0 =	vpop (xrf1);
	_ =	sdelay $0x3  }
0x1fe: {  	v2 =	vcvt.s32.f32 v2;
	_ =	sdelay $0x1  }
0x1ff: {  	[tilespmem:v1+s6+$0x0] =	vst.idx.add.f32.msk vm0, v2  }
0x200: {  	v1 =	vld [tilespmem:s17+$0xB0];
	_ =	sdelay $0x4  }
0x201: {  	(xrf1) =	vunique.msk.u32 $0xffff, v1;
	_ =	sdelay $0xd  }
0x202: {  	_, v2, vm0 =	vpop (xrf1);
	_ =	sdelay $0x3  }
0x203: {  	v2 =	vcvt.s32.f32 v2;
	_ =	sdelay $0x1  }
0x204: {  	[tilespmem:v1+s6+$0x0] =	vst.idx.add.f32.msk vm0, v2  }
0x205: {  	v1 =	vld [tilespmem:s17+$0xC0];
	_ =	sdelay $0x4  }
0x206: {  	(xrf1) =	vunique.msk.u32 $0xffff, v1;
	_ =	sdelay $0xd  }
0x207: {  	_, v2, vm0 =	vpop (xrf1);
	_ =	sdelay $0x2  }
0x208: {  	p0 =	sgt.u32 s14, $0x78  }
0x209: {  	s16 =	sand.u32 @!p0 $0x7FFFFF80, s11;
	v2 =	vcvt.s32.f32 v2  }
0x20a: {  	s16 =	sadd.s32 @!p0 $0x7D000, s16  }
0x20b: {  	s14 =	simm.s32 @!p0 $0x0;
	s16 =	sshrl.u32 @!p0 s16, $0x3;
	[tilespmem:v1+s6+$0x0] =	vst.idx.add.f32.msk vm0, v2  }
0x20c: {  	[tilespmem:s17], [sflag:$0x1] =	stream.linear.gather @!p0 [hbm4b:s12+s14], $0x80, $0x38;
	[tilespmem:$0x1EC00] =	vst v63  }
0x20d: {  	s16 =	sadd.s32 @!p0 s2, s16;
	s17 =	smul.u32 $0xAB, s10  }
0x20e: {  	[tilespmem:s18], [sflag:$0x1] =	stream.linear.gather @!p0 [hbm4b:s16+s14], $0x80, $0x38;
	[tilespmem:$0x1EC00] =	vst v63  }
0x20f: {  	s17 =	sshrl.u32 s17, $0x9  }
0x210: {  	s14 =	sand.u32 $0x7F, s17  }
0x211: {  	_ =	swait.ge [sflag:s7], $0x2800;
	s14 =	smul.u32 $0x3, s14  }
0x212: {  	[sflag:s7] =	ssyncset.done $0x0  }
0x213: {  	[sflag:s7] =	ssyncadd.s32 $0xFFFFD800;
	s14 =	ssub.s32 s10, s14  }
0x214: {  	_ =	swait.ge [sflag:s3], $0x80;
	s10 =	sadd.s32 $0x1, s10;
	s14 =	sand.u32 $0xFF, s14  }
0x215: {  	[sflag:s3] =	ssyncset.done $0x0;
	p0 =	sne.s32 s10, $0x7D;
	s14 =	smul.u32 $0xA000, s14  }
.Ltmp2:
0x216: {  	[sflag:s3] =	ssyncadd.s32 $0xFFFFFF80;
	(pc) =	sbr.rel @p0 .LBB2_6-.Ltmp2, $4  }
0x217: {  	s11 =	sadd.s32 $0x80, s11;
	s12 =	sadd.s32 $0x10, s12;
	_ =	swait.ge [sflag:s3], $0x80  }
0x218: {  	s18 =	sand.u32 $0x300, s9;
	[sflag:s3] =	ssyncset.done $0x0;
	s14 =	sshrl.u32 s14, $0x2  }
0x219: {  	s9 =	sadd.s32 $0x100, s9;
	[sflag:s3] =	ssyncadd.s32 $0xFFFFFF80;
	s14 =	sor.u32 $0x400, s14  }
0x21a: {  	[tilespmem:s14], [sflag:$0x2] =	stream.indirect.gather [hbm4b:s13+s4], $0x80, s18, s4, $0xb8;
	[tilespmem:$0x1EC00] =	vst v63  }
0x21b: {  	_ =	swait.ge [sflag:s5], $0x2800  }
0x21c: {  	[sflag:s5] =	ssyncset.done $0x0  }
0x21d: {  	s14 =	simm.s32 $0x380;
	[sflag:s5] =	ssyncadd.s32 $0xFFFFD800  }
0x21e: {  	[spmem:s15] =	stream.indirect.scatter.add.f32 [tilespmem:s22], [sflag:$0x3], $0x80, s14, s4, $0xb8;
	[tilespmem:$0x1EC00] =	vst v63  }
0x21f: {  	v1 =	vld [tilespmem:$0x380];
	_ =	sdelay $0x4  }
0x220: {  	(xrf1) =	vunique.msk.u32 $0xffff, v1;
	_ =	sdelay $0xd  }
0x221: {  	_, v2, vm0 =	vpop (xrf1);
	_ =	sdelay $0x3  }
0x222: {  	v2 =	vcvt.s32.f32 v2;
	_ =	sdelay $0x1  }
0x223: {  	[tilespmem:v1+s6+$0x0] =	vst.idx.add.f32.msk vm0, v2  }
0x224: {  	v1 =	vld [tilespmem:$0x390];
	_ =	sdelay $0x4  }
0x225: {  	(xrf1) =	vunique.msk.u32 $0xffff, v1;
	_ =	sdelay $0xd  }
0x226: {  	_, v2, vm0 =	vpop (xrf1);
	_ =	sdelay $0x3  }
0x227: {  	v2 =	vcvt.s32.f32 v2;
	_ =	sdelay $0x1  }
0x228: {  	[tilespmem:v1+s6+$0x0] =	vst.idx.add.f32.msk vm0, v2  }
0x229: {  	v1 =	vld [tilespmem:$0x3A0];
	_ =	sdelay $0x4  }
0x22a: {  	(xrf1) =	vunique.msk.u32 $0xffff, v1;
	_ =	sdelay $0xd  }
0x22b: {  	_, v2, vm0 =	vpop (xrf1);
	_ =	sdelay $0x3  }
0x22c: {  	v2 =	vcvt.s32.f32 v2;
	_ =	sdelay $0x1  }
0x22d: {  	[tilespmem:v1+s6+$0x0] =	vst.idx.add.f32.msk vm0, v2  }
0x22e: {  	v1 =	vld [tilespmem:$0x3B0];
	_ =	sdelay $0x4  }
0x22f: {  	(xrf1) =	vunique.msk.u32 $0xffff, v1;
	_ =	sdelay $0xd  }
0x230: {  	_, v2, vm0 =	vpop (xrf1);
	_ =	sdelay $0x3  }
0x231: {  	v2 =	vcvt.s32.f32 v2;
	_ =	sdelay $0x1  }
0x232: {  	[tilespmem:v1+s6+$0x0] =	vst.idx.add.f32.msk vm0, v2  }
0x233: {  	v1 =	vld [tilespmem:$0x3C0];
	_ =	sdelay $0x4  }
0x234: {  	(xrf1) =	vunique.msk.u32 $0xffff, v1;
	_ =	sdelay $0xd  }
0x235: {  	_, v2, vm0 =	vpop (xrf1);
	_ =	sdelay $0x3  }
0x236: {  	v2 =	vcvt.s32.f32 v2;
	_ =	sdelay $0x1  }
0x237: {  	[tilespmem:v1+s6+$0x0] =	vst.idx.add.f32.msk vm0, v2  }
0x238: {  	_ =	swait.ge [sflag:s5], $0x2800  }
0x239: {  	[sflag:s5] =	ssyncset.done $0x0  }
0x23a: {  	s9 =	simm.s32 $0x2C00;
	[sflag:s5] =	ssyncadd.s32 $0xFFFFD800  }
0x23b: {  	[spmem:s15] =	stream.indirect.scatter.add.f32 [tilespmem:s9], [sflag:$0x3], $0x80, s0, s4, $0xb8;
	[tilespmem:$0x1EC00] =	vst v63  }
0x23c: {  	v1 =	vld [tilespmem:$0x80];
	_ =	sdelay $0x4  }
0x23d: {  	(xrf1) =	vunique.msk.u32 $0xffff, v1;
	_ =	sdelay $0xd  }
0x23e: {  	_, v2, vm0 =	vpop (xrf1);
	_ =	sdelay $0x3  }
0x23f: {  	v2 =	vcvt.s32.f32 v2;
	_ =	sdelay $0x1  }
0x240: {  	[tilespmem:v1+s6+$0x0] =	vst.idx.add.f32.msk vm0, v2  }
0x241: {  	v1 =	vld [tilespmem:$0x90];
	_ =	sdelay $0x4  }
0x242: {  	(xrf1) =	vunique.msk.u32 $0xffff, v1;
	_ =	sdelay $0xd  }
0x243: {  	_, v2, vm0 =	vpop (xrf1);
	_ =	sdelay $0x3  }
0x244: {  	v2 =	vcvt.s32.f32 v2;
	_ =	sdelay $0x1  }
0x245: {  	[tilespmem:v1+s6+$0x0] =	vst.idx.add.f32.msk vm0, v2  }
0x246: {  	v1 =	vld [tilespmem:$0xA0];
	_ =	sdelay $0x4  }
0x247: {  	(xrf1) =	vunique.msk.u32 $0xffff, v1;
	_ =	sdelay $0xd  }
0x248: {  	_, v2, vm0 =	vpop (xrf1);
	_ =	sdelay $0x3  }
0x249: {  	v2 =	vcvt.s32.f32 v2;
	_ =	sdelay $0x1  }
0x24a: {  	[tilespmem:v1+s6+$0x0] =	vst.idx.add.f32.msk vm0, v2  }
0x24b: {  	v1 =	vld [tilespmem:$0xB0];
	_ =	sdelay $0x4  }
0x24c: {  	(xrf1) =	vunique.msk.u32 $0xffff, v1;
	_ =	sdelay $0xd  }
0x24d: {  	_, v2, vm0 =	vpop (xrf1);
	_ =	sdelay $0x3  }
0x24e: {  	v2 =	vcvt.s32.f32 v2;
	_ =	sdelay $0x1  }
0x24f: {  	[tilespmem:v1+s6+$0x0] =	vst.idx.add.f32.msk vm0, v2  }
0x250: {  	v1 =	vld [tilespmem:$0xC0];
	_ =	sdelay $0x4  }
0x251: {  	(xrf1) =	vunique.msk.u32 $0xffff, v1;
	_ =	sdelay $0xd  }
0x252: {  	_, v2, vm0 =	vpop (xrf1);
	_ =	sdelay $0x3  }
0x253: {  	v2 =	vcvt.s32.f32 v2;
	_ =	sdelay $0x1  }
0x254: {  	[tilespmem:v1+s6+$0x0] =	vst.idx.add.f32.msk vm0, v2  }
0x255: {  	_ =	swait.ge [sflag:s7], $0x2800  }
0x256: {  	[sflag:s7] =	ssyncset.done $0x0  }
0x257: {  	[sflag:s7] =	ssyncadd.s32 $0xFFFFD800  }
0x258: {  	_ =	swait.ge [sflag:s7], $0x2800  }
0x259: {  	[sflag:s7] =	ssyncset.done $0x0  }
0x25a: {  	[sflag:s7] =	ssyncadd.s32 $0xFFFFD800  }
0x25b: {  	_ =	swait.ge [sflag:s7], $0x2800  }
0x25c: {  	[sflag:s7] =	ssyncset.done $0x0  }
0x25d: {  	[sflag:s7] =	ssyncadd.s32 $0xFFFFD800  }
0x25e: {  	[bflag:$0x0] =	sbarrier.arrive $0xFFFF  }
0x25f: {  	s10 =	sld [smem:$0x7BB]  }
0x260: {  	s18 =	stileid.u32  }
0x261: {  	s9 =	sshll.u32 s18, $0x6  }
0x262: {  	s9 =	sor.u32 $0x1C04, s9;
	s11 =	rddreg [dreg:$0x4];
	s10 =	sshrl.u32 s10, $0x3  }
0x263: {  	[hbm:s11], [sflag:s9] =	dma.local [spmem:s10], $0x100  }
0x264: {  	s10 =	sld [smem:$0x7BD];
	_ =	sdelay $0x2  }
0x265: {  	s11 =	rddreg [dreg:$0x5];
	s10 =	sshrl.u32 s10, $0x3  }
0x266: {  	[hbm:s11], [sflag:s9] =	dma.local [spmem:s10], $0x100  }
0x267: {  	s10 =	sld [smem:$0x7BF];
	_ =	sdelay $0x2  }
0x268: {  	s11 =	rddreg [dreg:$0x6];
	s10 =	sshrl.u32 s10, $0x3  }
0x269: {  	[hbm:s11], [sflag:s9] =	dma.local [spmem:s10], $0x100  }
0x26a: {  	s10 =	sld [smem:$0x7C1];
	_ =	sdelay $0x2  }
0x26b: {  	s11 =	rddreg [dreg:$0x7];
	s10 =	sshrl.u32 s10, $0x3  }
0x26c: {  	[hbm:s11], [sflag:s9] =	dma.local [spmem:s10], $0x100  }
0x26d: {  	s10 =	sld [smem:$0x7C3];
	_ =	sdelay $0x2  }
0x26e: {  	s11 =	rddreg [dreg:$0x8];
	s10 =	sshrl.u32 s10, $0x3  }
0x26f: {  	[hbm:s11], [sflag:s9] =	dma.local [spmem:s10], $0x100  }
0x270: {  	s10 =	sld [smem:$0x7C5];
	_ =	sdelay $0x2  }
0x271: {  	s11 =	rddreg [dreg:$0x9];
	s10 =	sshrl.u32 s10, $0x3  }
0x272: {  	[hbm:s11], [sflag:s9] =	dma.local [spmem:s10], $0x100  }
0x273: {  	s10 =	sld [smem:$0x7C7];
	_ =	sdelay $0x2  }
0x274: {  	s11 =	rddreg [dreg:$0xa];
	s10 =	sshrl.u32 s10, $0x3  }
0x275: {  	[hbm:s11], [sflag:s9] =	dma.local [spmem:s10], $0x100  }
0x276: {  	s10 =	sld [smem:$0x7C9];
	_ =	sdelay $0x2  }
0x277: {  	s11 =	rddreg [dreg:$0xb];
	s10 =	sshrl.u32 s10, $0x3  }
0x278: {  	[hbm:s11], [sflag:s9] =	dma.local [spmem:s10], $0x100  }
0x279: {  	s10 =	sld [smem:$0x7CB];
	_ =	sdelay $0x2  }
0x27a: {  	s11 =	rddreg [dreg:$0xc];
	s10 =	sshrl.u32 s10, $0x3  }
0x27b: {  	[hbm:s11], [sflag:s9] =	dma.local [spmem:s10], $0x100  }
0x27c: {  	s10 =	sld [smem:$0x7CD];
	_ =	sdelay $0x2  }
0x27d: {  	s11 =	rddreg [dreg:$0xd];
	s10 =	sshrl.u32 s10, $0x3  }
0x27e: {  	[hbm:s11], [sflag:s9] =	dma.local [spmem:s10], $0x100  }
0x27f: {  	s10 =	sld [smem:$0x7CF];
	_ =	sdelay $0x2  }
0x280: {  	s11 =	rddreg [dreg:$0xe];
	s10 =	sshrl.u32 s10, $0x3  }
0x281: {  	[hbm:s11], [sflag:s9] =	dma.local [spmem:s10], $0x100  }
0x282: {  	s10 =	sld [smem:$0x7D1];
	_ =	sdelay $0x2  }
0x283: {  	s11 =	rddreg [dreg:$0xf];
	s10 =	sshrl.u32 s10, $0x3  }
0x284: {  	[hbm:s11], [sflag:s9] =	dma.local [spmem:s10], $0x100  }
0x285: {  	s10 =	sld [smem:$0x7D3];
	_ =	sdelay $0x2  }
0x286: {  	s11 =	rddreg [dreg:$0x10];
	s10 =	sshrl.u32 s10, $0x3  }
0x287: {  	[hbm:s11], [sflag:s9] =	dma.local [spmem:s10], $0x100  }
0x288: {  	s10 =	sld [smem:$0x7D5];
	_ =	sdelay $0x2  }
0x289: {  	s11 =	rddreg [dreg:$0x11];
	s10 =	sshrl.u32 s10, $0x3  }
0x28a: {  	[hbm:s11], [sflag:s9] =	dma.local [spmem:s10], $0x100  }
0x28b: {  	s10 =	sld [smem:$0x7D7];
	_ =	sdelay $0x2  }
0x28c: {  	s11 =	rddreg [dreg:$0x12];
	s10 =	sshrl.u32 s10, $0x3  }
0x28d: {  	[hbm:s11], [sflag:s9] =	dma.local [spmem:s10], $0x100  }
0x28e: {  	s10 =	sld [smem:$0x7D9];
	_ =	sdelay $0x2  }
0x28f: {  	s11 =	rddreg [dreg:$0x13];
	s10 =	sshrl.u32 s10, $0x3  }
0x290: {  	[hbm:s11], [sflag:s9] =	dma.local [spmem:s10], $0x100  }
0x291: {  	s10 =	sld [smem:$0x7DB];
	_ =	sdelay $0x2  }
0x292: {  	s11 =	rddreg [dreg:$0x14];
	s10 =	sshrl.u32 s10, $0x3  }
0x293: {  	[hbm:s11], [sflag:s9] =	dma.local [spmem:s10], $0x100  }
0x294: {  	s10 =	sld [smem:$0x7DD];
	_ =	sdelay $0x2  }
0x295: {  	s11 =	rddreg [dreg:$0x15];
	s10 =	sshrl.u32 s10, $0x3  }
0x296: {  	[hbm:s11], [sflag:s9] =	dma.local [spmem:s10], $0x100  }
0x297: {  	s10 =	sld [smem:$0x7DF];
	_ =	sdelay $0x2  }
0x298: {  	s11 =	rddreg [dreg:$0x16];
	s10 =	sshrl.u32 s10, $0x3  }
0x299: {  	[hbm:s11], [sflag:s9] =	dma.local [spmem:s10], $0x100  }
0x29a: {  	s10 =	sld [smem:$0x7E1];
	_ =	sdelay $0x2  }
0x29b: {  	s11 =	rddreg [dreg:$0x17];
	s10 =	sshrl.u32 s10, $0x3  }
0x29c: {  	[hbm:s11], [sflag:s9] =	dma.local [spmem:s10], $0x100  }
0x29d: {  	s10 =	sld [smem:$0x7E2];
	_ =	sdelay $0x2  }
0x29e: {  	s11 =	rddreg [dreg:$0x18];
	s10 =	sshrl.u32 s10, $0x3  }
0x29f: {  	[hbm:s11], [sflag:s9] =	dma.local [spmem:s10], $0x100  }
0x2a0: {  	s10 =	sld [smem:$0x7E3];
	_ =	sdelay $0x2  }
0x2a1: {  	s11 =	rddreg [dreg:$0x19];
	s10 =	sshrl.u32 s10, $0x3  }
0x2a2: {  	[hbm:s11], [sflag:s9] =	dma.local [spmem:s10], $0x100  }
0x2a3: {  	s10 =	sld [smem:$0x7E4];
	_ =	sdelay $0x2  }
0x2a4: {  	s11 =	rddreg [dreg:$0x1a];
	s10 =	sshrl.u32 s10, $0x3  }
0x2a5: {  	[hbm:s11], [sflag:s9] =	dma.local [spmem:s10], $0x100  }
0x2a6: {  	s10 =	sld [smem:$0x7E5];
	_ =	sdelay $0x2  }
0x2a7: {  	s11 =	rddreg [dreg:$0x1b];
	s10 =	sshrl.u32 s10, $0x3  }
0x2a8: {  	[hbm:s11], [sflag:s9] =	dma.local [spmem:s10], $0x100  }
0x2a9: {  	s10 =	sld [smem:$0x7E6];
	_ =	sdelay $0x2  }
0x2aa: {  	s11 =	rddreg [dreg:$0x1c];
	s10 =	sshrl.u32 s10, $0x3  }
0x2ab: {  	[hbm:s11], [sflag:s9] =	dma.local [spmem:s10], $0x100  }
0x2ac: {  	s10 =	sld [smem:$0x7E7];
	_ =	sdelay $0x2  }
0x2ad: {  	s11 =	rddreg [dreg:$0x1d];
	s10 =	sshrl.u32 s10, $0x3  }
0x2ae: {  	[hbm:s11], [sflag:s9] =	dma.local [spmem:s10], $0x100  }
0x2af: {  	s10 =	sld [smem:$0x7E8];
	_ =	sdelay $0x2  }
0x2b0: {  	s11 =	rddreg [dreg:$0x1e];
	s10 =	sshrl.u32 s10, $0x3  }
0x2b1: {  	[hbm:s11], [sflag:s9] =	dma.local [spmem:s10], $0x100  }
0x2b2: {  	s16 =	smov.u32 s19;
	s19 =	sshrl.u32 s19, $0x3;
	s11 =	rddreg [dreg:$0x1f]  }
0x2b3: {  	[hbm:s11], [sflag:s9] =	dma.local [spmem:s19], $0x100  }
0x2b4: {  	s11 =	sld [smem:$0x7A5];
	_ =	sdelay $0x1  }
0x2b5: {  	s22 =	sshrl.u32 s20, $0x3  }
0x2b6: {  	[hbm:s11], [sflag:s9] =	dma.local [spmem:s22], $0x100  }
0x2b7: {  	s11 =	sld [smem:$0x7A7];
	_ =	sdelay $0x1  }
0x2b8: {  	s12 =	sshrl.u32 s21, $0x3  }
0x2b9: {  	[hbm:s11], [sflag:s9] =	dma.local [spmem:s12], $0x100  }
0x2ba: {  	s10 =	sld [smem:$0x7E9]  }
0x2bb: {  	s11 =	sld [smem:$0x7A9];
	_ =	sdelay $0x1  }
0x2bc: {  	s10 =	sshrl.u32 s10, $0x3  }
0x2bd: {  	[hbm:s11], [sflag:s9] =	dma.local [spmem:s10], $0x100  }
0x2be: {  	s10 =	sld [smem:$0x7EA]  }
0x2bf: {  	s11 =	sld [smem:$0x7AB];
	_ =	sdelay $0x1  }
0x2c0: {  	s10 =	sshrl.u32 s10, $0x3  }
0x2c1: {  	[hbm:s11], [sflag:s9] =	dma.local [spmem:s10], $0x100  }
0x2c2: {  	s10 =	sld [smem:$0x7EB]  }
0x2c3: {  	s11 =	sld [smem:$0x7AD];
	_ =	sdelay $0x1  }
0x2c4: {  	s10 =	sshrl.u32 s10, $0x3  }
0x2c5: {  	[hbm:s11], [sflag:s9] =	dma.local [spmem:s10], $0x100  }
0x2c6: {  	s11 =	sld [smem:$0x7AF];
	_ =	sdelay $0x1  }
0x2c7: {  	s19 =	sshrl.u32 s23, $0x3  }
0x2c8: {  	[hbm:s11], [sflag:s9] =	dma.local [spmem:s19], $0x100  }
0x2c9: {  	s10 =	sld [smem:$0x7EC]  }
0x2ca: {  	s11 =	sld [smem:$0x7B1];
	_ =	sdelay $0x1  }
0x2cb: {  	s10 =	sshrl.u32 s10, $0x3  }
0x2cc: {  	[hbm:s11], [sflag:s9] =	dma.local [spmem:s10], $0x100  }
0x2cd: {  	s11 =	sld [smem:$0x7B3];
	_ =	sdelay $0x1  }
0x2ce: {  	s17 =	smov.u32 s20;
	s20 =	sshrl.u32 s24, $0x3  }
0x2cf: {  	[hbm:s11], [sflag:s9] =	dma.local [spmem:s20], $0x100  }
0x2d0: {  	s11 =	sld [smem:$0x7B5];
	_ =	sdelay $0x1  }
0x2d1: {  	s18 =	smov.u32 s21;
	s21 =	sshrl.u32 s25, $0x3  }
0x2d2: {  	[hbm:s11], [sflag:s9] =	dma.local [spmem:s21], $0x100  }
0x2d3: {  	s11 =	sld [smem:$0x7B6];
	_ =	sdelay $0x1  }
0x2d4: {  	s22 =	smov.u32 s23;
	s23 =	sshrl.u32 s26, $0x3  }
0x2d5: {  	[hbm:s11], [sflag:s9] =	dma.local [spmem:s23], $0x100  }
0x2d6: {  	s11 =	sld [smem:$0x7B9];
	_ =	sdelay $0x1  }
0x2d7: {  	s12 =	sshrl.u32 s28, $0x3  }
0x2d8: {  	[hbm:s11], [sflag:s9] =	dma.local [spmem:s12], $0x100  }
0x2d9: {  	s11 =	sld [smem:$0x7BA];
	_ =	sdelay $0x1  }
0x2da: {  	s19 =	sshrl.u32 s29, $0x3  }
0x2db: {  	[hbm:s11], [sflag:s9] =	dma.local [spmem:s19], $0x100  }
0x2dc: {  	_ =	swait.ge [sflag:s31], $0x100  }
0x2dd: {  	[sflag:s31] =	ssyncset.done $0x0  }
0x2de: {  	[sflag:s31] =	ssyncadd.s32 $0xFFFFFF00  }
0x2df: {  	_ =	swait.ge [sflag:s31], $0x100  }
0x2e0: {  	[sflag:s31] =	ssyncset.done $0x0  }
0x2e1: {  	[sflag:s31] =	ssyncadd.s32 $0xFFFFFF00  }
0x2e2: {  	_ =	swait.ge [sflag:s31], $0x100  }
0x2e3: {  	[sflag:s31] =	ssyncset.done $0x0  }
0x2e4: {  	[sflag:s31] =	ssyncadd.s32 $0xFFFFFF00  }
0x2e5: {  	_ =	swait.ge [sflag:s31], $0x100  }
0x2e6: {  	[sflag:s31] =	ssyncset.done $0x0  }
0x2e7: {  	[sflag:s31] =	ssyncadd.s32 $0xFFFFFF00  }
0x2e8: {  	_ =	swait.ge [sflag:s31], $0x100  }
0x2e9: {  	[sflag:s31] =	ssyncset.done $0x0  }
0x2ea: {  	[sflag:s31] =	ssyncadd.s32 $0xFFFFFF00  }
0x2eb: {  	_ =	swait.ge [sflag:s31], $0x100  }
0x2ec: {  	[sflag:s31] =	ssyncset.done $0x0  }
0x2ed: {  	[sflag:s31] =	ssyncadd.s32 $0xFFFFFF00  }
0x2ee: {  	_ =	swait.ge [sflag:s31], $0x100  }
0x2ef: {  	[sflag:s31] =	ssyncset.done $0x0  }
0x2f0: {  	[sflag:s31] =	ssyncadd.s32 $0xFFFFFF00  }
0x2f1: {  	_ =	swait.ge [sflag:s31], $0x100  }
0x2f2: {  	[sflag:s31] =	ssyncset.done $0x0  }
0x2f3: {  	[sflag:s31] =	ssyncadd.s32 $0xFFFFFF00  }
0x2f4: {  	_ =	swait.ge [sflag:s31], $0x100  }
0x2f5: {  	[sflag:s31] =	ssyncset.done $0x0  }
0x2f6: {  	[sflag:s31] =	ssyncadd.s32 $0xFFFFFF00  }
0x2f7: {  	_ =	swait.ge [sflag:s31], $0x100  }
0x2f8: {  	[sflag:s31] =	ssyncset.done $0x0  }
0x2f9: {  	[sflag:s31] =	ssyncadd.s32 $0xFFFFFF00  }
0x2fa: {  	_ =	swait.ge [sflag:s31], $0x100  }
0x2fb: {  	[sflag:s31] =	ssyncset.done $0x0  }
0x2fc: {  	[sflag:s31] =	ssyncadd.s32 $0xFFFFFF00  }
0x2fd: {  	_ =	swait.ge [sflag:s31], $0x100  }
0x2fe: {  	[sflag:s31] =	ssyncset.done $0x0  }
0x2ff: {  	[sflag:s31] =	ssyncadd.s32 $0xFFFFFF00  }
0x300: {  	_ =	swait.ge [sflag:s31], $0x100  }
0x301: {  	[sflag:s31] =	ssyncset.done $0x0  }
0x302: {  	[sflag:s31] =	ssyncadd.s32 $0xFFFFFF00  }
0x303: {  	_ =	swait.ge [sflag:s31], $0x100  }
0x304: {  	[sflag:s31] =	ssyncset.done $0x0  }
0x305: {  	[sflag:s31] =	ssyncadd.s32 $0xFFFFFF00  }
0x306: {  	_ =	swait.ge [sflag:s31], $0x100  }
0x307: {  	[sflag:s31] =	ssyncset.done $0x0  }
0x308: {  	[sflag:s31] =	ssyncadd.s32 $0xFFFFFF00  }
0x309: {  	_ =	swait.ge [sflag:s31], $0x100  }
0x30a: {  	[sflag:s31] =	ssyncset.done $0x0  }
0x30b: {  	[sflag:s31] =	ssyncadd.s32 $0xFFFFFF00  }
0x30c: {  	_ =	swait.ge [sflag:s31], $0x100  }
0x30d: {  	[sflag:s31] =	ssyncset.done $0x0  }
0x30e: {  	[sflag:s31] =	ssyncadd.s32 $0xFFFFFF00  }
0x30f: {  	_ =	swait.ge [sflag:s31], $0x100  }
0x310: {  	[sflag:s31] =	ssyncset.done $0x0  }
0x311: {  	[sflag:s31] =	ssyncadd.s32 $0xFFFFFF00  }
0x312: {  	_ =	swait.ge [sflag:s31], $0x100  }
0x313: {  	[sflag:s31] =	ssyncset.done $0x0  }
0x314: {  	[sflag:s31] =	ssyncadd.s32 $0xFFFFFF00  }
0x315: {  	_ =	swait.ge [sflag:s31], $0x100  }
0x316: {  	[sflag:s31] =	ssyncset.done $0x0  }
0x317: {  	[sflag:s31] =	ssyncadd.s32 $0xFFFFFF00  }
0x318: {  	_ =	swait.ge [sflag:s31], $0x100  }
0x319: {  	[sflag:s31] =	ssyncset.done $0x0  }
0x31a: {  	[sflag:s31] =	ssyncadd.s32 $0xFFFFFF00  }
0x31b: {  	_ =	swait.ge [sflag:s31], $0x100  }
0x31c: {  	[sflag:s31] =	ssyncset.done $0x0  }
0x31d: {  	[sflag:s31] =	ssyncadd.s32 $0xFFFFFF00  }
0x31e: {  	_ =	swait.ge [sflag:s31], $0x100  }
0x31f: {  	[sflag:s31] =	ssyncset.done $0x0  }
0x320: {  	[sflag:s31] =	ssyncadd.s32 $0xFFFFFF00  }
0x321: {  	_ =	swait.ge [sflag:s31], $0x100  }
0x322: {  	[sflag:s31] =	ssyncset.done $0x0  }
0x323: {  	[sflag:s31] =	ssyncadd.s32 $0xFFFFFF00  }
0x324: {  	_ =	swait.ge [sflag:s31], $0x100  }
0x325: {  	[sflag:s31] =	ssyncset.done $0x0  }
0x326: {  	[sflag:s31] =	ssyncadd.s32 $0xFFFFFF00  }
0x327: {  	_ =	swait.ge [sflag:s31], $0x100  }
0x328: {  	[sflag:s31] =	ssyncset.done $0x0  }
0x329: {  	[sflag:s31] =	ssyncadd.s32 $0xFFFFFF00  }
0x32a: {  	_ =	swait.ge [sflag:s31], $0x100  }
0x32b: {  	[sflag:s31] =	ssyncset.done $0x0  }
0x32c: {  	[sflag:s31] =	ssyncadd.s32 $0xFFFFFF00  }
0x32d: {  	_ =	swait.ge [sflag:s31], $0x100  }
0x32e: {  	[sflag:s31] =	ssyncset.done $0x0  }
0x32f: {  	[sflag:s31] =	ssyncadd.s32 $0xFFFFFF00  }
0x330: {  	_ =	swait.ge [sflag:s31], $0x100  }
0x331: {  	[sflag:s31] =	ssyncset.done $0x0  }
0x332: {  	[sflag:s31] =	ssyncadd.s32 $0xFFFFFF00  }
0x333: {  	_ =	swait.ge [sflag:s31], $0x100  }
0x334: {  	[sflag:s31] =	ssyncset.done $0x0  }
0x335: {  	[sflag:s31] =	ssyncadd.s32 $0xFFFFFF00  }
0x336: {  	_ =	swait.ge [sflag:s31], $0x100  }
0x337: {  	[sflag:s31] =	ssyncset.done $0x0  }
0x338: {  	[sflag:s31] =	ssyncadd.s32 $0xFFFFFF00  }
0x339: {  	_ =	swait.ge [sflag:s31], $0x100  }
0x33a: {  	[sflag:s31] =	ssyncset.done $0x0  }
0x33b: {  	[sflag:s31] =	ssyncadd.s32 $0xFFFFFF00  }
0x33c: {  	_ =	swait.ge [sflag:s31], $0x100  }
0x33d: {  	[sflag:s31] =	ssyncset.done $0x0  }
0x33e: {  	[sflag:s31] =	ssyncadd.s32 $0xFFFFFF00  }
0x33f: {  	_ =	swait.ge [sflag:s31], $0x100  }
0x340: {  	[sflag:s31] =	ssyncset.done $0x0  }
0x341: {  	[sflag:s31] =	ssyncadd.s32 $0xFFFFFF00  }
0x342: {  	_ =	swait.ge [sflag:s31], $0x100  }
0x343: {  	[sflag:s31] =	ssyncset.done $0x0  }
0x344: {  	[sflag:s31] =	ssyncadd.s32 $0xFFFFFF00  }
0x345: {  	_ =	swait.ge [sflag:s31], $0x100  }
0x346: {  	[sflag:s31] =	ssyncset.done $0x0  }
0x347: {  	[sflag:s31] =	ssyncadd.s32 $0xFFFFFF00  }
0x348: {  	_ =	swait.ge [sflag:s31], $0x100  }
0x349: {  	[sflag:s31] =	ssyncset.done $0x0  }
0x34a: {  	[sflag:s31] =	ssyncadd.s32 $0xFFFFFF00  }
0x34b: {  	_ =	swait.ge [sflag:s31], $0x100  }
0x34c: {  	[sflag:s31] =	ssyncset.done $0x0  }
0x34d: {  	[sflag:s31] =	ssyncadd.s32 $0xFFFFFF00  }
0x34e: {  	_ =	swait.ge [sflag:s31], $0x100  }
0x34f: {  	[sflag:s31] =	ssyncset.done $0x0  }
0x350: {  	[sflag:s31] =	ssyncadd.s32 $0xFFFFFF00  }
0x351: {  	_ =	swait.ge [sflag:s31], $0x100  }
0x352: {  	s20 =	sld [smem:$0x7F9]  }
0x353: {  	[sflag:s31] =	ssyncset.done $0x0  }
0x354: {  	s21 =	simm.s32 $0x5;
	[sflag:s31] =	ssyncadd.s32 $0xFFFFFF00  }
0x355: {  	[hbm4b:s20+s1] =	stream.linear.scatter [tilespmem:s6], [sflag:$0x5], $0x2800, $0x38;
	[tilespmem:$0x1EC00] =	vst v63  }
0x356: {  	_ =	swait.ge [sflag:s21], $0x2800  }
0x357: {  	s23 =	sld [smem:$0x7FB];
	_ =	sdelay $0x1  }
0x358: {  	s8 =	sadd.s32 $0x1, s8  }
0x359: {  	p0 =	sne.s32 s8, s23  }
.Ltmp3:
0x35a: {  	_ = 	snop;
	(pc) =	sbr.rel @p0 .LBB2_1-.Ltmp3, $3  }
0x35b: {  	_ =	sdelay $0x1  }
0x35c: {  	[sflag:s21] =	ssyncset.done $0x0  }
0x35d: {  	[sflag:s21] =	ssyncadd.s32 $0xFFFFD800  }
0x35e: {  	_ =	sfence.sel $0x180000  }
0x35f: {  	[bflag:$0x0] =	sbarrier.arrive $0xFFFF  }
0x360: {  	_ =	strace $0x90000047  }
0x361: {  	s0 =	stileid.u32;
	[bflag:$0x2] =	sbarrier.arrive $0xFFFF  }
0x362: {  	p0 =	sne.s32 s0, $0x0;
	s0 =	rddreg [dreg:$0x3]  }
0x363: {  	s0 =	sadd.s32 @!p0 $0x100000, s0  }
0x364: {  	[sflag:s0] =	ssyncadd.tile.s32 @!p0 $0x1;
	_ =	shalt  }
.Lfunc_end2:
_tile_overlayer_lowered:
.L_overlay_start_2:
0x365: {  	(tag) =	ssettag $0x2  }
0x366: {  	s0 =	rddreg [dreg:$0x0];
	s2 =	stileid.u32  }
0x367: {  	s1 =	rddreg [dreg:$0x1];
	p0 =	sne.s32 s2, $0x0  }
0x368: {  	s3 =	rddreg [dreg:$0x2];
	[bflag:$0x3] =	sbarrier.arrive $0xFFFF;
	s2 =	simm.s32 @!p0 $0x1C05  }
0x369: {  	[timem:s3], [sflag:s2] =	dma.local @!p0 [hbm:s0], s1  }
0x36a: {  	s0 =	simm.s32 @!p0 $0x5  }
0x36b: {  	_ =	swait.ge @!p0 [sflag:s0], s1  }
0x36c: {  	s1 =	ssub.s32 @!p0 $0x0, s1;
	[sflag:s0] =	ssyncset.done @!p0 $0x0  }
0x36d: {  	[sflag:s0] =	ssyncadd.s32 @!p0 s1  }
0x36e: {  	[bflag:$0x3] =	sbarrier.arrive $0xFFFF  }
0x36f: {  	_ =	shalt  }

</sc_bundles>
